<compile_context>
chip_gen: v7x
topology: tpu7x:2x2x1
jax: 0.10.2.dev20260603
libtpu: 0.0.44.dev20260713+nightly
codegen_flags: <defaults>
</compile_context>

<pallas_src>
import functools

import jax
import jax.numpy as jnp
import numpy as np
from jax import lax
from jax.experimental import pallas as pl
from jax.experimental.pallas import tpu as pltpu
from jax.experimental.pallas import tpu_sc as plsc

N_NODES = 10000
E_EDGES = 160000
D = 256
H = 8
DH = 32
SCALE = 1.0 / np.sqrt(DH)

NC = 2
NS = 16
NW = NC * NS

_PROJ_TILE = 2000


def _proj_body(x_ref, wq, bq, wk, bk, wv, bv, q_out, k_out, v_out):
    x = x_ref[...]
    q_out[...] = jnp.dot(x, wq[...], preferred_element_type=jnp.float32) + bq[...]
    k_out[...] = jnp.dot(x, wk[...], preferred_element_type=jnp.float32) + bk[...]
    v_out[...] = jnp.dot(x, wv[...], preferred_element_type=jnp.float32) + bv[...]


def _proj(x, wq, bq, wk, bk, wv, bv):
    grid = (N_NODES // _PROJ_TILE,)
    wspec = pl.BlockSpec((D, D), lambda i: (0, 0))
    bspec = pl.BlockSpec((1, D), lambda i: (0, 0))
    rspec = pl.BlockSpec((_PROJ_TILE, D), lambda i: (i, 0))
    return pl.pallas_call(
        _proj_body,
        grid=grid,
        in_specs=[rspec, wspec, bspec, wspec, bspec, wspec, bspec],
        out_specs=[rspec, rspec, rspec],
        out_shape=[jax.ShapeDtypeStruct((N_NODES, D), jnp.float32)] * 3,
    )(x, wq, bq, wk, bk, wv, bv)


_EPW = E_EDGES // NW
_GCH = 64
_GNCH = _EPW // _GCH
_GPAIR = (_GNCH - 2) // 2
_GTAIL = _EPW - _GNCH * _GCH


def _gather_body(ktab, qtab, vtab, src, dst, ks_out, qd_out, vs_out,
                 i0s, i0d, b0k, b0q, b0v, i1s, i1d, b1k, b1q, b1v,
                 its, itd, btk, btq, btv,
                 g0, g1, w0, w1, gt):
    wid = lax.axis_index("s") * NC + lax.axis_index("c")
    base = wid * _EPW

    sets = ((i0s, i0d, b0k, b0q, b0v, g0, w0),
            (i1s, i1d, b1k, b1q, b1v, g1, w1))

    def rd(b, off):
        isv, idv, bk, bq, bv, g, _ = sets[b]
        pltpu.sync_copy(src.at[pl.ds(off, _GCH)], isv)
        pltpu.sync_copy(dst.at[pl.ds(off, _GCH)], idv)
        pltpu.async_copy(ktab.at[isv], bk, g)
        pltpu.async_copy(qtab.at[idv], bq, g)
        pltpu.async_copy(vtab.at[isv], bv, g)

    def dgwr(b, off):
        isv, idv, bk, bq, bv, g, w = sets[b]
        pltpu.make_async_copy(ktab.at[isv], bk, g).wait()
        pltpu.make_async_copy(qtab.at[idv], bq, g).wait()
        pltpu.make_async_copy(vtab.at[isv], bv, g).wait()
        pltpu.async_copy(bk, ks_out.at[pl.ds(off, _GCH)], w)
        pltpu.async_copy(bq, qd_out.at[pl.ds(off, _GCH)], w)
        pltpu.async_copy(bv, vs_out.at[pl.ds(off, _GCH)], w)

    def ww(b, off):
        isv, idv, bk, bq, bv, g, w = sets[b]
        pltpu.make_async_copy(bk, ks_out.at[pl.ds(off, _GCH)], w).wait()
        pltpu.make_async_copy(bq, qd_out.at[pl.ds(off, _GCH)], w).wait()
        pltpu.make_async_copy(bv, vs_out.at[pl.ds(off, _GCH)], w).wait()

    rd(0, base)

    def body(i, carry):
        c0 = base + (2 * i) * _GCH
        c1 = c0 + _GCH
        c2 = c1 + _GCH
        rd(1, c1)
        dgwr(0, c0)
        ww(0, c0)
        rd(0, c2)
        dgwr(1, c1)
        ww(1, c1)
        return carry

    lax.fori_loop(0, _GPAIR, body, 0)

    c76 = base + (_GNCH - 2) * _GCH
    c77 = c76 + _GCH
    dgwr(0, c76)
    rd(1, c77)
    dgwr(1, c77)
    ww(0, c76)
    ww(1, c77)

    offt = base + _GNCH * _GCH
    pltpu.sync_copy(src.at[pl.ds(offt, _GTAIL)], its)
    pltpu.sync_copy(dst.at[pl.ds(offt, _GTAIL)], itd)
    ck = pltpu.async_copy(ktab.at[its], btk, gt)
    cq = pltpu.async_copy(qtab.at[itd], btq, gt)
    cv = pltpu.async_copy(vtab.at[its], btv, gt)
    ck.wait()
    cq.wait()
    cv.wait()
    pltpu.sync_copy(btk, ks_out.at[pl.ds(offt, _GTAIL)])
    pltpu.sync_copy(btq, qd_out.at[pl.ds(offt, _GTAIL)])
    pltpu.sync_copy(btv, vs_out.at[pl.ds(offt, _GTAIL)])


_gather = functools.partial(
    pl.kernel,
    mesh=plsc.VectorSubcoreMesh(core_axis_name="c", subcore_axis_name="s",
                                num_cores=NC, num_subcores=NS),
    out_type=[jax.ShapeDtypeStruct((E_EDGES, D), jnp.float32)] * 3,
    scratch_types=(
        [pltpu.VMEM((_GCH,), jnp.int32)] * 2
        + [pltpu.VMEM((_GCH, D), jnp.float32)] * 3
        + [pltpu.VMEM((_GCH,), jnp.int32)] * 2
        + [pltpu.VMEM((_GCH, D), jnp.float32)] * 3
        + [pltpu.VMEM((_GTAIL,), jnp.int32)] * 2
        + [pltpu.VMEM((_GTAIL, D), jnp.float32)] * 3
        + [pltpu.SemaphoreType.DMA] * 5
    ),
)(_gather_body)


_ETILE = 2000


def _edge_body(ea_ref, ks_ref, qd_ref, vs_ref, dst_ref, we_ref, be_ref,
               msg3_out, scp_out):
    eh = jnp.dot(ea_ref[...], we_ref[...], preferred_element_type=jnp.float32) + be_ref[...]
    pe = ks_ref[...] * qd_ref[...] * eh
    d_i = lax.broadcasted_iota(jnp.int32, (D, H), 0)
    h_i = lax.broadcasted_iota(jnp.int32, (D, H), 1)
    seg = jnp.where(d_i // DH == h_i, SCALE, 0.0)
    raw = jnp.dot(pe, seg, preferred_element_type=jnp.float32)
    sc = jnp.exp(jnp.clip(raw, -5.0, 5.0))
    d_i2 = lax.broadcasted_iota(jnp.int32, (H, D), 1)
    h_i2 = lax.broadcasted_iota(jnp.int32, (H, D), 0)
    rep = jnp.where(d_i2 // DH == h_i2, 1.0, 0.0)
    msg = vs_ref[...] * jnp.dot(sc, rep, preferred_element_type=jnp.float32)
    msg3_out[0] = msg[:, :D // 2]
    msg3_out[1] = msg[:, D // 2:]
    dd = dst_ref[...]
    k_i = lax.broadcasted_iota(jnp.int32, (_ETILE, 8), 1)
    oh = jnp.where(dd - (dd // 8) * 8 == k_i, 1.0, 0.0)
    k_i2 = lax.broadcasted_iota(jnp.int32, (8, _HD), 0)
    d_i3 = lax.broadcasted_iota(jnp.int32, (8, _HD), 1)
    r8 = jnp.where(d_i3 // (2 * H) == k_i2, 1.0, 0.0)
    ohrep = jnp.dot(oh, r8, preferred_element_type=jnp.float32)
    sc_pad = jnp.concatenate([sc, jnp.zeros_like(sc)], axis=1)
    sc_tile = jnp.concatenate([sc_pad] * 8, axis=1)
    scp_out[...] = sc_tile * ohrep


def _edge(edge_attr, ks, qd, vs, dst2d, we, be):
    grid = (E_EDGES // _ETILE,)
    rspec = pl.BlockSpec((_ETILE, D), lambda i: (i, 0))
    return pl.pallas_call(
        _edge_body,
        grid=grid,
        in_specs=[rspec, rspec, rspec, rspec,
                  pl.BlockSpec((_ETILE, 1), lambda i: (i, 0)),
                  pl.BlockSpec((D, D), lambda i: (0, 0)),
                  pl.BlockSpec((1, D), lambda i: (0, 0))],
        out_specs=[pl.BlockSpec((NC, _ETILE, D // 2), lambda i: (0, i, 0)),
                   pl.BlockSpec((_ETILE, _HD), lambda i: (i, 0))],
        out_shape=[jax.ShapeDtypeStruct((NC, E_EDGES, D // 2), jnp.float32),
                   jax.ShapeDtypeStruct((E_EDGES, _HD), jnp.float32)],
    )(edge_attr, ks, qd, vs, dst2d, we, be)


_EPS = E_EDGES // NS
_SCH = 64
_SNCH = _EPS // _SCH
_SPAIR = (_SNCH - 2) // 2
_STAIL = _EPS - _SNCH * _SCH
_NPAD = 10240
_RPS = _NPAD // NS
_HD = D // 2
_ZW = 2 * H
_NZ = _NPAD // 8
_ZRPS = _NZ // NS


def _scatter_body(msg3, scp, dst, dst8, wv3_out, z_out,
                  acc, zacc, i0, i0b, d0, z0, i1, i1b, d1, z1,
                  it_, it2_, idxz_v, idxz16_v, r0, r1, a0, a1, st):
    c = lax.axis_index("c")
    s = lax.axis_index("s")
    zero16 = jnp.zeros((16,), jnp.float32)

    def zbody(t, carry):
        r = t // 8
        j = t - r * 8
        d0[r, pl.ds(j * 16, 16)] = zero16
        return carry

    lax.fori_loop(0, _SCH * 8, zbody, 0)

    def set_idxz(base_r):
        for j in range(4):
            idxz_v[pl.ds(j * 16, 16)] = base_r + j * 16 + lax.iota(jnp.int32, 16)

    for kk in range(10):
        set_idxz(s * _RPS + kk * _SCH)
        pltpu.sync_copy(d0, acc.at[idxz_v])
    set_idxz(s * _ZRPS)
    pltpu.sync_copy(d0, zacc.at[idxz_v])
    idxz16_v[...] = s * _ZRPS + _SCH + lax.iota(jnp.int32, 16)
    pltpu.sync_copy(d0.at[pl.ds(0, 16)], zacc.at[idxz16_v])
    plsc.subcore_barrier()

    base = s * _EPS
    sets = ((i0, i0b, d0, z0, r0, a0), (i1, i1b, d1, z1, r1, a1))

    def rd(b, off):
        ix, ix2, dd, zz, rs, _ = sets[b]
        pltpu.async_copy(dst.at[pl.ds(off, _SCH)], ix, rs)
        pltpu.async_copy(dst8.at[pl.ds(off, _SCH)], ix2, rs)
        pltpu.async_copy(msg3.at[c, pl.ds(off, _SCH)], dd, rs)
        pltpu.async_copy(scp.at[pl.ds(off, _SCH)], zz, rs)

    def add(b, off):
        ix, ix2, dd, zz, rs, asm = sets[b]
        pltpu.make_async_copy(dst.at[pl.ds(off, _SCH)], ix, rs).wait()
        pltpu.make_async_copy(dst8.at[pl.ds(off, _SCH)], ix2, rs).wait()
        pltpu.make_async_copy(msg3.at[c, pl.ds(off, _SCH)], dd, rs).wait()
        pltpu.make_async_copy(scp.at[pl.ds(off, _SCH)], zz, rs).wait()
        pltpu.async_copy(dd, acc.at[ix], asm, add=True)
        pltpu.async_copy(zz, zacc.at[ix2], asm, add=True)

    def wa(b):
        ix, ix2, dd, zz, rs, asm = sets[b]
        pltpu.make_async_copy(dd, acc.at[ix], asm).wait()
        pltpu.make_async_copy(zz, zacc.at[ix2], asm).wait()

    rd(0, base)

    def body(i, carry):
        c0 = base + (2 * i) * _SCH
        c1 = c0 + _SCH
        c2 = c1 + _SCH
        rd(1, c1)
        add(0, c0)
        wa(0)
        rd(0, c2)
        add(1, c1)
        wa(1)
        return carry

    lax.fori_loop(0, _SPAIR, body, 0)

    cA = base + (_SNCH - 2) * _SCH
    cB = cA + _SCH
    add(0, cA)
    rd(1, cB)
    add(1, cB)
    wa(0)
    wa(1)

    offt = base + _SNCH * _SCH
    t1 = pltpu.async_copy(dst.at[pl.ds(offt, _STAIL)], it_, st)
    t2 = pltpu.async_copy(dst8.at[pl.ds(offt, _STAIL)], it2_, st)
    t3 = pltpu.async_copy(msg3.at[c, pl.ds(offt, _STAIL)], d0.at[pl.ds(0, _STAIL)], st)
    t4 = pltpu.async_copy(scp.at[pl.ds(offt, _STAIL)], z0.at[pl.ds(0, _STAIL)], st)
    t1.wait()
    t2.wait()
    t3.wait()
    t4.wait()
    ta = pltpu.async_copy(d0.at[pl.ds(0, _STAIL)], acc.at[it_], st, add=True)
    tb = pltpu.async_copy(z0.at[pl.ds(0, _STAIL)], zacc.at[it2_], st, add=True)
    ta.wait()
    tb.wait()
    plsc.subcore_barrier()

    for kk in range(10):
        row = s * _RPS + kk * _SCH
        set_idxz(row)
        pltpu.async_copy(acc.at[idxz_v], d0, st).wait()
        pltpu.sync_copy(d0, wv3_out.at[c, pl.ds(row, _SCH)])
    set_idxz(s * _ZRPS)
    pltpu.async_copy(zacc.at[idxz_v], d0, st).wait()
    pltpu.sync_copy(d0, z_out.at[pl.ds(s * _ZRPS, _SCH)])
    pltpu.async_copy(zacc.at[idxz16_v], d0.at[pl.ds(0, 16)], st).wait()
    pltpu.sync_copy(d0.at[pl.ds(0, 16)], z_out.at[pl.ds(s * _ZRPS + _SCH, 16)])


_scatter = functools.partial(
    pl.kernel,
    mesh=plsc.VectorSubcoreMesh(core_axis_name="c", subcore_axis_name="s",
                                num_cores=NC, num_subcores=NS),
    out_type=[jax.ShapeDtypeStruct((NC, _NPAD, _HD), jnp.float32),
              jax.ShapeDtypeStruct((_NZ, _HD), jnp.float32)],
    scratch_types=(
        [pltpu.VMEM_SHARED((_NPAD, _HD), jnp.float32),
         pltpu.VMEM_SHARED((_NZ, _HD), jnp.float32)]
        + [pltpu.VMEM((_SCH,), jnp.int32), pltpu.VMEM((_SCH,), jnp.int32),
           pltpu.VMEM((_SCH, _HD), jnp.float32), pltpu.VMEM((_SCH, _HD), jnp.float32)] * 2
        + [pltpu.VMEM((_STAIL,), jnp.int32), pltpu.VMEM((_STAIL,), jnp.int32),
           pltpu.VMEM((_SCH,), jnp.int32), pltpu.VMEM((16,), jnp.int32)]
        + [pltpu.SemaphoreType.DMA] * 5
    ),
)(_scatter_body)


_FTILE = 1000


def _fin_body(wva_ref, wvb_ref, z_ref, out_ref):
    h_i = lax.broadcasted_iota(jnp.int32, (_ZW, _HD), 0)
    d_i = lax.broadcasted_iota(jnp.int32, (_ZW, _HD), 1)
    rep_a = jnp.where(h_i == d_i // DH, 1.0, 0.0)
    rep_b = jnp.where(h_i == d_i // DH + H // 2, 1.0, 0.0)
    za = jnp.dot(z_ref[...], rep_a, preferred_element_type=jnp.float32)
    zb = jnp.dot(z_ref[...], rep_b, preferred_element_type=jnp.float32)
    out_ref[:, :_HD] = wva_ref[...] / (za + 1e-6)
    out_ref[:, _HD:] = wvb_ref[...] / (zb + 1e-6)


def _fin(wva, wvb, z):
    grid = (N_NODES // _FTILE,)
    return pl.pallas_call(
        _fin_body,
        grid=grid,
        in_specs=[pl.BlockSpec((_FTILE, _HD), lambda i: (i, 0)),
                  pl.BlockSpec((_FTILE, _HD), lambda i: (i, 0)),
                  pl.BlockSpec((_FTILE, _ZW), lambda i: (i, 0))],
        out_specs=pl.BlockSpec((_FTILE, D), lambda i: (i, 0)),
        out_shape=jax.ShapeDtypeStruct((N_NODES, D), jnp.float32),
    )(wva, wvb, z)


def kernel(x, edge_attr, Wq, bq, Wk, bk, We, be, Wv, bv, edge_index):
    src = edge_index[0]
    dst = edge_index[1]
    q, k, v = _proj(x, Wq, bq.reshape(1, D), Wk, bk.reshape(1, D),
                    Wv, bv.reshape(1, D))
    ks, qd, vs = _gather(k, q, v, src, dst)
    msg3, scp = _edge(edge_attr, ks, qd, vs, dst.reshape(E_EDGES, 1),
                      We, be.reshape(1, D))
    wv3, z2 = _scatter(msg3, scp, dst, dst // 8)
    return _fin(wv3[0], wv3[1], z2.reshape(_NPAD, _ZW))

# --- scband reference (transcript-rebuilt; emitter-appended) ---
"""Pipeline reference for scband-exphormer-attention-11476152615031 (READ-ONLY COPY).

The authoritative reference and input builder live on the scoring server;
editing this copy changes nothing except your own understanding.
"""

import jax, jax.numpy as jnp
import numpy as np

N = 10000
E_EDGES = 160000
IN_DIM = 256
OUT_DIM = 256
DIM_EDGE = 256
H = 8
DH = OUT_DIM // H


def setup_inputs(seed: int = 0) -> dict:
    key = jax.random.key(seed)
    ks = jax.random.split(key, 12)
    x = jax.random.normal(ks[0], (N, IN_DIM), dtype=jnp.float32)
    edge_attr = jax.random.normal(ks[1], (E_EDGES, DIM_EDGE), dtype=jnp.float32)
    edge_index = jax.random.randint(ks[2], (2, E_EDGES), 0, N, dtype=jnp.int32)
    s = 1.0 / np.sqrt(IN_DIM)
    Wq = jax.random.normal(ks[3], (IN_DIM, OUT_DIM), dtype=jnp.float32) * s
    Wk = jax.random.normal(ks[4], (IN_DIM, OUT_DIM), dtype=jnp.float32) * s
    We = jax.random.normal(ks[5], (DIM_EDGE, OUT_DIM), dtype=jnp.float32) * s
    Wv = jax.random.normal(ks[6], (IN_DIM, OUT_DIM), dtype=jnp.float32) * s
    bq = jax.random.normal(ks[7], (OUT_DIM,), dtype=jnp.float32) * 0.01
    bk = jax.random.normal(ks[8], (OUT_DIM,), dtype=jnp.float32) * 0.01
    be = jax.random.normal(ks[9], (OUT_DIM,), dtype=jnp.float32) * 0.01
    bv = jax.random.normal(ks[10], (OUT_DIM,), dtype=jnp.float32) * 0.01
    return {"x": x, "edge_attr": edge_attr, "Wq": Wq, "bq": bq, "Wk": Wk, "bk": bk, "We": We, "be": be, "Wv": Wv, "bv": bv, "edge_index": edge_index}


def reference(x, edge_attr, Wq, bq, Wk, bk, We, be, Wv, bv, edge_index):
    Q_h = (x @ Wq + bq).reshape(-1, H, DH)
    K_h = (x @ Wk + bk).reshape(-1, H, DH)
    V_h = (x @ Wv + bv).reshape(-1, H, DH)
    E_h = (edge_attr @ We + be).reshape(-1, H, DH)
    src = jnp.take(K_h, edge_index[0], axis=0)
    dest = jnp.take(Q_h, edge_index[1], axis=0)
    score = src * dest / np.sqrt(DH)
    score = score * E_h
    score = jnp.exp(jnp.clip(jnp.sum(score, axis=-1, keepdims=True), -5.0, 5.0))
    msg = jnp.take(V_h, edge_index[0], axis=0) * score
    wV = jax.ops.segment_sum(msg, edge_index[1], num_segments=N)
    Z = jax.ops.segment_sum(score, edge_index[1], num_segments=N)
    h_out = wV / (Z + 1e-6)
    return h_out.reshape(-1, H * DH)

if __name__ == "__main__":
    import jax
    _d = setup_inputs()
    print(jax.jit(kernel)(*tuple(_d.values())))

</pallas_src>

<mosaic_0001>
#map = affine_map<(d0, d1) -> (0, 0, 0)>
#map1 = affine_map<(d0, d1) -> (0, 0)>
#map2 = affine_map<(d0, d1) -> (0)>
module attributes {stable_mosaic.version = 14 : i64} {
  func.func @_scatter_body(%arg0: i32, %arg1: i32, %arg2: memref<2x160000x128xf32, #tpu.memory_space<hbm>>, %arg3: memref<160000x128xf32, #tpu.memory_space<hbm>>, %arg4: memref<160000xi32, #tpu.memory_space<hbm>>, %arg5: memref<160000xi32, #tpu.memory_space<hbm>>, %arg6: memref<2x10240x128xf32, #tpu.memory_space<hbm>>, %arg7: memref<1280x128xf32, #tpu.memory_space<hbm>>, %arg8: memref<10240x128xf32, #tpu.memory_space<vmem_shared>>, %arg9: memref<1280x128xf32, #tpu.memory_space<vmem_shared>>, %arg10: memref<64xi32, #tpu.memory_space<vmem>>, %arg11: memref<64xi32, #tpu.memory_space<vmem>>, %arg12: memref<64x128xf32, #tpu.memory_space<vmem>>, %arg13: memref<64x128xf32, #tpu.memory_space<vmem>>, %arg14: memref<64xi32, #tpu.memory_space<vmem>>, %arg15: memref<64xi32, #tpu.memory_space<vmem>>, %arg16: memref<64x128xf32, #tpu.memory_space<vmem>>, %arg17: memref<64x128xf32, #tpu.memory_space<vmem>>, %arg18: memref<16xi32, #tpu.memory_space<vmem>>, %arg19: memref<16xi32, #tpu.memory_space<vmem>>, %arg20: memref<64xi32, #tpu.memory_space<vmem>>, %arg21: memref<16xi32, #tpu.memory_space<vmem>>, %arg22: memref<!tpu.dma_semaphore, #tpu.memory_space<semaphore_mem>>, %arg23: memref<!tpu.dma_semaphore, #tpu.memory_space<semaphore_mem>>, %arg24: memref<!tpu.dma_semaphore, #tpu.memory_space<semaphore_mem>>, %arg25: memref<!tpu.dma_semaphore, #tpu.memory_space<semaphore_mem>>, %arg26: memref<!tpu.dma_semaphore, #tpu.memory_space<semaphore_mem>>) attributes {dimension_semantics = [#tpu.dimension_semantics<core_parallel>, #tpu.dimension_semantics<subcore_parallel>], iteration_bounds = array<i64: 2, 16>, scalar_prefetch = 0 : i64, scratch_operands = 19 : i64, tpu.core_type = #tpu.core_type<sc_vector_subcore>, window_params = [{transform_indices = #map}, {transform_indices = #map1}, {transform_indices = #map2}, {transform_indices = #map2}, {transform_indices = #map}, {transform_indices = #map1}]} {
    %broadcast_in_dim3A = arith.constant 0.000000e+00 : f32
    %broadcast_in_dim3A_0 = vector.broadcast %broadcast_in_dim3A : f32 to vector<16xf32>
    %scan3A = arith.constant 0 : i32
    %scan3A_1 = arith.constant 0 : i32
    %scan3A_2 = arith.constant 512 : i32
    %scan3A_3 = arith.addi %scan3A_1, %scan3A_2 : i32
    %scan3A_4 = arith.constant 1 : i32
    scf.for %scan3A_1142 = %scan3A_1 to %scan3A_3 step %scan3A_4  : i32 {
      %jit3A = arith.constant 8 : i32
      %div3A = arith.divsi %scan3A_1142, %jit3A : i32
      %sign3A = arith.constant 0 : i32
      %sign3A_1143 = arith.cmpi sgt, %scan3A_1142, %sign3A : i32
      %sign3A_1144 = arith.extui %sign3A_1143 : i1 to i32
      %sign3A_1145 = arith.constant 0 : i32
      %sign3A_1146 = arith.cmpi slt, %scan3A_1142, %sign3A_1145 : i32
      %sign3A_1147 = arith.extui %sign3A_1146 : i1 to i32
      %sign3A_1148 = arith.subi %sign3A_1144, %sign3A_1147 : i32
      %sign3A_1149 = arith.constant 0 : i32
      %sign3A_1150 = arith.cmpi sgt, %jit3A, %sign3A_1149 : i32
      %sign3A_1151 = arith.extui %sign3A_1150 : i1 to i32
      %sign3A_1152 = arith.constant 0 : i32
      %sign3A_1153 = arith.cmpi slt, %jit3A, %sign3A_1152 : i32
      %sign3A_1154 = arith.extui %sign3A_1153 : i1 to i32
      %sign3A_1155 = arith.subi %sign3A_1151, %sign3A_1154 : i32
      %ne3A = arith.cmpi ne, %sign3A_1148, %sign3A_1155 : i32
      %rem3A = arith.remsi %scan3A_1142, %jit3A : i32
      %ne3A_1156 = arith.constant 0 : i32
      %ne3A_1157 = arith.cmpi ne, %rem3A, %ne3A_1156 : i32
      %and3A = arith.andi %ne3A, %ne3A_1157 : i1
      %sub3A = arith.constant 1 : i32
      %sub3A_1158 = arith.subi %div3A, %sub3A : i32
      %select_n3A = arith.select %and3A, %sub3A_1158, %div3A : i32
      %mul3A_1159 = arith.constant 8 : i32
      %mul3A_1160 = arith.muli %select_n3A, %mul3A_1159 : i32
      %sub3A_1161 = arith.subi %scan3A_1142, %mul3A_1160 : i32
      %mul3A_1162 = arith.constant 16 : i32
      %mul3A_1163 = arith.muli %sub3A_1161, %mul3A_1162 : i32
      %swap3A_1164 = arith.index_cast %select_n3A : i32 to index
      %swap3A_1165 = arith.index_cast %mul3A_1163 : i32 to index
      %swap3A_1166 = tpu.vector_load %arg12[%swap3A_1164, %swap3A_1165] {strides = array<i32>} : memref<64x128xf32, #tpu.memory_space<vmem>>, vector<1x16xf32>,
      %swap3A_1167 = vector.shape_cast %swap3A_1166 : vector<1x16xf32> to vector<16xf32>
      %swap3A_1168 = vector.shape_cast %broadcast_in_dim3A_0 : vector<16xf32> to vector<1x16xf32>
      tpu.vector_store %arg12[%swap3A_1164, %swap3A_1165], %swap3A_1168 {strides = array<i32>} : memref<64x128xf32, #tpu.memory_space<vmem>>, vector<1x16xf32>,
    }
    %scan3A_5 = arith.constant 512 : i32
    %mul3A = arith.constant 640 : i32
    %mul3A_6 = arith.muli %arg1, %mul3A : i32
    %add3A = arith.constant 0 : i32
    %add3A_7 = arith.addi %mul3A_6, %add3A : i32
    %add3A_8 = arith.constant 0 : i32
    %add3A_9 = arith.addi %add3A_7, %add3A_8 : i32
    %iota3A = tpu.iota {dimensions = array<i32: 0>} : vector<16xi32>
    %add3A_10 = vector.broadcast %add3A_9 : i32 to vector<16xi32>
    %add3A_11 = arith.addi %add3A_10, %iota3A : vector<16xi32>
    %swap3A = arith.constant 0 : index
    %swap3A_12 = tpu.vector_load %arg20[%swap3A] {strides = array<i32>} : memref<64xi32, #tpu.memory_space<vmem>>, vector<16xi32>,
    %swap3A_13 = vector.shape_cast %swap3A_12 : vector<16xi32> to vector<16xi32>
    %swap3A_14 = vector.shape_cast %add3A_11 : vector<16xi32> to vector<16xi32>
    tpu.vector_store %arg20[%swap3A], %swap3A_14 {strides = array<i32>} : memref<64xi32, #tpu.memory_space<vmem>>, vector<16xi32>,
    %add3A_15 = arith.constant 16 : i32
    %add3A_16 = arith.addi %add3A_7, %add3A_15 : i32
    %iota3A_17 = tpu.iota {dimensions = array<i32: 0>} : vector<16xi32>
    %add3A_18 = vector.broadcast %add3A_16 : i32 to vector<16xi32>
    %add3A_19 = arith.addi %add3A_18, %iota3A_17 : vector<16xi32>
    %swap3A_20 = arith.constant 16 : index
    %swap3A_21 = tpu.vector_load %arg20[%swap3A_20] {strides = array<i32>} : memref<64xi32, #tpu.memory_space<vmem>>, vector<16xi32>,
    %swap3A_22 = vector.shape_cast %swap3A_21 : vector<16xi32> to vector<16xi32>
    %swap3A_23 = vector.shape_cast %add3A_19 : vector<16xi32> to vector<16xi32>
    tpu.vector_store %arg20[%swap3A_20], %swap3A_23 {strides = array<i32>} : memref<64xi32, #tpu.memory_space<vmem>>, vector<16xi32>,
    %add3A_24 = arith.constant 32 : i32
    %add3A_25 = arith.addi %add3A_7, %add3A_24 : i32
    %iota3A_26 = tpu.iota {dimensions = array<i32: 0>} : vector<16xi32>
    %add3A_27 = vector.broadcast %add3A_25 : i32 to vector<16xi32>
    %add3A_28 = arith.addi %add3A_27, %iota3A_26 : vector<16xi32>
    %swap3A_29 = arith.constant 32 : index
    %swap3A_30 = tpu.vector_load %arg20[%swap3A_29] {strides = array<i32>} : memref<64xi32, #tpu.memory_space<vmem>>, vector<16xi32>,
    %swap3A_31 = vector.shape_cast %swap3A_30 : vector<16xi32> to vector<16xi32>
    %swap3A_32 = vector.shape_cast %add3A_28 : vector<16xi32> to vector<16xi32>
    tpu.vector_store %arg20[%swap3A_29], %swap3A_32 {strides = array<i32>} : memref<64xi32, #tpu.memory_space<vmem>>, vector<16xi32>,
    %add3A_33 = arith.constant 48 : i32
    %add3A_34 = arith.addi %add3A_7, %add3A_33 : i32
    %iota3A_35 = tpu.iota {dimensions = array<i32: 0>} : vector<16xi32>
    %add3A_36 = vector.broadcast %add3A_34 : i32 to vector<16xi32>
    %add3A_37 = arith.addi %add3A_36, %iota3A_35 : vector<16xi32>
    %swap3A_38 = arith.constant 48 : index
    %swap3A_39 = tpu.vector_load %arg20[%swap3A_38] {strides = array<i32>} : memref<64xi32, #tpu.memory_space<vmem>>, vector<16xi32>,
    %swap3A_40 = vector.shape_cast %swap3A_39 : vector<16xi32> to vector<16xi32>
    %swap3A_41 = vector.shape_cast %add3A_37 : vector<16xi32> to vector<16xi32>
    tpu.vector_store %arg20[%swap3A_38], %swap3A_41 {strides = array<i32>} : memref<64xi32, #tpu.memory_space<vmem>>, vector<16xi32>,
    "tpu.region"() ({
      %run_scoped3A = tpu.sem_alloc : memref<!tpu.dma_semaphore, #tpu.memory_space<semaphore_mem>>
      %dma_start3A_1142 = arith.constant 0 : i32
      %dma_start3A_1143 = arith.constant 0 : i32
      %dma_start3A_1144 = tpu.memref_slice %arg8[%dma_start3A_1142, %dma_start3A_1143] : memref<10240x128xf32, #tpu.memory_space<vmem_shared>> -> memref<10240x128xf32, #tpu.memory_space<vmem_shared>>
      tpu.enqueue_indirect_dma source(%arg12 : memref<64x128xf32, #tpu.memory_space<vmem>>) target(%dma_start3A_1144 : memref<10240x128xf32, #tpu.memory_space<vmem_shared>>) offsets(%arg20 : memref<64xi32, #tpu.memory_space<vmem>>) semaphore(%run_scoped3A : memref<!tpu.dma_semaphore, #tpu.memory_space<semaphore_mem>>)
      %dma_wait3A_1145 = arith.constant 0 : i32
      %dma_wait3A_1146 = arith.constant 0 : i32
      %dma_wait3A_1147 = tpu.memref_slice %arg8[%dma_wait3A_1145, %dma_wait3A_1146] : memref<10240x128xf32, #tpu.memory_space<vmem_shared>> -> memref<10240x128xf32, #tpu.memory_space<vmem_shared>>
      tpu.wait_indirect_dma semaphore(%run_scoped3A : memref<!tpu.dma_semaphore, #tpu.memory_space<semaphore_mem>>) src(%arg12 : memref<64x128xf32, #tpu.memory_space<vmem>>) dst(%dma_wait3A_1147 : memref<10240x128xf32, #tpu.memory_space<vmem_shared>>)
      tpu.yield
    }) : () -> ()
    %mul3A_42 = arith.constant 640 : i32
    %mul3A_43 = arith.muli %arg1, %mul3A_42 : i32
    %add3A_44 = arith.constant 64 : i32
    %add3A_45 = arith.addi %mul3A_43, %add3A_44 : i32
    %add3A_46 = arith.constant 0 : i32
    %add3A_47 = arith.addi %add3A_45, %add3A_46 : i32
    %iota3A_48 = tpu.iota {dimensions = array<i32: 0>} : vector<16xi32>
    %add3A_49 = vector.broadcast %add3A_47 : i32 to vector<16xi32>
    %add3A_50 = arith.addi %add3A_49, %iota3A_48 : vector<16xi32>
    %swap3A_51 = arith.constant 0 : index
    %swap3A_52 = tpu.vector_load %arg20[%swap3A_51] {strides = array<i32>} : memref<64xi32, #tpu.memory_space<vmem>>, vector<16xi32>,
    %swap3A_53 = vector.shape_cast %swap3A_52 : vector<16xi32> to vector<16xi32>
    %swap3A_54 = vector.shape_cast %add3A_50 : vector<16xi32> to vector<16xi32>
    tpu.vector_store %arg20[%swap3A_51], %swap3A_54 {strides = array<i32>} : memref<64xi32, #tpu.memory_space<vmem>>, vector<16xi32>,
    %add3A_55 = arith.constant 16 : i32
    %add3A_56 = arith.addi %add3A_45, %add3A_55 : i32
    %iota3A_57 = tpu.iota {dimensions = array<i32: 0>} : vector<16xi32>
    %add3A_58 = vector.broadcast %add3A_56 : i32 to vector<16xi32>
    %add3A_59 = arith.addi %add3A_58, %iota3A_57 : vector<16xi32>
    %swap3A_60 = arith.constant 16 : index
    %swap3A_61 = tpu.vector_load %arg20[%swap3A_60] {strides = array<i32>} : memref<64xi32, #tpu.memory_space<vmem>>, vector<16xi32>,
    %swap3A_62 = vector.shape_cast %swap3A_61 : vector<16xi32> to vector<16xi32>
    %swap3A_63 = vector.shape_cast %add3A_59 : vector<16xi32> to vector<16xi32>
    tpu.vector_store %arg20[%swap3A_60], %swap3A_63 {strides = array<i32>} : memref<64xi32, #tpu.memory_space<vmem>>, vector<16xi32>,
    %add3A_64 = arith.constant 32 : i32
    %add3A_65 = arith.addi %add3A_45, %add3A_64 : i32
    %iota3A_66 = tpu.iota {dimensions = array<i32: 0>} : vector<16xi32>
    %add3A_67 = vector.broadcast %add3A_65 : i32 to vector<16xi32>
    %add3A_68 = arith.addi %add3A_67, %iota3A_66 : vector<16xi32>
    %swap3A_69 = arith.constant 32 : index
    %swap3A_70 = tpu.vector_load %arg20[%swap3A_69] {strides = array<i32>} : memref<64xi32, #tpu.memory_space<vmem>>, vector<16xi32>,
    %swap3A_71 = vector.shape_cast %swap3A_70 : vector<16xi32> to vector<16xi32>
    %swap3A_72 = vector.shape_cast %add3A_68 : vector<16xi32> to vector<16xi32>
    tpu.vector_store %arg20[%swap3A_69], %swap3A_72 {strides = array<i32>} : memref<64xi32, #tpu.memory_space<vmem>>, vector<16xi32>,
    %add3A_73 = arith.constant 48 : i32
    %add3A_74 = arith.addi %add3A_45, %add3A_73 : i32
    %iota3A_75 = tpu.iota {dimensions = array<i32: 0>} : vector<16xi32>
    %add3A_76 = vector.broadcast %add3A_74 : i32 to vector<16xi32>
    %add3A_77 = arith.addi %add3A_76, %iota3A_75 : vector<16xi32>
    %swap3A_78 = arith.constant 48 : index
    %swap3A_79 = tpu.vector_load %arg20[%swap3A_78] {strides = array<i32>} : memref<64xi32, #tpu.memory_space<vmem>>, vector<16xi32>,
    %swap3A_80 = vector.shape_cast %swap3A_79 : vector<16xi32> to vector<16xi32>
    %swap3A_81 = vector.shape_cast %add3A_77 : vector<16xi32> to vector<16xi32>
    tpu.vector_store %arg20[%swap3A_78], %swap3A_81 {strides = array<i32>} : memref<64xi32, #tpu.memory_space<vmem>>, vector<16xi32>,
    "tpu.region"() ({
      %run_scoped3A = tpu.sem_alloc : memref<!tpu.dma_semaphore, #tpu.memory_space<semaphore_mem>>
      %dma_start3A_1142 = arith.constant 0 : i32
      %dma_start3A_1143 = arith.constant 0 : i32
      %dma_start3A_1144 = tpu.memref_slice %arg8[%dma_start3A_1142, %dma_start3A_1143] : memref<10240x128xf32, #tpu.memory_space<vmem_shared>> -> memref<10240x128xf32, #tpu.memory_space<vmem_shared>>
      tpu.enqueue_indirect_dma source(%arg12 : memref<64x128xf32, #tpu.memory_space<vmem>>) target(%dma_start3A_1144 : memref<10240x128xf32, #tpu.memory_space<vmem_shared>>) offsets(%arg20 : memref<64xi32, #tpu.memory_space<vmem>>) semaphore(%run_scoped3A : memref<!tpu.dma_semaphore, #tpu.memory_space<semaphore_mem>>)
      %dma_wait3A_1145 = arith.constant 0 : i32
      %dma_wait3A_1146 = arith.constant 0 : i32
      %dma_wait3A_1147 = tpu.memref_slice %arg8[%dma_wait3A_1145, %dma_wait3A_1146] : memref<10240x128xf32, #tpu.memory_space<vmem_shared>> -> memref<10240x128xf32, #tpu.memory_space<vmem_shared>>
      tpu.wait_indirect_dma semaphore(%run_scoped3A : memref<!tpu.dma_semaphore, #tpu.memory_space<semaphore_mem>>) src(%arg12 : memref<64x128xf32, #tpu.memory_space<vmem>>) dst(%dma_wait3A_1147 : memref<10240x128xf32, #tpu.memory_space<vmem_shared>>)
      tpu.yield
    }) : () -> ()
    %mul3A_82 = arith.constant 640 : i32
    %mul3A_83 = arith.muli %arg1, %mul3A_82 : i32
    %add3A_84 = arith.constant 128 : i32
    %add3A_85 = arith.addi %mul3A_83, %add3A_84 : i32
    %add3A_86 = arith.constant 0 : i32
    %add3A_87 = arith.addi %add3A_85, %add3A_86 : i32
    %iota3A_88 = tpu.iota {dimensions = array<i32: 0>} : vector<16xi32>
    %add3A_89 = vector.broadcast %add3A_87 : i32 to vector<16xi32>
    %add3A_90 = arith.addi %add3A_89, %iota3A_88 : vector<16xi32>
    %swap3A_91 = arith.constant 0 : index
    %swap3A_92 = tpu.vector_load %arg20[%swap3A_91] {strides = array<i32>} : memref<64xi32, #tpu.memory_space<vmem>>, vector<16xi32>,
    %swap3A_93 = vector.shape_cast %swap3A_92 : vector<16xi32> to vector<16xi32>
    %swap3A_94 = vector.shape_cast %add3A_90 : vector<16xi32> to vector<16xi32>
    tpu.vector_store %arg20[%swap3A_91], %swap3A_94 {strides = array<i32>} : memref<64xi32, #tpu.memory_space<vmem>>, vector<16xi32>,
    %add3A_95 = arith.constant 16 : i32
    %add3A_96 = arith.addi %add3A_85, %add3A_95 : i32
    %iota3A_97 = tpu.iota {dimensions = array<i32: 0>} : vector<16xi32>
    %add3A_98 = vector.broadcast %add3A_96 : i32 to vector<16xi32>
    %add3A_99 = arith.addi %add3A_98, %iota3A_97 : vector<16xi32>
    %swap3A_100 = arith.constant 16 : index
    %swap3A_101 = tpu.vector_load %arg20[%swap3A_100] {strides = array<i32>} : memref<64xi32, #tpu.memory_space<vmem>>, vector<16xi32>,
    %swap3A_102 = vector.shape_cast %swap3A_101 : vector<16xi32> to vector<16xi32>
    %swap3A_103 = vector.shape_cast %add3A_99 : vector<16xi32> to vector<16xi32>
    tpu.vector_store %arg20[%swap3A_100], %swap3A_103 {strides = array<i32>} : memref<64xi32, #tpu.memory_space<vmem>>, vector<16xi32>,
    %add3A_104 = arith.constant 32 : i32
    %add3A_105 = arith.addi %add3A_85, %add3A_104 : i32
    %iota3A_106 = tpu.iota {dimensions = array<i32: 0>} : vector<16xi32>
    %add3A_107 = vector.broadcast %add3A_105 : i32 to vector<16xi32>
    %add3A_108 = arith.addi %add3A_107, %iota3A_106 : vector<16xi32>
    %swap3A_109 = arith.constant 32 : index
    %swap3A_110 = tpu.vector_load %arg20[%swap3A_109] {strides = array<i32>} : memref<64xi32, #tpu.memory_space<vmem>>, vector<16xi32>,
    %swap3A_111 = vector.shape_cast %swap3A_110 : vector<16xi32> to vector<16xi32>
    %swap3A_112 = vector.shape_cast %add3A_108 : vector<16xi32> to vector<16xi32>
    tpu.vector_store %arg20[%swap3A_109], %swap3A_112 {strides = array<i32>} : memref<64xi32, #tpu.memory_space<vmem>>, vector<16xi32>,
    %add3A_113 = arith.constant 48 : i32
    %add3A_114 = arith.addi %add3A_85, %add3A_113 : i32
    %iota3A_115 = tpu.iota {dimensions = array<i32: 0>} : vector<16xi32>
    %add3A_116 = vector.broadcast %add3A_114 : i32 to vector<16xi32>
    %add3A_117 = arith.addi %add3A_116, %iota3A_115 : vector<16xi32>
    %swap3A_118 = arith.constant 48 : index
    %swap3A_119 = tpu.vector_load %arg20[%swap3A_118] {strides = array<i32>} : memref<64xi32, #tpu.memory_space<vmem>>, vector<16xi32>,
    %swap3A_120 = vector.shape_cast %swap3A_119 : vector<16xi32> to vector<16xi32>
    %swap3A_121 = vector.shape_cast %add3A_117 : vector<16xi32> to vector<16xi32>
    tpu.vector_store %arg20[%swap3A_118], %swap3A_121 {strides = array<i32>} : memref<64xi32, #tpu.memory_space<vmem>>, vector<16xi32>,
    "tpu.region"() ({
      %run_scoped3A = tpu.sem_alloc : memref<!tpu.dma_semaphore, #tpu.memory_space<semaphore_mem>>
      %dma_start3A_1142 = arith.constant 0 : i32
      %dma_start3A_1143 = arith.constant 0 : i32
      %dma_start3A_1144 = tpu.memref_slice %arg8[%dma_start3A_1142, %dma_start3A_1143] : memref<10240x128xf32, #tpu.memory_space<vmem_shared>> -> memref<10240x128xf32, #tpu.memory_space<vmem_shared>>
      tpu.enqueue_indirect_dma source(%arg12 : memref<64x128xf32, #tpu.memory_space<vmem>>) target(%dma_start3A_1144 : memref<10240x128xf32, #tpu.memory_space<vmem_shared>>) offsets(%arg20 : memref<64xi32, #tpu.memory_space<vmem>>) semaphore(%run_scoped3A : memref<!tpu.dma_semaphore, #tpu.memory_space<semaphore_mem>>)
      %dma_wait3A_1145 = arith.constant 0 : i32
      %dma_wait3A_1146 = arith.constant 0 : i32
      %dma_wait3A_1147 = tpu.memref_slice %arg8[%dma_wait3A_1145, %dma_wait3A_1146] : memref<10240x128xf32, #tpu.memory_space<vmem_shared>> -> memref<10240x128xf32, #tpu.memory_space<vmem_shared>>
      tpu.wait_indirect_dma semaphore(%run_scoped3A : memref<!tpu.dma_semaphore, #tpu.memory_space<semaphore_mem>>) src(%arg12 : memref<64x128xf32, #tpu.memory_space<vmem>>) dst(%dma_wait3A_1147 : memref<10240x128xf32, #tpu.memory_space<vmem_shared>>)
      tpu.yield
    }) : () -> ()
    %mul3A_122 = arith.constant 640 : i32
    %mul3A_123 = arith.muli %arg1, %mul3A_122 : i32
    %add3A_124 = arith.constant 192 : i32
    %add3A_125 = arith.addi %mul3A_123, %add3A_124 : i32
    %add3A_126 = arith.constant 0 : i32
    %add3A_127 = arith.addi %add3A_125, %add3A_126 : i32
    %iota3A_128 = tpu.iota {dimensions = array<i32: 0>} : vector<16xi32>
    %add3A_129 = vector.broadcast %add3A_127 : i32 to vector<16xi32>
    %add3A_130 = arith.addi %add3A_129, %iota3A_128 : vector<16xi32>
    %swap3A_131 = arith.constant 0 : index
    %swap3A_132 = tpu.vector_load %arg20[%swap3A_131] {strides = array<i32>} : memref<64xi32, #tpu.memory_space<vmem>>, vector<16xi32>,
    %swap3A_133 = vector.shape_cast %swap3A_132 : vector<16xi32> to vector<16xi32>
    %swap3A_134 = vector.shape_cast %add3A_130 : vector<16xi32> to vector<16xi32>
    tpu.vector_store %arg20[%swap3A_131], %swap3A_134 {strides = array<i32>} : memref<64xi32, #tpu.memory_space<vmem>>, vector<16xi32>,
    %add3A_135 = arith.constant 16 : i32
    %add3A_136 = arith.addi %add3A_125, %add3A_135 : i32
    %iota3A_137 = tpu.iota {dimensions = array<i32: 0>} : vector<16xi32>
    %add3A_138 = vector.broadcast %add3A_136 : i32 to vector<16xi32>
    %add3A_139 = arith.addi %add3A_138, %iota3A_137 : vector<16xi32>
    %swap3A_140 = arith.constant 16 : index
    %swap3A_141 = tpu.vector_load %arg20[%swap3A_140] {strides = array<i32>} : memref<64xi32, #tpu.memory_space<vmem>>, vector<16xi32>,
    %swap3A_142 = vector.shape_cast %swap3A_141 : vector<16xi32> to vector<16xi32>
    %swap3A_143 = vector.shape_cast %add3A_139 : vector<16xi32> to vector<16xi32>
    tpu.vector_store %arg20[%swap3A_140], %swap3A_143 {strides = array<i32>} : memref<64xi32, #tpu.memory_space<vmem>>, vector<16xi32>,
    %add3A_144 = arith.constant 32 : i32
    %add3A_145 = arith.addi %add3A_125, %add3A_144 : i32
    %iota3A_146 = tpu.iota {dimensions = array<i32: 0>} : vector<16xi32>
    %add3A_147 = vector.broadcast %add3A_145 : i32 to vector<16xi32>
    %add3A_148 = arith.addi %add3A_147, %iota3A_146 : vector<16xi32>
    %swap3A_149 = arith.constant 32 : index
    %swap3A_150 = tpu.vector_load %arg20[%swap3A_149] {strides = array<i32>} : memref<64xi32, #tpu.memory_space<vmem>>, vector<16xi32>,
    %swap3A_151 = vector.shape_cast %swap3A_150 : vector<16xi32> to vector<16xi32>
    %swap3A_152 = vector.shape_cast %add3A_148 : vector<16xi32> to vector<16xi32>
    tpu.vector_store %arg20[%swap3A_149], %swap3A_152 {strides = array<i32>} : memref<64xi32, #tpu.memory_space<vmem>>, vector<16xi32>,
    %add3A_153 = arith.constant 48 : i32
    %add3A_154 = arith.addi %add3A_125, %add3A_153 : i32
    %iota3A_155 = tpu.iota {dimensions = array<i32: 0>} : vector<16xi32>
    %add3A_156 = vector.broadcast %add3A_154 : i32 to vector<16xi32>
    %add3A_157 = arith.addi %add3A_156, %iota3A_155 : vector<16xi32>
    %swap3A_158 = arith.constant 48 : index
    %swap3A_159 = tpu.vector_load %arg20[%swap3A_158] {strides = array<i32>} : memref<64xi32, #tpu.memory_space<vmem>>, vector<16xi32>,
    %swap3A_160 = vector.shape_cast %swap3A_159 : vector<16xi32> to vector<16xi32>
    %swap3A_161 = vector.shape_cast %add3A_157 : vector<16xi32> to vector<16xi32>
    tpu.vector_store %arg20[%swap3A_158], %swap3A_161 {strides = array<i32>} : memref<64xi32, #tpu.memory_space<vmem>>, vector<16xi32>,
    "tpu.region"() ({
      %run_scoped3A = tpu.sem_alloc : memref<!tpu.dma_semaphore, #tpu.memory_space<semaphore_mem>>
      %dma_start3A_1142 = arith.constant 0 : i32
      %dma_start3A_1143 = arith.constant 0 : i32
      %dma_start3A_1144 = tpu.memref_slice %arg8[%dma_start3A_1142, %dma_start3A_1143] : memref<10240x128xf32, #tpu.memory_space<vmem_shared>> -> memref<10240x128xf32, #tpu.memory_space<vmem_shared>>
      tpu.enqueue_indirect_dma source(%arg12 : memref<64x128xf32, #tpu.memory_space<vmem>>) target(%dma_start3A_1144 : memref<10240x128xf32, #tpu.memory_space<vmem_shared>>) offsets(%arg20 : memref<64xi32, #tpu.memory_space<vmem>>) semaphore(%run_scoped3A : memref<!tpu.dma_semaphore, #tpu.memory_space<semaphore_mem>>)
      %dma_wait3A_1145 = arith.constant 0 : i32
      %dma_wait3A_1146 = arith.constant 0 : i32
      %dma_wait3A_1147 = tpu.memref_slice %arg8[%dma_wait3A_1145, %dma_wait3A_1146] : memref<10240x128xf32, #tpu.memory_space<vmem_shared>> -> memref<10240x128xf32, #tpu.memory_space<vmem_shared>>
      tpu.wait_indirect_dma semaphore(%run_scoped3A : memref<!tpu.dma_semaphore, #tpu.memory_space<semaphore_mem>>) src(%arg12 : memref<64x128xf32, #tpu.memory_space<vmem>>) dst(%dma_wait3A_1147 : memref<10240x128xf32, #tpu.memory_space<vmem_shared>>)
      tpu.yield
    }) : () -> ()
    %mul3A_162 = arith.constant 640 : i32
    %mul3A_163 = arith.muli %arg1, %mul3A_162 : i32
    %add3A_164 = arith.constant 256 : i32
    %add3A_165 = arith.addi %mul3A_163, %add3A_164 : i32
    %add3A_166 = arith.constant 0 : i32
    %add3A_167 = arith.addi %add3A_165, %add3A_166 : i32
    %iota3A_168 = tpu.iota {dimensions = array<i32: 0>} : vector<16xi32>
    %add3A_169 = vector.broadcast %add3A_167 : i32 to vector<16xi32>
    %add3A_170 = arith.addi %add3A_169, %iota3A_168 : vector<16xi32>
    %swap3A_171 = arith.constant 0 : index
    %swap3A_172 = tpu.vector_load %arg20[%swap3A_171] {strides = array<i32>} : memref<64xi32, #tpu.memory_space<vmem>>, vector<16xi32>,
    %swap3A_173 = vector.shape_cast %swap3A_172 : vector<16xi32> to vector<16xi32>
    %swap3A_174 = vector.shape_cast %add3A_170 : vector<16xi32> to vector<16xi32>
    tpu.vector_store %arg20[%swap3A_171], %swap3A_174 {strides = array<i32>} : memref<64xi32, #tpu.memory_space<vmem>>, vector<16xi32>,
    %add3A_175 = arith.constant 16 : i32
    %add3A_176 = arith.addi %add3A_165, %add3A_175 : i32
    %iota3A_177 = tpu.iota {dimensions = array<i32: 0>} : vector<16xi32>
    %add3A_178 = vector.broadcast %add3A_176 : i32 to vector<16xi32>
    %add3A_179 = arith.addi %add3A_178, %iota3A_177 : vector<16xi32>
    %swap3A_180 = arith.constant 16 : index
    %swap3A_181 = tpu.vector_load %arg20[%swap3A_180] {strides = array<i32>} : memref<64xi32, #tpu.memory_space<vmem>>, vector<16xi32>,
    %swap3A_182 = vector.shape_cast %swap3A_181 : vector<16xi32> to vector<16xi32>
    %swap3A_183 = vector.shape_cast %add3A_179 : vector<16xi32> to vector<16xi32>
    tpu.vector_store %arg20[%swap3A_180], %swap3A_183 {strides = array<i32>} : memref<64xi32, #tpu.memory_space<vmem>>, vector<16xi32>,
    %add3A_184 = arith.constant 32 : i32
    %add3A_185 = arith.addi %add3A_165, %add3A_184 : i32
    %iota3A_186 = tpu.iota {dimensions = array<i32: 0>} : vector<16xi32>
    %add3A_187 = vector.broadcast %add3A_185 : i32 to vector<16xi32>
    %add3A_188 = arith.addi %add3A_187, %iota3A_186 : vector<16xi32>
    %swap3A_189 = arith.constant 32 : index
    %swap3A_190 = tpu.vector_load %arg20[%swap3A_189] {strides = array<i32>} : memref<64xi32, #tpu.memory_space<vmem>>, vector<16xi32>,
    %swap3A_191 = vector.shape_cast %swap3A_190 : vector<16xi32> to vector<16xi32>
    %swap3A_192 = vector.shape_cast %add3A_188 : vector<16xi32> to vector<16xi32>
    tpu.vector_store %arg20[%swap3A_189], %swap3A_192 {strides = array<i32>} : memref<64xi32, #tpu.memory_space<vmem>>, vector<16xi32>,
    %add3A_193 = arith.constant 48 : i32
    %add3A_194 = arith.addi %add3A_165, %add3A_193 : i32
    %iota3A_195 = tpu.iota {dimensions = array<i32: 0>} : vector<16xi32>
    %add3A_196 = vector.broadcast %add3A_194 : i32 to vector<16xi32>
    %add3A_197 = arith.addi %add3A_196, %iota3A_195 : vector<16xi32>
    %swap3A_198 = arith.constant 48 : index
    %swap3A_199 = tpu.vector_load %arg20[%swap3A_198] {strides = array<i32>} : memref<64xi32, #tpu.memory_space<vmem>>, vector<16xi32>,
    %swap3A_200 = vector.shape_cast %swap3A_199 : vector<16xi32> to vector<16xi32>
    %swap3A_201 = vector.shape_cast %add3A_197 : vector<16xi32> to vector<16xi32>
    tpu.vector_store %arg20[%swap3A_198], %swap3A_201 {strides = array<i32>} : memref<64xi32, #tpu.memory_space<vmem>>, vector<16xi32>,
    "tpu.region"() ({
      %run_scoped3A = tpu.sem_alloc : memref<!tpu.dma_semaphore, #tpu.memory_space<semaphore_mem>>
      %dma_start3A_1142 = arith.constant 0 : i32
      %dma_start3A_1143 = arith.constant 0 : i32
      %dma_start3A_1144 = tpu.memref_slice %arg8[%dma_start3A_1142, %dma_start3A_1143] : memref<10240x128xf32, #tpu.memory_space<vmem_shared>> -> memref<10240x128xf32, #tpu.memory_space<vmem_shared>>
      tpu.enqueue_indirect_dma source(%arg12 : memref<64x128xf32, #tpu.memory_space<vmem>>) target(%dma_start3A_1144 : memref<10240x128xf32, #tpu.memory_space<vmem_shared>>) offsets(%arg20 : memref<64xi32, #tpu.memory_space<vmem>>) semaphore(%run_scoped3A : memref<!tpu.dma_semaphore, #tpu.memory_space<semaphore_mem>>)
      %dma_wait3A_1145 = arith.constant 0 : i32
      %dma_wait3A_1146 = arith.constant 0 : i32
      %dma_wait3A_1147 = tpu.memref_slice %arg8[%dma_wait3A_1145, %dma_wait3A_1146] : memref<10240x128xf32, #tpu.memory_space<vmem_shared>> -> memref<10240x128xf32, #tpu.memory_space<vmem_shared>>
      tpu.wait_indirect_dma semaphore(%run_scoped3A : memref<!tpu.dma_semaphore, #tpu.memory_space<semaphore_mem>>) src(%arg12 : memref<64x128xf32, #tpu.memory_space<vmem>>) dst(%dma_wait3A_1147 : memref<10240x128xf32, #tpu.memory_space<vmem_shared>>)
      tpu.yield
    }) : () -> ()
    %mul3A_202 = arith.constant 640 : i32
    %mul3A_203 = arith.muli %arg1, %mul3A_202 : i32
    %add3A_204 = arith.constant 320 : i32
    %add3A_205 = arith.addi %mul3A_203, %add3A_204 : i32
    %add3A_206 = arith.constant 0 : i32
    %add3A_207 = arith.addi %add3A_205, %add3A_206 : i32
    %iota3A_208 = tpu.iota {dimensions = array<i32: 0>} : vector<16xi32>
    %add3A_209 = vector.broadcast %add3A_207 : i32 to vector<16xi32>
    %add3A_210 = arith.addi %add3A_209, %iota3A_208 : vector<16xi32>
    %swap3A_211 = arith.constant 0 : index
    %swap3A_212 = tpu.vector_load %arg20[%swap3A_211] {strides = array<i32>} : memref<64xi32, #tpu.memory_space<vmem>>, vector<16xi32>,
    %swap3A_213 = vector.shape_cast %swap3A_212 : vector<16xi32> to vector<16xi32>
    %swap3A_214 = vector.shape_cast %add3A_210 : vector<16xi32> to vector<16xi32>
    tpu.vector_store %arg20[%swap3A_211], %swap3A_214 {strides = array<i32>} : memref<64xi32, #tpu.memory_space<vmem>>, vector<16xi32>,
    %add3A_215 = arith.constant 16 : i32
    %add3A_216 = arith.addi %add3A_205, %add3A_215 : i32
    %iota3A_217 = tpu.iota {dimensions = array<i32: 0>} : vector<16xi32>
    %add3A_218 = vector.broadcast %add3A_216 : i32 to vector<16xi32>
    %add3A_219 = arith.addi %add3A_218, %iota3A_217 : vector<16xi32>
    %swap3A_220 = arith.constant 16 : index
    %swap3A_221 = tpu.vector_load %arg20[%swap3A_220] {strides = array<i32>} : memref<64xi32, #tpu.memory_space<vmem>>, vector<16xi32>,
    %swap3A_222 = vector.shape_cast %swap3A_221 : vector<16xi32> to vector<16xi32>
    %swap3A_223 = vector.shape_cast %add3A_219 : vector<16xi32> to vector<16xi32>
    tpu.vector_store %arg20[%swap3A_220], %swap3A_223 {strides = array<i32>} : memref<64xi32, #tpu.memory_space<vmem>>, vector<16xi32>,
    %add3A_224 = arith.constant 32 : i32
    %add3A_225 = arith.addi %add3A_205, %add3A_224 : i32
    %iota3A_226 = tpu.iota {dimensions = array<i32: 0>} : vector<16xi32>
    %add3A_227 = vector.broadcast %add3A_225 : i32 to vector<16xi32>
    %add3A_228 = arith.addi %add3A_227, %iota3A_226 : vector<16xi32>
    %swap3A_229 = arith.constant 32 : index
    %swap3A_230 = tpu.vector_load %arg20[%swap3A_229] {strides = array<i32>} : memref<64xi32, #tpu.memory_space<vmem>>, vector<16xi32>,
    %swap3A_231 = vector.shape_cast %swap3A_230 : vector<16xi32> to vector<16xi32>
    %swap3A_232 = vector.shape_cast %add3A_228 : vector<16xi32> to vector<16xi32>
    tpu.vector_store %arg20[%swap3A_229], %swap3A_232 {strides = array<i32>} : memref<64xi32, #tpu.memory_space<vmem>>, vector<16xi32>,
    %add3A_233 = arith.constant 48 : i32
    %add3A_234 = arith.addi %add3A_205, %add3A_233 : i32
    %iota3A_235 = tpu.iota {dimensions = array<i32: 0>} : vector<16xi32>
    %add3A_236 = vector.broadcast %add3A_234 : i32 to vector<16xi32>
    %add3A_237 = arith.addi %add3A_236, %iota3A_235 : vector<16xi32>
    %swap3A_238 = arith.constant 48 : index
    %swap3A_239 = tpu.vector_load %arg20[%swap3A_238] {strides = array<i32>} : memref<64xi32, #tpu.memory_space<vmem>>, vector<16xi32>,
    %swap3A_240 = vector.shape_cast %swap3A_239 : vector<16xi32> to vector<16xi32>
    %swap3A_241 = vector.shape_cast %add3A_237 : vector<16xi32> to vector<16xi32>
    tpu.vector_store %arg20[%swap3A_238], %swap3A_241 {strides = array<i32>} : memref<64xi32, #tpu.memory_space<vmem>>, vector<16xi32>,
    "tpu.region"() ({
      %run_scoped3A = tpu.sem_alloc : memref<!tpu.dma_semaphore, #tpu.memory_space<semaphore_mem>>
      %dma_start3A_1142 = arith.constant 0 : i32
      %dma_start3A_1143 = arith.constant 0 : i32
      %dma_start3A_1144 = tpu.memref_slice %arg8[%dma_start3A_1142, %dma_start3A_1143] : memref<10240x128xf32, #tpu.memory_space<vmem_shared>> -> memref<10240x128xf32, #tpu.memory_space<vmem_shared>>
      tpu.enqueue_indirect_dma source(%arg12 : memref<64x128xf32, #tpu.memory_space<vmem>>) target(%dma_start3A_1144 : memref<10240x128xf32, #tpu.memory_space<vmem_shared>>) offsets(%arg20 : memref<64xi32, #tpu.memory_space<vmem>>) semaphore(%run_scoped3A : memref<!tpu.dma_semaphore, #tpu.memory_space<semaphore_mem>>)
      %dma_wait3A_1145 = arith.constant 0 : i32
      %dma_wait3A_1146 = arith.constant 0 : i32
      %dma_wait3A_1147 = tpu.memref_slice %arg8[%dma_wait3A_1145, %dma_wait3A_1146] : memref<10240x128xf32, #tpu.memory_space<vmem_shared>> -> memref<10240x128xf32, #tpu.memory_space<vmem_shared>>
      tpu.wait_indirect_dma semaphore(%run_scoped3A : memref<!tpu.dma_semaphore, #tpu.memory_space<semaphore_mem>>) src(%arg12 : memref<64x128xf32, #tpu.memory_space<vmem>>) dst(%dma_wait3A_1147 : memref<10240x128xf32, #tpu.memory_space<vmem_shared>>)
      tpu.yield
    }) : () -> ()
    %mul3A_242 = arith.constant 640 : i32
    %mul3A_243 = arith.muli %arg1, %mul3A_242 : i32
    %add3A_244 = arith.constant 384 : i32
    %add3A_245 = arith.addi %mul3A_243, %add3A_244 : i32
    %add3A_246 = arith.constant 0 : i32
    %add3A_247 = arith.addi %add3A_245, %add3A_246 : i32
    %iota3A_248 = tpu.iota {dimensions = array<i32: 0>} : vector<16xi32>
    %add3A_249 = vector.broadcast %add3A_247 : i32 to vector<16xi32>
    %add3A_250 = arith.addi %add3A_249, %iota3A_248 : vector<16xi32>
    %swap3A_251 = arith.constant 0 : index
    %swap3A_252 = tpu.vector_load %arg20[%swap3A_251] {strides = array<i32>} : memref<64xi32, #tpu.memory_space<vmem>>, vector<16xi32>,
    %swap3A_253 = vector.shape_cast %swap3A_252 : vector<16xi32> to vector<16xi32>
    %swap3A_254 = vector.shape_cast %add3A_250 : vector<16xi32> to vector<16xi32>
    tpu.vector_store %arg20[%swap3A_251], %swap3A_254 {strides = array<i32>} : memref<64xi32, #tpu.memory_space<vmem>>, vector<16xi32>,
    %add3A_255 = arith.constant 16 : i32
    %add3A_256 = arith.addi %add3A_245, %add3A_255 : i32
    %iota3A_257 = tpu.iota {dimensions = array<i32: 0>} : vector<16xi32>
    %add3A_258 = vector.broadcast %add3A_256 : i32 to vector<16xi32>
    %add3A_259 = arith.addi %add3A_258, %iota3A_257 : vector<16xi32>
    %swap3A_260 = arith.constant 16 : index
    %swap3A_261 = tpu.vector_load %arg20[%swap3A_260] {strides = array<i32>} : memref<64xi32, #tpu.memory_space<vmem>>, vector<16xi32>,
    %swap3A_262 = vector.shape_cast %swap3A_261 : vector<16xi32> to vector<16xi32>
    %swap3A_263 = vector.shape_cast %add3A_259 : vector<16xi32> to vector<16xi32>
    tpu.vector_store %arg20[%swap3A_260], %swap3A_263 {strides = array<i32>} : memref<64xi32, #tpu.memory_space<vmem>>, vector<16xi32>,
    %add3A_264 = arith.constant 32 : i32
    %add3A_265 = arith.addi %add3A_245, %add3A_264 : i32
    %iota3A_266 = tpu.iota {dimensions = array<i32: 0>} : vector<16xi32>
    %add3A_267 = vector.broadcast %add3A_265 : i32 to vector<16xi32>
    %add3A_268 = arith.addi %add3A_267, %iota3A_266 : vector<16xi32>
    %swap3A_269 = arith.constant 32 : index
    %swap3A_270 = tpu.vector_load %arg20[%swap3A_269] {strides = array<i32>} : memref<64xi32, #tpu.memory_space<vmem>>, vector<16xi32>,
    %swap3A_271 = vector.shape_cast %swap3A_270 : vector<16xi32> to vector<16xi32>
    %swap3A_272 = vector.shape_cast %add3A_268 : vector<16xi32> to vector<16xi32>
    tpu.vector_store %arg20[%swap3A_269], %swap3A_272 {strides = array<i32>} : memref<64xi32, #tpu.memory_space<vmem>>, vector<16xi32>,
    %add3A_273 = arith.constant 48 : i32
    %add3A_274 = arith.addi %add3A_245, %add3A_273 : i32
    %iota3A_275 = tpu.iota {dimensions = array<i32: 0>} : vector<16xi32>
    %add3A_276 = vector.broadcast %add3A_274 : i32 to vector<16xi32>
    %add3A_277 = arith.addi %add3A_276, %iota3A_275 : vector<16xi32>
    %swap3A_278 = arith.constant 48 : index
    %swap3A_279 = tpu.vector_load %arg20[%swap3A_278] {strides = array<i32>} : memref<64xi32, #tpu.memory_space<vmem>>, vector<16xi32>,
    %swap3A_280 = vector.shape_cast %swap3A_279 : vector<16xi32> to vector<16xi32>
    %swap3A_281 = vector.shape_cast %add3A_277 : vector<16xi32> to vector<16xi32>
    tpu.vector_store %arg20[%swap3A_278], %swap3A_281 {strides = array<i32>} : memref<64xi32, #tpu.memory_space<vmem>>, vector<16xi32>,
    "tpu.region"() ({
      %run_scoped3A = tpu.sem_alloc : memref<!tpu.dma_semaphore, #tpu.memory_space<semaphore_mem>>
      %dma_start3A_1142 = arith.constant 0 : i32
      %dma_start3A_1143 = arith.constant 0 : i32
      %dma_start3A_1144 = tpu.memref_slice %arg8[%dma_start3A_1142, %dma_start3A_1143] : memref<10240x128xf32, #tpu.memory_space<vmem_shared>> -> memref<10240x128xf32, #tpu.memory_space<vmem_shared>>
      tpu.enqueue_indirect_dma source(%arg12 : memref<64x128xf32, #tpu.memory_space<vmem>>) target(%dma_start3A_1144 : memref<10240x128xf32, #tpu.memory_space<vmem_shared>>) offsets(%arg20 : memref<64xi32, #tpu.memory_space<vmem>>) semaphore(%run_scoped3A : memref<!tpu.dma_semaphore, #tpu.memory_space<semaphore_mem>>)
      %dma_wait3A_1145 = arith.constant 0 : i32
      %dma_wait3A_1146 = arith.constant 0 : i32
      %dma_wait3A_1147 = tpu.memref_slice %arg8[%dma_wait3A_1145, %dma_wait3A_1146] : memref<10240x128xf32, #tpu.memory_space<vmem_shared>> -> memref<10240x128xf32, #tpu.memory_space<vmem_shared>>
      tpu.wait_indirect_dma semaphore(%run_scoped3A : memref<!tpu.dma_semaphore, #tpu.memory_space<semaphore_mem>>) src(%arg12 : memref<64x128xf32, #tpu.memory_space<vmem>>) dst(%dma_wait3A_1147 : memref<10240x128xf32, #tpu.memory_space<vmem_shared>>)
      tpu.yield
    }) : () -> ()
    %mul3A_282 = arith.constant 640 : i32
    %mul3A_283 = arith.muli %arg1, %mul3A_282 : i32
    %add3A_284 = arith.constant 448 : i32
    %add3A_285 = arith.addi %mul3A_283, %add3A_284 : i32
    %add3A_286 = arith.constant 0 : i32
    %add3A_287 = arith.addi %add3A_285, %add3A_286 : i32
    %iota3A_288 = tpu.iota {dimensions = array<i32: 0>} : vector<16xi32>
    %add3A_289 = vector.broadcast %add3A_287 : i32 to vector<16xi32>
    %add3A_290 = arith.addi %add3A_289, %iota3A_288 : vector<16xi32>
    %swap3A_291 = arith.constant 0 : index
    %swap3A_292 = tpu.vector_load %arg20[%swap3A_291] {strides = array<i32>} : memref<64xi32, #tpu.memory_space<vmem>>, vector<16xi32>,
    %swap3A_293 = vector.shape_cast %swap3A_292 : vector<16xi32> to vector<16xi32>
    %swap3A_294 = vector.shape_cast %add3A_290 : vector<16xi32> to vector<16xi32>
    tpu.vector_store %arg20[%swap3A_291], %swap3A_294 {strides = array<i32>} : memref<64xi32, #tpu.memory_space<vmem>>, vector<16xi32>,
    %add3A_295 = arith.constant 16 : i32
    %add3A_296 = arith.addi %add3A_285, %add3A_295 : i32
    %iota3A_297 = tpu.iota {dimensions = array<i32: 0>} : vector<16xi32>
    %add3A_298 = vector.broadcast %add3A_296 : i32 to vector<16xi32>
    %add3A_299 = arith.addi %add3A_298, %iota3A_297 : vector<16xi32>
    %swap3A_300 = arith.constant 16 : index
    %swap3A_301 = tpu.vector_load %arg20[%swap3A_300] {strides = array<i32>} : memref<64xi32, #tpu.memory_space<vmem>>, vector<16xi32>,
    %swap3A_302 = vector.shape_cast %swap3A_301 : vector<16xi32> to vector<16xi32>
    %swap3A_303 = vector.shape_cast %add3A_299 : vector<16xi32> to vector<16xi32>
    tpu.vector_store %arg20[%swap3A_300], %swap3A_303 {strides = array<i32>} : memref<64xi32, #tpu.memory_space<vmem>>, vector<16xi32>,
    %add3A_304 = arith.constant 32 : i32
    %add3A_305 = arith.addi %add3A_285, %add3A_304 : i32
    %iota3A_306 = tpu.iota {dimensions = array<i32: 0>} : vector<16xi32>
    %add3A_307 = vector.broadcast %add3A_305 : i32 to vector<16xi32>
    %add3A_308 = arith.addi %add3A_307, %iota3A_306 : vector<16xi32>
    %swap3A_309 = arith.constant 32 : index
    %swap3A_310 = tpu.vector_load %arg20[%swap3A_309] {strides = array<i32>} : memref<64xi32, #tpu.memory_space<vmem>>, vector<16xi32>,
    %swap3A_311 = vector.shape_cast %swap3A_310 : vector<16xi32> to vector<16xi32>
    %swap3A_312 = vector.shape_cast %add3A_308 : vector<16xi32> to vector<16xi32>
    tpu.vector_store %arg20[%swap3A_309], %swap3A_312 {strides = array<i32>} : memref<64xi32, #tpu.memory_space<vmem>>, vector<16xi32>,
    %add3A_313 = arith.constant 48 : i32
    %add3A_314 = arith.addi %add3A_285, %add3A_313 : i32
    %iota3A_315 = tpu.iota {dimensions = array<i32: 0>} : vector<16xi32>
    %add3A_316 = vector.broadcast %add3A_314 : i32 to vector<16xi32>
    %add3A_317 = arith.addi %add3A_316, %iota3A_315 : vector<16xi32>
    %swap3A_318 = arith.constant 48 : index
    %swap3A_319 = tpu.vector_load %arg20[%swap3A_318] {strides = array<i32>} : memref<64xi32, #tpu.memory_space<vmem>>, vector<16xi32>,
    %swap3A_320 = vector.shape_cast %swap3A_319 : vector<16xi32> to vector<16xi32>
    %swap3A_321 = vector.shape_cast %add3A_317 : vector<16xi32> to vector<16xi32>
    tpu.vector_store %arg20[%swap3A_318], %swap3A_321 {strides = array<i32>} : memref<64xi32, #tpu.memory_space<vmem>>, vector<16xi32>,
    "tpu.region"() ({
      %run_scoped3A = tpu.sem_alloc : memref<!tpu.dma_semaphore, #tpu.memory_space<semaphore_mem>>
      %dma_start3A_1142 = arith.constant 0 : i32
      %dma_start3A_1143 = arith.constant 0 : i32
      %dma_start3A_1144 = tpu.memref_slice %arg8[%dma_start3A_1142, %dma_start3A_1143] : memref<10240x128xf32, #tpu.memory_space<vmem_shared>> -> memref<10240x128xf32, #tpu.memory_space<vmem_shared>>
      tpu.enqueue_indirect_dma source(%arg12 : memref<64x128xf32, #tpu.memory_space<vmem>>) target(%dma_start3A_1144 : memref<10240x128xf32, #tpu.memory_space<vmem_shared>>) offsets(%arg20 : memref<64xi32, #tpu.memory_space<vmem>>) semaphore(%run_scoped3A : memref<!tpu.dma_semaphore, #tpu.memory_space<semaphore_mem>>)
      %dma_wait3A_1145 = arith.constant 0 : i32
      %dma_wait3A_1146 = arith.constant 0 : i32
      %dma_wait3A_1147 = tpu.memref_slice %arg8[%dma_wait3A_1145, %dma_wait3A_1146] : memref<10240x128xf32, #tpu.memory_space<vmem_shared>> -> memref<10240x128xf32, #tpu.memory_space<vmem_shared>>
      tpu.wait_indirect_dma semaphore(%run_scoped3A : memref<!tpu.dma_semaphore, #tpu.memory_space<semaphore_mem>>) src(%arg12 : memref<64x128xf32, #tpu.memory_space<vmem>>) dst(%dma_wait3A_1147 : memref<10240x128xf32, #tpu.memory_space<vmem_shared>>)
      tpu.yield
    }) : () -> ()
    %mul3A_322 = arith.constant 640 : i32
    %mul3A_323 = arith.muli %arg1, %mul3A_322 : i32
    %add3A_324 = arith.constant 512 : i32
    %add3A_325 = arith.addi %mul3A_323, %add3A_324 : i32
    %add3A_326 = arith.constant 0 : i32
    %add3A_327 = arith.addi %add3A_325, %add3A_326 : i32
    %iota3A_328 = tpu.iota {dimensions = array<i32: 0>} : vector<16xi32>
    %add3A_329 = vector.broadcast %add3A_327 : i32 to vector<16xi32>
    %add3A_330 = arith.addi %add3A_329, %iota3A_328 : vector<16xi32>
    %swap3A_331 = arith.constant 0 : index
    %swap3A_332 = tpu.vector_load %arg20[%swap3A_331] {strides = array<i32>} : memref<64xi32, #tpu.memory_space<vmem>>, vector<16xi32>,
    %swap3A_333 = vector.shape_cast %swap3A_332 : vector<16xi32> to vector<16xi32>
    %swap3A_334 = vector.shape_cast %add3A_330 : vector<16xi32> to vector<16xi32>
    tpu.vector_store %arg20[%swap3A_331], %swap3A_334 {strides = array<i32>} : memref<64xi32, #tpu.memory_space<vmem>>, vector<16xi32>,
    %add3A_335 = arith.constant 16 : i32
    %add3A_336 = arith.addi %add3A_325, %add3A_335 : i32
    %iota3A_337 = tpu.iota {dimensions = array<i32: 0>} : vector<16xi32>
    %add3A_338 = vector.broadcast %add3A_336 : i32 to vector<16xi32>
    %add3A_339 = arith.addi %add3A_338, %iota3A_337 : vector<16xi32>
    %swap3A_340 = arith.constant 16 : index
    %swap3A_341 = tpu.vector_load %arg20[%swap3A_340] {strides = array<i32>} : memref<64xi32, #tpu.memory_space<vmem>>, vector<16xi32>,
    %swap3A_342 = vector.shape_cast %swap3A_341 : vector<16xi32> to vector<16xi32>
    %swap3A_343 = vector.shape_cast %add3A_339 : vector<16xi32> to vector<16xi32>
    tpu.vector_store %arg20[%swap3A_340], %swap3A_343 {strides = array<i32>} : memref<64xi32, #tpu.memory_space<vmem>>, vector<16xi32>,
    %add3A_344 = arith.constant 32 : i32
    %add3A_345 = arith.addi %add3A_325, %add3A_344 : i32
    %iota3A_346 = tpu.iota {dimensions = array<i32: 0>} : vector<16xi32>
    %add3A_347 = vector.broadcast %add3A_345 : i32 to vector<16xi32>
    %add3A_348 = arith.addi %add3A_347, %iota3A_346 : vector<16xi32>
    %swap3A_349 = arith.constant 32 : index
    %swap3A_350 = tpu.vector_load %arg20[%swap3A_349] {strides = array<i32>} : memref<64xi32, #tpu.memory_space<vmem>>, vector<16xi32>,
    %swap3A_351 = vector.shape_cast %swap3A_350 : vector<16xi32> to vector<16xi32>
    %swap3A_352 = vector.shape_cast %add3A_348 : vector<16xi32> to vector<16xi32>
    tpu.vector_store %arg20[%swap3A_349], %swap3A_352 {strides = array<i32>} : memref<64xi32, #tpu.memory_space<vmem>>, vector<16xi32>,
    %add3A_353 = arith.constant 48 : i32
    %add3A_354 = arith.addi %add3A_325, %add3A_353 : i32
    %iota3A_355 = tpu.iota {dimensions = array<i32: 0>} : vector<16xi32>
    %add3A_356 = vector.broadcast %add3A_354 : i32 to vector<16xi32>
    %add3A_357 = arith.addi %add3A_356, %iota3A_355 : vector<16xi32>
    %swap3A_358 = arith.constant 48 : index
    %swap3A_359 = tpu.vector_load %arg20[%swap3A_358] {strides = array<i32>} : memref<64xi32, #tpu.memory_space<vmem>>, vector<16xi32>,
    %swap3A_360 = vector.shape_cast %swap3A_359 : vector<16xi32> to vector<16xi32>
    %swap3A_361 = vector.shape_cast %add3A_357 : vector<16xi32> to vector<16xi32>
    tpu.vector_store %arg20[%swap3A_358], %swap3A_361 {strides = array<i32>} : memref<64xi32, #tpu.memory_space<vmem>>, vector<16xi32>,
    "tpu.region"() ({
      %run_scoped3A = tpu.sem_alloc : memref<!tpu.dma_semaphore, #tpu.memory_space<semaphore_mem>>
      %dma_start3A_1142 = arith.constant 0 : i32
      %dma_start3A_1143 = arith.constant 0 : i32
      %dma_start3A_1144 = tpu.memref_slice %arg8[%dma_start3A_1142, %dma_start3A_1143] : memref<10240x128xf32, #tpu.memory_space<vmem_shared>> -> memref<10240x128xf32, #tpu.memory_space<vmem_shared>>
      tpu.enqueue_indirect_dma source(%arg12 : memref<64x128xf32, #tpu.memory_space<vmem>>) target(%dma_start3A_1144 : memref<10240x128xf32, #tpu.memory_space<vmem_shared>>) offsets(%arg20 : memref<64xi32, #tpu.memory_space<vmem>>) semaphore(%run_scoped3A : memref<!tpu.dma_semaphore, #tpu.memory_space<semaphore_mem>>)
      %dma_wait3A_1145 = arith.constant 0 : i32
      %dma_wait3A_1146 = arith.constant 0 : i32
      %dma_wait3A_1147 = tpu.memref_slice %arg8[%dma_wait3A_1145, %dma_wait3A_1146] : memref<10240x128xf32, #tpu.memory_space<vmem_shared>> -> memref<10240x128xf32, #tpu.memory_space<vmem_shared>>
      tpu.wait_indirect_dma semaphore(%run_scoped3A : memref<!tpu.dma_semaphore, #tpu.memory_space<semaphore_mem>>) src(%arg12 : memref<64x128xf32, #tpu.memory_space<vmem>>) dst(%dma_wait3A_1147 : memref<10240x128xf32, #tpu.memory_space<vmem_shared>>)
      tpu.yield
    }) : () -> ()
    %mul3A_362 = arith.constant 640 : i32
    %mul3A_363 = arith.muli %arg1, %mul3A_362 : i32
    %add3A_364 = arith.constant 576 : i32
    %add3A_365 = arith.addi %mul3A_363, %add3A_364 : i32
    %add3A_366 = arith.constant 0 : i32
    %add3A_367 = arith.addi %add3A_365, %add3A_366 : i32
    %iota3A_368 = tpu.iota {dimensions = array<i32: 0>} : vector<16xi32>
    %add3A_369 = vector.broadcast %add3A_367 : i32 to vector<16xi32>
    %add3A_370 = arith.addi %add3A_369, %iota3A_368 : vector<16xi32>
    %swap3A_371 = arith.constant 0 : index
    %swap3A_372 = tpu.vector_load %arg20[%swap3A_371] {strides = array<i32>} : memref<64xi32, #tpu.memory_space<vmem>>, vector<16xi32>,
    %swap3A_373 = vector.shape_cast %swap3A_372 : vector<16xi32> to vector<16xi32>
    %swap3A_374 = vector.shape_cast %add3A_370 : vector<16xi32> to vector<16xi32>
    tpu.vector_store %arg20[%swap3A_371], %swap3A_374 {strides = array<i32>} : memref<64xi32, #tpu.memory_space<vmem>>, vector<16xi32>,
    %add3A_375 = arith.constant 16 : i32
    %add3A_376 = arith.addi %add3A_365, %add3A_375 : i32
    %iota3A_377 = tpu.iota {dimensions = array<i32: 0>} : vector<16xi32>
    %add3A_378 = vector.broadcast %add3A_376 : i32 to vector<16xi32>
    %add3A_379 = arith.addi %add3A_378, %iota3A_377 : vector<16xi32>
    %swap3A_380 = arith.constant 16 : index
    %swap3A_381 = tpu.vector_load %arg20[%swap3A_380] {strides = array<i32>} : memref<64xi32, #tpu.memory_space<vmem>>, vector<16xi32>,
    %swap3A_382 = vector.shape_cast %swap3A_381 : vector<16xi32> to vector<16xi32>
    %swap3A_383 = vector.shape_cast %add3A_379 : vector<16xi32> to vector<16xi32>
    tpu.vector_store %arg20[%swap3A_380], %swap3A_383 {strides = array<i32>} : memref<64xi32, #tpu.memory_space<vmem>>, vector<16xi32>,
    %add3A_384 = arith.constant 32 : i32
    %add3A_385 = arith.addi %add3A_365, %add3A_384 : i32
    %iota3A_386 = tpu.iota {dimensions = array<i32: 0>} : vector<16xi32>
    %add3A_387 = vector.broadcast %add3A_385 : i32 to vector<16xi32>
    %add3A_388 = arith.addi %add3A_387, %iota3A_386 : vector<16xi32>
    %swap3A_389 = arith.constant 32 : index
    %swap3A_390 = tpu.vector_load %arg20[%swap3A_389] {strides = array<i32>} : memref<64xi32, #tpu.memory_space<vmem>>, vector<16xi32>,
    %swap3A_391 = vector.shape_cast %swap3A_390 : vector<16xi32> to vector<16xi32>
    %swap3A_392 = vector.shape_cast %add3A_388 : vector<16xi32> to vector<16xi32>
    tpu.vector_store %arg20[%swap3A_389], %swap3A_392 {strides = array<i32>} : memref<64xi32, #tpu.memory_space<vmem>>, vector<16xi32>,
    %add3A_393 = arith.constant 48 : i32
    %add3A_394 = arith.addi %add3A_365, %add3A_393 : i32
    %iota3A_395 = tpu.iota {dimensions = array<i32: 0>} : vector<16xi32>
    %add3A_396 = vector.broadcast %add3A_394 : i32 to vector<16xi32>
    %add3A_397 = arith.addi %add3A_396, %iota3A_395 : vector<16xi32>
    %swap3A_398 = arith.constant 48 : index
    %swap3A_399 = tpu.vector_load %arg20[%swap3A_398] {strides = array<i32>} : memref<64xi32, #tpu.memory_space<vmem>>, vector<16xi32>,
    %swap3A_400 = vector.shape_cast %swap3A_399 : vector<16xi32> to vector<16xi32>
    %swap3A_401 = vector.shape_cast %add3A_397 : vector<16xi32> to vector<16xi32>
    tpu.vector_store %arg20[%swap3A_398], %swap3A_401 {strides = array<i32>} : memref<64xi32, #tpu.memory_space<vmem>>, vector<16xi32>,
    "tpu.region"() ({
      %run_scoped3A = tpu.sem_alloc : memref<!tpu.dma_semaphore, #tpu.memory_space<semaphore_mem>>
      %dma_start3A_1142 = arith.constant 0 : i32
      %dma_start3A_1143 = arith.constant 0 : i32
      %dma_start3A_1144 = tpu.memref_slice %arg8[%dma_start3A_1142, %dma_start3A_1143] : memref<10240x128xf32, #tpu.memory_space<vmem_shared>> -> memref<10240x128xf32, #tpu.memory_space<vmem_shared>>
      tpu.enqueue_indirect_dma source(%arg12 : memref<64x128xf32, #tpu.memory_space<vmem>>) target(%dma_start3A_1144 : memref<10240x128xf32, #tpu.memory_space<vmem_shared>>) offsets(%arg20 : memref<64xi32, #tpu.memory_space<vmem>>) semaphore(%run_scoped3A : memref<!tpu.dma_semaphore, #tpu.memory_space<semaphore_mem>>)
      %dma_wait3A_1145 = arith.constant 0 : i32
      %dma_wait3A_1146 = arith.constant 0 : i32
      %dma_wait3A_1147 = tpu.memref_slice %arg8[%dma_wait3A_1145, %dma_wait3A_1146] : memref<10240x128xf32, #tpu.memory_space<vmem_shared>> -> memref<10240x128xf32, #tpu.memory_space<vmem_shared>>
      tpu.wait_indirect_dma semaphore(%run_scoped3A : memref<!tpu.dma_semaphore, #tpu.memory_space<semaphore_mem>>) src(%arg12 : memref<64x128xf32, #tpu.memory_space<vmem>>) dst(%dma_wait3A_1147 : memref<10240x128xf32, #tpu.memory_space<vmem_shared>>)
      tpu.yield
    }) : () -> ()
    %mul3A_402 = arith.constant 80 : i32
    %mul3A_403 = arith.muli %arg1, %mul3A_402 : i32
    %add3A_404 = arith.constant 0 : i32
    %add3A_405 = arith.addi %mul3A_403, %add3A_404 : i32
    %iota3A_406 = tpu.iota {dimensions = array<i32: 0>} : vector<16xi32>
    %add3A_407 = vector.broadcast %add3A_405 : i32 to vector<16xi32>
    %add3A_408 = arith.addi %add3A_407, %iota3A_406 : vector<16xi32>
    %swap3A_409 = arith.constant 0 : index
    %swap3A_410 = tpu.vector_load %arg20[%swap3A_409] {strides = array<i32>} : memref<64xi32, #tpu.memory_space<vmem>>, vector<16xi32>,
    %swap3A_411 = vector.shape_cast %swap3A_410 : vector<16xi32> to vector<16xi32>
    %swap3A_412 = vector.shape_cast %add3A_408 : vector<16xi32> to vector<16xi32>
    tpu.vector_store %arg20[%swap3A_409], %swap3A_412 {strides = array<i32>} : memref<64xi32, #tpu.memory_space<vmem>>, vector<16xi32>,
    %add3A_413 = arith.constant 16 : i32
    %add3A_414 = arith.addi %mul3A_403, %add3A_413 : i32
    %iota3A_415 = tpu.iota {dimensions = array<i32: 0>} : vector<16xi32>
    %add3A_416 = vector.broadcast %add3A_414 : i32 to vector<16xi32>
    %add3A_417 = arith.addi %add3A_416, %iota3A_415 : vector<16xi32>
    %swap3A_418 = arith.constant 16 : index
    %swap3A_419 = tpu.vector_load %arg20[%swap3A_418] {strides = array<i32>} : memref<64xi32, #tpu.memory_space<vmem>>, vector<16xi32>,
    %swap3A_420 = vector.shape_cast %swap3A_419 : vector<16xi32> to vector<16xi32>
    %swap3A_421 = vector.shape_cast %add3A_417 : vector<16xi32> to vector<16xi32>
    tpu.vector_store %arg20[%swap3A_418], %swap3A_421 {strides = array<i32>} : memref<64xi32, #tpu.memory_space<vmem>>, vector<16xi32>,
    %add3A_422 = arith.constant 32 : i32
    %add3A_423 = arith.addi %mul3A_403, %add3A_422 : i32
    %iota3A_424 = tpu.iota {dimensions = array<i32: 0>} : vector<16xi32>
    %add3A_425 = vector.broadcast %add3A_423 : i32 to vector<16xi32>
    %add3A_426 = arith.addi %add3A_425, %iota3A_424 : vector<16xi32>
    %swap3A_427 = arith.constant 32 : index
    %swap3A_428 = tpu.vector_load %arg20[%swap3A_427] {strides = array<i32>} : memref<64xi32, #tpu.memory_space<vmem>>, vector<16xi32>,
    %swap3A_429 = vector.shape_cast %swap3A_428 : vector<16xi32> to vector<16xi32>
    %swap3A_430 = vector.shape_cast %add3A_426 : vector<16xi32> to vector<16xi32>
    tpu.vector_store %arg20[%swap3A_427], %swap3A_430 {strides = array<i32>} : memref<64xi32, #tpu.memory_space<vmem>>, vector<16xi32>,
    %add3A_431 = arith.constant 48 : i32
    %add3A_432 = arith.addi %mul3A_403, %add3A_431 : i32
    %iota3A_433 = tpu.iota {dimensions = array<i32: 0>} : vector<16xi32>
    %add3A_434 = vector.broadcast %add3A_432 : i32 to vector<16xi32>
    %add3A_435 = arith.addi %add3A_434, %iota3A_433 : vector<16xi32>
    %swap3A_436 = arith.constant 48 : index
    %swap3A_437 = tpu.vector_load %arg20[%swap3A_436] {strides = array<i32>} : memref<64xi32, #tpu.memory_space<vmem>>, vector<16xi32>,
    %swap3A_438 = vector.shape_cast %swap3A_437 : vector<16xi32> to vector<16xi32>
    %swap3A_439 = vector.shape_cast %add3A_435 : vector<16xi32> to vector<16xi32>
    tpu.vector_store %arg20[%swap3A_436], %swap3A_439 {strides = array<i32>} : memref<64xi32, #tpu.memory_space<vmem>>, vector<16xi32>,
    "tpu.region"() ({
      %run_scoped3A = tpu.sem_alloc : memref<!tpu.dma_semaphore, #tpu.memory_space<semaphore_mem>>
      %dma_start3A_1142 = arith.constant 0 : i32
      %dma_start3A_1143 = arith.constant 0 : i32
      %dma_start3A_1144 = tpu.memref_slice %arg9[%dma_start3A_1142, %dma_start3A_1143] : memref<1280x128xf32, #tpu.memory_space<vmem_shared>> -> memref<1280x128xf32, #tpu.memory_space<vmem_shared>>
      tpu.enqueue_indirect_dma source(%arg12 : memref<64x128xf32, #tpu.memory_space<vmem>>) target(%dma_start3A_1144 : memref<1280x128xf32, #tpu.memory_space<vmem_shared>>) offsets(%arg20 : memref<64xi32, #tpu.memory_space<vmem>>) semaphore(%run_scoped3A : memref<!tpu.dma_semaphore, #tpu.memory_space<semaphore_mem>>)
      %dma_wait3A_1145 = arith.constant 0 : i32
      %dma_wait3A_1146 = arith.constant 0 : i32
      %dma_wait3A_1147 = tpu.memref_slice %arg9[%dma_wait3A_1145, %dma_wait3A_1146] : memref<1280x128xf32, #tpu.memory_space<vmem_shared>> -> memref<1280x128xf32, #tpu.memory_space<vmem_shared>>
      tpu.wait_indirect_dma semaphore(%run_scoped3A : memref<!tpu.dma_semaphore, #tpu.memory_space<semaphore_mem>>) src(%arg12 : memref<64x128xf32, #tpu.memory_space<vmem>>) dst(%dma_wait3A_1147 : memref<1280x128xf32, #tpu.memory_space<vmem_shared>>)
      tpu.yield
    }) : () -> ()
    %mul3A_440 = arith.constant 80 : i32
    %mul3A_441 = arith.muli %arg1, %mul3A_440 : i32
    %add3A_442 = arith.constant 64 : i32
    %add3A_443 = arith.addi %mul3A_441, %add3A_442 : i32
    %iota3A_444 = tpu.iota {dimensions = array<i32: 0>} : vector<16xi32>
    %add3A_445 = vector.broadcast %add3A_443 : i32 to vector<16xi32>
    %add3A_446 = arith.addi %add3A_445, %iota3A_444 : vector<16xi32>
    %swap3A_447 = arith.constant 0 : index
    %swap3A_448 = tpu.vector_load %arg21[%swap3A_447] {strides = array<i32>} : memref<16xi32, #tpu.memory_space<vmem>>, vector<16xi32>,
    %swap3A_449 = vector.shape_cast %swap3A_448 : vector<16xi32> to vector<16xi32>
    %swap3A_450 = vector.shape_cast %add3A_446 : vector<16xi32> to vector<16xi32>
    tpu.vector_store %arg21[%swap3A_447], %swap3A_450 {strides = array<i32>} : memref<16xi32, #tpu.memory_space<vmem>>, vector<16xi32>,
    "tpu.region"() ({
      %run_scoped3A = tpu.sem_alloc : memref<!tpu.dma_semaphore, #tpu.memory_space<semaphore_mem>>
      %dma_start3A_1142 = arith.constant 0 : i32
      %dma_start3A_1143 = arith.constant 0 : i32
      %dma_start3A_1144 = tpu.memref_slice %arg12[%dma_start3A_1142, %dma_start3A_1143] : memref<64x128xf32, #tpu.memory_space<vmem>> -> memref<16x128xf32, #tpu.memory_space<vmem>>
      %dma_start3A_1145 = arith.constant 0 : i32
      %dma_start3A_1146 = arith.constant 0 : i32
      %dma_start3A_1147 = tpu.memref_slice %arg9[%dma_start3A_1145, %dma_start3A_1146] : memref<1280x128xf32, #tpu.memory_space<vmem_shared>> -> memref<1280x128xf32, #tpu.memory_space<vmem_shared>>
      tpu.enqueue_indirect_dma source(%dma_start3A_1144 : memref<16x128xf32, #tpu.memory_space<vmem>>) target(%dma_start3A_1147 : memref<1280x128xf32, #tpu.memory_space<vmem_shared>>) offsets(%arg21 : memref<16xi32, #tpu.memory_space<vmem>>) semaphore(%run_scoped3A : memref<!tpu.dma_semaphore, #tpu.memory_space<semaphore_mem>>)
      %dma_wait3A_1148 = arith.constant 0 : i32
      %dma_wait3A_1149 = arith.constant 0 : i32
      %dma_wait3A_1150 = tpu.memref_slice %arg12[%dma_wait3A_1148, %dma_wait3A_1149] : memref<64x128xf32, #tpu.memory_space<vmem>> -> memref<16x128xf32, #tpu.memory_space<vmem>>
      %dma_wait3A_1151 = arith.constant 0 : i32
      %dma_wait3A_1152 = arith.constant 0 : i32
      %dma_wait3A_1153 = tpu.memref_slice %arg9[%dma_wait3A_1151, %dma_wait3A_1152] : memref<1280x128xf32, #tpu.memory_space<vmem_shared>> -> memref<1280x128xf32, #tpu.memory_space<vmem_shared>>
      tpu.wait_indirect_dma semaphore(%run_scoped3A : memref<!tpu.dma_semaphore, #tpu.memory_space<semaphore_mem>>) src(%dma_wait3A_1150 : memref<16x128xf32, #tpu.memory_space<vmem>>) dst(%dma_wait3A_1153 : memref<1280x128xf32, #tpu.memory_space<vmem_shared>>)
      tpu.yield
    }) : () -> ()
    %barrier3A = arith.constant 0 : index
    tpu.barrier barrier_id(%barrier3A)
    %mul3A_451 = arith.constant 10000 : i32
    %mul3A_452 = arith.muli %arg1, %mul3A_451 : i32
    %dma_start3A = tpu.memref_slice %arg4[%mul3A_452] : memref<160000xi32, #tpu.memory_space<hbm>> -> memref<64xi32, #tpu.memory_space<hbm>>
    %dma_start3A_453 = tpu.memref_slice %arg4[%mul3A_452] : memref<160000xi32, #tpu.memory_space<hbm>> -> memref<64xi32, #tpu.memory_space<hbm>>
    tpu.enqueue_dma source(%dma_start3A_453 : memref<64xi32, #tpu.memory_space<hbm>>) target(%arg10 : memref<64xi32, #tpu.memory_space<vmem>>) target_semaphore(%arg22 : memref<!tpu.dma_semaphore, #tpu.memory_space<semaphore_mem>>)
    %dma_start3A_454 = tpu.memref_slice %arg5[%mul3A_452] : memref<160000xi32, #tpu.memory_space<hbm>> -> memref<64xi32, #tpu.memory_space<hbm>>
    %dma_start3A_455 = tpu.memref_slice %arg5[%mul3A_452] : memref<160000xi32, #tpu.memory_space<hbm>> -> memref<64xi32, #tpu.memory_space<hbm>>
    tpu.enqueue_dma source(%dma_start3A_455 : memref<64xi32, #tpu.memory_space<hbm>>) target(%arg11 : memref<64xi32, #tpu.memory_space<vmem>>) target_semaphore(%arg22 : memref<!tpu.dma_semaphore, #tpu.memory_space<semaphore_mem>>)
    %dma_start3A_456 = arith.constant 0 : i32
    %dma_start3A_457 = tpu.memref_slice %arg2[%arg0, %mul3A_452, %dma_start3A_456] : memref<2x160000x128xf32, #tpu.memory_space<hbm>> -> memref<1x64x128xf32, #tpu.memory_space<hbm>>
    %dma_start3A_458 = tpu.memref_squeeze %dma_start3A_457 : memref<1x64x128xf32, #tpu.memory_space<hbm>> -> memref<64x128xf32, #tpu.memory_space<hbm>>
    %dma_start3A_459 = arith.constant 0 : i32
    %dma_start3A_460 = tpu.memref_slice %arg2[%arg0, %mul3A_452, %dma_start3A_459] : memref<2x160000x128xf32, #tpu.memory_space<hbm>> -> memref<1x64x128xf32, #tpu.memory_space<hbm>>
    %dma_start3A_461 = tpu.memref_squeeze %dma_start3A_460 : memref<1x64x128xf32, #tpu.memory_space<hbm>> -> memref<64x128xf32, #tpu.memory_space<hbm>>
    tpu.enqueue_dma source(%dma_start3A_461 : memref<64x128xf32, #tpu.memory_space<hbm>>) target(%arg12 : memref<64x128xf32, #tpu.memory_space<vmem>>) target_semaphore(%arg22 : memref<!tpu.dma_semaphore, #tpu.memory_space<semaphore_mem>>)
    %dma_start3A_462 = arith.constant 0 : i32
    %dma_start3A_463 = tpu.memref_slice %arg3[%mul3A_452, %dma_start3A_462] : memref<160000x128xf32, #tpu.memory_space<hbm>> -> memref<64x128xf32, #tpu.memory_space<hbm>>
    %dma_start3A_464 = arith.constant 0 : i32
    %dma_start3A_465 = tpu.memref_slice %arg3[%mul3A_452, %dma_start3A_464] : memref<160000x128xf32, #tpu.memory_space<hbm>> -> memref<64x128xf32, #tpu.memory_space<hbm>>
    tpu.enqueue_dma source(%dma_start3A_465 : memref<64x128xf32, #tpu.memory_space<hbm>>) target(%arg13 : memref<64x128xf32, #tpu.memory_space<vmem>>) target_semaphore(%arg22 : memref<!tpu.dma_semaphore, #tpu.memory_space<semaphore_mem>>)
    %scan3A_466 = arith.constant 0 : i32
    %scan3A_467 = arith.constant 0 : i32
    %scan3A_468 = arith.constant 77 : i32
    %scan3A_469 = arith.addi %scan3A_467, %scan3A_468 : i32
    %scan3A_470 = arith.constant 1 : i32
    scf.for %scan3A_1142 = %scan3A_467 to %scan3A_469 step %scan3A_470  : i32 {
      %mul3A_1143 = arith.constant 2 : i32
      %mul3A_1144 = arith.muli %mul3A_1143, %scan3A_1142 : i32
      %mul3A_1145 = arith.constant 64 : i32
      %mul3A_1146 = arith.muli %mul3A_1144, %mul3A_1145 : i32
      %add3A_1147 = arith.addi %mul3A_452, %mul3A_1146 : i32
      %add3A_1148 = arith.constant 64 : i32
      %add3A_1149 = arith.addi %add3A_1147, %add3A_1148 : i32
      %add3A_1150 = arith.constant 64 : i32
      %add3A_1151 = arith.addi %add3A_1149, %add3A_1150 : i32
      %dma_start3A_1152 = tpu.memref_slice %arg4[%add3A_1149] : memref<160000xi32, #tpu.memory_space<hbm>> -> memref<64xi32, #tpu.memory_space<hbm>>
      %dma_start3A_1153 = tpu.memref_slice %arg4[%add3A_1149] : memref<160000xi32, #tpu.memory_space<hbm>> -> memref<64xi32, #tpu.memory_space<hbm>>
      tpu.enqueue_dma source(%dma_start3A_1153 : memref<64xi32, #tpu.memory_space<hbm>>) target(%arg14 : memref<64xi32, #tpu.memory_space<vmem>>) target_semaphore(%arg23 : memref<!tpu.dma_semaphore, #tpu.memory_space<semaphore_mem>>)
      %dma_start3A_1154 = tpu.memref_slice %arg5[%add3A_1149] : memref<160000xi32, #tpu.memory_space<hbm>> -> memref<64xi32, #tpu.memory_space<hbm>>
      %dma_start3A_1155 = tpu.memref_slice %arg5[%add3A_1149] : memref<160000xi32, #tpu.memory_space<hbm>> -> memref<64xi32, #tpu.memory_space<hbm>>
      tpu.enqueue_dma source(%dma_start3A_1155 : memref<64xi32, #tpu.memory_space<hbm>>) target(%arg15 : memref<64xi32, #tpu.memory_space<vmem>>) target_semaphore(%arg23 : memref<!tpu.dma_semaphore, #tpu.memory_space<semaphore_mem>>)
      %dma_start3A_1156 = arith.constant 0 : i32
      %dma_start3A_1157 = tpu.memref_slice %arg2[%arg0, %add3A_1149, %dma_start3A_1156] : memref<2x160000x128xf32, #tpu.memory_space<hbm>> -> memref<1x64x128xf32, #tpu.memory_space<hbm>>
      %dma_start3A_1158 = tpu.memref_squeeze %dma_start3A_1157 : memref<1x64x128xf32, #tpu.memory_space<hbm>> -> memref<64x128xf32, #tpu.memory_space<hbm>>
      %dma_start3A_1159 = arith.constant 0 : i32
      %dma_start3A_1160 = tpu.memref_slice %arg2[%arg0, %add3A_1149, %dma_start3A_1159] : memref<2x160000x128xf32, #tpu.memory_space<hbm>> -> memref<1x64x128xf32, #tpu.memory_space<hbm>>
      %dma_start3A_1161 = tpu.memref_squeeze %dma_start3A_1160 : memref<1x64x128xf32, #tpu.memory_space<hbm>> -> memref<64x128xf32, #tpu.memory_space<hbm>>
      tpu.enqueue_dma source(%dma_start3A_1161 : memref<64x128xf32, #tpu.memory_space<hbm>>) target(%arg16 : memref<64x128xf32, #tpu.memory_space<vmem>>) target_semaphore(%arg23 : memref<!tpu.dma_semaphore, #tpu.memory_space<semaphore_mem>>)
      %dma_start3A_1162 = arith.constant 0 : i32
      %dma_start3A_1163 = tpu.memref_slice %arg3[%add3A_1149, %dma_start3A_1162] : memref<160000x128xf32, #tpu.memory_space<hbm>> -> memref<64x128xf32, #tpu.memory_space<hbm>>
      %dma_start3A_1164 = arith.constant 0 : i32
      %dma_start3A_1165 = tpu.memref_slice %arg3[%add3A_1149, %dma_start3A_1164] : memref<160000x128xf32, #tpu.memory_space<hbm>> -> memref<64x128xf32, #tpu.memory_space<hbm>>
      tpu.enqueue_dma source(%dma_start3A_1165 : memref<64x128xf32, #tpu.memory_space<hbm>>) target(%arg17 : memref<64x128xf32, #tpu.memory_space<vmem>>) target_semaphore(%arg23 : memref<!tpu.dma_semaphore, #tpu.memory_space<semaphore_mem>>)
      %dma_wait3A_1166 = tpu.memref_slice %arg4[%add3A_1147] : memref<160000xi32, #tpu.memory_space<hbm>> -> memref<64xi32, #tpu.memory_space<hbm>>
      %dma_wait3A_1167 = tpu.memref_slice %arg4[%add3A_1147] : memref<160000xi32, #tpu.memory_space<hbm>> -> memref<64xi32, #tpu.memory_space<hbm>>
      tpu.wait_dma2 semaphore(%arg22 : memref<!tpu.dma_semaphore, #tpu.memory_space<semaphore_mem>>) src(%dma_wait3A_1167 : memref<64xi32, #tpu.memory_space<hbm>>) dst(%arg10 : memref<64xi32, #tpu.memory_space<vmem>>)
      %dma_wait3A_1168 = tpu.memref_slice %arg5[%add3A_1147] : memref<160000xi32, #tpu.memory_space<hbm>> -> memref<64xi32, #tpu.memory_space<hbm>>
      %dma_wait3A_1169 = tpu.memref_slice %arg5[%add3A_1147] : memref<160000xi32, #tpu.memory_space<hbm>> -> memref<64xi32, #tpu.memory_space<hbm>>
      tpu.wait_dma2 semaphore(%arg22 : memref<!tpu.dma_semaphore, #tpu.memory_space<semaphore_mem>>) src(%dma_wait3A_1169 : memref<64xi32, #tpu.memory_space<hbm>>) dst(%arg11 : memref<64xi32, #tpu.memory_space<vmem>>)
      %dma_wait3A_1170 = arith.constant 0 : i32
      %dma_wait3A_1171 = tpu.memref_slice %arg2[%arg0, %add3A_1147, %dma_wait3A_1170] : memref<2x160000x128xf32, #tpu.memory_space<hbm>> -> memref<1x64x128xf32, #tpu.memory_space<hbm>>
      %dma_wait3A_1172 = tpu.memref_squeeze %dma_wait3A_1171 : memref<1x64x128xf32, #tpu.memory_space<hbm>> -> memref<64x128xf32, #tpu.memory_space<hbm>>
      %dma_wait3A_1173 = arith.constant 0 : i32
      %dma_wait3A_1174 = tpu.memref_slice %arg2[%arg0, %add3A_1147, %dma_wait3A_1173] : memref<2x160000x128xf32, #tpu.memory_space<hbm>> -> memref<1x64x128xf32, #tpu.memory_space<hbm>>
      %dma_wait3A_1175 = tpu.memref_squeeze %dma_wait3A_1174 : memref<1x64x128xf32, #tpu.memory_space<hbm>> -> memref<64x128xf32, #tpu.memory_space<hbm>>
      tpu.wait_dma2 semaphore(%arg22 : memref<!tpu.dma_semaphore, #tpu.memory_space<semaphore_mem>>) src(%dma_wait3A_1175 : memref<64x128xf32, #tpu.memory_space<hbm>>) dst(%arg12 : memref<64x128xf32, #tpu.memory_space<vmem>>)
      %dma_wait3A_1176 = arith.constant 0 : i32
      %dma_wait3A_1177 = tpu.memref_slice %arg3[%add3A_1147, %dma_wait3A_1176] : memref<160000x128xf32, #tpu.memory_space<hbm>> -> memref<64x128xf32, #tpu.memory_space<hbm>>
      %dma_wait3A_1178 = arith.constant 0 : i32
      %dma_wait3A_1179 = tpu.memref_slice %arg3[%add3A_1147, %dma_wait3A_1178] : memref<160000x128xf32, #tpu.memory_space<hbm>> -> memref<64x128xf32, #tpu.memory_space<hbm>>
      tpu.wait_dma2 semaphore(%arg22 : memref<!tpu.dma_semaphore, #tpu.memory_space<semaphore_mem>>) src(%dma_wait3A_1179 : memref<64x128xf32, #tpu.memory_space<hbm>>) dst(%arg13 : memref<64x128xf32, #tpu.memory_space<vmem>>)
      %dma_start3A_1180 = arith.constant 0 : i32
      %dma_start3A_1181 = arith.constant 0 : i32
      %dma_start3A_1182 = tpu.memref_slice %arg8[%dma_start3A_1180, %dma_start3A_1181] : memref<10240x128xf32, #tpu.memory_space<vmem_shared>> -> memref<10240x128xf32, #tpu.memory_space<vmem_shared>>
      tpu.enqueue_indirect_dma source(%arg12 : memref<64x128xf32, #tpu.memory_space<vmem>>) target(%dma_start3A_1182 : memref<10240x128xf32, #tpu.memory_space<vmem_shared>>) offsets(%arg10 : memref<64xi32, #tpu.memory_space<vmem>>) semaphore(%arg24 : memref<!tpu.dma_semaphore, #tpu.memory_space<semaphore_mem>>) {add = true}
      %dma_start3A_1183 = arith.constant 0 : i32
      %dma_start3A_1184 = arith.constant 0 : i32
      %dma_start3A_1185 = tpu.memref_slice %arg9[%dma_start3A_1183, %dma_start3A_1184] : memref<1280x128xf32, #tpu.memory_space<vmem_shared>> -> memref<1280x128xf32, #tpu.memory_space<vmem_shared>>
      tpu.enqueue_indirect_dma source(%arg13 : memref<64x128xf32, #tpu.memory_space<vmem>>) target(%dma_start3A_1185 : memref<1280x128xf32, #tpu.memory_space<vmem_shared>>) offsets(%arg11 : memref<64xi32, #tpu.memory_space<vmem>>) semaphore(%arg24 : memref<!tpu.dma_semaphore, #tpu.memory_space<semaphore_mem>>) {add = true}
      %dma_wait3A_1186 = arith.constant 0 : i32
      %dma_wait3A_1187 = arith.constant 0 : i32
      %dma_wait3A_1188 = tpu.memref_slice %arg8[%dma_wait3A_1186, %dma_wait3A_1187] : memref<10240x128xf32, #tpu.memory_space<vmem_shared>> -> memref<10240x128xf32, #tpu.memory_space<vmem_shared>>
      tpu.wait_indirect_dma semaphore(%arg24 : memref<!tpu.dma_semaphore, #tpu.memory_space<semaphore_mem>>) src(%arg12 : memref<64x128xf32, #tpu.memory_space<vmem>>) dst(%dma_wait3A_1188 : memref<10240x128xf32, #tpu.memory_space<vmem_shared>>)
      %dma_wait3A_1189 = arith.constant 0 : i32
      %dma_wait3A_1190 = arith.constant 0 : i32
      %dma_wait3A_1191 = tpu.memref_slice %arg9[%dma_wait3A_1189, %dma_wait3A_1190] : memref<1280x128xf32, #tpu.memory_space<vmem_shared>> -> memref<1280x128xf32, #tpu.memory_space<vmem_shared>>
      tpu.wait_indirect_dma semaphore(%arg24 : memref<!tpu.dma_semaphore, #tpu.memory_space<semaphore_mem>>) src(%arg13 : memref<64x128xf32, #tpu.memory_space<vmem>>) dst(%dma_wait3A_1191 : memref<1280x128xf32, #tpu.memory_space<vmem_shared>>)
      %dma_start3A_1192 = tpu.memref_slice %arg4[%add3A_1151] : memref<160000xi32, #tpu.memory_space<hbm>> -> memref<64xi32, #tpu.memory_space<hbm>>
      %dma_start3A_1193 = tpu.memref_slice %arg4[%add3A_1151] : memref<160000xi32, #tpu.memory_space<hbm>> -> memref<64xi32, #tpu.memory_space<hbm>>
      tpu.enqueue_dma source(%dma_start3A_1193 : memref<64xi32, #tpu.memory_space<hbm>>) target(%arg10 : memref<64xi32, #tpu.memory_space<vmem>>) target_semaphore(%arg22 : memref<!tpu.dma_semaphore, #tpu.memory_space<semaphore_mem>>)
      %dma_start3A_1194 = tpu.memref_slice %arg5[%add3A_1151] : memref<160000xi32, #tpu.memory_space<hbm>> -> memref<64xi32, #tpu.memory_space<hbm>>
      %dma_start3A_1195 = tpu.memref_slice %arg5[%add3A_1151] : memref<160000xi32, #tpu.memory_space<hbm>> -> memref<64xi32, #tpu.memory_space<hbm>>
      tpu.enqueue_dma source(%dma_start3A_1195 : memref<64xi32, #tpu.memory_space<hbm>>) target(%arg11 : memref<64xi32, #tpu.memory_space<vmem>>) target_semaphore(%arg22 : memref<!tpu.dma_semaphore, #tpu.memory_space<semaphore_mem>>)
      %dma_start3A_1196 = arith.constant 0 : i32
      %dma_start3A_1197 = tpu.memref_slice %arg2[%arg0, %add3A_1151, %dma_start3A_1196] : memref<2x160000x128xf32, #tpu.memory_space<hbm>> -> memref<1x64x128xf32, #tpu.memory_space<hbm>>
      %dma_start3A_1198 = tpu.memref_squeeze %dma_start3A_1197 : memref<1x64x128xf32, #tpu.memory_space<hbm>> -> memref<64x128xf32, #tpu.memory_space<hbm>>
      %dma_start3A_1199 = arith.constant 0 : i32
      %dma_start3A_1200 = tpu.memref_slice %arg2[%arg0, %add3A_1151, %dma_start3A_1199] : memref<2x160000x128xf32, #tpu.memory_space<hbm>> -> memref<1x64x128xf32, #tpu.memory_space<hbm>>
      %dma_start3A_1201 = tpu.memref_squeeze %dma_start3A_1200 : memref<1x64x128xf32, #tpu.memory_space<hbm>> -> memref<64x128xf32, #tpu.memory_space<hbm>>
      tpu.enqueue_dma source(%dma_start3A_1201 : memref<64x128xf32, #tpu.memory_space<hbm>>) target(%arg12 : memref<64x128xf32, #tpu.memory_space<vmem>>) target_semaphore(%arg22 : memref<!tpu.dma_semaphore, #tpu.memory_space<semaphore_mem>>)
      %dma_start3A_1202 = arith.constant 0 : i32
      %dma_start3A_1203 = tpu.memref_slice %arg3[%add3A_1151, %dma_start3A_1202] : memref<160000x128xf32, #tpu.memory_space<hbm>> -> memref<64x128xf32, #tpu.memory_space<hbm>>
      %dma_start3A_1204 = arith.constant 0 : i32
      %dma_start3A_1205 = tpu.memref_slice %arg3[%add3A_1151, %dma_start3A_1204] : memref<160000x128xf32, #tpu.memory_space<hbm>> -> memref<64x128xf32, #tpu.memory_space<hbm>>
      tpu.enqueue_dma source(%dma_start3A_1205 : memref<64x128xf32, #tpu.memory_space<hbm>>) target(%arg13 : memref<64x128xf32, #tpu.memory_space<vmem>>) target_semaphore(%arg22 : memref<!tpu.dma_semaphore, #tpu.memory_space<semaphore_mem>>)
      %dma_wait3A_1206 = tpu.memref_slice %arg4[%add3A_1149] : memref<160000xi32, #tpu.memory_space<hbm>> -> memref<64xi32, #tpu.memory_space<hbm>>
      %dma_wait3A_1207 = tpu.memref_slice %arg4[%add3A_1149] : memref<160000xi32, #tpu.memory_space<hbm>> -> memref<64xi32, #tpu.memory_space<hbm>>
      tpu.wait_dma2 semaphore(%arg23 : memref<!tpu.dma_semaphore, #tpu.memory_space<semaphore_mem>>) src(%dma_wait3A_1207 : memref<64xi32, #tpu.memory_space<hbm>>) dst(%arg14 : memref<64xi32, #tpu.memory_space<vmem>>)
      %dma_wait3A_1208 = tpu.memref_slice %arg5[%add3A_1149] : memref<160000xi32, #tpu.memory_space<hbm>> -> memref<64xi32, #tpu.memory_space<hbm>>
      %dma_wait3A_1209 = tpu.memref_slice %arg5[%add3A_1149] : memref<160000xi32, #tpu.memory_space<hbm>> -> memref<64xi32, #tpu.memory_space<hbm>>
      tpu.wait_dma2 semaphore(%arg23 : memref<!tpu.dma_semaphore, #tpu.memory_space<semaphore_mem>>) src(%dma_wait3A_1209 : memref<64xi32, #tpu.memory_space<hbm>>) dst(%arg15 : memref<64xi32, #tpu.memory_space<vmem>>)
      %dma_wait3A_1210 = arith.constant 0 : i32
      %dma_wait3A_1211 = tpu.memref_slice %arg2[%arg0, %add3A_1149, %dma_wait3A_1210] : memref<2x160000x128xf32, #tpu.memory_space<hbm>> -> memref<1x64x128xf32, #tpu.memory_space<hbm>>
      %dma_wait3A_1212 = tpu.memref_squeeze %dma_wait3A_1211 : memref<1x64x128xf32, #tpu.memory_space<hbm>> -> memref<64x128xf32, #tpu.memory_space<hbm>>
      %dma_wait3A_1213 = arith.constant 0 : i32
      %dma_wait3A_1214 = tpu.memref_slice %arg2[%arg0, %add3A_1149, %dma_wait3A_1213] : memref<2x160000x128xf32, #tpu.memory_space<hbm>> -> memref<1x64x128xf32, #tpu.memory_space<hbm>>
      %dma_wait3A_1215 = tpu.memref_squeeze %dma_wait3A_1214 : memref<1x64x128xf32, #tpu.memory_space<hbm>> -> memref<64x128xf32, #tpu.memory_space<hbm>>
      tpu.wait_dma2 semaphore(%arg23 : memref<!tpu.dma_semaphore, #tpu.memory_space<semaphore_mem>>) src(%dma_wait3A_1215 : memref<64x128xf32, #tpu.memory_space<hbm>>) dst(%arg16 : memref<64x128xf32, #tpu.memory_space<vmem>>)
      %dma_wait3A_1216 = arith.constant 0 : i32
      %dma_wait3A_1217 = tpu.memref_slice %arg3[%add3A_1149, %dma_wait3A_1216] : memref<160000x128xf32, #tpu.memory_space<hbm>> -> memref<64x128xf32, #tpu.memory_space<hbm>>
      %dma_wait3A_1218 = arith.constant 0 : i32
      %dma_wait3A_1219 = tpu.memref_slice %arg3[%add3A_1149, %dma_wait3A_1218] : memref<160000x128xf32, #tpu.memory_space<hbm>> -> memref<64x128xf32, #tpu.memory_space<hbm>>
      tpu.wait_dma2 semaphore(%arg23 : memref<!tpu.dma_semaphore, #tpu.memory_space<semaphore_mem>>) src(%dma_wait3A_1219 : memref<64x128xf32, #tpu.memory_space<hbm>>) dst(%arg17 : memref<64x128xf32, #tpu.memory_space<vmem>>)
      %dma_start3A_1220 = arith.constant 0 : i32
      %dma_start3A_1221 = arith.constant 0 : i32
      %dma_start3A_1222 = tpu.memref_slice %arg8[%dma_start3A_1220, %dma_start3A_1221] : memref<10240x128xf32, #tpu.memory_space<vmem_shared>> -> memref<10240x128xf32, #tpu.memory_space<vmem_shared>>
      tpu.enqueue_indirect_dma source(%arg16 : memref<64x128xf32, #tpu.memory_space<vmem>>) target(%dma_start3A_1222 : memref<10240x128xf32, #tpu.memory_space<vmem_shared>>) offsets(%arg14 : memref<64xi32, #tpu.memory_space<vmem>>) semaphore(%arg25 : memref<!tpu.dma_semaphore, #tpu.memory_space<semaphore_mem>>) {add = true}
      %dma_start3A_1223 = arith.constant 0 : i32
      %dma_start3A_1224 = arith.constant 0 : i32
      %dma_start3A_1225 = tpu.memref_slice %arg9[%dma_start3A_1223, %dma_start3A_1224] : memref<1280x128xf32, #tpu.memory_space<vmem_shared>> -> memref<1280x128xf32, #tpu.memory_space<vmem_shared>>
      tpu.enqueue_indirect_dma source(%arg17 : memref<64x128xf32, #tpu.memory_space<vmem>>) target(%dma_start3A_1225 : memref<1280x128xf32, #tpu.memory_space<vmem_shared>>) offsets(%arg15 : memref<64xi32, #tpu.memory_space<vmem>>) semaphore(%arg25 : memref<!tpu.dma_semaphore, #tpu.memory_space<semaphore_mem>>) {add = true}
      %dma_wait3A_1226 = arith.constant 0 : i32
      %dma_wait3A_1227 = arith.constant 0 : i32
      %dma_wait3A_1228 = tpu.memref_slice %arg8[%dma_wait3A_1226, %dma_wait3A_1227] : memref<10240x128xf32, #tpu.memory_space<vmem_shared>> -> memref<10240x128xf32, #tpu.memory_space<vmem_shared>>
      tpu.wait_indirect_dma semaphore(%arg25 : memref<!tpu.dma_semaphore, #tpu.memory_space<semaphore_mem>>) src(%arg16 : memref<64x128xf32, #tpu.memory_space<vmem>>) dst(%dma_wait3A_1228 : memref<10240x128xf32, #tpu.memory_space<vmem_shared>>)
      %dma_wait3A_1229 = arith.constant 0 : i32
      %dma_wait3A_1230 = arith.constant 0 : i32
      %dma_wait3A_1231 = tpu.memref_slice %arg9[%dma_wait3A_1229, %dma_wait3A_1230] : memref<1280x128xf32, #tpu.memory_space<vmem_shared>> -> memref<1280x128xf32, #tpu.memory_space<vmem_shared>>
      tpu.wait_indirect_dma semaphore(%arg25 : memref<!tpu.dma_semaphore, #tpu.memory_space<semaphore_mem>>) src(%arg17 : memref<64x128xf32, #tpu.memory_space<vmem>>) dst(%dma_wait3A_1231 : memref<1280x128xf32, #tpu.memory_space<vmem_shared>>)
    }
    %scan3A_471 = arith.constant 77 : i32
    %add3A_472 = arith.constant 9856 : i32
    %add3A_473 = arith.addi %mul3A_452, %add3A_472 : i32
    %add3A_474 = arith.constant 64 : i32
    %add3A_475 = arith.addi %add3A_473, %add3A_474 : i32
    %dma_wait3A = tpu.memref_slice %arg4[%add3A_473] : memref<160000xi32, #tpu.memory_space<hbm>> -> memref<64xi32, #tpu.memory_space<hbm>>
    %dma_wait3A_476 = tpu.memref_slice %arg4[%add3A_473] : memref<160000xi32, #tpu.memory_space<hbm>> -> memref<64xi32, #tpu.memory_space<hbm>>
    tpu.wait_dma2 semaphore(%arg22 : memref<!tpu.dma_semaphore, #tpu.memory_space<semaphore_mem>>) src(%dma_wait3A_476 : memref<64xi32, #tpu.memory_space<hbm>>) dst(%arg10 : memref<64xi32, #tpu.memory_space<vmem>>)
    %dma_wait3A_477 = tpu.memref_slice %arg5[%add3A_473] : memref<160000xi32, #tpu.memory_space<hbm>> -> memref<64xi32, #tpu.memory_space<hbm>>
    %dma_wait3A_478 = tpu.memref_slice %arg5[%add3A_473] : memref<160000xi32, #tpu.memory_space<hbm>> -> memref<64xi32, #tpu.memory_space<hbm>>
    tpu.wait_dma2 semaphore(%arg22 : memref<!tpu.dma_semaphore, #tpu.memory_space<semaphore_mem>>) src(%dma_wait3A_478 : memref<64xi32, #tpu.memory_space<hbm>>) dst(%arg11 : memref<64xi32, #tpu.memory_space<vmem>>)
    %dma_wait3A_479 = arith.constant 0 : i32
    %dma_wait3A_480 = tpu.memref_slice %arg2[%arg0, %add3A_473, %dma_wait3A_479] : memref<2x160000x128xf32, #tpu.memory_space<hbm>> -> memref<1x64x128xf32, #tpu.memory_space<hbm>>
    %dma_wait3A_481 = tpu.memref_squeeze %dma_wait3A_480 : memref<1x64x128xf32, #tpu.memory_space<hbm>> -> memref<64x128xf32, #tpu.memory_space<hbm>>
    %dma_wait3A_482 = arith.constant 0 : i32
    %dma_wait3A_483 = tpu.memref_slice %arg2[%arg0, %add3A_473, %dma_wait3A_482] : memref<2x160000x128xf32, #tpu.memory_space<hbm>> -> memref<1x64x128xf32, #tpu.memory_space<hbm>>
    %dma_wait3A_484 = tpu.memref_squeeze %dma_wait3A_483 : memref<1x64x128xf32, #tpu.memory_space<hbm>> -> memref<64x128xf32, #tpu.memory_space<hbm>>
    tpu.wait_dma2 semaphore(%arg22 : memref<!tpu.dma_semaphore, #tpu.memory_space<semaphore_mem>>) src(%dma_wait3A_484 : memref<64x128xf32, #tpu.memory_space<hbm>>) dst(%arg12 : memref<64x128xf32, #tpu.memory_space<vmem>>)
    %dma_wait3A_485 = arith.constant 0 : i32
    %dma_wait3A_486 = tpu.memref_slice %arg3[%add3A_473, %dma_wait3A_485] : memref<160000x128xf32, #tpu.memory_space<hbm>> -> memref<64x128xf32, #tpu.memory_space<hbm>>
    %dma_wait3A_487 = arith.constant 0 : i32
    %dma_wait3A_488 = tpu.memref_slice %arg3[%add3A_473, %dma_wait3A_487] : memref<160000x128xf32, #tpu.memory_space<hbm>> -> memref<64x128xf32, #tpu.memory_space<hbm>>
    tpu.wait_dma2 semaphore(%arg22 : memref<!tpu.dma_semaphore, #tpu.memory_space<semaphore_mem>>) src(%dma_wait3A_488 : memref<64x128xf32, #tpu.memory_space<hbm>>) dst(%arg13 : memref<64x128xf32, #tpu.memory_space<vmem>>)
    %dma_start3A_489 = arith.constant 0 : i32
    %dma_start3A_490 = arith.constant 0 : i32
    %dma_start3A_491 = tpu.memref_slice %arg8[%dma_start3A_489, %dma_start3A_490] : memref<10240x128xf32, #tpu.memory_space<vmem_shared>> -> memref<10240x128xf32, #tpu.memory_space<vmem_shared>>
    tpu.enqueue_indirect_dma source(%arg12 : memref<64x128xf32, #tpu.memory_space<vmem>>) target(%dma_start3A_491 : memref<10240x128xf32, #tpu.memory_space<vmem_shared>>) offsets(%arg10 : memref<64xi32, #tpu.memory_space<vmem>>) semaphore(%arg24 : memref<!tpu.dma_semaphore, #tpu.memory_space<semaphore_mem>>) {add = true}
    %dma_start3A_492 = arith.constant 0 : i32
    %dma_start3A_493 = arith.constant 0 : i32
    %dma_start3A_494 = tpu.memref_slice %arg9[%dma_start3A_492, %dma_start3A_493] : memref<1280x128xf32, #tpu.memory_space<vmem_shared>> -> memref<1280x128xf32, #tpu.memory_space<vmem_shared>>
    tpu.enqueue_indirect_dma source(%arg13 : memref<64x128xf32, #tpu.memory_space<vmem>>) target(%dma_start3A_494 : memref<1280x128xf32, #tpu.memory_space<vmem_shared>>) offsets(%arg11 : memref<64xi32, #tpu.memory_space<vmem>>) semaphore(%arg24 : memref<!tpu.dma_semaphore, #tpu.memory_space<semaphore_mem>>) {add = true}
    %dma_start3A_495 = tpu.memref_slice %arg4[%add3A_475] : memref<160000xi32, #tpu.memory_space<hbm>> -> memref<64xi32, #tpu.memory_space<hbm>>
    %dma_start3A_496 = tpu.memref_slice %arg4[%add3A_475] : memref<160000xi32, #tpu.memory_space<hbm>> -> memref<64xi32, #tpu.memory_space<hbm>>
    tpu.enqueue_dma source(%dma_start3A_496 : memref<64xi32, #tpu.memory_space<hbm>>) target(%arg14 : memref<64xi32, #tpu.memory_space<vmem>>) target_semaphore(%arg23 : memref<!tpu.dma_semaphore, #tpu.memory_space<semaphore_mem>>)
    %dma_start3A_497 = tpu.memref_slice %arg5[%add3A_475] : memref<160000xi32, #tpu.memory_space<hbm>> -> memref<64xi32, #tpu.memory_space<hbm>>
    %dma_start3A_498 = tpu.memref_slice %arg5[%add3A_475] : memref<160000xi32, #tpu.memory_space<hbm>> -> memref<64xi32, #tpu.memory_space<hbm>>
    tpu.enqueue_dma source(%dma_start3A_498 : memref<64xi32, #tpu.memory_space<hbm>>) target(%arg15 : memref<64xi32, #tpu.memory_space<vmem>>) target_semaphore(%arg23 : memref<!tpu.dma_semaphore, #tpu.memory_space<semaphore_mem>>)
    %dma_start3A_499 = arith.constant 0 : i32
    %dma_start3A_500 = tpu.memref_slice %arg2[%arg0, %add3A_475, %dma_start3A_499] : memref<2x160000x128xf32, #tpu.memory_space<hbm>> -> memref<1x64x128xf32, #tpu.memory_space<hbm>>
    %dma_start3A_501 = tpu.memref_squeeze %dma_start3A_500 : memref<1x64x128xf32, #tpu.memory_space<hbm>> -> memref<64x128xf32, #tpu.memory_space<hbm>>
    %dma_start3A_502 = arith.constant 0 : i32
    %dma_start3A_503 = tpu.memref_slice %arg2[%arg0, %add3A_475, %dma_start3A_502] : memref<2x160000x128xf32, #tpu.memory_space<hbm>> -> memref<1x64x128xf32, #tpu.memory_space<hbm>>
    %dma_start3A_504 = tpu.memref_squeeze %dma_start3A_503 : memref<1x64x128xf32, #tpu.memory_space<hbm>> -> memref<64x128xf32, #tpu.memory_space<hbm>>
    tpu.enqueue_dma source(%dma_start3A_504 : memref<64x128xf32, #tpu.memory_space<hbm>>) target(%arg16 : memref<64x128xf32, #tpu.memory_space<vmem>>) target_semaphore(%arg23 : memref<!tpu.dma_semaphore, #tpu.memory_space<semaphore_mem>>)
    %dma_start3A_505 = arith.constant 0 : i32
    %dma_start3A_506 = tpu.memref_slice %arg3[%add3A_475, %dma_start3A_505] : memref<160000x128xf32, #tpu.memory_space<hbm>> -> memref<64x128xf32, #tpu.memory_space<hbm>>
    %dma_start3A_507 = arith.constant 0 : i32
    %dma_start3A_508 = tpu.memref_slice %arg3[%add3A_475, %dma_start3A_507] : memref<160000x128xf32, #tpu.memory_space<hbm>> -> memref<64x128xf32, #tpu.memory_space<hbm>>
    tpu.enqueue_dma source(%dma_start3A_508 : memref<64x128xf32, #tpu.memory_space<hbm>>) target(%arg17 : memref<64x128xf32, #tpu.memory_space<vmem>>) target_semaphore(%arg23 : memref<!tpu.dma_semaphore, #tpu.memory_space<semaphore_mem>>)
    %dma_wait3A_509 = tpu.memref_slice %arg4[%add3A_475] : memref<160000xi32, #tpu.memory_space<hbm>> -> memref<64xi32, #tpu.memory_space<hbm>>
    %dma_wait3A_510 = tpu.memref_slice %arg4[%add3A_475] : memref<160000xi32, #tpu.memory_space<hbm>> -> memref<64xi32, #tpu.memory_space<hbm>>
    tpu.wait_dma2 semaphore(%arg23 : memref<!tpu.dma_semaphore, #tpu.memory_space<semaphore_mem>>) src(%dma_wait3A_510 : memref<64xi32, #tpu.memory_space<hbm>>) dst(%arg14 : memref<64xi32, #tpu.memory_space<vmem>>)
    %dma_wait3A_511 = tpu.memref_slice %arg5[%add3A_475] : memref<160000xi32, #tpu.memory_space<hbm>> -> memref<64xi32, #tpu.memory_space<hbm>>
    %dma_wait3A_512 = tpu.memref_slice %arg5[%add3A_475] : memref<160000xi32, #tpu.memory_space<hbm>> -> memref<64xi32, #tpu.memory_space<hbm>>
    tpu.wait_dma2 semaphore(%arg23 : memref<!tpu.dma_semaphore, #tpu.memory_space<semaphore_mem>>) src(%dma_wait3A_512 : memref<64xi32, #tpu.memory_space<hbm>>) dst(%arg15 : memref<64xi32, #tpu.memory_space<vmem>>)
    %dma_wait3A_513 = arith.constant 0 : i32
    %dma_wait3A_514 = tpu.memref_slice %arg2[%arg0, %add3A_475, %dma_wait3A_513] : memref<2x160000x128xf32, #tpu.memory_space<hbm>> -> memref<1x64x128xf32, #tpu.memory_space<hbm>>
    %dma_wait3A_515 = tpu.memref_squeeze %dma_wait3A_514 : memref<1x64x128xf32, #tpu.memory_space<hbm>> -> memref<64x128xf32, #tpu.memory_space<hbm>>
    %dma_wait3A_516 = arith.constant 0 : i32
    %dma_wait3A_517 = tpu.memref_slice %arg2[%arg0, %add3A_475, %dma_wait3A_516] : memref<2x160000x128xf32, #tpu.memory_space<hbm>> -> memref<1x64x128xf32, #tpu.memory_space<hbm>>
    %dma_wait3A_518 = tpu.memref_squeeze %dma_wait3A_517 : memref<1x64x128xf32, #tpu.memory_space<hbm>> -> memref<64x128xf32, #tpu.memory_space<hbm>>
    tpu.wait_dma2 semaphore(%arg23 : memref<!tpu.dma_semaphore, #tpu.memory_space<semaphore_mem>>) src(%dma_wait3A_518 : memref<64x128xf32, #tpu.memory_space<hbm>>) dst(%arg16 : memref<64x128xf32, #tpu.memory_space<vmem>>)
    %dma_wait3A_519 = arith.constant 0 : i32
    %dma_wait3A_520 = tpu.memref_slice %arg3[%add3A_475, %dma_wait3A_519] : memref<160000x128xf32, #tpu.memory_space<hbm>> -> memref<64x128xf32, #tpu.memory_space<hbm>>
    %dma_wait3A_521 = arith.constant 0 : i32
    %dma_wait3A_522 = tpu.memref_slice %arg3[%add3A_475, %dma_wait3A_521] : memref<160000x128xf32, #tpu.memory_space<hbm>> -> memref<64x128xf32, #tpu.memory_space<hbm>>
    tpu.wait_dma2 semaphore(%arg23 : memref<!tpu.dma_semaphore, #tpu.memory_space<semaphore_mem>>) src(%dma_wait3A_522 : memref<64x128xf32, #tpu.memory_space<hbm>>) dst(%arg17 : memref<64x128xf32, #tpu.memory_space<vmem>>)
    %dma_start3A_523 = arith.constant 0 : i32
    %dma_start3A_524 = arith.constant 0 : i32
    %dma_start3A_525 = tpu.memref_slice %arg8[%dma_start3A_523, %dma_start3A_524] : memref<10240x128xf32, #tpu.memory_space<vmem_shared>> -> memref<10240x128xf32, #tpu.memory_space<vmem_shared>>
    tpu.enqueue_indirect_dma source(%arg16 : memref<64x128xf32, #tpu.memory_space<vmem>>) target(%dma_start3A_525 : memref<10240x128xf32, #tpu.memory_space<vmem_shared>>) offsets(%arg14 : memref<64xi32, #tpu.memory_space<vmem>>) semaphore(%arg25 : memref<!tpu.dma_semaphore, #tpu.memory_space<semaphore_mem>>) {add = true}
    %dma_start3A_526 = arith.constant 0 : i32
    %dma_start3A_527 = arith.constant 0 : i32
    %dma_start3A_528 = tpu.memref_slice %arg9[%dma_start3A_526, %dma_start3A_527] : memref<1280x128xf32, #tpu.memory_space<vmem_shared>> -> memref<1280x128xf32, #tpu.memory_space<vmem_shared>>
    tpu.enqueue_indirect_dma source(%arg17 : memref<64x128xf32, #tpu.memory_space<vmem>>) target(%dma_start3A_528 : memref<1280x128xf32, #tpu.memory_space<vmem_shared>>) offsets(%arg15 : memref<64xi32, #tpu.memory_space<vmem>>) semaphore(%arg25 : memref<!tpu.dma_semaphore, #tpu.memory_space<semaphore_mem>>) {add = true}
    %dma_wait3A_529 = arith.constant 0 : i32
    %dma_wait3A_530 = arith.constant 0 : i32
    %dma_wait3A_531 = tpu.memref_slice %arg8[%dma_wait3A_529, %dma_wait3A_530] : memref<10240x128xf32, #tpu.memory_space<vmem_shared>> -> memref<10240x128xf32, #tpu.memory_space<vmem_shared>>
    tpu.wait_indirect_dma semaphore(%arg24 : memref<!tpu.dma_semaphore, #tpu.memory_space<semaphore_mem>>) src(%arg12 : memref<64x128xf32, #tpu.memory_space<vmem>>) dst(%dma_wait3A_531 : memref<10240x128xf32, #tpu.memory_space<vmem_shared>>)
    %dma_wait3A_532 = arith.constant 0 : i32
    %dma_wait3A_533 = arith.constant 0 : i32
    %dma_wait3A_534 = tpu.memref_slice %arg9[%dma_wait3A_532, %dma_wait3A_533] : memref<1280x128xf32, #tpu.memory_space<vmem_shared>> -> memref<1280x128xf32, #tpu.memory_space<vmem_shared>>
    tpu.wait_indirect_dma semaphore(%arg24 : memref<!tpu.dma_semaphore, #tpu.memory_space<semaphore_mem>>) src(%arg13 : memref<64x128xf32, #tpu.memory_space<vmem>>) dst(%dma_wait3A_534 : memref<1280x128xf32, #tpu.memory_space<vmem_shared>>)
    %dma_wait3A_535 = arith.constant 0 : i32
    %dma_wait3A_536 = arith.constant 0 : i32
    %dma_wait3A_537 = tpu.memref_slice %arg8[%dma_wait3A_535, %dma_wait3A_536] : memref<10240x128xf32, #tpu.memory_space<vmem_shared>> -> memref<10240x128xf32, #tpu.memory_space<vmem_shared>>
    tpu.wait_indirect_dma semaphore(%arg25 : memref<!tpu.dma_semaphore, #tpu.memory_space<semaphore_mem>>) src(%arg16 : memref<64x128xf32, #tpu.memory_space<vmem>>) dst(%dma_wait3A_537 : memref<10240x128xf32, #tpu.memory_space<vmem_shared>>)
    %dma_wait3A_538 = arith.constant 0 : i32
    %dma_wait3A_539 = arith.constant 0 : i32
    %dma_wait3A_540 = tpu.memref_slice %arg9[%dma_wait3A_538, %dma_wait3A_539] : memref<1280x128xf32, #tpu.memory_space<vmem_shared>> -> memref<1280x128xf32, #tpu.memory_space<vmem_shared>>
    tpu.wait_indirect_dma semaphore(%arg25 : memref<!tpu.dma_semaphore, #tpu.memory_space<semaphore_mem>>) src(%arg17 : memref<64x128xf32, #tpu.memory_space<vmem>>) dst(%dma_wait3A_540 : memref<1280x128xf32, #tpu.memory_space<vmem_shared>>)
    %add3A_541 = arith.constant 9984 : i32
    %add3A_542 = arith.addi %mul3A_452, %add3A_541 : i32
    %dma_start3A_543 = tpu.memref_slice %arg4[%add3A_542] : memref<160000xi32, #tpu.memory_space<hbm>> -> memref<16xi32, #tpu.memory_space<hbm>>
    %dma_start3A_544 = tpu.memref_slice %arg4[%add3A_542] : memref<160000xi32, #tpu.memory_space<hbm>> -> memref<16xi32, #tpu.memory_space<hbm>>
    tpu.enqueue_dma source(%dma_start3A_544 : memref<16xi32, #tpu.memory_space<hbm>>) target(%arg18 : memref<16xi32, #tpu.memory_space<vmem>>) target_semaphore(%arg26 : memref<!tpu.dma_semaphore, #tpu.memory_space<semaphore_mem>>)
    %dma_start3A_545 = tpu.memref_slice %arg5[%add3A_542] : memref<160000xi32, #tpu.memory_space<hbm>> -> memref<16xi32, #tpu.memory_space<hbm>>
    %dma_start3A_546 = tpu.memref_slice %arg5[%add3A_542] : memref<160000xi32, #tpu.memory_space<hbm>> -> memref<16xi32, #tpu.memory_space<hbm>>
    tpu.enqueue_dma source(%dma_start3A_546 : memref<16xi32, #tpu.memory_space<hbm>>) target(%arg19 : memref<16xi32, #tpu.memory_space<vmem>>) target_semaphore(%arg26 : memref<!tpu.dma_semaphore, #tpu.memory_space<semaphore_mem>>)
    %dma_start3A_547 = arith.constant 0 : i32
    %dma_start3A_548 = arith.constant 0 : i32
    %dma_start3A_549 = tpu.memref_slice %arg12[%dma_start3A_547, %dma_start3A_548] : memref<64x128xf32, #tpu.memory_space<vmem>> -> memref<16x128xf32, #tpu.memory_space<vmem>>
    %dma_start3A_550 = arith.constant 0 : i32
    %dma_start3A_551 = tpu.memref_slice %arg2[%arg0, %add3A_542, %dma_start3A_550] : memref<2x160000x128xf32, #tpu.memory_space<hbm>> -> memref<1x16x128xf32, #tpu.memory_space<hbm>>
    %dma_start3A_552 = tpu.memref_squeeze %dma_start3A_551 : memref<1x16x128xf32, #tpu.memory_space<hbm>> -> memref<16x128xf32, #tpu.memory_space<hbm>>
    %dma_start3A_553 = arith.constant 0 : i32
    %dma_start3A_554 = arith.constant 0 : i32
    %dma_start3A_555 = tpu.memref_slice %arg12[%dma_start3A_553, %dma_start3A_554] : memref<64x128xf32, #tpu.memory_space<vmem>> -> memref<16x128xf32, #tpu.memory_space<vmem>>
    %dma_start3A_556 = arith.constant 0 : i32
    %dma_start3A_557 = tpu.memref_slice %arg2[%arg0, %add3A_542, %dma_start3A_556] : memref<2x160000x128xf32, #tpu.memory_space<hbm>> -> memref<1x16x128xf32, #tpu.memory_space<hbm>>
    %dma_start3A_558 = tpu.memref_squeeze %dma_start3A_557 : memref<1x16x128xf32, #tpu.memory_space<hbm>> -> memref<16x128xf32, #tpu.memory_space<hbm>>
    tpu.enqueue_dma source(%dma_start3A_558 : memref<16x128xf32, #tpu.memory_space<hbm>>) target(%dma_start3A_555 : memref<16x128xf32, #tpu.memory_space<vmem>>) target_semaphore(%arg26 : memref<!tpu.dma_semaphore, #tpu.memory_space<semaphore_mem>>)
    %dma_start3A_559 = arith.constant 0 : i32
    %dma_start3A_560 = arith.constant 0 : i32
    %dma_start3A_561 = tpu.memref_slice %arg13[%dma_start3A_559, %dma_start3A_560] : memref<64x128xf32, #tpu.memory_space<vmem>> -> memref<16x128xf32, #tpu.memory_space<vmem>>
    %dma_start3A_562 = arith.constant 0 : i32
    %dma_start3A_563 = tpu.memref_slice %arg3[%add3A_542, %dma_start3A_562] : memref<160000x128xf32, #tpu.memory_space<hbm>> -> memref<16x128xf32, #tpu.memory_space<hbm>>
    %dma_start3A_564 = arith.constant 0 : i32
    %dma_start3A_565 = arith.constant 0 : i32
    %dma_start3A_566 = tpu.memref_slice %arg13[%dma_start3A_564, %dma_start3A_565] : memref<64x128xf32, #tpu.memory_space<vmem>> -> memref<16x128xf32, #tpu.memory_space<vmem>>
    %dma_start3A_567 = arith.constant 0 : i32
    %dma_start3A_568 = tpu.memref_slice %arg3[%add3A_542, %dma_start3A_567] : memref<160000x128xf32, #tpu.memory_space<hbm>> -> memref<16x128xf32, #tpu.memory_space<hbm>>
    tpu.enqueue_dma source(%dma_start3A_568 : memref<16x128xf32, #tpu.memory_space<hbm>>) target(%dma_start3A_566 : memref<16x128xf32, #tpu.memory_space<vmem>>) target_semaphore(%arg26 : memref<!tpu.dma_semaphore, #tpu.memory_space<semaphore_mem>>)
    %dma_wait3A_569 = tpu.memref_slice %arg4[%add3A_542] : memref<160000xi32, #tpu.memory_space<hbm>> -> memref<16xi32, #tpu.memory_space<hbm>>
    %dma_wait3A_570 = tpu.memref_slice %arg4[%add3A_542] : memref<160000xi32, #tpu.memory_space<hbm>> -> memref<16xi32, #tpu.memory_space<hbm>>
    tpu.wait_dma2 semaphore(%arg26 : memref<!tpu.dma_semaphore, #tpu.memory_space<semaphore_mem>>) src(%dma_wait3A_570 : memref<16xi32, #tpu.memory_space<hbm>>) dst(%arg18 : memref<16xi32, #tpu.memory_space<vmem>>)
    %dma_wait3A_571 = tpu.memref_slice %arg5[%add3A_542] : memref<160000xi32, #tpu.memory_space<hbm>> -> memref<16xi32, #tpu.memory_space<hbm>>
    %dma_wait3A_572 = tpu.memref_slice %arg5[%add3A_542] : memref<160000xi32, #tpu.memory_space<hbm>> -> memref<16xi32, #tpu.memory_space<hbm>>
    tpu.wait_dma2 semaphore(%arg26 : memref<!tpu.dma_semaphore, #tpu.memory_space<semaphore_mem>>) src(%dma_wait3A_572 : memref<16xi32, #tpu.memory_space<hbm>>) dst(%arg19 : memref<16xi32, #tpu.memory_space<vmem>>)
    %dma_wait3A_573 = arith.constant 0 : i32
    %dma_wait3A_574 = arith.constant 0 : i32
    %dma_wait3A_575 = tpu.memref_slice %arg12[%dma_wait3A_573, %dma_wait3A_574] : memref<64x128xf32, #tpu.memory_space<vmem>> -> memref<16x128xf32, #tpu.memory_space<vmem>>
    %dma_wait3A_576 = arith.constant 0 : i32
    %dma_wait3A_577 = tpu.memref_slice %arg2[%arg0, %add3A_542, %dma_wait3A_576] : memref<2x160000x128xf32, #tpu.memory_space<hbm>> -> memref<1x16x128xf32, #tpu.memory_space<hbm>>
    %dma_wait3A_578 = tpu.memref_squeeze %dma_wait3A_577 : memref<1x16x128xf32, #tpu.memory_space<hbm>> -> memref<16x128xf32, #tpu.memory_space<hbm>>
    %dma_wait3A_579 = arith.constant 0 : i32
    %dma_wait3A_580 = arith.constant 0 : i32
    %dma_wait3A_581 = tpu.memref_slice %arg12[%dma_wait3A_579, %dma_wait3A_580] : memref<64x128xf32, #tpu.memory_space<vmem>> -> memref<16x128xf32, #tpu.memory_space<vmem>>
    %dma_wait3A_582 = arith.constant 0 : i32
    %dma_wait3A_583 = tpu.memref_slice %arg2[%arg0, %add3A_542, %dma_wait3A_582] : memref<2x160000x128xf32, #tpu.memory_space<hbm>> -> memref<1x16x128xf32, #tpu.memory_space<hbm>>
    %dma_wait3A_584 = tpu.memref_squeeze %dma_wait3A_583 : memref<1x16x128xf32, #tpu.memory_space<hbm>> -> memref<16x128xf32, #tpu.memory_space<hbm>>
    tpu.wait_dma2 semaphore(%arg26 : memref<!tpu.dma_semaphore, #tpu.memory_space<semaphore_mem>>) src(%dma_wait3A_584 : memref<16x128xf32, #tpu.memory_space<hbm>>) dst(%dma_wait3A_581 : memref<16x128xf32, #tpu.memory_space<vmem>>)
    %dma_wait3A_585 = arith.constant 0 : i32
    %dma_wait3A_586 = arith.constant 0 : i32
    %dma_wait3A_587 = tpu.memref_slice %arg13[%dma_wait3A_585, %dma_wait3A_586] : memref<64x128xf32, #tpu.memory_space<vmem>> -> memref<16x128xf32, #tpu.memory_space<vmem>>
    %dma_wait3A_588 = arith.constant 0 : i32
    %dma_wait3A_589 = tpu.memref_slice %arg3[%add3A_542, %dma_wait3A_588] : memref<160000x128xf32, #tpu.memory_space<hbm>> -> memref<16x128xf32, #tpu.memory_space<hbm>>
    %dma_wait3A_590 = arith.constant 0 : i32
    %dma_wait3A_591 = arith.constant 0 : i32
    %dma_wait3A_592 = tpu.memref_slice %arg13[%dma_wait3A_590, %dma_wait3A_591] : memref<64x128xf32, #tpu.memory_space<vmem>> -> memref<16x128xf32, #tpu.memory_space<vmem>>
    %dma_wait3A_593 = arith.constant 0 : i32
    %dma_wait3A_594 = tpu.memref_slice %arg3[%add3A_542, %dma_wait3A_593] : memref<160000x128xf32, #tpu.memory_space<hbm>> -> memref<16x128xf32, #tpu.memory_space<hbm>>
    tpu.wait_dma2 semaphore(%arg26 : memref<!tpu.dma_semaphore, #tpu.memory_space<semaphore_mem>>) src(%dma_wait3A_594 : memref<16x128xf32, #tpu.memory_space<hbm>>) dst(%dma_wait3A_592 : memref<16x128xf32, #tpu.memory_space<vmem>>)
    %dma_start3A_595 = arith.constant 0 : i32
    %dma_start3A_596 = arith.constant 0 : i32
    %dma_start3A_597 = tpu.memref_slice %arg12[%dma_start3A_595, %dma_start3A_596] : memref<64x128xf32, #tpu.memory_space<vmem>> -> memref<16x128xf32, #tpu.memory_space<vmem>>
    %dma_start3A_598 = arith.constant 0 : i32
    %dma_start3A_599 = arith.constant 0 : i32
    %dma_start3A_600 = tpu.memref_slice %arg8[%dma_start3A_598, %dma_start3A_599] : memref<10240x128xf32, #tpu.memory_space<vmem_shared>> -> memref<10240x128xf32, #tpu.memory_space<vmem_shared>>
    tpu.enqueue_indirect_dma source(%dma_start3A_597 : memref<16x128xf32, #tpu.memory_space<vmem>>) target(%dma_start3A_600 : memref<10240x128xf32, #tpu.memory_space<vmem_shared>>) offsets(%arg18 : memref<16xi32, #tpu.memory_space<vmem>>) semaphore(%arg26 : memref<!tpu.dma_semaphore, #tpu.memory_space<semaphore_mem>>) {add = true}
    %dma_start3A_601 = arith.constant 0 : i32
    %dma_start3A_602 = arith.constant 0 : i32
    %dma_start3A_603 = tpu.memref_slice %arg13[%dma_start3A_601, %dma_start3A_602] : memref<64x128xf32, #tpu.memory_space<vmem>> -> memref<16x128xf32, #tpu.memory_space<vmem>>
    %dma_start3A_604 = arith.constant 0 : i32
    %dma_start3A_605 = arith.constant 0 : i32
    %dma_start3A_606 = tpu.memref_slice %arg9[%dma_start3A_604, %dma_start3A_605] : memref<1280x128xf32, #tpu.memory_space<vmem_shared>> -> memref<1280x128xf32, #tpu.memory_space<vmem_shared>>
    tpu.enqueue_indirect_dma source(%dma_start3A_603 : memref<16x128xf32, #tpu.memory_space<vmem>>) target(%dma_start3A_606 : memref<1280x128xf32, #tpu.memory_space<vmem_shared>>) offsets(%arg19 : memref<16xi32, #tpu.memory_space<vmem>>) semaphore(%arg26 : memref<!tpu.dma_semaphore, #tpu.memory_space<semaphore_mem>>) {add = true}
    %dma_wait3A_607 = arith.constant 0 : i32
    %dma_wait3A_608 = arith.constant 0 : i32
    %dma_wait3A_609 = tpu.memref_slice %arg12[%dma_wait3A_607, %dma_wait3A_608] : memref<64x128xf32, #tpu.memory_space<vmem>> -> memref<16x128xf32, #tpu.memory_space<vmem>>
    %dma_wait3A_610 = arith.constant 0 : i32
    %dma_wait3A_611 = arith.constant 0 : i32
    %dma_wait3A_612 = tpu.memref_slice %arg8[%dma_wait3A_610, %dma_wait3A_611] : memref<10240x128xf32, #tpu.memory_space<vmem_shared>> -> memref<10240x128xf32, #tpu.memory_space<vmem_shared>>
    tpu.wait_indirect_dma semaphore(%arg26 : memref<!tpu.dma_semaphore, #tpu.memory_space<semaphore_mem>>) src(%dma_wait3A_609 : memref<16x128xf32, #tpu.memory_space<vmem>>) dst(%dma_wait3A_612 : memref<10240x128xf32, #tpu.memory_space<vmem_shared>>)
    %dma_wait3A_613 = arith.constant 0 : i32
    %dma_wait3A_614 = arith.constant 0 : i32
    %dma_wait3A_615 = tpu.memref_slice %arg13[%dma_wait3A_613, %dma_wait3A_614] : memref<64x128xf32, #tpu.memory_space<vmem>> -> memref<16x128xf32, #tpu.memory_space<vmem>>
    %dma_wait3A_616 = arith.constant 0 : i32
    %dma_wait3A_617 = arith.constant 0 : i32
    %dma_wait3A_618 = tpu.memref_slice %arg9[%dma_wait3A_616, %dma_wait3A_617] : memref<1280x128xf32, #tpu.memory_space<vmem_shared>> -> memref<1280x128xf32, #tpu.memory_space<vmem_shared>>
    tpu.wait_indirect_dma semaphore(%arg26 : memref<!tpu.dma_semaphore, #tpu.memory_space<semaphore_mem>>) src(%dma_wait3A_615 : memref<16x128xf32, #tpu.memory_space<vmem>>) dst(%dma_wait3A_618 : memref<1280x128xf32, #tpu.memory_space<vmem_shared>>)
    %barrier3A_619 = arith.constant 0 : index
    tpu.barrier barrier_id(%barrier3A_619)
    %mul3A_620 = arith.constant 640 : i32
    %mul3A_621 = arith.muli %arg1, %mul3A_620 : i32
    %add3A_622 = arith.constant 0 : i32
    %add3A_623 = arith.addi %mul3A_621, %add3A_622 : i32
    %add3A_624 = arith.constant 0 : i32
    %add3A_625 = arith.addi %add3A_623, %add3A_624 : i32
    %iota3A_626 = tpu.iota {dimensions = array<i32: 0>} : vector<16xi32>
    %add3A_627 = vector.broadcast %add3A_625 : i32 to vector<16xi32>
    %add3A_628 = arith.addi %add3A_627, %iota3A_626 : vector<16xi32>
    %swap3A_629 = arith.constant 0 : index
    %swap3A_630 = tpu.vector_load %arg20[%swap3A_629] {strides = array<i32>} : memref<64xi32, #tpu.memory_space<vmem>>, vector<16xi32>,
    %swap3A_631 = vector.shape_cast %swap3A_630 : vector<16xi32> to vector<16xi32>
    %swap3A_632 = vector.shape_cast %add3A_628 : vector<16xi32> to vector<16xi32>
    tpu.vector_store %arg20[%swap3A_629], %swap3A_632 {strides = array<i32>} : memref<64xi32, #tpu.memory_space<vmem>>, vector<16xi32>,
    %add3A_633 = arith.constant 16 : i32
    %add3A_634 = arith.addi %add3A_623, %add3A_633 : i32
    %iota3A_635 = tpu.iota {dimensions = array<i32: 0>} : vector<16xi32>
    %add3A_636 = vector.broadcast %add3A_634 : i32 to vector<16xi32>
    %add3A_637 = arith.addi %add3A_636, %iota3A_635 : vector<16xi32>
    %swap3A_638 = arith.constant 16 : index
    %swap3A_639 = tpu.vector_load %arg20[%swap3A_638] {strides = array<i32>} : memref<64xi32, #tpu.memory_space<vmem>>, vector<16xi32>,
    %swap3A_640 = vector.shape_cast %swap3A_639 : vector<16xi32> to vector<16xi32>
    %swap3A_641 = vector.shape_cast %add3A_637 : vector<16xi32> to vector<16xi32>
    tpu.vector_store %arg20[%swap3A_638], %swap3A_641 {strides = array<i32>} : memref<64xi32, #tpu.memory_space<vmem>>, vector<16xi32>,
    %add3A_642 = arith.constant 32 : i32
    %add3A_643 = arith.addi %add3A_623, %add3A_642 : i32
    %iota3A_644 = tpu.iota {dimensions = array<i32: 0>} : vector<16xi32>
    %add3A_645 = vector.broadcast %add3A_643 : i32 to vector<16xi32>
    %add3A_646 = arith.addi %add3A_645, %iota3A_644 : vector<16xi32>
    %swap3A_647 = arith.constant 32 : index
    %swap3A_648 = tpu.vector_load %arg20[%swap3A_647] {strides = array<i32>} : memref<64xi32, #tpu.memory_space<vmem>>, vector<16xi32>,
    %swap3A_649 = vector.shape_cast %swap3A_648 : vector<16xi32> to vector<16xi32>
    %swap3A_650 = vector.shape_cast %add3A_646 : vector<16xi32> to vector<16xi32>
    tpu.vector_store %arg20[%swap3A_647], %swap3A_650 {strides = array<i32>} : memref<64xi32, #tpu.memory_space<vmem>>, vector<16xi32>,
    %add3A_651 = arith.constant 48 : i32
    %add3A_652 = arith.addi %add3A_623, %add3A_651 : i32
    %iota3A_653 = tpu.iota {dimensions = array<i32: 0>} : vector<16xi32>
    %add3A_654 = vector.broadcast %add3A_652 : i32 to vector<16xi32>
    %add3A_655 = arith.addi %add3A_654, %iota3A_653 : vector<16xi32>
    %swap3A_656 = arith.constant 48 : index
    %swap3A_657 = tpu.vector_load %arg20[%swap3A_656] {strides = array<i32>} : memref<64xi32, #tpu.memory_space<vmem>>, vector<16xi32>,
    %swap3A_658 = vector.shape_cast %swap3A_657 : vector<16xi32> to vector<16xi32>
    %swap3A_659 = vector.shape_cast %add3A_655 : vector<16xi32> to vector<16xi32>
    tpu.vector_store %arg20[%swap3A_656], %swap3A_659 {strides = array<i32>} : memref<64xi32, #tpu.memory_space<vmem>>, vector<16xi32>,
    %dma_start3A_660 = arith.constant 0 : i32
    %dma_start3A_661 = arith.constant 0 : i32
    %dma_start3A_662 = tpu.memref_slice %arg8[%dma_start3A_660, %dma_start3A_661] : memref<10240x128xf32, #tpu.memory_space<vmem_shared>> -> memref<10240x128xf32, #tpu.memory_space<vmem_shared>>
    tpu.enqueue_indirect_dma source(%dma_start3A_662 : memref<10240x128xf32, #tpu.memory_space<vmem_shared>>) target(%arg12 : memref<64x128xf32, #tpu.memory_space<vmem>>) offsets(%arg20 : memref<64xi32, #tpu.memory_space<vmem>>) semaphore(%arg26 : memref<!tpu.dma_semaphore, #tpu.memory_space<semaphore_mem>>)
    %dma_wait3A_663 = arith.constant 0 : i32
    %dma_wait3A_664 = arith.constant 0 : i32
    %dma_wait3A_665 = tpu.memref_slice %arg8[%dma_wait3A_663, %dma_wait3A_664] : memref<10240x128xf32, #tpu.memory_space<vmem_shared>> -> memref<10240x128xf32, #tpu.memory_space<vmem_shared>>
    tpu.wait_indirect_dma semaphore(%arg26 : memref<!tpu.dma_semaphore, #tpu.memory_space<semaphore_mem>>) src(%dma_wait3A_665 : memref<10240x128xf32, #tpu.memory_space<vmem_shared>>) dst(%arg12 : memref<64x128xf32, #tpu.memory_space<vmem>>)
    "tpu.region"() ({
      %run_scoped3A = tpu.sem_alloc : memref<!tpu.dma_semaphore, #tpu.memory_space<semaphore_mem>>
      %dma_start3A_1142 = arith.constant 0 : i32
      %dma_start3A_1143 = tpu.memref_slice %arg6[%arg0, %add3A_623, %dma_start3A_1142] : memref<2x10240x128xf32, #tpu.memory_space<hbm>> -> memref<1x64x128xf32, #tpu.memory_space<hbm>>
      %dma_start3A_1144 = tpu.memref_squeeze %dma_start3A_1143 : memref<1x64x128xf32, #tpu.memory_space<hbm>> -> memref<64x128xf32, #tpu.memory_space<hbm>>
      %dma_start3A_1145 = arith.constant 0 : i32
      %dma_start3A_1146 = tpu.memref_slice %arg6[%arg0, %add3A_623, %dma_start3A_1145] : memref<2x10240x128xf32, #tpu.memory_space<hbm>> -> memref<1x64x128xf32, #tpu.memory_space<hbm>>
      %dma_start3A_1147 = tpu.memref_squeeze %dma_start3A_1146 : memref<1x64x128xf32, #tpu.memory_space<hbm>> -> memref<64x128xf32, #tpu.memory_space<hbm>>
      tpu.enqueue_dma source(%arg12 : memref<64x128xf32, #tpu.memory_space<vmem>>) target(%dma_start3A_1147 : memref<64x128xf32, #tpu.memory_space<hbm>>) target_semaphore(%run_scoped3A : memref<!tpu.dma_semaphore, #tpu.memory_space<semaphore_mem>>)
      %dma_wait3A_1148 = arith.constant 0 : i32
      %dma_wait3A_1149 = tpu.memref_slice %arg6[%arg0, %add3A_623, %dma_wait3A_1148] : memref<2x10240x128xf32, #tpu.memory_space<hbm>> -> memref<1x64x128xf32, #tpu.memory_space<hbm>>
      %dma_wait3A_1150 = tpu.memref_squeeze %dma_wait3A_1149 : memref<1x64x128xf32, #tpu.memory_space<hbm>> -> memref<64x128xf32, #tpu.memory_space<hbm>>
      %dma_wait3A_1151 = arith.constant 0 : i32
      %dma_wait3A_1152 = tpu.memref_slice %arg6[%arg0, %add3A_623, %dma_wait3A_1151] : memref<2x10240x128xf32, #tpu.memory_space<hbm>> -> memref<1x64x128xf32, #tpu.memory_space<hbm>>
      %dma_wait3A_1153 = tpu.memref_squeeze %dma_wait3A_1152 : memref<1x64x128xf32, #tpu.memory_space<hbm>> -> memref<64x128xf32, #tpu.memory_space<hbm>>
      tpu.wait_dma2 semaphore(%run_scoped3A : memref<!tpu.dma_semaphore, #tpu.memory_space<semaphore_mem>>) src(%arg12 : memref<64x128xf32, #tpu.memory_space<vmem>>) dst(%dma_wait3A_1153 : memref<64x128xf32, #tpu.memory_space<hbm>>)
      tpu.yield
    }) : () -> ()
    %mul3A_666 = arith.constant 640 : i32
    %mul3A_667 = arith.muli %arg1, %mul3A_666 : i32
    %add3A_668 = arith.constant 64 : i32
    %add3A_669 = arith.addi %mul3A_667, %add3A_668 : i32
    %add3A_670 = arith.constant 0 : i32
    %add3A_671 = arith.addi %add3A_669, %add3A_670 : i32
    %iota3A_672 = tpu.iota {dimensions = array<i32: 0>} : vector<16xi32>
    %add3A_673 = vector.broadcast %add3A_671 : i32 to vector<16xi32>
    %add3A_674 = arith.addi %add3A_673, %iota3A_672 : vector<16xi32>
    %swap3A_675 = arith.constant 0 : index
    %swap3A_676 = tpu.vector_load %arg20[%swap3A_675] {strides = array<i32>} : memref<64xi32, #tpu.memory_space<vmem>>, vector<16xi32>,
    %swap3A_677 = vector.shape_cast %swap3A_676 : vector<16xi32> to vector<16xi32>
    %swap3A_678 = vector.shape_cast %add3A_674 : vector<16xi32> to vector<16xi32>
    tpu.vector_store %arg20[%swap3A_675], %swap3A_678 {strides = array<i32>} : memref<64xi32, #tpu.memory_space<vmem>>, vector<16xi32>,
    %add3A_679 = arith.constant 16 : i32
    %add3A_680 = arith.addi %add3A_669, %add3A_679 : i32
    %iota3A_681 = tpu.iota {dimensions = array<i32: 0>} : vector<16xi32>
    %add3A_682 = vector.broadcast %add3A_680 : i32 to vector<16xi32>
    %add3A_683 = arith.addi %add3A_682, %iota3A_681 : vector<16xi32>
    %swap3A_684 = arith.constant 16 : index
    %swap3A_685 = tpu.vector_load %arg20[%swap3A_684] {strides = array<i32>} : memref<64xi32, #tpu.memory_space<vmem>>, vector<16xi32>,
    %swap3A_686 = vector.shape_cast %swap3A_685 : vector<16xi32> to vector<16xi32>
    %swap3A_687 = vector.shape_cast %add3A_683 : vector<16xi32> to vector<16xi32>
    tpu.vector_store %arg20[%swap3A_684], %swap3A_687 {strides = array<i32>} : memref<64xi32, #tpu.memory_space<vmem>>, vector<16xi32>,
    %add3A_688 = arith.constant 32 : i32
    %add3A_689 = arith.addi %add3A_669, %add3A_688 : i32
    %iota3A_690 = tpu.iota {dimensions = array<i32: 0>} : vector<16xi32>
    %add3A_691 = vector.broadcast %add3A_689 : i32 to vector<16xi32>
    %add3A_692 = arith.addi %add3A_691, %iota3A_690 : vector<16xi32>
    %swap3A_693 = arith.constant 32 : index
    %swap3A_694 = tpu.vector_load %arg20[%swap3A_693] {strides = array<i32>} : memref<64xi32, #tpu.memory_space<vmem>>, vector<16xi32>,
    %swap3A_695 = vector.shape_cast %swap3A_694 : vector<16xi32> to vector<16xi32>
    %swap3A_696 = vector.shape_cast %add3A_692 : vector<16xi32> to vector<16xi32>
    tpu.vector_store %arg20[%swap3A_693], %swap3A_696 {strides = array<i32>} : memref<64xi32, #tpu.memory_space<vmem>>, vector<16xi32>,
    %add3A_697 = arith.constant 48 : i32
    %add3A_698 = arith.addi %add3A_669, %add3A_697 : i32
    %iota3A_699 = tpu.iota {dimensions = array<i32: 0>} : vector<16xi32>
    %add3A_700 = vector.broadcast %add3A_698 : i32 to vector<16xi32>
    %add3A_701 = arith.addi %add3A_700, %iota3A_699 : vector<16xi32>
    %swap3A_702 = arith.constant 48 : index
    %swap3A_703 = tpu.vector_load %arg20[%swap3A_702] {strides = array<i32>} : memref<64xi32, #tpu.memory_space<vmem>>, vector<16xi32>,
    %swap3A_704 = vector.shape_cast %swap3A_703 : vector<16xi32> to vector<16xi32>
    %swap3A_705 = vector.shape_cast %add3A_701 : vector<16xi32> to vector<16xi32>
    tpu.vector_store %arg20[%swap3A_702], %swap3A_705 {strides = array<i32>} : memref<64xi32, #tpu.memory_space<vmem>>, vector<16xi32>,
    %dma_start3A_706 = arith.constant 0 : i32
    %dma_start3A_707 = arith.constant 0 : i32
    %dma_start3A_708 = tpu.memref_slice %arg8[%dma_start3A_706, %dma_start3A_707] : memref<10240x128xf32, #tpu.memory_space<vmem_shared>> -> memref<10240x128xf32, #tpu.memory_space<vmem_shared>>
    tpu.enqueue_indirect_dma source(%dma_start3A_708 : memref<10240x128xf32, #tpu.memory_space<vmem_shared>>) target(%arg12 : memref<64x128xf32, #tpu.memory_space<vmem>>) offsets(%arg20 : memref<64xi32, #tpu.memory_space<vmem>>) semaphore(%arg26 : memref<!tpu.dma_semaphore, #tpu.memory_space<semaphore_mem>>)
    %dma_wait3A_709 = arith.constant 0 : i32
    %dma_wait3A_710 = arith.constant 0 : i32
    %dma_wait3A_711 = tpu.memref_slice %arg8[%dma_wait3A_709, %dma_wait3A_710] : memref<10240x128xf32, #tpu.memory_space<vmem_shared>> -> memref<10240x128xf32, #tpu.memory_space<vmem_shared>>
    tpu.wait_indirect_dma semaphore(%arg26 : memref<!tpu.dma_semaphore, #tpu.memory_space<semaphore_mem>>) src(%dma_wait3A_711 : memref<10240x128xf32, #tpu.memory_space<vmem_shared>>) dst(%arg12 : memref<64x128xf32, #tpu.memory_space<vmem>>)
    "tpu.region"() ({
      %run_scoped3A = tpu.sem_alloc : memref<!tpu.dma_semaphore, #tpu.memory_space<semaphore_mem>>
      %dma_start3A_1142 = arith.constant 0 : i32
      %dma_start3A_1143 = tpu.memref_slice %arg6[%arg0, %add3A_669, %dma_start3A_1142] : memref<2x10240x128xf32, #tpu.memory_space<hbm>> -> memref<1x64x128xf32, #tpu.memory_space<hbm>>
      %dma_start3A_1144 = tpu.memref_squeeze %dma_start3A_1143 : memref<1x64x128xf32, #tpu.memory_space<hbm>> -> memref<64x128xf32, #tpu.memory_space<hbm>>
      %dma_start3A_1145 = arith.constant 0 : i32
      %dma_start3A_1146 = tpu.memref_slice %arg6[%arg0, %add3A_669, %dma_start3A_1145] : memref<2x10240x128xf32, #tpu.memory_space<hbm>> -> memref<1x64x128xf32, #tpu.memory_space<hbm>>
      %dma_start3A_1147 = tpu.memref_squeeze %dma_start3A_1146 : memref<1x64x128xf32, #tpu.memory_space<hbm>> -> memref<64x128xf32, #tpu.memory_space<hbm>>
      tpu.enqueue_dma source(%arg12 : memref<64x128xf32, #tpu.memory_space<vmem>>) target(%dma_start3A_1147 : memref<64x128xf32, #tpu.memory_space<hbm>>) target_semaphore(%run_scoped3A : memref<!tpu.dma_semaphore, #tpu.memory_space<semaphore_mem>>)
      %dma_wait3A_1148 = arith.constant 0 : i32
      %dma_wait3A_1149 = tpu.memref_slice %arg6[%arg0, %add3A_669, %dma_wait3A_1148] : memref<2x10240x128xf32, #tpu.memory_space<hbm>> -> memref<1x64x128xf32, #tpu.memory_space<hbm>>
      %dma_wait3A_1150 = tpu.memref_squeeze %dma_wait3A_1149 : memref<1x64x128xf32, #tpu.memory_space<hbm>> -> memref<64x128xf32, #tpu.memory_space<hbm>>
      %dma_wait3A_1151 = arith.constant 0 : i32
      %dma_wait3A_1152 = tpu.memref_slice %arg6[%arg0, %add3A_669, %dma_wait3A_1151] : memref<2x10240x128xf32, #tpu.memory_space<hbm>> -> memref<1x64x128xf32, #tpu.memory_space<hbm>>
      %dma_wait3A_1153 = tpu.memref_squeeze %dma_wait3A_1152 : memref<1x64x128xf32, #tpu.memory_space<hbm>> -> memref<64x128xf32, #tpu.memory_space<hbm>>
      tpu.wait_dma2 semaphore(%run_scoped3A : memref<!tpu.dma_semaphore, #tpu.memory_space<semaphore_mem>>) src(%arg12 : memref<64x128xf32, #tpu.memory_space<vmem>>) dst(%dma_wait3A_1153 : memref<64x128xf32, #tpu.memory_space<hbm>>)
      tpu.yield
    }) : () -> ()
    %mul3A_712 = arith.constant 640 : i32
    %mul3A_713 = arith.muli %arg1, %mul3A_712 : i32
    %add3A_714 = arith.constant 128 : i32
    %add3A_715 = arith.addi %mul3A_713, %add3A_714 : i32
    %add3A_716 = arith.constant 0 : i32
    %add3A_717 = arith.addi %add3A_715, %add3A_716 : i32
    %iota3A_718 = tpu.iota {dimensions = array<i32: 0>} : vector<16xi32>
    %add3A_719 = vector.broadcast %add3A_717 : i32 to vector<16xi32>
    %add3A_720 = arith.addi %add3A_719, %iota3A_718 : vector<16xi32>
    %swap3A_721 = arith.constant 0 : index
    %swap3A_722 = tpu.vector_load %arg20[%swap3A_721] {strides = array<i32>} : memref<64xi32, #tpu.memory_space<vmem>>, vector<16xi32>,
    %swap3A_723 = vector.shape_cast %swap3A_722 : vector<16xi32> to vector<16xi32>
    %swap3A_724 = vector.shape_cast %add3A_720 : vector<16xi32> to vector<16xi32>
    tpu.vector_store %arg20[%swap3A_721], %swap3A_724 {strides = array<i32>} : memref<64xi32, #tpu.memory_space<vmem>>, vector<16xi32>,
    %add3A_725 = arith.constant 16 : i32
    %add3A_726 = arith.addi %add3A_715, %add3A_725 : i32
    %iota3A_727 = tpu.iota {dimensions = array<i32: 0>} : vector<16xi32>
    %add3A_728 = vector.broadcast %add3A_726 : i32 to vector<16xi32>
    %add3A_729 = arith.addi %add3A_728, %iota3A_727 : vector<16xi32>
    %swap3A_730 = arith.constant 16 : index
    %swap3A_731 = tpu.vector_load %arg20[%swap3A_730] {strides = array<i32>} : memref<64xi32, #tpu.memory_space<vmem>>, vector<16xi32>,
    %swap3A_732 = vector.shape_cast %swap3A_731 : vector<16xi32> to vector<16xi32>
    %swap3A_733 = vector.shape_cast %add3A_729 : vector<16xi32> to vector<16xi32>
    tpu.vector_store %arg20[%swap3A_730], %swap3A_733 {strides = array<i32>} : memref<64xi32, #tpu.memory_space<vmem>>, vector<16xi32>,
    %add3A_734 = arith.constant 32 : i32
    %add3A_735 = arith.addi %add3A_715, %add3A_734 : i32
    %iota3A_736 = tpu.iota {dimensions = array<i32: 0>} : vector<16xi32>
    %add3A_737 = vector.broadcast %add3A_735 : i32 to vector<16xi32>
    %add3A_738 = arith.addi %add3A_737, %iota3A_736 : vector<16xi32>
    %swap3A_739 = arith.constant 32 : index
    %swap3A_740 = tpu.vector_load %arg20[%swap3A_739] {strides = array<i32>} : memref<64xi32, #tpu.memory_space<vmem>>, vector<16xi32>,
    %swap3A_741 = vector.shape_cast %swap3A_740 : vector<16xi32> to vector<16xi32>
    %swap3A_742 = vector.shape_cast %add3A_738 : vector<16xi32> to vector<16xi32>
    tpu.vector_store %arg20[%swap3A_739], %swap3A_742 {strides = array<i32>} : memref<64xi32, #tpu.memory_space<vmem>>, vector<16xi32>,
    %add3A_743 = arith.constant 48 : i32
    %add3A_744 = arith.addi %add3A_715, %add3A_743 : i32
    %iota3A_745 = tpu.iota {dimensions = array<i32: 0>} : vector<16xi32>
    %add3A_746 = vector.broadcast %add3A_744 : i32 to vector<16xi32>
    %add3A_747 = arith.addi %add3A_746, %iota3A_745 : vector<16xi32>
    %swap3A_748 = arith.constant 48 : index
    %swap3A_749 = tpu.vector_load %arg20[%swap3A_748] {strides = array<i32>} : memref<64xi32, #tpu.memory_space<vmem>>, vector<16xi32>,
    %swap3A_750 = vector.shape_cast %swap3A_749 : vector<16xi32> to vector<16xi32>
    %swap3A_751 = vector.shape_cast %add3A_747 : vector<16xi32> to vector<16xi32>
    tpu.vector_store %arg20[%swap3A_748], %swap3A_751 {strides = array<i32>} : memref<64xi32, #tpu.memory_space<vmem>>, vector<16xi32>,
    %dma_start3A_752 = arith.constant 0 : i32
    %dma_start3A_753 = arith.constant 0 : i32
    %dma_start3A_754 = tpu.memref_slice %arg8[%dma_start3A_752, %dma_start3A_753] : memref<10240x128xf32, #tpu.memory_space<vmem_shared>> -> memref<10240x128xf32, #tpu.memory_space<vmem_shared>>
    tpu.enqueue_indirect_dma source(%dma_start3A_754 : memref<10240x128xf32, #tpu.memory_space<vmem_shared>>) target(%arg12 : memref<64x128xf32, #tpu.memory_space<vmem>>) offsets(%arg20 : memref<64xi32, #tpu.memory_space<vmem>>) semaphore(%arg26 : memref<!tpu.dma_semaphore, #tpu.memory_space<semaphore_mem>>)
    %dma_wait3A_755 = arith.constant 0 : i32
    %dma_wait3A_756 = arith.constant 0 : i32
    %dma_wait3A_757 = tpu.memref_slice %arg8[%dma_wait3A_755, %dma_wait3A_756] : memref<10240x128xf32, #tpu.memory_space<vmem_shared>> -> memref<10240x128xf32, #tpu.memory_space<vmem_shared>>
    tpu.wait_indirect_dma semaphore(%arg26 : memref<!tpu.dma_semaphore, #tpu.memory_space<semaphore_mem>>) src(%dma_wait3A_757 : memref<10240x128xf32, #tpu.memory_space<vmem_shared>>) dst(%arg12 : memref<64x128xf32, #tpu.memory_space<vmem>>)
    "tpu.region"() ({
      %run_scoped3A = tpu.sem_alloc : memref<!tpu.dma_semaphore, #tpu.memory_space<semaphore_mem>>
      %dma_start3A_1142 = arith.constant 0 : i32
      %dma_start3A_1143 = tpu.memref_slice %arg6[%arg0, %add3A_715, %dma_start3A_1142] : memref<2x10240x128xf32, #tpu.memory_space<hbm>> -> memref<1x64x128xf32, #tpu.memory_space<hbm>>
      %dma_start3A_1144 = tpu.memref_squeeze %dma_start3A_1143 : memref<1x64x128xf32, #tpu.memory_space<hbm>> -> memref<64x128xf32, #tpu.memory_space<hbm>>
      %dma_start3A_1145 = arith.constant 0 : i32
      %dma_start3A_1146 = tpu.memref_slice %arg6[%arg0, %add3A_715, %dma_start3A_1145] : memref<2x10240x128xf32, #tpu.memory_space<hbm>> -> memref<1x64x128xf32, #tpu.memory_space<hbm>>
      %dma_start3A_1147 = tpu.memref_squeeze %dma_start3A_1146 : memref<1x64x128xf32, #tpu.memory_space<hbm>> -> memref<64x128xf32, #tpu.memory_space<hbm>>
      tpu.enqueue_dma source(%arg12 : memref<64x128xf32, #tpu.memory_space<vmem>>) target(%dma_start3A_1147 : memref<64x128xf32, #tpu.memory_space<hbm>>) target_semaphore(%run_scoped3A : memref<!tpu.dma_semaphore, #tpu.memory_space<semaphore_mem>>)
      %dma_wait3A_1148 = arith.constant 0 : i32
      %dma_wait3A_1149 = tpu.memref_slice %arg6[%arg0, %add3A_715, %dma_wait3A_1148] : memref<2x10240x128xf32, #tpu.memory_space<hbm>> -> memref<1x64x128xf32, #tpu.memory_space<hbm>>
      %dma_wait3A_1150 = tpu.memref_squeeze %dma_wait3A_1149 : memref<1x64x128xf32, #tpu.memory_space<hbm>> -> memref<64x128xf32, #tpu.memory_space<hbm>>
      %dma_wait3A_1151 = arith.constant 0 : i32
      %dma_wait3A_1152 = tpu.memref_slice %arg6[%arg0, %add3A_715, %dma_wait3A_1151] : memref<2x10240x128xf32, #tpu.memory_space<hbm>> -> memref<1x64x128xf32, #tpu.memory_space<hbm>>
      %dma_wait3A_1153 = tpu.memref_squeeze %dma_wait3A_1152 : memref<1x64x128xf32, #tpu.memory_space<hbm>> -> memref<64x128xf32, #tpu.memory_space<hbm>>
      tpu.wait_dma2 semaphore(%run_scoped3A : memref<!tpu.dma_semaphore, #tpu.memory_space<semaphore_mem>>) src(%arg12 : memref<64x128xf32, #tpu.memory_space<vmem>>) dst(%dma_wait3A_1153 : memref<64x128xf32, #tpu.memory_space<hbm>>)
      tpu.yield
    }) : () -> ()
    %mul3A_758 = arith.constant 640 : i32
    %mul3A_759 = arith.muli %arg1, %mul3A_758 : i32
    %add3A_760 = arith.constant 192 : i32
    %add3A_761 = arith.addi %mul3A_759, %add3A_760 : i32
    %add3A_762 = arith.constant 0 : i32
    %add3A_763 = arith.addi %add3A_761, %add3A_762 : i32
    %iota3A_764 = tpu.iota {dimensions = array<i32: 0>} : vector<16xi32>
    %add3A_765 = vector.broadcast %add3A_763 : i32 to vector<16xi32>
    %add3A_766 = arith.addi %add3A_765, %iota3A_764 : vector<16xi32>
    %swap3A_767 = arith.constant 0 : index
    %swap3A_768 = tpu.vector_load %arg20[%swap3A_767] {strides = array<i32>} : memref<64xi32, #tpu.memory_space<vmem>>, vector<16xi32>,
    %swap3A_769 = vector.shape_cast %swap3A_768 : vector<16xi32> to vector<16xi32>
    %swap3A_770 = vector.shape_cast %add3A_766 : vector<16xi32> to vector<16xi32>
    tpu.vector_store %arg20[%swap3A_767], %swap3A_770 {strides = array<i32>} : memref<64xi32, #tpu.memory_space<vmem>>, vector<16xi32>,
    %add3A_771 = arith.constant 16 : i32
    %add3A_772 = arith.addi %add3A_761, %add3A_771 : i32
    %iota3A_773 = tpu.iota {dimensions = array<i32: 0>} : vector<16xi32>
    %add3A_774 = vector.broadcast %add3A_772 : i32 to vector<16xi32>
    %add3A_775 = arith.addi %add3A_774, %iota3A_773 : vector<16xi32>
    %swap3A_776 = arith.constant 16 : index
    %swap3A_777 = tpu.vector_load %arg20[%swap3A_776] {strides = array<i32>} : memref<64xi32, #tpu.memory_space<vmem>>, vector<16xi32>,
    %swap3A_778 = vector.shape_cast %swap3A_777 : vector<16xi32> to vector<16xi32>
    %swap3A_779 = vector.shape_cast %add3A_775 : vector<16xi32> to vector<16xi32>
    tpu.vector_store %arg20[%swap3A_776], %swap3A_779 {strides = array<i32>} : memref<64xi32, #tpu.memory_space<vmem>>, vector<16xi32>,
    %add3A_780 = arith.constant 32 : i32
    %add3A_781 = arith.addi %add3A_761, %add3A_780 : i32
    %iota3A_782 = tpu.iota {dimensions = array<i32: 0>} : vector<16xi32>
    %add3A_783 = vector.broadcast %add3A_781 : i32 to vector<16xi32>
    %add3A_784 = arith.addi %add3A_783, %iota3A_782 : vector<16xi32>
    %swap3A_785 = arith.constant 32 : index
    %swap3A_786 = tpu.vector_load %arg20[%swap3A_785] {strides = array<i32>} : memref<64xi32, #tpu.memory_space<vmem>>, vector<16xi32>,
    %swap3A_787 = vector.shape_cast %swap3A_786 : vector<16xi32> to vector<16xi32>
    %swap3A_788 = vector.shape_cast %add3A_784 : vector<16xi32> to vector<16xi32>
    tpu.vector_store %arg20[%swap3A_785], %swap3A_788 {strides = array<i32>} : memref<64xi32, #tpu.memory_space<vmem>>, vector<16xi32>,
    %add3A_789 = arith.constant 48 : i32
    %add3A_790 = arith.addi %add3A_761, %add3A_789 : i32
    %iota3A_791 = tpu.iota {dimensions = array<i32: 0>} : vector<16xi32>
    %add3A_792 = vector.broadcast %add3A_790 : i32 to vector<16xi32>
    %add3A_793 = arith.addi %add3A_792, %iota3A_791 : vector<16xi32>
    %swap3A_794 = arith.constant 48 : index
    %swap3A_795 = tpu.vector_load %arg20[%swap3A_794] {strides = array<i32>} : memref<64xi32, #tpu.memory_space<vmem>>, vector<16xi32>,
    %swap3A_796 = vector.shape_cast %swap3A_795 : vector<16xi32> to vector<16xi32>
    %swap3A_797 = vector.shape_cast %add3A_793 : vector<16xi32> to vector<16xi32>
    tpu.vector_store %arg20[%swap3A_794], %swap3A_797 {strides = array<i32>} : memref<64xi32, #tpu.memory_space<vmem>>, vector<16xi32>,
    %dma_start3A_798 = arith.constant 0 : i32
    %dma_start3A_799 = arith.constant 0 : i32
    %dma_start3A_800 = tpu.memref_slice %arg8[%dma_start3A_798, %dma_start3A_799] : memref<10240x128xf32, #tpu.memory_space<vmem_shared>> -> memref<10240x128xf32, #tpu.memory_space<vmem_shared>>
    tpu.enqueue_indirect_dma source(%dma_start3A_800 : memref<10240x128xf32, #tpu.memory_space<vmem_shared>>) target(%arg12 : memref<64x128xf32, #tpu.memory_space<vmem>>) offsets(%arg20 : memref<64xi32, #tpu.memory_space<vmem>>) semaphore(%arg26 : memref<!tpu.dma_semaphore, #tpu.memory_space<semaphore_mem>>)
    %dma_wait3A_801 = arith.constant 0 : i32
    %dma_wait3A_802 = arith.constant 0 : i32
    %dma_wait3A_803 = tpu.memref_slice %arg8[%dma_wait3A_801, %dma_wait3A_802] : memref<10240x128xf32, #tpu.memory_space<vmem_shared>> -> memref<10240x128xf32, #tpu.memory_space<vmem_shared>>
    tpu.wait_indirect_dma semaphore(%arg26 : memref<!tpu.dma_semaphore, #tpu.memory_space<semaphore_mem>>) src(%dma_wait3A_803 : memref<10240x128xf32, #tpu.memory_space<vmem_shared>>) dst(%arg12 : memref<64x128xf32, #tpu.memory_space<vmem>>)
    "tpu.region"() ({
      %run_scoped3A = tpu.sem_alloc : memref<!tpu.dma_semaphore, #tpu.memory_space<semaphore_mem>>
      %dma_start3A_1142 = arith.constant 0 : i32
      %dma_start3A_1143 = tpu.memref_slice %arg6[%arg0, %add3A_761, %dma_start3A_1142] : memref<2x10240x128xf32, #tpu.memory_space<hbm>> -> memref<1x64x128xf32, #tpu.memory_space<hbm>>
      %dma_start3A_1144 = tpu.memref_squeeze %dma_start3A_1143 : memref<1x64x128xf32, #tpu.memory_space<hbm>> -> memref<64x128xf32, #tpu.memory_space<hbm>>
      %dma_start3A_1145 = arith.constant 0 : i32
      %dma_start3A_1146 = tpu.memref_slice %arg6[%arg0, %add3A_761, %dma_start3A_1145] : memref<2x10240x128xf32, #tpu.memory_space<hbm>> -> memref<1x64x128xf32, #tpu.memory_space<hbm>>
      %dma_start3A_1147 = tpu.memref_squeeze %dma_start3A_1146 : memref<1x64x128xf32, #tpu.memory_space<hbm>> -> memref<64x128xf32, #tpu.memory_space<hbm>>
      tpu.enqueue_dma source(%arg12 : memref<64x128xf32, #tpu.memory_space<vmem>>) target(%dma_start3A_1147 : memref<64x128xf32, #tpu.memory_space<hbm>>) target_semaphore(%run_scoped3A : memref<!tpu.dma_semaphore, #tpu.memory_space<semaphore_mem>>)
      %dma_wait3A_1148 = arith.constant 0 : i32
      %dma_wait3A_1149 = tpu.memref_slice %arg6[%arg0, %add3A_761, %dma_wait3A_1148] : memref<2x10240x128xf32, #tpu.memory_space<hbm>> -> memref<1x64x128xf32, #tpu.memory_space<hbm>>
      %dma_wait3A_1150 = tpu.memref_squeeze %dma_wait3A_1149 : memref<1x64x128xf32, #tpu.memory_space<hbm>> -> memref<64x128xf32, #tpu.memory_space<hbm>>
      %dma_wait3A_1151 = arith.constant 0 : i32
      %dma_wait3A_1152 = tpu.memref_slice %arg6[%arg0, %add3A_761, %dma_wait3A_1151] : memref<2x10240x128xf32, #tpu.memory_space<hbm>> -> memref<1x64x128xf32, #tpu.memory_space<hbm>>
      %dma_wait3A_1153 = tpu.memref_squeeze %dma_wait3A_1152 : memref<1x64x128xf32, #tpu.memory_space<hbm>> -> memref<64x128xf32, #tpu.memory_space<hbm>>
      tpu.wait_dma2 semaphore(%run_scoped3A : memref<!tpu.dma_semaphore, #tpu.memory_space<semaphore_mem>>) src(%arg12 : memref<64x128xf32, #tpu.memory_space<vmem>>) dst(%dma_wait3A_1153 : memref<64x128xf32, #tpu.memory_space<hbm>>)
      tpu.yield
    }) : () -> ()
    %mul3A_804 = arith.constant 640 : i32
    %mul3A_805 = arith.muli %arg1, %mul3A_804 : i32
    %add3A_806 = arith.constant 256 : i32
    %add3A_807 = arith.addi %mul3A_805, %add3A_806 : i32
    %add3A_808 = arith.constant 0 : i32
    %add3A_809 = arith.addi %add3A_807, %add3A_808 : i32
    %iota3A_810 = tpu.iota {dimensions = array<i32: 0>} : vector<16xi32>
    %add3A_811 = vector.broadcast %add3A_809 : i32 to vector<16xi32>
    %add3A_812 = arith.addi %add3A_811, %iota3A_810 : vector<16xi32>
    %swap3A_813 = arith.constant 0 : index
    %swap3A_814 = tpu.vector_load %arg20[%swap3A_813] {strides = array<i32>} : memref<64xi32, #tpu.memory_space<vmem>>, vector<16xi32>,
    %swap3A_815 = vector.shape_cast %swap3A_814 : vector<16xi32> to vector<16xi32>
    %swap3A_816 = vector.shape_cast %add3A_812 : vector<16xi32> to vector<16xi32>
    tpu.vector_store %arg20[%swap3A_813], %swap3A_816 {strides = array<i32>} : memref<64xi32, #tpu.memory_space<vmem>>, vector<16xi32>,
    %add3A_817 = arith.constant 16 : i32
    %add3A_818 = arith.addi %add3A_807, %add3A_817 : i32
    %iota3A_819 = tpu.iota {dimensions = array<i32: 0>} : vector<16xi32>
    %add3A_820 = vector.broadcast %add3A_818 : i32 to vector<16xi32>
    %add3A_821 = arith.addi %add3A_820, %iota3A_819 : vector<16xi32>
    %swap3A_822 = arith.constant 16 : index
    %swap3A_823 = tpu.vector_load %arg20[%swap3A_822] {strides = array<i32>} : memref<64xi32, #tpu.memory_space<vmem>>, vector<16xi32>,
    %swap3A_824 = vector.shape_cast %swap3A_823 : vector<16xi32> to vector<16xi32>
    %swap3A_825 = vector.shape_cast %add3A_821 : vector<16xi32> to vector<16xi32>
    tpu.vector_store %arg20[%swap3A_822], %swap3A_825 {strides = array<i32>} : memref<64xi32, #tpu.memory_space<vmem>>, vector<16xi32>,
    %add3A_826 = arith.constant 32 : i32
    %add3A_827 = arith.addi %add3A_807, %add3A_826 : i32
    %iota3A_828 = tpu.iota {dimensions = array<i32: 0>} : vector<16xi32>
    %add3A_829 = vector.broadcast %add3A_827 : i32 to vector<16xi32>
    %add3A_830 = arith.addi %add3A_829, %iota3A_828 : vector<16xi32>
    %swap3A_831 = arith.constant 32 : index
    %swap3A_832 = tpu.vector_load %arg20[%swap3A_831] {strides = array<i32>} : memref<64xi32, #tpu.memory_space<vmem>>, vector<16xi32>,
    %swap3A_833 = vector.shape_cast %swap3A_832 : vector<16xi32> to vector<16xi32>
    %swap3A_834 = vector.shape_cast %add3A_830 : vector<16xi32> to vector<16xi32>
    tpu.vector_store %arg20[%swap3A_831], %swap3A_834 {strides = array<i32>} : memref<64xi32, #tpu.memory_space<vmem>>, vector<16xi32>,
    %add3A_835 = arith.constant 48 : i32
    %add3A_836 = arith.addi %add3A_807, %add3A_835 : i32
    %iota3A_837 = tpu.iota {dimensions = array<i32: 0>} : vector<16xi32>
    %add3A_838 = vector.broadcast %add3A_836 : i32 to vector<16xi32>
    %add3A_839 = arith.addi %add3A_838, %iota3A_837 : vector<16xi32>
    %swap3A_840 = arith.constant 48 : index
    %swap3A_841 = tpu.vector_load %arg20[%swap3A_840] {strides = array<i32>} : memref<64xi32, #tpu.memory_space<vmem>>, vector<16xi32>,
    %swap3A_842 = vector.shape_cast %swap3A_841 : vector<16xi32> to vector<16xi32>
    %swap3A_843 = vector.shape_cast %add3A_839 : vector<16xi32> to vector<16xi32>
    tpu.vector_store %arg20[%swap3A_840], %swap3A_843 {strides = array<i32>} : memref<64xi32, #tpu.memory_space<vmem>>, vector<16xi32>,
    %dma_start3A_844 = arith.constant 0 : i32
    %dma_start3A_845 = arith.constant 0 : i32
    %dma_start3A_846 = tpu.memref_slice %arg8[%dma_start3A_844, %dma_start3A_845] : memref<10240x128xf32, #tpu.memory_space<vmem_shared>> -> memref<10240x128xf32, #tpu.memory_space<vmem_shared>>
    tpu.enqueue_indirect_dma source(%dma_start3A_846 : memref<10240x128xf32, #tpu.memory_space<vmem_shared>>) target(%arg12 : memref<64x128xf32, #tpu.memory_space<vmem>>) offsets(%arg20 : memref<64xi32, #tpu.memory_space<vmem>>) semaphore(%arg26 : memref<!tpu.dma_semaphore, #tpu.memory_space<semaphore_mem>>)
    %dma_wait3A_847 = arith.constant 0 : i32
    %dma_wait3A_848 = arith.constant 0 : i32
    %dma_wait3A_849 = tpu.memref_slice %arg8[%dma_wait3A_847, %dma_wait3A_848] : memref<10240x128xf32, #tpu.memory_space<vmem_shared>> -> memref<10240x128xf32, #tpu.memory_space<vmem_shared>>
    tpu.wait_indirect_dma semaphore(%arg26 : memref<!tpu.dma_semaphore, #tpu.memory_space<semaphore_mem>>) src(%dma_wait3A_849 : memref<10240x128xf32, #tpu.memory_space<vmem_shared>>) dst(%arg12 : memref<64x128xf32, #tpu.memory_space<vmem>>)
    "tpu.region"() ({
      %run_scoped3A = tpu.sem_alloc : memref<!tpu.dma_semaphore, #tpu.memory_space<semaphore_mem>>
      %dma_start3A_1142 = arith.constant 0 : i32
      %dma_start3A_1143 = tpu.memref_slice %arg6[%arg0, %add3A_807, %dma_start3A_1142] : memref<2x10240x128xf32, #tpu.memory_space<hbm>> -> memref<1x64x128xf32, #tpu.memory_space<hbm>>
      %dma_start3A_1144 = tpu.memref_squeeze %dma_start3A_1143 : memref<1x64x128xf32, #tpu.memory_space<hbm>> -> memref<64x128xf32, #tpu.memory_space<hbm>>
      %dma_start3A_1145 = arith.constant 0 : i32
      %dma_start3A_1146 = tpu.memref_slice %arg6[%arg0, %add3A_807, %dma_start3A_1145] : memref<2x10240x128xf32, #tpu.memory_space<hbm>> -> memref<1x64x128xf32, #tpu.memory_space<hbm>>
      %dma_start3A_1147 = tpu.memref_squeeze %dma_start3A_1146 : memref<1x64x128xf32, #tpu.memory_space<hbm>> -> memref<64x128xf32, #tpu.memory_space<hbm>>
      tpu.enqueue_dma source(%arg12 : memref<64x128xf32, #tpu.memory_space<vmem>>) target(%dma_start3A_1147 : memref<64x128xf32, #tpu.memory_space<hbm>>) target_semaphore(%run_scoped3A : memref<!tpu.dma_semaphore, #tpu.memory_space<semaphore_mem>>)
      %dma_wait3A_1148 = arith.constant 0 : i32
      %dma_wait3A_1149 = tpu.memref_slice %arg6[%arg0, %add3A_807, %dma_wait3A_1148] : memref<2x10240x128xf32, #tpu.memory_space<hbm>> -> memref<1x64x128xf32, #tpu.memory_space<hbm>>
      %dma_wait3A_1150 = tpu.memref_squeeze %dma_wait3A_1149 : memref<1x64x128xf32, #tpu.memory_space<hbm>> -> memref<64x128xf32, #tpu.memory_space<hbm>>
      %dma_wait3A_1151 = arith.constant 0 : i32
      %dma_wait3A_1152 = tpu.memref_slice %arg6[%arg0, %add3A_807, %dma_wait3A_1151] : memref<2x10240x128xf32, #tpu.memory_space<hbm>> -> memref<1x64x128xf32, #tpu.memory_space<hbm>>
      %dma_wait3A_1153 = tpu.memref_squeeze %dma_wait3A_1152 : memref<1x64x128xf32, #tpu.memory_space<hbm>> -> memref<64x128xf32, #tpu.memory_space<hbm>>
      tpu.wait_dma2 semaphore(%run_scoped3A : memref<!tpu.dma_semaphore, #tpu.memory_space<semaphore_mem>>) src(%arg12 : memref<64x128xf32, #tpu.memory_space<vmem>>) dst(%dma_wait3A_1153 : memref<64x128xf32, #tpu.memory_space<hbm>>)
      tpu.yield
    }) : () -> ()
    %mul3A_850 = arith.constant 640 : i32
    %mul3A_851 = arith.muli %arg1, %mul3A_850 : i32
    %add3A_852 = arith.constant 320 : i32
    %add3A_853 = arith.addi %mul3A_851, %add3A_852 : i32
    %add3A_854 = arith.constant 0 : i32
    %add3A_855 = arith.addi %add3A_853, %add3A_854 : i32
    %iota3A_856 = tpu.iota {dimensions = array<i32: 0>} : vector<16xi32>
    %add3A_857 = vector.broadcast %add3A_855 : i32 to vector<16xi32>
    %add3A_858 = arith.addi %add3A_857, %iota3A_856 : vector<16xi32>
    %swap3A_859 = arith.constant 0 : index
    %swap3A_860 = tpu.vector_load %arg20[%swap3A_859] {strides = array<i32>} : memref<64xi32, #tpu.memory_space<vmem>>, vector<16xi32>,
    %swap3A_861 = vector.shape_cast %swap3A_860 : vector<16xi32> to vector<16xi32>
    %swap3A_862 = vector.shape_cast %add3A_858 : vector<16xi32> to vector<16xi32>
    tpu.vector_store %arg20[%swap3A_859], %swap3A_862 {strides = array<i32>} : memref<64xi32, #tpu.memory_space<vmem>>, vector<16xi32>,
    %add3A_863 = arith.constant 16 : i32
    %add3A_864 = arith.addi %add3A_853, %add3A_863 : i32
    %iota3A_865 = tpu.iota {dimensions = array<i32: 0>} : vector<16xi32>
    %add3A_866 = vector.broadcast %add3A_864 : i32 to vector<16xi32>
    %add3A_867 = arith.addi %add3A_866, %iota3A_865 : vector<16xi32>
    %swap3A_868 = arith.constant 16 : index
    %swap3A_869 = tpu.vector_load %arg20[%swap3A_868] {strides = array<i32>} : memref<64xi32, #tpu.memory_space<vmem>>, vector<16xi32>,
    %swap3A_870 = vector.shape_cast %swap3A_869 : vector<16xi32> to vector<16xi32>
    %swap3A_871 = vector.shape_cast %add3A_867 : vector<16xi32> to vector<16xi32>
    tpu.vector_store %arg20[%swap3A_868], %swap3A_871 {strides = array<i32>} : memref<64xi32, #tpu.memory_space<vmem>>, vector<16xi32>,
    %add3A_872 = arith.constant 32 : i32
    %add3A_873 = arith.addi %add3A_853, %add3A_872 : i32
    %iota3A_874 = tpu.iota {dimensions = array<i32: 0>} : vector<16xi32>
    %add3A_875 = vector.broadcast %add3A_873 : i32 to vector<16xi32>
    %add3A_876 = arith.addi %add3A_875, %iota3A_874 : vector<16xi32>
    %swap3A_877 = arith.constant 32 : index
    %swap3A_878 = tpu.vector_load %arg20[%swap3A_877] {strides = array<i32>} : memref<64xi32, #tpu.memory_space<vmem>>, vector<16xi32>,
    %swap3A_879 = vector.shape_cast %swap3A_878 : vector<16xi32> to vector<16xi32>
    %swap3A_880 = vector.shape_cast %add3A_876 : vector<16xi32> to vector<16xi32>
    tpu.vector_store %arg20[%swap3A_877], %swap3A_880 {strides = array<i32>} : memref<64xi32, #tpu.memory_space<vmem>>, vector<16xi32>,
    %add3A_881 = arith.constant 48 : i32
    %add3A_882 = arith.addi %add3A_853, %add3A_881 : i32
    %iota3A_883 = tpu.iota {dimensions = array<i32: 0>} : vector<16xi32>
    %add3A_884 = vector.broadcast %add3A_882 : i32 to vector<16xi32>
    %add3A_885 = arith.addi %add3A_884, %iota3A_883 : vector<16xi32>
    %swap3A_886 = arith.constant 48 : index
    %swap3A_887 = tpu.vector_load %arg20[%swap3A_886] {strides = array<i32>} : memref<64xi32, #tpu.memory_space<vmem>>, vector<16xi32>,
    %swap3A_888 = vector.shape_cast %swap3A_887 : vector<16xi32> to vector<16xi32>
    %swap3A_889 = vector.shape_cast %add3A_885 : vector<16xi32> to vector<16xi32>
    tpu.vector_store %arg20[%swap3A_886], %swap3A_889 {strides = array<i32>} : memref<64xi32, #tpu.memory_space<vmem>>, vector<16xi32>,
    %dma_start3A_890 = arith.constant 0 : i32
    %dma_start3A_891 = arith.constant 0 : i32
    %dma_start3A_892 = tpu.memref_slice %arg8[%dma_start3A_890, %dma_start3A_891] : memref<10240x128xf32, #tpu.memory_space<vmem_shared>> -> memref<10240x128xf32, #tpu.memory_space<vmem_shared>>
    tpu.enqueue_indirect_dma source(%dma_start3A_892 : memref<10240x128xf32, #tpu.memory_space<vmem_shared>>) target(%arg12 : memref<64x128xf32, #tpu.memory_space<vmem>>) offsets(%arg20 : memref<64xi32, #tpu.memory_space<vmem>>) semaphore(%arg26 : memref<!tpu.dma_semaphore, #tpu.memory_space<semaphore_mem>>)
    %dma_wait3A_893 = arith.constant 0 : i32
    %dma_wait3A_894 = arith.constant 0 : i32
    %dma_wait3A_895 = tpu.memref_slice %arg8[%dma_wait3A_893, %dma_wait3A_894] : memref<10240x128xf32, #tpu.memory_space<vmem_shared>> -> memref<10240x128xf32, #tpu.memory_space<vmem_shared>>
    tpu.wait_indirect_dma semaphore(%arg26 : memref<!tpu.dma_semaphore, #tpu.memory_space<semaphore_mem>>) src(%dma_wait3A_895 : memref<10240x128xf32, #tpu.memory_space<vmem_shared>>) dst(%arg12 : memref<64x128xf32, #tpu.memory_space<vmem>>)
    "tpu.region"() ({
      %run_scoped3A = tpu.sem_alloc : memref<!tpu.dma_semaphore, #tpu.memory_space<semaphore_mem>>
      %dma_start3A_1142 = arith.constant 0 : i32
      %dma_start3A_1143 = tpu.memref_slice %arg6[%arg0, %add3A_853, %dma_start3A_1142] : memref<2x10240x128xf32, #tpu.memory_space<hbm>> -> memref<1x64x128xf32, #tpu.memory_space<hbm>>
      %dma_start3A_1144 = tpu.memref_squeeze %dma_start3A_1143 : memref<1x64x128xf32, #tpu.memory_space<hbm>> -> memref<64x128xf32, #tpu.memory_space<hbm>>
      %dma_start3A_1145 = arith.constant 0 : i32
      %dma_start3A_1146 = tpu.memref_slice %arg6[%arg0, %add3A_853, %dma_start3A_1145] : memref<2x10240x128xf32, #tpu.memory_space<hbm>> -> memref<1x64x128xf32, #tpu.memory_space<hbm>>
      %dma_start3A_1147 = tpu.memref_squeeze %dma_start3A_1146 : memref<1x64x128xf32, #tpu.memory_space<hbm>> -> memref<64x128xf32, #tpu.memory_space<hbm>>
      tpu.enqueue_dma source(%arg12 : memref<64x128xf32, #tpu.memory_space<vmem>>) target(%dma_start3A_1147 : memref<64x128xf32, #tpu.memory_space<hbm>>) target_semaphore(%run_scoped3A : memref<!tpu.dma_semaphore, #tpu.memory_space<semaphore_mem>>)
      %dma_wait3A_1148 = arith.constant 0 : i32
      %dma_wait3A_1149 = tpu.memref_slice %arg6[%arg0, %add3A_853, %dma_wait3A_1148] : memref<2x10240x128xf32, #tpu.memory_space<hbm>> -> memref<1x64x128xf32, #tpu.memory_space<hbm>>
      %dma_wait3A_1150 = tpu.memref_squeeze %dma_wait3A_1149 : memref<1x64x128xf32, #tpu.memory_space<hbm>> -> memref<64x128xf32, #tpu.memory_space<hbm>>
      %dma_wait3A_1151 = arith.constant 0 : i32
      %dma_wait3A_1152 = tpu.memref_slice %arg6[%arg0, %add3A_853, %dma_wait3A_1151] : memref<2x10240x128xf32, #tpu.memory_space<hbm>> -> memref<1x64x128xf32, #tpu.memory_space<hbm>>
      %dma_wait3A_1153 = tpu.memref_squeeze %dma_wait3A_1152 : memref<1x64x128xf32, #tpu.memory_space<hbm>> -> memref<64x128xf32, #tpu.memory_space<hbm>>
      tpu.wait_dma2 semaphore(%run_scoped3A : memref<!tpu.dma_semaphore, #tpu.memory_space<semaphore_mem>>) src(%arg12 : memref<64x128xf32, #tpu.memory_space<vmem>>) dst(%dma_wait3A_1153 : memref<64x128xf32, #tpu.memory_space<hbm>>)
      tpu.yield
    }) : () -> ()
    %mul3A_896 = arith.constant 640 : i32
    %mul3A_897 = arith.muli %arg1, %mul3A_896 : i32
    %add3A_898 = arith.constant 384 : i32
    %add3A_899 = arith.addi %mul3A_897, %add3A_898 : i32
    %add3A_900 = arith.constant 0 : i32
    %add3A_901 = arith.addi %add3A_899, %add3A_900 : i32
    %iota3A_902 = tpu.iota {dimensions = array<i32: 0>} : vector<16xi32>
    %add3A_903 = vector.broadcast %add3A_901 : i32 to vector<16xi32>
    %add3A_904 = arith.addi %add3A_903, %iota3A_902 : vector<16xi32>
    %swap3A_905 = arith.constant 0 : index
    %swap3A_906 = tpu.vector_load %arg20[%swap3A_905] {strides = array<i32>} : memref<64xi32, #tpu.memory_space<vmem>>, vector<16xi32>,
    %swap3A_907 = vector.shape_cast %swap3A_906 : vector<16xi32> to vector<16xi32>
    %swap3A_908 = vector.shape_cast %add3A_904 : vector<16xi32> to vector<16xi32>
    tpu.vector_store %arg20[%swap3A_905], %swap3A_908 {strides = array<i32>} : memref<64xi32, #tpu.memory_space<vmem>>, vector<16xi32>,
    %add3A_909 = arith.constant 16 : i32
    %add3A_910 = arith.addi %add3A_899, %add3A_909 : i32
    %iota3A_911 = tpu.iota {dimensions = array<i32: 0>} : vector<16xi32>
    %add3A_912 = vector.broadcast %add3A_910 : i32 to vector<16xi32>
    %add3A_913 = arith.addi %add3A_912, %iota3A_911 : vector<16xi32>
    %swap3A_914 = arith.constant 16 : index
    %swap3A_915 = tpu.vector_load %arg20[%swap3A_914] {strides = array<i32>} : memref<64xi32, #tpu.memory_space<vmem>>, vector<16xi32>,
    %swap3A_916 = vector.shape_cast %swap3A_915 : vector<16xi32> to vector<16xi32>
    %swap3A_917 = vector.shape_cast %add3A_913 : vector<16xi32> to vector<16xi32>
    tpu.vector_store %arg20[%swap3A_914], %swap3A_917 {strides = array<i32>} : memref<64xi32, #tpu.memory_space<vmem>>, vector<16xi32>,
    %add3A_918 = arith.constant 32 : i32
    %add3A_919 = arith.addi %add3A_899, %add3A_918 : i32
    %iota3A_920 = tpu.iota {dimensions = array<i32: 0>} : vector<16xi32>
    %add3A_921 = vector.broadcast %add3A_919 : i32 to vector<16xi32>
    %add3A_922 = arith.addi %add3A_921, %iota3A_920 : vector<16xi32>
    %swap3A_923 = arith.constant 32 : index
    %swap3A_924 = tpu.vector_load %arg20[%swap3A_923] {strides = array<i32>} : memref<64xi32, #tpu.memory_space<vmem>>, vector<16xi32>,
    %swap3A_925 = vector.shape_cast %swap3A_924 : vector<16xi32> to vector<16xi32>
    %swap3A_926 = vector.shape_cast %add3A_922 : vector<16xi32> to vector<16xi32>
    tpu.vector_store %arg20[%swap3A_923], %swap3A_926 {strides = array<i32>} : memref<64xi32, #tpu.memory_space<vmem>>, vector<16xi32>,
    %add3A_927 = arith.constant 48 : i32
    %add3A_928 = arith.addi %add3A_899, %add3A_927 : i32
    %iota3A_929 = tpu.iota {dimensions = array<i32: 0>} : vector<16xi32>
    %add3A_930 = vector.broadcast %add3A_928 : i32 to vector<16xi32>
    %add3A_931 = arith.addi %add3A_930, %iota3A_929 : vector<16xi32>
    %swap3A_932 = arith.constant 48 : index
    %swap3A_933 = tpu.vector_load %arg20[%swap3A_932] {strides = array<i32>} : memref<64xi32, #tpu.memory_space<vmem>>, vector<16xi32>,
    %swap3A_934 = vector.shape_cast %swap3A_933 : vector<16xi32> to vector<16xi32>
    %swap3A_935 = vector.shape_cast %add3A_931 : vector<16xi32> to vector<16xi32>
    tpu.vector_store %arg20[%swap3A_932], %swap3A_935 {strides = array<i32>} : memref<64xi32, #tpu.memory_space<vmem>>, vector<16xi32>,
    %dma_start3A_936 = arith.constant 0 : i32
    %dma_start3A_937 = arith.constant 0 : i32
    %dma_start3A_938 = tpu.memref_slice %arg8[%dma_start3A_936, %dma_start3A_937] : memref<10240x128xf32, #tpu.memory_space<vmem_shared>> -> memref<10240x128xf32, #tpu.memory_space<vmem_shared>>
    tpu.enqueue_indirect_dma source(%dma_start3A_938 : memref<10240x128xf32, #tpu.memory_space<vmem_shared>>) target(%arg12 : memref<64x128xf32, #tpu.memory_space<vmem>>) offsets(%arg20 : memref<64xi32, #tpu.memory_space<vmem>>) semaphore(%arg26 : memref<!tpu.dma_semaphore, #tpu.memory_space<semaphore_mem>>)
    %dma_wait3A_939 = arith.constant 0 : i32
    %dma_wait3A_940 = arith.constant 0 : i32
    %dma_wait3A_941 = tpu.memref_slice %arg8[%dma_wait3A_939, %dma_wait3A_940] : memref<10240x128xf32, #tpu.memory_space<vmem_shared>> -> memref<10240x128xf32, #tpu.memory_space<vmem_shared>>
    tpu.wait_indirect_dma semaphore(%arg26 : memref<!tpu.dma_semaphore, #tpu.memory_space<semaphore_mem>>) src(%dma_wait3A_941 : memref<10240x128xf32, #tpu.memory_space<vmem_shared>>) dst(%arg12 : memref<64x128xf32, #tpu.memory_space<vmem>>)
    "tpu.region"() ({
      %run_scoped3A = tpu.sem_alloc : memref<!tpu.dma_semaphore, #tpu.memory_space<semaphore_mem>>
      %dma_start3A_1142 = arith.constant 0 : i32
      %dma_start3A_1143 = tpu.memref_slice %arg6[%arg0, %add3A_899, %dma_start3A_1142] : memref<2x10240x128xf32, #tpu.memory_space<hbm>> -> memref<1x64x128xf32, #tpu.memory_space<hbm>>
      %dma_start3A_1144 = tpu.memref_squeeze %dma_start3A_1143 : memref<1x64x128xf32, #tpu.memory_space<hbm>> -> memref<64x128xf32, #tpu.memory_space<hbm>>
      %dma_start3A_1145 = arith.constant 0 : i32
      %dma_start3A_1146 = tpu.memref_slice %arg6[%arg0, %add3A_899, %dma_start3A_1145] : memref<2x10240x128xf32, #tpu.memory_space<hbm>> -> memref<1x64x128xf32, #tpu.memory_space<hbm>>
      %dma_start3A_1147 = tpu.memref_squeeze %dma_start3A_1146 : memref<1x64x128xf32, #tpu.memory_space<hbm>> -> memref<64x128xf32, #tpu.memory_space<hbm>>
      tpu.enqueue_dma source(%arg12 : memref<64x128xf32, #tpu.memory_space<vmem>>) target(%dma_start3A_1147 : memref<64x128xf32, #tpu.memory_space<hbm>>) target_semaphore(%run_scoped3A : memref<!tpu.dma_semaphore, #tpu.memory_space<semaphore_mem>>)
      %dma_wait3A_1148 = arith.constant 0 : i32
      %dma_wait3A_1149 = tpu.memref_slice %arg6[%arg0, %add3A_899, %dma_wait3A_1148] : memref<2x10240x128xf32, #tpu.memory_space<hbm>> -> memref<1x64x128xf32, #tpu.memory_space<hbm>>
      %dma_wait3A_1150 = tpu.memref_squeeze %dma_wait3A_1149 : memref<1x64x128xf32, #tpu.memory_space<hbm>> -> memref<64x128xf32, #tpu.memory_space<hbm>>
      %dma_wait3A_1151 = arith.constant 0 : i32
      %dma_wait3A_1152 = tpu.memref_slice %arg6[%arg0, %add3A_899, %dma_wait3A_1151] : memref<2x10240x128xf32, #tpu.memory_space<hbm>> -> memref<1x64x128xf32, #tpu.memory_space<hbm>>
      %dma_wait3A_1153 = tpu.memref_squeeze %dma_wait3A_1152 : memref<1x64x128xf32, #tpu.memory_space<hbm>> -> memref<64x128xf32, #tpu.memory_space<hbm>>
      tpu.wait_dma2 semaphore(%run_scoped3A : memref<!tpu.dma_semaphore, #tpu.memory_space<semaphore_mem>>) src(%arg12 : memref<64x128xf32, #tpu.memory_space<vmem>>) dst(%dma_wait3A_1153 : memref<64x128xf32, #tpu.memory_space<hbm>>)
      tpu.yield
    }) : () -> ()
    %mul3A_942 = arith.constant 640 : i32
    %mul3A_943 = arith.muli %arg1, %mul3A_942 : i32
    %add3A_944 = arith.constant 448 : i32
    %add3A_945 = arith.addi %mul3A_943, %add3A_944 : i32
    %add3A_946 = arith.constant 0 : i32
    %add3A_947 = arith.addi %add3A_945, %add3A_946 : i32
    %iota3A_948 = tpu.iota {dimensions = array<i32: 0>} : vector<16xi32>
    %add3A_949 = vector.broadcast %add3A_947 : i32 to vector<16xi32>
    %add3A_950 = arith.addi %add3A_949, %iota3A_948 : vector<16xi32>
    %swap3A_951 = arith.constant 0 : index
    %swap3A_952 = tpu.vector_load %arg20[%swap3A_951] {strides = array<i32>} : memref<64xi32, #tpu.memory_space<vmem>>, vector<16xi32>,
    %swap3A_953 = vector.shape_cast %swap3A_952 : vector<16xi32> to vector<16xi32>
    %swap3A_954 = vector.shape_cast %add3A_950 : vector<16xi32> to vector<16xi32>
    tpu.vector_store %arg20[%swap3A_951], %swap3A_954 {strides = array<i32>} : memref<64xi32, #tpu.memory_space<vmem>>, vector<16xi32>,
    %add3A_955 = arith.constant 16 : i32
    %add3A_956 = arith.addi %add3A_945, %add3A_955 : i32
    %iota3A_957 = tpu.iota {dimensions = array<i32: 0>} : vector<16xi32>
    %add3A_958 = vector.broadcast %add3A_956 : i32 to vector<16xi32>
    %add3A_959 = arith.addi %add3A_958, %iota3A_957 : vector<16xi32>
    %swap3A_960 = arith.constant 16 : index
    %swap3A_961 = tpu.vector_load %arg20[%swap3A_960] {strides = array<i32>} : memref<64xi32, #tpu.memory_space<vmem>>, vector<16xi32>,
    %swap3A_962 = vector.shape_cast %swap3A_961 : vector<16xi32> to vector<16xi32>
    %swap3A_963 = vector.shape_cast %add3A_959 : vector<16xi32> to vector<16xi32>
    tpu.vector_store %arg20[%swap3A_960], %swap3A_963 {strides = array<i32>} : memref<64xi32, #tpu.memory_space<vmem>>, vector<16xi32>,
    %add3A_964 = arith.constant 32 : i32
    %add3A_965 = arith.addi %add3A_945, %add3A_964 : i32
    %iota3A_966 = tpu.iota {dimensions = array<i32: 0>} : vector<16xi32>
    %add3A_967 = vector.broadcast %add3A_965 : i32 to vector<16xi32>
    %add3A_968 = arith.addi %add3A_967, %iota3A_966 : vector<16xi32>
    %swap3A_969 = arith.constant 32 : index
    %swap3A_970 = tpu.vector_load %arg20[%swap3A_969] {strides = array<i32>} : memref<64xi32, #tpu.memory_space<vmem>>, vector<16xi32>,
    %swap3A_971 = vector.shape_cast %swap3A_970 : vector<16xi32> to vector<16xi32>
    %swap3A_972 = vector.shape_cast %add3A_968 : vector<16xi32> to vector<16xi32>
    tpu.vector_store %arg20[%swap3A_969], %swap3A_972 {strides = array<i32>} : memref<64xi32, #tpu.memory_space<vmem>>, vector<16xi32>,
    %add3A_973 = arith.constant 48 : i32
    %add3A_974 = arith.addi %add3A_945, %add3A_973 : i32
    %iota3A_975 = tpu.iota {dimensions = array<i32: 0>} : vector<16xi32>
    %add3A_976 = vector.broadcast %add3A_974 : i32 to vector<16xi32>
    %add3A_977 = arith.addi %add3A_976, %iota3A_975 : vector<16xi32>
    %swap3A_978 = arith.constant 48 : index
    %swap3A_979 = tpu.vector_load %arg20[%swap3A_978] {strides = array<i32>} : memref<64xi32, #tpu.memory_space<vmem>>, vector<16xi32>,
    %swap3A_980 = vector.shape_cast %swap3A_979 : vector<16xi32> to vector<16xi32>
    %swap3A_981 = vector.shape_cast %add3A_977 : vector<16xi32> to vector<16xi32>
    tpu.vector_store %arg20[%swap3A_978], %swap3A_981 {strides = array<i32>} : memref<64xi32, #tpu.memory_space<vmem>>, vector<16xi32>,
    %dma_start3A_982 = arith.constant 0 : i32
    %dma_start3A_983 = arith.constant 0 : i32
    %dma_start3A_984 = tpu.memref_slice %arg8[%dma_start3A_982, %dma_start3A_983] : memref<10240x128xf32, #tpu.memory_space<vmem_shared>> -> memref<10240x128xf32, #tpu.memory_space<vmem_shared>>
    tpu.enqueue_indirect_dma source(%dma_start3A_984 : memref<10240x128xf32, #tpu.memory_space<vmem_shared>>) target(%arg12 : memref<64x128xf32, #tpu.memory_space<vmem>>) offsets(%arg20 : memref<64xi32, #tpu.memory_space<vmem>>) semaphore(%arg26 : memref<!tpu.dma_semaphore, #tpu.memory_space<semaphore_mem>>)
    %dma_wait3A_985 = arith.constant 0 : i32
    %dma_wait3A_986 = arith.constant 0 : i32
    %dma_wait3A_987 = tpu.memref_slice %arg8[%dma_wait3A_985, %dma_wait3A_986] : memref<10240x128xf32, #tpu.memory_space<vmem_shared>> -> memref<10240x128xf32, #tpu.memory_space<vmem_shared>>
    tpu.wait_indirect_dma semaphore(%arg26 : memref<!tpu.dma_semaphore, #tpu.memory_space<semaphore_mem>>) src(%dma_wait3A_987 : memref<10240x128xf32, #tpu.memory_space<vmem_shared>>) dst(%arg12 : memref<64x128xf32, #tpu.memory_space<vmem>>)
    "tpu.region"() ({
      %run_scoped3A = tpu.sem_alloc : memref<!tpu.dma_semaphore, #tpu.memory_space<semaphore_mem>>
      %dma_start3A_1142 = arith.constant 0 : i32
      %dma_start3A_1143 = tpu.memref_slice %arg6[%arg0, %add3A_945, %dma_start3A_1142] : memref<2x10240x128xf32, #tpu.memory_space<hbm>> -> memref<1x64x128xf32, #tpu.memory_space<hbm>>
      %dma_start3A_1144 = tpu.memref_squeeze %dma_start3A_1143 : memref<1x64x128xf32, #tpu.memory_space<hbm>> -> memref<64x128xf32, #tpu.memory_space<hbm>>
      %dma_start3A_1145 = arith.constant 0 : i32
      %dma_start3A_1146 = tpu.memref_slice %arg6[%arg0, %add3A_945, %dma_start3A_1145] : memref<2x10240x128xf32, #tpu.memory_space<hbm>> -> memref<1x64x128xf32, #tpu.memory_space<hbm>>
      %dma_start3A_1147 = tpu.memref_squeeze %dma_start3A_1146 : memref<1x64x128xf32, #tpu.memory_space<hbm>> -> memref<64x128xf32, #tpu.memory_space<hbm>>
      tpu.enqueue_dma source(%arg12 : memref<64x128xf32, #tpu.memory_space<vmem>>) target(%dma_start3A_1147 : memref<64x128xf32, #tpu.memory_space<hbm>>) target_semaphore(%run_scoped3A : memref<!tpu.dma_semaphore, #tpu.memory_space<semaphore_mem>>)
      %dma_wait3A_1148 = arith.constant 0 : i32
      %dma_wait3A_1149 = tpu.memref_slice %arg6[%arg0, %add3A_945, %dma_wait3A_1148] : memref<2x10240x128xf32, #tpu.memory_space<hbm>> -> memref<1x64x128xf32, #tpu.memory_space<hbm>>
      %dma_wait3A_1150 = tpu.memref_squeeze %dma_wait3A_1149 : memref<1x64x128xf32, #tpu.memory_space<hbm>> -> memref<64x128xf32, #tpu.memory_space<hbm>>
      %dma_wait3A_1151 = arith.constant 0 : i32
      %dma_wait3A_1152 = tpu.memref_slice %arg6[%arg0, %add3A_945, %dma_wait3A_1151] : memref<2x10240x128xf32, #tpu.memory_space<hbm>> -> memref<1x64x128xf32, #tpu.memory_space<hbm>>
      %dma_wait3A_1153 = tpu.memref_squeeze %dma_wait3A_1152 : memref<1x64x128xf32, #tpu.memory_space<hbm>> -> memref<64x128xf32, #tpu.memory_space<hbm>>
      tpu.wait_dma2 semaphore(%run_scoped3A : memref<!tpu.dma_semaphore, #tpu.memory_space<semaphore_mem>>) src(%arg12 : memref<64x128xf32, #tpu.memory_space<vmem>>) dst(%dma_wait3A_1153 : memref<64x128xf32, #tpu.memory_space<hbm>>)
      tpu.yield
    }) : () -> ()
    %mul3A_988 = arith.constant 640 : i32
    %mul3A_989 = arith.muli %arg1, %mul3A_988 : i32
    %add3A_990 = arith.constant 512 : i32
    %add3A_991 = arith.addi %mul3A_989, %add3A_990 : i32
    %add3A_992 = arith.constant 0 : i32
    %add3A_993 = arith.addi %add3A_991, %add3A_992 : i32
    %iota3A_994 = tpu.iota {dimensions = array<i32: 0>} : vector<16xi32>
    %add3A_995 = vector.broadcast %add3A_993 : i32 to vector<16xi32>
    %add3A_996 = arith.addi %add3A_995, %iota3A_994 : vector<16xi32>
    %swap3A_997 = arith.constant 0 : index
    %swap3A_998 = tpu.vector_load %arg20[%swap3A_997] {strides = array<i32>} : memref<64xi32, #tpu.memory_space<vmem>>, vector<16xi32>,
    %swap3A_999 = vector.shape_cast %swap3A_998 : vector<16xi32> to vector<16xi32>
    %swap3A_1000 = vector.shape_cast %add3A_996 : vector<16xi32> to vector<16xi32>
    tpu.vector_store %arg20[%swap3A_997], %swap3A_1000 {strides = array<i32>} : memref<64xi32, #tpu.memory_space<vmem>>, vector<16xi32>,
    %add3A_1001 = arith.constant 16 : i32
    %add3A_1002 = arith.addi %add3A_991, %add3A_1001 : i32
    %iota3A_1003 = tpu.iota {dimensions = array<i32: 0>} : vector<16xi32>
    %add3A_1004 = vector.broadcast %add3A_1002 : i32 to vector<16xi32>
    %add3A_1005 = arith.addi %add3A_1004, %iota3A_1003 : vector<16xi32>
    %swap3A_1006 = arith.constant 16 : index
    %swap3A_1007 = tpu.vector_load %arg20[%swap3A_1006] {strides = array<i32>} : memref<64xi32, #tpu.memory_space<vmem>>, vector<16xi32>,
    %swap3A_1008 = vector.shape_cast %swap3A_1007 : vector<16xi32> to vector<16xi32>
    %swap3A_1009 = vector.shape_cast %add3A_1005 : vector<16xi32> to vector<16xi32>
    tpu.vector_store %arg20[%swap3A_1006], %swap3A_1009 {strides = array<i32>} : memref<64xi32, #tpu.memory_space<vmem>>, vector<16xi32>,
    %add3A_1010 = arith.constant 32 : i32
    %add3A_1011 = arith.addi %add3A_991, %add3A_1010 : i32
    %iota3A_1012 = tpu.iota {dimensions = array<i32: 0>} : vector<16xi32>
    %add3A_1013 = vector.broadcast %add3A_1011 : i32 to vector<16xi32>
    %add3A_1014 = arith.addi %add3A_1013, %iota3A_1012 : vector<16xi32>
    %swap3A_1015 = arith.constant 32 : index
    %swap3A_1016 = tpu.vector_load %arg20[%swap3A_1015] {strides = array<i32>} : memref<64xi32, #tpu.memory_space<vmem>>, vector<16xi32>,
    %swap3A_1017 = vector.shape_cast %swap3A_1016 : vector<16xi32> to vector<16xi32>
    %swap3A_1018 = vector.shape_cast %add3A_1014 : vector<16xi32> to vector<16xi32>
    tpu.vector_store %arg20[%swap3A_1015], %swap3A_1018 {strides = array<i32>} : memref<64xi32, #tpu.memory_space<vmem>>, vector<16xi32>,
    %add3A_1019 = arith.constant 48 : i32
    %add3A_1020 = arith.addi %add3A_991, %add3A_1019 : i32
    %iota3A_1021 = tpu.iota {dimensions = array<i32: 0>} : vector<16xi32>
    %add3A_1022 = vector.broadcast %add3A_1020 : i32 to vector<16xi32>
    %add3A_1023 = arith.addi %add3A_1022, %iota3A_1021 : vector<16xi32>
    %swap3A_1024 = arith.constant 48 : index
    %swap3A_1025 = tpu.vector_load %arg20[%swap3A_1024] {strides = array<i32>} : memref<64xi32, #tpu.memory_space<vmem>>, vector<16xi32>,
    %swap3A_1026 = vector.shape_cast %swap3A_1025 : vector<16xi32> to vector<16xi32>
    %swap3A_1027 = vector.shape_cast %add3A_1023 : vector<16xi32> to vector<16xi32>
    tpu.vector_store %arg20[%swap3A_1024], %swap3A_1027 {strides = array<i32>} : memref<64xi32, #tpu.memory_space<vmem>>, vector<16xi32>,
    %dma_start3A_1028 = arith.constant 0 : i32
    %dma_start3A_1029 = arith.constant 0 : i32
    %dma_start3A_1030 = tpu.memref_slice %arg8[%dma_start3A_1028, %dma_start3A_1029] : memref<10240x128xf32, #tpu.memory_space<vmem_shared>> -> memref<10240x128xf32, #tpu.memory_space<vmem_shared>>
    tpu.enqueue_indirect_dma source(%dma_start3A_1030 : memref<10240x128xf32, #tpu.memory_space<vmem_shared>>) target(%arg12 : memref<64x128xf32, #tpu.memory_space<vmem>>) offsets(%arg20 : memref<64xi32, #tpu.memory_space<vmem>>) semaphore(%arg26 : memref<!tpu.dma_semaphore, #tpu.memory_space<semaphore_mem>>)
    %dma_wait3A_1031 = arith.constant 0 : i32
    %dma_wait3A_1032 = arith.constant 0 : i32
    %dma_wait3A_1033 = tpu.memref_slice %arg8[%dma_wait3A_1031, %dma_wait3A_1032] : memref<10240x128xf32, #tpu.memory_space<vmem_shared>> -> memref<10240x128xf32, #tpu.memory_space<vmem_shared>>
    tpu.wait_indirect_dma semaphore(%arg26 : memref<!tpu.dma_semaphore, #tpu.memory_space<semaphore_mem>>) src(%dma_wait3A_1033 : memref<10240x128xf32, #tpu.memory_space<vmem_shared>>) dst(%arg12 : memref<64x128xf32, #tpu.memory_space<vmem>>)
    "tpu.region"() ({
      %run_scoped3A = tpu.sem_alloc : memref<!tpu.dma_semaphore, #tpu.memory_space<semaphore_mem>>
      %dma_start3A_1142 = arith.constant 0 : i32
      %dma_start3A_1143 = tpu.memref_slice %arg6[%arg0, %add3A_991, %dma_start3A_1142] : memref<2x10240x128xf32, #tpu.memory_space<hbm>> -> memref<1x64x128xf32, #tpu.memory_space<hbm>>
      %dma_start3A_1144 = tpu.memref_squeeze %dma_start3A_1143 : memref<1x64x128xf32, #tpu.memory_space<hbm>> -> memref<64x128xf32, #tpu.memory_space<hbm>>
      %dma_start3A_1145 = arith.constant 0 : i32
      %dma_start3A_1146 = tpu.memref_slice %arg6[%arg0, %add3A_991, %dma_start3A_1145] : memref<2x10240x128xf32, #tpu.memory_space<hbm>> -> memref<1x64x128xf32, #tpu.memory_space<hbm>>
      %dma_start3A_1147 = tpu.memref_squeeze %dma_start3A_1146 : memref<1x64x128xf32, #tpu.memory_space<hbm>> -> memref<64x128xf32, #tpu.memory_space<hbm>>
      tpu.enqueue_dma source(%arg12 : memref<64x128xf32, #tpu.memory_space<vmem>>) target(%dma_start3A_1147 : memref<64x128xf32, #tpu.memory_space<hbm>>) target_semaphore(%run_scoped3A : memref<!tpu.dma_semaphore, #tpu.memory_space<semaphore_mem>>)
      %dma_wait3A_1148 = arith.constant 0 : i32
      %dma_wait3A_1149 = tpu.memref_slice %arg6[%arg0, %add3A_991, %dma_wait3A_1148] : memref<2x10240x128xf32, #tpu.memory_space<hbm>> -> memref<1x64x128xf32, #tpu.memory_space<hbm>>
      %dma_wait3A_1150 = tpu.memref_squeeze %dma_wait3A_1149 : memref<1x64x128xf32, #tpu.memory_space<hbm>> -> memref<64x128xf32, #tpu.memory_space<hbm>>
      %dma_wait3A_1151 = arith.constant 0 : i32
      %dma_wait3A_1152 = tpu.memref_slice %arg6[%arg0, %add3A_991, %dma_wait3A_1151] : memref<2x10240x128xf32, #tpu.memory_space<hbm>> -> memref<1x64x128xf32, #tpu.memory_space<hbm>>
      %dma_wait3A_1153 = tpu.memref_squeeze %dma_wait3A_1152 : memref<1x64x128xf32, #tpu.memory_space<hbm>> -> memref<64x128xf32, #tpu.memory_space<hbm>>
      tpu.wait_dma2 semaphore(%run_scoped3A : memref<!tpu.dma_semaphore, #tpu.memory_space<semaphore_mem>>) src(%arg12 : memref<64x128xf32, #tpu.memory_space<vmem>>) dst(%dma_wait3A_1153 : memref<64x128xf32, #tpu.memory_space<hbm>>)
      tpu.yield
    }) : () -> ()
    %mul3A_1034 = arith.constant 640 : i32
    %mul3A_1035 = arith.muli %arg1, %mul3A_1034 : i32
    %add3A_1036 = arith.constant 576 : i32
    %add3A_1037 = arith.addi %mul3A_1035, %add3A_1036 : i32
    %add3A_1038 = arith.constant 0 : i32
    %add3A_1039 = arith.addi %add3A_1037, %add3A_1038 : i32
    %iota3A_1040 = tpu.iota {dimensions = array<i32: 0>} : vector<16xi32>
    %add3A_1041 = vector.broadcast %add3A_1039 : i32 to vector<16xi32>
    %add3A_1042 = arith.addi %add3A_1041, %iota3A_1040 : vector<16xi32>
    %swap3A_1043 = arith.constant 0 : index
    %swap3A_1044 = tpu.vector_load %arg20[%swap3A_1043] {strides = array<i32>} : memref<64xi32, #tpu.memory_space<vmem>>, vector<16xi32>,
    %swap3A_1045 = vector.shape_cast %swap3A_1044 : vector<16xi32> to vector<16xi32>
    %swap3A_1046 = vector.shape_cast %add3A_1042 : vector<16xi32> to vector<16xi32>
    tpu.vector_store %arg20[%swap3A_1043], %swap3A_1046 {strides = array<i32>} : memref<64xi32, #tpu.memory_space<vmem>>, vector<16xi32>,
    %add3A_1047 = arith.constant 16 : i32
    %add3A_1048 = arith.addi %add3A_1037, %add3A_1047 : i32
    %iota3A_1049 = tpu.iota {dimensions = array<i32: 0>} : vector<16xi32>
    %add3A_1050 = vector.broadcast %add3A_1048 : i32 to vector<16xi32>
    %add3A_1051 = arith.addi %add3A_1050, %iota3A_1049 : vector<16xi32>
    %swap3A_1052 = arith.constant 16 : index
    %swap3A_1053 = tpu.vector_load %arg20[%swap3A_1052] {strides = array<i32>} : memref<64xi32, #tpu.memory_space<vmem>>, vector<16xi32>,
    %swap3A_1054 = vector.shape_cast %swap3A_1053 : vector<16xi32> to vector<16xi32>
    %swap3A_1055 = vector.shape_cast %add3A_1051 : vector<16xi32> to vector<16xi32>
    tpu.vector_store %arg20[%swap3A_1052], %swap3A_1055 {strides = array<i32>} : memref<64xi32, #tpu.memory_space<vmem>>, vector<16xi32>,
    %add3A_1056 = arith.constant 32 : i32
    %add3A_1057 = arith.addi %add3A_1037, %add3A_1056 : i32
    %iota3A_1058 = tpu.iota {dimensions = array<i32: 0>} : vector<16xi32>
    %add3A_1059 = vector.broadcast %add3A_1057 : i32 to vector<16xi32>
    %add3A_1060 = arith.addi %add3A_1059, %iota3A_1058 : vector<16xi32>
    %swap3A_1061 = arith.constant 32 : index
    %swap3A_1062 = tpu.vector_load %arg20[%swap3A_1061] {strides = array<i32>} : memref<64xi32, #tpu.memory_space<vmem>>, vector<16xi32>,
    %swap3A_1063 = vector.shape_cast %swap3A_1062 : vector<16xi32> to vector<16xi32>
    %swap3A_1064 = vector.shape_cast %add3A_1060 : vector<16xi32> to vector<16xi32>
    tpu.vector_store %arg20[%swap3A_1061], %swap3A_1064 {strides = array<i32>} : memref<64xi32, #tpu.memory_space<vmem>>, vector<16xi32>,
    %add3A_1065 = arith.constant 48 : i32
    %add3A_1066 = arith.addi %add3A_1037, %add3A_1065 : i32
    %iota3A_1067 = tpu.iota {dimensions = array<i32: 0>} : vector<16xi32>
    %add3A_1068 = vector.broadcast %add3A_1066 : i32 to vector<16xi32>
    %add3A_1069 = arith.addi %add3A_1068, %iota3A_1067 : vector<16xi32>
    %swap3A_1070 = arith.constant 48 : index
    %swap3A_1071 = tpu.vector_load %arg20[%swap3A_1070] {strides = array<i32>} : memref<64xi32, #tpu.memory_space<vmem>>, vector<16xi32>,
    %swap3A_1072 = vector.shape_cast %swap3A_1071 : vector<16xi32> to vector<16xi32>
    %swap3A_1073 = vector.shape_cast %add3A_1069 : vector<16xi32> to vector<16xi32>
    tpu.vector_store %arg20[%swap3A_1070], %swap3A_1073 {strides = array<i32>} : memref<64xi32, #tpu.memory_space<vmem>>, vector<16xi32>,
    %dma_start3A_1074 = arith.constant 0 : i32
    %dma_start3A_1075 = arith.constant 0 : i32
    %dma_start3A_1076 = tpu.memref_slice %arg8[%dma_start3A_1074, %dma_start3A_1075] : memref<10240x128xf32, #tpu.memory_space<vmem_shared>> -> memref<10240x128xf32, #tpu.memory_space<vmem_shared>>
    tpu.enqueue_indirect_dma source(%dma_start3A_1076 : memref<10240x128xf32, #tpu.memory_space<vmem_shared>>) target(%arg12 : memref<64x128xf32, #tpu.memory_space<vmem>>) offsets(%arg20 : memref<64xi32, #tpu.memory_space<vmem>>) semaphore(%arg26 : memref<!tpu.dma_semaphore, #tpu.memory_space<semaphore_mem>>)
    %dma_wait3A_1077 = arith.constant 0 : i32
    %dma_wait3A_1078 = arith.constant 0 : i32
    %dma_wait3A_1079 = tpu.memref_slice %arg8[%dma_wait3A_1077, %dma_wait3A_1078] : memref<10240x128xf32, #tpu.memory_space<vmem_shared>> -> memref<10240x128xf32, #tpu.memory_space<vmem_shared>>
    tpu.wait_indirect_dma semaphore(%arg26 : memref<!tpu.dma_semaphore, #tpu.memory_space<semaphore_mem>>) src(%dma_wait3A_1079 : memref<10240x128xf32, #tpu.memory_space<vmem_shared>>) dst(%arg12 : memref<64x128xf32, #tpu.memory_space<vmem>>)
    "tpu.region"() ({
      %run_scoped3A = tpu.sem_alloc : memref<!tpu.dma_semaphore, #tpu.memory_space<semaphore_mem>>
      %dma_start3A_1142 = arith.constant 0 : i32
      %dma_start3A_1143 = tpu.memref_slice %arg6[%arg0, %add3A_1037, %dma_start3A_1142] : memref<2x10240x128xf32, #tpu.memory_space<hbm>> -> memref<1x64x128xf32, #tpu.memory_space<hbm>>
      %dma_start3A_1144 = tpu.memref_squeeze %dma_start3A_1143 : memref<1x64x128xf32, #tpu.memory_space<hbm>> -> memref<64x128xf32, #tpu.memory_space<hbm>>
      %dma_start3A_1145 = arith.constant 0 : i32
      %dma_start3A_1146 = tpu.memref_slice %arg6[%arg0, %add3A_1037, %dma_start3A_1145] : memref<2x10240x128xf32, #tpu.memory_space<hbm>> -> memref<1x64x128xf32, #tpu.memory_space<hbm>>
      %dma_start3A_1147 = tpu.memref_squeeze %dma_start3A_1146 : memref<1x64x128xf32, #tpu.memory_space<hbm>> -> memref<64x128xf32, #tpu.memory_space<hbm>>
      tpu.enqueue_dma source(%arg12 : memref<64x128xf32, #tpu.memory_space<vmem>>) target(%dma_start3A_1147 : memref<64x128xf32, #tpu.memory_space<hbm>>) target_semaphore(%run_scoped3A : memref<!tpu.dma_semaphore, #tpu.memory_space<semaphore_mem>>)
      %dma_wait3A_1148 = arith.constant 0 : i32
      %dma_wait3A_1149 = tpu.memref_slice %arg6[%arg0, %add3A_1037, %dma_wait3A_1148] : memref<2x10240x128xf32, #tpu.memory_space<hbm>> -> memref<1x64x128xf32, #tpu.memory_space<hbm>>
      %dma_wait3A_1150 = tpu.memref_squeeze %dma_wait3A_1149 : memref<1x64x128xf32, #tpu.memory_space<hbm>> -> memref<64x128xf32, #tpu.memory_space<hbm>>
      %dma_wait3A_1151 = arith.constant 0 : i32
      %dma_wait3A_1152 = tpu.memref_slice %arg6[%arg0, %add3A_1037, %dma_wait3A_1151] : memref<2x10240x128xf32, #tpu.memory_space<hbm>> -> memref<1x64x128xf32, #tpu.memory_space<hbm>>
      %dma_wait3A_1153 = tpu.memref_squeeze %dma_wait3A_1152 : memref<1x64x128xf32, #tpu.memory_space<hbm>> -> memref<64x128xf32, #tpu.memory_space<hbm>>
      tpu.wait_dma2 semaphore(%run_scoped3A : memref<!tpu.dma_semaphore, #tpu.memory_space<semaphore_mem>>) src(%arg12 : memref<64x128xf32, #tpu.memory_space<vmem>>) dst(%dma_wait3A_1153 : memref<64x128xf32, #tpu.memory_space<hbm>>)
      tpu.yield
    }) : () -> ()
    %mul3A_1080 = arith.constant 80 : i32
    %mul3A_1081 = arith.muli %arg1, %mul3A_1080 : i32
    %add3A_1082 = arith.constant 0 : i32
    %add3A_1083 = arith.addi %mul3A_1081, %add3A_1082 : i32
    %iota3A_1084 = tpu.iota {dimensions = array<i32: 0>} : vector<16xi32>
    %add3A_1085 = vector.broadcast %add3A_1083 : i32 to vector<16xi32>
    %add3A_1086 = arith.addi %add3A_1085, %iota3A_1084 : vector<16xi32>
    %swap3A_1087 = arith.constant 0 : index
    %swap3A_1088 = tpu.vector_load %arg20[%swap3A_1087] {strides = array<i32>} : memref<64xi32, #tpu.memory_space<vmem>>, vector<16xi32>,
    %swap3A_1089 = vector.shape_cast %swap3A_1088 : vector<16xi32> to vector<16xi32>
    %swap3A_1090 = vector.shape_cast %add3A_1086 : vector<16xi32> to vector<16xi32>
    tpu.vector_store %arg20[%swap3A_1087], %swap3A_1090 {strides = array<i32>} : memref<64xi32, #tpu.memory_space<vmem>>, vector<16xi32>,
    %add3A_1091 = arith.constant 16 : i32
    %add3A_1092 = arith.addi %mul3A_1081, %add3A_1091 : i32
    %iota3A_1093 = tpu.iota {dimensions = array<i32: 0>} : vector<16xi32>
    %add3A_1094 = vector.broadcast %add3A_1092 : i32 to vector<16xi32>
    %add3A_1095 = arith.addi %add3A_1094, %iota3A_1093 : vector<16xi32>
    %swap3A_1096 = arith.constant 16 : index
    %swap3A_1097 = tpu.vector_load %arg20[%swap3A_1096] {strides = array<i32>} : memref<64xi32, #tpu.memory_space<vmem>>, vector<16xi32>,
    %swap3A_1098 = vector.shape_cast %swap3A_1097 : vector<16xi32> to vector<16xi32>
    %swap3A_1099 = vector.shape_cast %add3A_1095 : vector<16xi32> to vector<16xi32>
    tpu.vector_store %arg20[%swap3A_1096], %swap3A_1099 {strides = array<i32>} : memref<64xi32, #tpu.memory_space<vmem>>, vector<16xi32>,
    %add3A_1100 = arith.constant 32 : i32
    %add3A_1101 = arith.addi %mul3A_1081, %add3A_1100 : i32
    %iota3A_1102 = tpu.iota {dimensions = array<i32: 0>} : vector<16xi32>
    %add3A_1103 = vector.broadcast %add3A_1101 : i32 to vector<16xi32>
    %add3A_1104 = arith.addi %add3A_1103, %iota3A_1102 : vector<16xi32>
    %swap3A_1105 = arith.constant 32 : index
    %swap3A_1106 = tpu.vector_load %arg20[%swap3A_1105] {strides = array<i32>} : memref<64xi32, #tpu.memory_space<vmem>>, vector<16xi32>,
    %swap3A_1107 = vector.shape_cast %swap3A_1106 : vector<16xi32> to vector<16xi32>
    %swap3A_1108 = vector.shape_cast %add3A_1104 : vector<16xi32> to vector<16xi32>
    tpu.vector_store %arg20[%swap3A_1105], %swap3A_1108 {strides = array<i32>} : memref<64xi32, #tpu.memory_space<vmem>>, vector<16xi32>,
    %add3A_1109 = arith.constant 48 : i32
    %add3A_1110 = arith.addi %mul3A_1081, %add3A_1109 : i32
    %iota3A_1111 = tpu.iota {dimensions = array<i32: 0>} : vector<16xi32>
    %add3A_1112 = vector.broadcast %add3A_1110 : i32 to vector<16xi32>
    %add3A_1113 = arith.addi %add3A_1112, %iota3A_1111 : vector<16xi32>
    %swap3A_1114 = arith.constant 48 : index
    %swap3A_1115 = tpu.vector_load %arg20[%swap3A_1114] {strides = array<i32>} : memref<64xi32, #tpu.memory_space<vmem>>, vector<16xi32>,
    %swap3A_1116 = vector.shape_cast %swap3A_1115 : vector<16xi32> to vector<16xi32>
    %swap3A_1117 = vector.shape_cast %add3A_1113 : vector<16xi32> to vector<16xi32>
    tpu.vector_store %arg20[%swap3A_1114], %swap3A_1117 {strides = array<i32>} : memref<64xi32, #tpu.memory_space<vmem>>, vector<16xi32>,
    %dma_start3A_1118 = arith.constant 0 : i32
    %dma_start3A_1119 = arith.constant 0 : i32
    %dma_start3A_1120 = tpu.memref_slice %arg9[%dma_start3A_1118, %dma_start3A_1119] : memref<1280x128xf32, #tpu.memory_space<vmem_shared>> -> memref<1280x128xf32, #tpu.memory_space<vmem_shared>>
    tpu.enqueue_indirect_dma source(%dma_start3A_1120 : memref<1280x128xf32, #tpu.memory_space<vmem_shared>>) target(%arg12 : memref<64x128xf32, #tpu.memory_space<vmem>>) offsets(%arg20 : memref<64xi32, #tpu.memory_space<vmem>>) semaphore(%arg26 : memref<!tpu.dma_semaphore, #tpu.memory_space<semaphore_mem>>)
    %dma_wait3A_1121 = arith.constant 0 : i32
    %dma_wait3A_1122 = arith.constant 0 : i32
    %dma_wait3A_1123 = tpu.memref_slice %arg9[%dma_wait3A_1121, %dma_wait3A_1122] : memref<1280x128xf32, #tpu.memory_space<vmem_shared>> -> memref<1280x128xf32, #tpu.memory_space<vmem_shared>>
    tpu.wait_indirect_dma semaphore(%arg26 : memref<!tpu.dma_semaphore, #tpu.memory_space<semaphore_mem>>) src(%dma_wait3A_1123 : memref<1280x128xf32, #tpu.memory_space<vmem_shared>>) dst(%arg12 : memref<64x128xf32, #tpu.memory_space<vmem>>)
    %mul3A_1124 = arith.constant 80 : i32
    %mul3A_1125 = arith.muli %arg1, %mul3A_1124 : i32
    "tpu.region"() ({
      %run_scoped3A = tpu.sem_alloc : memref<!tpu.dma_semaphore, #tpu.memory_space<semaphore_mem>>
      %dma_start3A_1142 = arith.constant 0 : i32
      %dma_start3A_1143 = tpu.memref_slice %arg7[%mul3A_1125, %dma_start3A_1142] : memref<1280x128xf32, #tpu.memory_space<hbm>> -> memref<64x128xf32, #tpu.memory_space<hbm>>
      %dma_start3A_1144 = arith.constant 0 : i32
      %dma_start3A_1145 = tpu.memref_slice %arg7[%mul3A_1125, %dma_start3A_1144] : memref<1280x128xf32, #tpu.memory_space<hbm>> -> memref<64x128xf32, #tpu.memory_space<hbm>>
      tpu.enqueue_dma source(%arg12 : memref<64x128xf32, #tpu.memory_space<vmem>>) target(%dma_start3A_1145 : memref<64x128xf32, #tpu.memory_space<hbm>>) target_semaphore(%run_scoped3A : memref<!tpu.dma_semaphore, #tpu.memory_space<semaphore_mem>>)
      %dma_wait3A_1146 = arith.constant 0 : i32
      %dma_wait3A_1147 = tpu.memref_slice %arg7[%mul3A_1125, %dma_wait3A_1146] : memref<1280x128xf32, #tpu.memory_space<hbm>> -> memref<64x128xf32, #tpu.memory_space<hbm>>
      %dma_wait3A_1148 = arith.constant 0 : i32
      %dma_wait3A_1149 = tpu.memref_slice %arg7[%mul3A_1125, %dma_wait3A_1148] : memref<1280x128xf32, #tpu.memory_space<hbm>> -> memref<64x128xf32, #tpu.memory_space<hbm>>
      tpu.wait_dma2 semaphore(%run_scoped3A : memref<!tpu.dma_semaphore, #tpu.memory_space<semaphore_mem>>) src(%arg12 : memref<64x128xf32, #tpu.memory_space<vmem>>) dst(%dma_wait3A_1149 : memref<64x128xf32, #tpu.memory_space<hbm>>)
      tpu.yield
    }) : () -> ()
    %dma_start3A_1126 = arith.constant 0 : i32
    %dma_start3A_1127 = arith.constant 0 : i32
    %dma_start3A_1128 = tpu.memref_slice %arg12[%dma_start3A_1126, %dma_start3A_1127] : memref<64x128xf32, #tpu.memory_space<vmem>> -> memref<16x128xf32, #tpu.memory_space<vmem>>
    %dma_start3A_1129 = arith.constant 0 : i32
    %dma_start3A_1130 = arith.constant 0 : i32
    %dma_start3A_1131 = tpu.memref_slice %arg9[%dma_start3A_1129, %dma_start3A_1130] : memref<1280x128xf32, #tpu.memory_space<vmem_shared>> -> memref<1280x128xf32, #tpu.memory_space<vmem_shared>>
    tpu.enqueue_indirect_dma source(%dma_start3A_1131 : memref<1280x128xf32, #tpu.memory_space<vmem_shared>>) target(%dma_start3A_1128 : memref<16x128xf32, #tpu.memory_space<vmem>>) offsets(%arg21 : memref<16xi32, #tpu.memory_space<vmem>>) semaphore(%arg26 : memref<!tpu.dma_semaphore, #tpu.memory_space<semaphore_mem>>)
    %dma_wait3A_1132 = arith.constant 0 : i32
    %dma_wait3A_1133 = arith.constant 0 : i32
    %dma_wait3A_1134 = tpu.memref_slice %arg12[%dma_wait3A_1132, %dma_wait3A_1133] : memref<64x128xf32, #tpu.memory_space<vmem>> -> memref<16x128xf32, #tpu.memory_space<vmem>>
    %dma_wait3A_1135 = arith.constant 0 : i32
    %dma_wait3A_1136 = arith.constant 0 : i32
    %dma_wait3A_1137 = tpu.memref_slice %arg9[%dma_wait3A_1135, %dma_wait3A_1136] : memref<1280x128xf32, #tpu.memory_space<vmem_shared>> -> memref<1280x128xf32, #tpu.memory_space<vmem_shared>>
    tpu.wait_indirect_dma semaphore(%arg26 : memref<!tpu.dma_semaphore, #tpu.memory_space<semaphore_mem>>) src(%dma_wait3A_1137 : memref<1280x128xf32, #tpu.memory_space<vmem_shared>>) dst(%dma_wait3A_1134 : memref<16x128xf32, #tpu.memory_space<vmem>>)
    %mul3A_1138 = arith.constant 80 : i32
    %mul3A_1139 = arith.muli %arg1, %mul3A_1138 : i32
    %add3A_1140 = arith.constant 64 : i32
    %add3A_1141 = arith.addi %mul3A_1139, %add3A_1140 : i32
    "tpu.region"() ({
      %run_scoped3A = tpu.sem_alloc : memref<!tpu.dma_semaphore, #tpu.memory_space<semaphore_mem>>
      %dma_start3A_1142 = arith.constant 0 : i32
      %dma_start3A_1143 = arith.constant 0 : i32
      %dma_start3A_1144 = tpu.memref_slice %arg12[%dma_start3A_1142, %dma_start3A_1143] : memref<64x128xf32, #tpu.memory_space<vmem>> -> memref<16x128xf32, #tpu.memory_space<vmem>>
      %dma_start3A_1145 = arith.constant 0 : i32
      %dma_start3A_1146 = tpu.memref_slice %arg7[%add3A_1141, %dma_start3A_1145] : memref<1280x128xf32, #tpu.memory_space<hbm>> -> memref<16x128xf32, #tpu.memory_space<hbm>>
      %dma_start3A_1147 = arith.constant 0 : i32
      %dma_start3A_1148 = tpu.memref_slice %arg7[%add3A_1141, %dma_start3A_1147] : memref<1280x128xf32, #tpu.memory_space<hbm>> -> memref<16x128xf32, #tpu.memory_space<hbm>>
      %dma_start3A_1149 = arith.constant 0 : i32
      %dma_start3A_1150 = arith.constant 0 : i32
      %dma_start3A_1151 = tpu.memref_slice %arg12[%dma_start3A_1149, %dma_start3A_1150] : memref<64x128xf32, #tpu.memory_space<vmem>> -> memref<16x128xf32, #tpu.memory_space<vmem>>
      tpu.enqueue_dma source(%dma_start3A_1151 : memref<16x128xf32, #tpu.memory_space<vmem>>) target(%dma_start3A_1148 : memref<16x128xf32, #tpu.memory_space<hbm>>) target_semaphore(%run_scoped3A : memref<!tpu.dma_semaphore, #tpu.memory_space<semaphore_mem>>)
      %dma_wait3A_1152 = arith.constant 0 : i32
      %dma_wait3A_1153 = arith.constant 0 : i32
      %dma_wait3A_1154 = tpu.memref_slice %arg12[%dma_wait3A_1152, %dma_wait3A_1153] : memref<64x128xf32, #tpu.memory_space<vmem>> -> memref<16x128xf32, #tpu.memory_space<vmem>>
      %dma_wait3A_1155 = arith.constant 0 : i32
      %dma_wait3A_1156 = tpu.memref_slice %arg7[%add3A_1141, %dma_wait3A_1155] : memref<1280x128xf32, #tpu.memory_space<hbm>> -> memref<16x128xf32, #tpu.memory_space<hbm>>
      %dma_wait3A_1157 = arith.constant 0 : i32
      %dma_wait3A_1158 = tpu.memref_slice %arg7[%add3A_1141, %dma_wait3A_1157] : memref<1280x128xf32, #tpu.memory_space<hbm>> -> memref<16x128xf32, #tpu.memory_space<hbm>>
      %dma_wait3A_1159 = arith.constant 0 : i32
      %dma_wait3A_1160 = arith.constant 0 : i32
      %dma_wait3A_1161 = tpu.memref_slice %arg12[%dma_wait3A_1159, %dma_wait3A_1160] : memref<64x128xf32, #tpu.memory_space<vmem>> -> memref<16x128xf32, #tpu.memory_space<vmem>>
      tpu.wait_dma2 semaphore(%run_scoped3A : memref<!tpu.dma_semaphore, #tpu.memory_space<semaphore_mem>>) src(%dma_wait3A_1161 : memref<16x128xf32, #tpu.memory_space<vmem>>) dst(%dma_wait3A_1158 : memref<16x128xf32, #tpu.memory_space<hbm>>)
      tpu.yield
    }) : () -> ()
    return
  }
}

#map = affine_map<(d0, d1) -> (0, 0)>
#map1 = affine_map<(d0, d1) -> (0)>
module attributes {stable_mosaic.version = 14 : i64} {
  func.func @_gather_body(%arg0: i32, %arg1: i32, %arg2: memref<10000x256xf32, #tpu.memory_space<hbm>>, %arg3: memref<10000x256xf32, #tpu.memory_space<hbm>>, %arg4: memref<10000x256xf32, #tpu.memory_space<hbm>>, %arg5: memref<160000xi32, #tpu.memory_space<hbm>>, %arg6: memref<160000xi32, #tpu.memory_space<hbm>>, %arg7: memref<160000x256xf32, #tpu.memory_space<hbm>>, %arg8: memref<160000x256xf32, #tpu.memory_space<hbm>>, %arg9: memref<160000x256xf32, #tpu.memory_space<hbm>>, %arg10: memref<64xi32, #tpu.memory_space<vmem>>, %arg11: memref<64xi32, #tpu.memory_space<vmem>>, %arg12: memref<64x256xf32, #tpu.memory_space<vmem>>, %arg13: memref<64x256xf32, #tpu.memory_space<vmem>>, %arg14: memref<64x256xf32, #tpu.memory_space<vmem>>, %arg15: memref<64xi32, #tpu.memory_space<vmem>>, %arg16: memref<64xi32, #tpu.memory_space<vmem>>, %arg17: memref<64x256xf32, #tpu.memory_space<vmem>>, %arg18: memref<64x256xf32, #tpu.memory_space<vmem>>, %arg19: memref<64x256xf32, #tpu.memory_space<vmem>>, %arg20: memref<8xi32, #tpu.memory_space<vmem>>, %arg21: memref<8xi32, #tpu.memory_space<vmem>>, %arg22: memref<8x256xf32, #tpu.memory_space<vmem>>, %arg23: memref<8x256xf32, #tpu.memory_space<vmem>>, %arg24: memref<8x256xf32, #tpu.memory_space<vmem>>, %arg25: memref<!tpu.dma_semaphore, #tpu.memory_space<semaphore_mem>>, %arg26: memref<!tpu.dma_semaphore, #tpu.memory_space<semaphore_mem>>, %arg27: memref<!tpu.dma_semaphore, #tpu.memory_space<semaphore_mem>>, %arg28: memref<!tpu.dma_semaphore, #tpu.memory_space<semaphore_mem>>, %arg29: memref<!tpu.dma_semaphore, #tpu.memory_space<semaphore_mem>>) attributes {dimension_semantics = [#tpu.dimension_semantics<core_parallel>, #tpu.dimension_semantics<subcore_parallel>], iteration_bounds = array<i64: 2, 16>, scalar_prefetch = 0 : i64, scratch_operands = 20 : i64, tpu.core_type = #tpu.core_type<sc_vector_subcore>, window_params = [{transform_indices = #map}, {transform_indices = #map}, {transform_indices = #map}, {transform_indices = #map1}, {transform_indices = #map1}, {transform_indices = #map}, {transform_indices = #map}, {transform_indices = #map}]} {
    %mul3A = arith.constant 2 : i32
    %mul3A_0 = arith.muli %arg1, %mul3A : i32
    %add3A = arith.addi %mul3A_0, %arg0 : i32
    %mul3A_1 = arith.constant 5000 : i32
    %mul3A_2 = arith.muli %add3A, %mul3A_1 : i32
    "tpu.region"() ({
      %run_scoped3A = tpu.sem_alloc : memref<!tpu.dma_semaphore, #tpu.memory_space<semaphore_mem>>
      %dma_start3A_114 = tpu.memref_slice %arg5[%mul3A_2] : memref<160000xi32, #tpu.memory_space<hbm>> -> memref<64xi32, #tpu.memory_space<hbm>>
      %dma_start3A_115 = tpu.memref_slice %arg5[%mul3A_2] : memref<160000xi32, #tpu.memory_space<hbm>> -> memref<64xi32, #tpu.memory_space<hbm>>
      tpu.enqueue_dma source(%dma_start3A_115 : memref<64xi32, #tpu.memory_space<hbm>>) target(%arg10 : memref<64xi32, #tpu.memory_space<vmem>>) target_semaphore(%run_scoped3A : memref<!tpu.dma_semaphore, #tpu.memory_space<semaphore_mem>>)
      %dma_wait3A_116 = tpu.memref_slice %arg5[%mul3A_2] : memref<160000xi32, #tpu.memory_space<hbm>> -> memref<64xi32, #tpu.memory_space<hbm>>
      %dma_wait3A_117 = tpu.memref_slice %arg5[%mul3A_2] : memref<160000xi32, #tpu.memory_space<hbm>> -> memref<64xi32, #tpu.memory_space<hbm>>
      tpu.wait_dma2 semaphore(%run_scoped3A : memref<!tpu.dma_semaphore, #tpu.memory_space<semaphore_mem>>) src(%dma_wait3A_117 : memref<64xi32, #tpu.memory_space<hbm>>) dst(%arg10 : memref<64xi32, #tpu.memory_space<vmem>>)
      tpu.yield
    }) : () -> ()
    "tpu.region"() ({
      %run_scoped3A = tpu.sem_alloc : memref<!tpu.dma_semaphore, #tpu.memory_space<semaphore_mem>>
      %dma_start3A_114 = tpu.memref_slice %arg6[%mul3A_2] : memref<160000xi32, #tpu.memory_space<hbm>> -> memref<64xi32, #tpu.memory_space<hbm>>
      %dma_start3A_115 = tpu.memref_slice %arg6[%mul3A_2] : memref<160000xi32, #tpu.memory_space<hbm>> -> memref<64xi32, #tpu.memory_space<hbm>>
      tpu.enqueue_dma source(%dma_start3A_115 : memref<64xi32, #tpu.memory_space<hbm>>) target(%arg11 : memref<64xi32, #tpu.memory_space<vmem>>) target_semaphore(%run_scoped3A : memref<!tpu.dma_semaphore, #tpu.memory_space<semaphore_mem>>)
      %dma_wait3A_116 = tpu.memref_slice %arg6[%mul3A_2] : memref<160000xi32, #tpu.memory_space<hbm>> -> memref<64xi32, #tpu.memory_space<hbm>>
      %dma_wait3A_117 = tpu.memref_slice %arg6[%mul3A_2] : memref<160000xi32, #tpu.memory_space<hbm>> -> memref<64xi32, #tpu.memory_space<hbm>>
      tpu.wait_dma2 semaphore(%run_scoped3A : memref<!tpu.dma_semaphore, #tpu.memory_space<semaphore_mem>>) src(%dma_wait3A_117 : memref<64xi32, #tpu.memory_space<hbm>>) dst(%arg11 : memref<64xi32, #tpu.memory_space<vmem>>)
      tpu.yield
    }) : () -> ()
    %dma_start3A = arith.constant 0 : i32
    %dma_start3A_3 = arith.constant 0 : i32
    %dma_start3A_4 = tpu.memref_slice %arg2[%dma_start3A, %dma_start3A_3] : memref<10000x256xf32, #tpu.memory_space<hbm>> -> memref<10000x256xf32, #tpu.memory_space<hbm>>
    tpu.enqueue_indirect_dma source(%dma_start3A_4 : memref<10000x256xf32, #tpu.memory_space<hbm>>) target(%arg12 : memref<64x256xf32, #tpu.memory_space<vmem>>) offsets(%arg10 : memref<64xi32, #tpu.memory_space<vmem>>) semaphore(%arg25 : memref<!tpu.dma_semaphore, #tpu.memory_space<semaphore_mem>>)
    %dma_start3A_5 = arith.constant 0 : i32
    %dma_start3A_6 = arith.constant 0 : i32
    %dma_start3A_7 = tpu.memref_slice %arg3[%dma_start3A_5, %dma_start3A_6] : memref<10000x256xf32, #tpu.memory_space<hbm>> -> memref<10000x256xf32, #tpu.memory_space<hbm>>
    tpu.enqueue_indirect_dma source(%dma_start3A_7 : memref<10000x256xf32, #tpu.memory_space<hbm>>) target(%arg13 : memref<64x256xf32, #tpu.memory_space<vmem>>) offsets(%arg11 : memref<64xi32, #tpu.memory_space<vmem>>) semaphore(%arg25 : memref<!tpu.dma_semaphore, #tpu.memory_space<semaphore_mem>>)
    %dma_start3A_8 = arith.constant 0 : i32
    %dma_start3A_9 = arith.constant 0 : i32
    %dma_start3A_10 = tpu.memref_slice %arg4[%dma_start3A_8, %dma_start3A_9] : memref<10000x256xf32, #tpu.memory_space<hbm>> -> memref<10000x256xf32, #tpu.memory_space<hbm>>
    tpu.enqueue_indirect_dma source(%dma_start3A_10 : memref<10000x256xf32, #tpu.memory_space<hbm>>) target(%arg14 : memref<64x256xf32, #tpu.memory_space<vmem>>) offsets(%arg10 : memref<64xi32, #tpu.memory_space<vmem>>) semaphore(%arg25 : memref<!tpu.dma_semaphore, #tpu.memory_space<semaphore_mem>>)
    %scan3A = arith.constant 0 : i32
    %scan3A_11 = arith.constant 0 : i32
    %scan3A_12 = arith.constant 38 : i32
    %scan3A_13 = arith.addi %scan3A_11, %scan3A_12 : i32
    %scan3A_14 = arith.constant 1 : i32
    scf.for %scan3A_114 = %scan3A_11 to %scan3A_13 step %scan3A_14  : i32 {
      %mul3A_115 = arith.constant 2 : i32
      %mul3A_116 = arith.muli %mul3A_115, %scan3A_114 : i32
      %mul3A_117 = arith.constant 64 : i32
      %mul3A_118 = arith.muli %mul3A_116, %mul3A_117 : i32
      %add3A_119 = arith.addi %mul3A_2, %mul3A_118 : i32
      %add3A_120 = arith.constant 64 : i32
      %add3A_121 = arith.addi %add3A_119, %add3A_120 : i32
      %add3A_122 = arith.constant 64 : i32
      %add3A_123 = arith.addi %add3A_121, %add3A_122 : i32
      "tpu.region"() ({
        %run_scoped3A = tpu.sem_alloc : memref<!tpu.dma_semaphore, #tpu.memory_space<semaphore_mem>>
        %dma_start3A_208 = tpu.memref_slice %arg5[%add3A_121] : memref<160000xi32, #tpu.memory_space<hbm>> -> memref<64xi32, #tpu.memory_space<hbm>>
        %dma_start3A_209 = tpu.memref_slice %arg5[%add3A_121] : memref<160000xi32, #tpu.memory_space<hbm>> -> memref<64xi32, #tpu.memory_space<hbm>>
        tpu.enqueue_dma source(%dma_start3A_209 : memref<64xi32, #tpu.memory_space<hbm>>) target(%arg15 : memref<64xi32, #tpu.memory_space<vmem>>) target_semaphore(%run_scoped3A : memref<!tpu.dma_semaphore, #tpu.memory_space<semaphore_mem>>)
        %dma_wait3A_210 = tpu.memref_slice %arg5[%add3A_121] : memref<160000xi32, #tpu.memory_space<hbm>> -> memref<64xi32, #tpu.memory_space<hbm>>
        %dma_wait3A_211 = tpu.memref_slice %arg5[%add3A_121] : memref<160000xi32, #tpu.memory_space<hbm>> -> memref<64xi32, #tpu.memory_space<hbm>>
        tpu.wait_dma2 semaphore(%run_scoped3A : memref<!tpu.dma_semaphore, #tpu.memory_space<semaphore_mem>>) src(%dma_wait3A_211 : memref<64xi32, #tpu.memory_space<hbm>>) dst(%arg15 : memref<64xi32, #tpu.memory_space<vmem>>)
        tpu.yield
      }) : () -> ()
      "tpu.region"() ({
        %run_scoped3A = tpu.sem_alloc : memref<!tpu.dma_semaphore, #tpu.memory_space<semaphore_mem>>
        %dma_start3A_208 = tpu.memref_slice %arg6[%add3A_121] : memref<160000xi32, #tpu.memory_space<hbm>> -> memref<64xi32, #tpu.memory_space<hbm>>
        %dma_start3A_209 = tpu.memref_slice %arg6[%add3A_121] : memref<160000xi32, #tpu.memory_space<hbm>> -> memref<64xi32, #tpu.memory_space<hbm>>
        tpu.enqueue_dma source(%dma_start3A_209 : memref<64xi32, #tpu.memory_space<hbm>>) target(%arg16 : memref<64xi32, #tpu.memory_space<vmem>>) target_semaphore(%run_scoped3A : memref<!tpu.dma_semaphore, #tpu.memory_space<semaphore_mem>>)
        %dma_wait3A_210 = tpu.memref_slice %arg6[%add3A_121] : memref<160000xi32, #tpu.memory_space<hbm>> -> memref<64xi32, #tpu.memory_space<hbm>>
        %dma_wait3A_211 = tpu.memref_slice %arg6[%add3A_121] : memref<160000xi32, #tpu.memory_space<hbm>> -> memref<64xi32, #tpu.memory_space<hbm>>
        tpu.wait_dma2 semaphore(%run_scoped3A : memref<!tpu.dma_semaphore, #tpu.memory_space<semaphore_mem>>) src(%dma_wait3A_211 : memref<64xi32, #tpu.memory_space<hbm>>) dst(%arg16 : memref<64xi32, #tpu.memory_space<vmem>>)
        tpu.yield
      }) : () -> ()
      %dma_start3A_124 = arith.constant 0 : i32
      %dma_start3A_125 = arith.constant 0 : i32
      %dma_start3A_126 = tpu.memref_slice %arg2[%dma_start3A_124, %dma_start3A_125] : memref<10000x256xf32, #tpu.memory_space<hbm>> -> memref<10000x256xf32, #tpu.memory_space<hbm>>
      tpu.enqueue_indirect_dma source(%dma_start3A_126 : memref<10000x256xf32, #tpu.memory_space<hbm>>) target(%arg17 : memref<64x256xf32, #tpu.memory_space<vmem>>) offsets(%arg15 : memref<64xi32, #tpu.memory_space<vmem>>) semaphore(%arg26 : memref<!tpu.dma_semaphore, #tpu.memory_space<semaphore_mem>>)
      %dma_start3A_127 = arith.constant 0 : i32
      %dma_start3A_128 = arith.constant 0 : i32
      %dma_start3A_129 = tpu.memref_slice %arg3[%dma_start3A_127, %dma_start3A_128] : memref<10000x256xf32, #tpu.memory_space<hbm>> -> memref<10000x256xf32, #tpu.memory_space<hbm>>
      tpu.enqueue_indirect_dma source(%dma_start3A_129 : memref<10000x256xf32, #tpu.memory_space<hbm>>) target(%arg18 : memref<64x256xf32, #tpu.memory_space<vmem>>) offsets(%arg16 : memref<64xi32, #tpu.memory_space<vmem>>) semaphore(%arg26 : memref<!tpu.dma_semaphore, #tpu.memory_space<semaphore_mem>>)
      %dma_start3A_130 = arith.constant 0 : i32
      %dma_start3A_131 = arith.constant 0 : i32
      %dma_start3A_132 = tpu.memref_slice %arg4[%dma_start3A_130, %dma_start3A_131] : memref<10000x256xf32, #tpu.memory_space<hbm>> -> memref<10000x256xf32, #tpu.memory_space<hbm>>
      tpu.enqueue_indirect_dma source(%dma_start3A_132 : memref<10000x256xf32, #tpu.memory_space<hbm>>) target(%arg19 : memref<64x256xf32, #tpu.memory_space<vmem>>) offsets(%arg15 : memref<64xi32, #tpu.memory_space<vmem>>) semaphore(%arg26 : memref<!tpu.dma_semaphore, #tpu.memory_space<semaphore_mem>>)
      %dma_wait3A_133 = arith.constant 0 : i32
      %dma_wait3A_134 = arith.constant 0 : i32
      %dma_wait3A_135 = tpu.memref_slice %arg2[%dma_wait3A_133, %dma_wait3A_134] : memref<10000x256xf32, #tpu.memory_space<hbm>> -> memref<10000x256xf32, #tpu.memory_space<hbm>>
      tpu.wait_indirect_dma semaphore(%arg25 : memref<!tpu.dma_semaphore, #tpu.memory_space<semaphore_mem>>) src(%dma_wait3A_135 : memref<10000x256xf32, #tpu.memory_space<hbm>>) dst(%arg12 : memref<64x256xf32, #tpu.memory_space<vmem>>)
      %dma_wait3A_136 = arith.constant 0 : i32
      %dma_wait3A_137 = arith.constant 0 : i32
      %dma_wait3A_138 = tpu.memref_slice %arg3[%dma_wait3A_136, %dma_wait3A_137] : memref<10000x256xf32, #tpu.memory_space<hbm>> -> memref<10000x256xf32, #tpu.memory_space<hbm>>
      tpu.wait_indirect_dma semaphore(%arg25 : memref<!tpu.dma_semaphore, #tpu.memory_space<semaphore_mem>>) src(%dma_wait3A_138 : memref<10000x256xf32, #tpu.memory_space<hbm>>) dst(%arg13 : memref<64x256xf32, #tpu.memory_space<vmem>>)
      %dma_wait3A_139 = arith.constant 0 : i32
      %dma_wait3A_140 = arith.constant 0 : i32
      %dma_wait3A_141 = tpu.memref_slice %arg4[%dma_wait3A_139, %dma_wait3A_140] : memref<10000x256xf32, #tpu.memory_space<hbm>> -> memref<10000x256xf32, #tpu.memory_space<hbm>>
      tpu.wait_indirect_dma semaphore(%arg25 : memref<!tpu.dma_semaphore, #tpu.memory_space<semaphore_mem>>) src(%dma_wait3A_141 : memref<10000x256xf32, #tpu.memory_space<hbm>>) dst(%arg14 : memref<64x256xf32, #tpu.memory_space<vmem>>)
      %dma_start3A_142 = arith.constant 0 : i32
      %dma_start3A_143 = tpu.memref_slice %arg7[%add3A_119, %dma_start3A_142] : memref<160000x256xf32, #tpu.memory_space<hbm>> -> memref<64x256xf32, #tpu.memory_space<hbm>>
      %dma_start3A_144 = arith.constant 0 : i32
      %dma_start3A_145 = tpu.memref_slice %arg7[%add3A_119, %dma_start3A_144] : memref<160000x256xf32, #tpu.memory_space<hbm>> -> memref<64x256xf32, #tpu.memory_space<hbm>>
      tpu.enqueue_dma source(%arg12 : memref<64x256xf32, #tpu.memory_space<vmem>>) target(%dma_start3A_145 : memref<64x256xf32, #tpu.memory_space<hbm>>) target_semaphore(%arg27 : memref<!tpu.dma_semaphore, #tpu.memory_space<semaphore_mem>>)
      %dma_start3A_146 = arith.constant 0 : i32
      %dma_start3A_147 = tpu.memref_slice %arg8[%add3A_119, %dma_start3A_146] : memref<160000x256xf32, #tpu.memory_space<hbm>> -> memref<64x256xf32, #tpu.memory_space<hbm>>
      %dma_start3A_148 = arith.constant 0 : i32
      %dma_start3A_149 = tpu.memref_slice %arg8[%add3A_119, %dma_start3A_148] : memref<160000x256xf32, #tpu.memory_space<hbm>> -> memref<64x256xf32, #tpu.memory_space<hbm>>
      tpu.enqueue_dma source(%arg13 : memref<64x256xf32, #tpu.memory_space<vmem>>) target(%dma_start3A_149 : memref<64x256xf32, #tpu.memory_space<hbm>>) target_semaphore(%arg27 : memref<!tpu.dma_semaphore, #tpu.memory_space<semaphore_mem>>)
      %dma_start3A_150 = arith.constant 0 : i32
      %dma_start3A_151 = tpu.memref_slice %arg9[%add3A_119, %dma_start3A_150] : memref<160000x256xf32, #tpu.memory_space<hbm>> -> memref<64x256xf32, #tpu.memory_space<hbm>>
      %dma_start3A_152 = arith.constant 0 : i32
      %dma_start3A_153 = tpu.memref_slice %arg9[%add3A_119, %dma_start3A_152] : memref<160000x256xf32, #tpu.memory_space<hbm>> -> memref<64x256xf32, #tpu.memory_space<hbm>>
      tpu.enqueue_dma source(%arg14 : memref<64x256xf32, #tpu.memory_space<vmem>>) target(%dma_start3A_153 : memref<64x256xf32, #tpu.memory_space<hbm>>) target_semaphore(%arg27 : memref<!tpu.dma_semaphore, #tpu.memory_space<semaphore_mem>>)
      %dma_wait3A_154 = arith.constant 0 : i32
      %dma_wait3A_155 = tpu.memref_slice %arg7[%add3A_119, %dma_wait3A_154] : memref<160000x256xf32, #tpu.memory_space<hbm>> -> memref<64x256xf32, #tpu.memory_space<hbm>>
      %dma_wait3A_156 = arith.constant 0 : i32
      %dma_wait3A_157 = tpu.memref_slice %arg7[%add3A_119, %dma_wait3A_156] : memref<160000x256xf32, #tpu.memory_space<hbm>> -> memref<64x256xf32, #tpu.memory_space<hbm>>
      tpu.wait_dma2 semaphore(%arg27 : memref<!tpu.dma_semaphore, #tpu.memory_space<semaphore_mem>>) src(%arg12 : memref<64x256xf32, #tpu.memory_space<vmem>>) dst(%dma_wait3A_157 : memref<64x256xf32, #tpu.memory_space<hbm>>)
      %dma_wait3A_158 = arith.constant 0 : i32
      %dma_wait3A_159 = tpu.memref_slice %arg8[%add3A_119, %dma_wait3A_158] : memref<160000x256xf32, #tpu.memory_space<hbm>> -> memref<64x256xf32, #tpu.memory_space<hbm>>
      %dma_wait3A_160 = arith.constant 0 : i32
      %dma_wait3A_161 = tpu.memref_slice %arg8[%add3A_119, %dma_wait3A_160] : memref<160000x256xf32, #tpu.memory_space<hbm>> -> memref<64x256xf32, #tpu.memory_space<hbm>>
      tpu.wait_dma2 semaphore(%arg27 : memref<!tpu.dma_semaphore, #tpu.memory_space<semaphore_mem>>) src(%arg13 : memref<64x256xf32, #tpu.memory_space<vmem>>) dst(%dma_wait3A_161 : memref<64x256xf32, #tpu.memory_space<hbm>>)
      %dma_wait3A_162 = arith.constant 0 : i32
      %dma_wait3A_163 = tpu.memref_slice %arg9[%add3A_119, %dma_wait3A_162] : memref<160000x256xf32, #tpu.memory_space<hbm>> -> memref<64x256xf32, #tpu.memory_space<hbm>>
      %dma_wait3A_164 = arith.constant 0 : i32
      %dma_wait3A_165 = tpu.memref_slice %arg9[%add3A_119, %dma_wait3A_164] : memref<160000x256xf32, #tpu.memory_space<hbm>> -> memref<64x256xf32, #tpu.memory_space<hbm>>
      tpu.wait_dma2 semaphore(%arg27 : memref<!tpu.dma_semaphore, #tpu.memory_space<semaphore_mem>>) src(%arg14 : memref<64x256xf32, #tpu.memory_space<vmem>>) dst(%dma_wait3A_165 : memref<64x256xf32, #tpu.memory_space<hbm>>)
      "tpu.region"() ({
        %run_scoped3A = tpu.sem_alloc : memref<!tpu.dma_semaphore, #tpu.memory_space<semaphore_mem>>
        %dma_start3A_208 = tpu.memref_slice %arg5[%add3A_123] : memref<160000xi32, #tpu.memory_space<hbm>> -> memref<64xi32, #tpu.memory_space<hbm>>
        %dma_start3A_209 = tpu.memref_slice %arg5[%add3A_123] : memref<160000xi32, #tpu.memory_space<hbm>> -> memref<64xi32, #tpu.memory_space<hbm>>
        tpu.enqueue_dma source(%dma_start3A_209 : memref<64xi32, #tpu.memory_space<hbm>>) target(%arg10 : memref<64xi32, #tpu.memory_space<vmem>>) target_semaphore(%run_scoped3A : memref<!tpu.dma_semaphore, #tpu.memory_space<semaphore_mem>>)
        %dma_wait3A_210 = tpu.memref_slice %arg5[%add3A_123] : memref<160000xi32, #tpu.memory_space<hbm>> -> memref<64xi32, #tpu.memory_space<hbm>>
        %dma_wait3A_211 = tpu.memref_slice %arg5[%add3A_123] : memref<160000xi32, #tpu.memory_space<hbm>> -> memref<64xi32, #tpu.memory_space<hbm>>
        tpu.wait_dma2 semaphore(%run_scoped3A : memref<!tpu.dma_semaphore, #tpu.memory_space<semaphore_mem>>) src(%dma_wait3A_211 : memref<64xi32, #tpu.memory_space<hbm>>) dst(%arg10 : memref<64xi32, #tpu.memory_space<vmem>>)
        tpu.yield
      }) : () -> ()
      "tpu.region"() ({
        %run_scoped3A = tpu.sem_alloc : memref<!tpu.dma_semaphore, #tpu.memory_space<semaphore_mem>>
        %dma_start3A_208 = tpu.memref_slice %arg6[%add3A_123] : memref<160000xi32, #tpu.memory_space<hbm>> -> memref<64xi32, #tpu.memory_space<hbm>>
        %dma_start3A_209 = tpu.memref_slice %arg6[%add3A_123] : memref<160000xi32, #tpu.memory_space<hbm>> -> memref<64xi32, #tpu.memory_space<hbm>>
        tpu.enqueue_dma source(%dma_start3A_209 : memref<64xi32, #tpu.memory_space<hbm>>) target(%arg11 : memref<64xi32, #tpu.memory_space<vmem>>) target_semaphore(%run_scoped3A : memref<!tpu.dma_semaphore, #tpu.memory_space<semaphore_mem>>)
        %dma_wait3A_210 = tpu.memref_slice %arg6[%add3A_123] : memref<160000xi32, #tpu.memory_space<hbm>> -> memref<64xi32, #tpu.memory_space<hbm>>
        %dma_wait3A_211 = tpu.memref_slice %arg6[%add3A_123] : memref<160000xi32, #tpu.memory_space<hbm>> -> memref<64xi32, #tpu.memory_space<hbm>>
        tpu.wait_dma2 semaphore(%run_scoped3A : memref<!tpu.dma_semaphore, #tpu.memory_space<semaphore_mem>>) src(%dma_wait3A_211 : memref<64xi32, #tpu.memory_space<hbm>>) dst(%arg11 : memref<64xi32, #tpu.memory_space<vmem>>)
        tpu.yield
      }) : () -> ()
      %dma_start3A_166 = arith.constant 0 : i32
      %dma_start3A_167 = arith.constant 0 : i32
      %dma_start3A_168 = tpu.memref_slice %arg2[%dma_start3A_166, %dma_start3A_167] : memref<10000x256xf32, #tpu.memory_space<hbm>> -> memref<10000x256xf32, #tpu.memory_space<hbm>>
      tpu.enqueue_indirect_dma source(%dma_start3A_168 : memref<10000x256xf32, #tpu.memory_space<hbm>>) target(%arg12 : memref<64x256xf32, #tpu.memory_space<vmem>>) offsets(%arg10 : memref<64xi32, #tpu.memory_space<vmem>>) semaphore(%arg25 : memref<!tpu.dma_semaphore, #tpu.memory_space<semaphore_mem>>)
      %dma_start3A_169 = arith.constant 0 : i32
      %dma_start3A_170 = arith.constant 0 : i32
      %dma_start3A_171 = tpu.memref_slice %arg3[%dma_start3A_169, %dma_start3A_170] : memref<10000x256xf32, #tpu.memory_space<hbm>> -> memref<10000x256xf32, #tpu.memory_space<hbm>>
      tpu.enqueue_indirect_dma source(%dma_start3A_171 : memref<10000x256xf32, #tpu.memory_space<hbm>>) target(%arg13 : memref<64x256xf32, #tpu.memory_space<vmem>>) offsets(%arg11 : memref<64xi32, #tpu.memory_space<vmem>>) semaphore(%arg25 : memref<!tpu.dma_semaphore, #tpu.memory_space<semaphore_mem>>)
      %dma_start3A_172 = arith.constant 0 : i32
      %dma_start3A_173 = arith.constant 0 : i32
      %dma_start3A_174 = tpu.memref_slice %arg4[%dma_start3A_172, %dma_start3A_173] : memref<10000x256xf32, #tpu.memory_space<hbm>> -> memref<10000x256xf32, #tpu.memory_space<hbm>>
      tpu.enqueue_indirect_dma source(%dma_start3A_174 : memref<10000x256xf32, #tpu.memory_space<hbm>>) target(%arg14 : memref<64x256xf32, #tpu.memory_space<vmem>>) offsets(%arg10 : memref<64xi32, #tpu.memory_space<vmem>>) semaphore(%arg25 : memref<!tpu.dma_semaphore, #tpu.memory_space<semaphore_mem>>)
      %dma_wait3A_175 = arith.constant 0 : i32
      %dma_wait3A_176 = arith.constant 0 : i32
      %dma_wait3A_177 = tpu.memref_slice %arg2[%dma_wait3A_175, %dma_wait3A_176] : memref<10000x256xf32, #tpu.memory_space<hbm>> -> memref<10000x256xf32, #tpu.memory_space<hbm>>
      tpu.wait_indirect_dma semaphore(%arg26 : memref<!tpu.dma_semaphore, #tpu.memory_space<semaphore_mem>>) src(%dma_wait3A_177 : memref<10000x256xf32, #tpu.memory_space<hbm>>) dst(%arg17 : memref<64x256xf32, #tpu.memory_space<vmem>>)
      %dma_wait3A_178 = arith.constant 0 : i32
      %dma_wait3A_179 = arith.constant 0 : i32
      %dma_wait3A_180 = tpu.memref_slice %arg3[%dma_wait3A_178, %dma_wait3A_179] : memref<10000x256xf32, #tpu.memory_space<hbm>> -> memref<10000x256xf32, #tpu.memory_space<hbm>>
      tpu.wait_indirect_dma semaphore(%arg26 : memref<!tpu.dma_semaphore, #tpu.memory_space<semaphore_mem>>) src(%dma_wait3A_180 : memref<10000x256xf32, #tpu.memory_space<hbm>>) dst(%arg18 : memref<64x256xf32, #tpu.memory_space<vmem>>)
      %dma_wait3A_181 = arith.constant 0 : i32
      %dma_wait3A_182 = arith.constant 0 : i32
      %dma_wait3A_183 = tpu.memref_slice %arg4[%dma_wait3A_181, %dma_wait3A_182] : memref<10000x256xf32, #tpu.memory_space<hbm>> -> memref<10000x256xf32, #tpu.memory_space<hbm>>
      tpu.wait_indirect_dma semaphore(%arg26 : memref<!tpu.dma_semaphore, #tpu.memory_space<semaphore_mem>>) src(%dma_wait3A_183 : memref<10000x256xf32, #tpu.memory_space<hbm>>) dst(%arg19 : memref<64x256xf32, #tpu.memory_space<vmem>>)
      %dma_start3A_184 = arith.constant 0 : i32
      %dma_start3A_185 = tpu.memref_slice %arg7[%add3A_121, %dma_start3A_184] : memref<160000x256xf32, #tpu.memory_space<hbm>> -> memref<64x256xf32, #tpu.memory_space<hbm>>
      %dma_start3A_186 = arith.constant 0 : i32
      %dma_start3A_187 = tpu.memref_slice %arg7[%add3A_121, %dma_start3A_186] : memref<160000x256xf32, #tpu.memory_space<hbm>> -> memref<64x256xf32, #tpu.memory_space<hbm>>
      tpu.enqueue_dma source(%arg17 : memref<64x256xf32, #tpu.memory_space<vmem>>) target(%dma_start3A_187 : memref<64x256xf32, #tpu.memory_space<hbm>>) target_semaphore(%arg28 : memref<!tpu.dma_semaphore, #tpu.memory_space<semaphore_mem>>)
      %dma_start3A_188 = arith.constant 0 : i32
      %dma_start3A_189 = tpu.memref_slice %arg8[%add3A_121, %dma_start3A_188] : memref<160000x256xf32, #tpu.memory_space<hbm>> -> memref<64x256xf32, #tpu.memory_space<hbm>>
      %dma_start3A_190 = arith.constant 0 : i32
      %dma_start3A_191 = tpu.memref_slice %arg8[%add3A_121, %dma_start3A_190] : memref<160000x256xf32, #tpu.memory_space<hbm>> -> memref<64x256xf32, #tpu.memory_space<hbm>>
      tpu.enqueue_dma source(%arg18 : memref<64x256xf32, #tpu.memory_space<vmem>>) target(%dma_start3A_191 : memref<64x256xf32, #tpu.memory_space<hbm>>) target_semaphore(%arg28 : memref<!tpu.dma_semaphore, #tpu.memory_space<semaphore_mem>>)
      %dma_start3A_192 = arith.constant 0 : i32
      %dma_start3A_193 = tpu.memref_slice %arg9[%add3A_121, %dma_start3A_192] : memref<160000x256xf32, #tpu.memory_space<hbm>> -> memref<64x256xf32, #tpu.memory_space<hbm>>
      %dma_start3A_194 = arith.constant 0 : i32
      %dma_start3A_195 = tpu.memref_slice %arg9[%add3A_121, %dma_start3A_194] : memref<160000x256xf32, #tpu.memory_space<hbm>> -> memref<64x256xf32, #tpu.memory_space<hbm>>
      tpu.enqueue_dma source(%arg19 : memref<64x256xf32, #tpu.memory_space<vmem>>) target(%dma_start3A_195 : memref<64x256xf32, #tpu.memory_space<hbm>>) target_semaphore(%arg28 : memref<!tpu.dma_semaphore, #tpu.memory_space<semaphore_mem>>)
      %dma_wait3A_196 = arith.constant 0 : i32
      %dma_wait3A_197 = tpu.memref_slice %arg7[%add3A_121, %dma_wait3A_196] : memref<160000x256xf32, #tpu.memory_space<hbm>> -> memref<64x256xf32, #tpu.memory_space<hbm>>
      %dma_wait3A_198 = arith.constant 0 : i32
      %dma_wait3A_199 = tpu.memref_slice %arg7[%add3A_121, %dma_wait3A_198] : memref<160000x256xf32, #tpu.memory_space<hbm>> -> memref<64x256xf32, #tpu.memory_space<hbm>>
      tpu.wait_dma2 semaphore(%arg28 : memref<!tpu.dma_semaphore, #tpu.memory_space<semaphore_mem>>) src(%arg17 : memref<64x256xf32, #tpu.memory_space<vmem>>) dst(%dma_wait3A_199 : memref<64x256xf32, #tpu.memory_space<hbm>>)
      %dma_wait3A_200 = arith.constant 0 : i32
      %dma_wait3A_201 = tpu.memref_slice %arg8[%add3A_121, %dma_wait3A_200] : memref<160000x256xf32, #tpu.memory_space<hbm>> -> memref<64x256xf32, #tpu.memory_space<hbm>>
      %dma_wait3A_202 = arith.constant 0 : i32
      %dma_wait3A_203 = tpu.memref_slice %arg8[%add3A_121, %dma_wait3A_202] : memref<160000x256xf32, #tpu.memory_space<hbm>> -> memref<64x256xf32, #tpu.memory_space<hbm>>
      tpu.wait_dma2 semaphore(%arg28 : memref<!tpu.dma_semaphore, #tpu.memory_space<semaphore_mem>>) src(%arg18 : memref<64x256xf32, #tpu.memory_space<vmem>>) dst(%dma_wait3A_203 : memref<64x256xf32, #tpu.memory_space<hbm>>)
      %dma_wait3A_204 = arith.constant 0 : i32
      %dma_wait3A_205 = tpu.memref_slice %arg9[%add3A_121, %dma_wait3A_204] : memref<160000x256xf32, #tpu.memory_space<hbm>> -> memref<64x256xf32, #tpu.memory_space<hbm>>
      %dma_wait3A_206 = arith.constant 0 : i32
      %dma_wait3A_207 = tpu.memref_slice %arg9[%add3A_121, %dma_wait3A_206] : memref<160000x256xf32, #tpu.memory_space<hbm>> -> memref<64x256xf32, #tpu.memory_space<hbm>>
      tpu.wait_dma2 semaphore(%arg28 : memref<!tpu.dma_semaphore, #tpu.memory_space<semaphore_mem>>) src(%arg19 : memref<64x256xf32, #tpu.memory_space<vmem>>) dst(%dma_wait3A_207 : memref<64x256xf32, #tpu.memory_space<hbm>>)
    }
    %scan3A_15 = arith.constant 38 : i32
    %add3A_16 = arith.constant 4864 : i32
    %add3A_17 = arith.addi %mul3A_2, %add3A_16 : i32
    %add3A_18 = arith.constant 64 : i32
    %add3A_19 = arith.addi %add3A_17, %add3A_18 : i32
    %dma_wait3A = arith.constant 0 : i32
    %dma_wait3A_20 = arith.constant 0 : i32
    %dma_wait3A_21 = tpu.memref_slice %arg2[%dma_wait3A, %dma_wait3A_20] : memref<10000x256xf32, #tpu.memory_space<hbm>> -> memref<10000x256xf32, #tpu.memory_space<hbm>>
    tpu.wait_indirect_dma semaphore(%arg25 : memref<!tpu.dma_semaphore, #tpu.memory_space<semaphore_mem>>) src(%dma_wait3A_21 : memref<10000x256xf32, #tpu.memory_space<hbm>>) dst(%arg12 : memref<64x256xf32, #tpu.memory_space<vmem>>)
    %dma_wait3A_22 = arith.constant 0 : i32
    %dma_wait3A_23 = arith.constant 0 : i32
    %dma_wait3A_24 = tpu.memref_slice %arg3[%dma_wait3A_22, %dma_wait3A_23] : memref<10000x256xf32, #tpu.memory_space<hbm>> -> memref<10000x256xf32, #tpu.memory_space<hbm>>
    tpu.wait_indirect_dma semaphore(%arg25 : memref<!tpu.dma_semaphore, #tpu.memory_space<semaphore_mem>>) src(%dma_wait3A_24 : memref<10000x256xf32, #tpu.memory_space<hbm>>) dst(%arg13 : memref<64x256xf32, #tpu.memory_space<vmem>>)
    %dma_wait3A_25 = arith.constant 0 : i32
    %dma_wait3A_26 = arith.constant 0 : i32
    %dma_wait3A_27 = tpu.memref_slice %arg4[%dma_wait3A_25, %dma_wait3A_26] : memref<10000x256xf32, #tpu.memory_space<hbm>> -> memref<10000x256xf32, #tpu.memory_space<hbm>>
    tpu.wait_indirect_dma semaphore(%arg25 : memref<!tpu.dma_semaphore, #tpu.memory_space<semaphore_mem>>) src(%dma_wait3A_27 : memref<10000x256xf32, #tpu.memory_space<hbm>>) dst(%arg14 : memref<64x256xf32, #tpu.memory_space<vmem>>)
    %dma_start3A_28 = arith.constant 0 : i32
    %dma_start3A_29 = tpu.memref_slice %arg7[%add3A_17, %dma_start3A_28] : memref<160000x256xf32, #tpu.memory_space<hbm>> -> memref<64x256xf32, #tpu.memory_space<hbm>>
    %dma_start3A_30 = arith.constant 0 : i32
    %dma_start3A_31 = tpu.memref_slice %arg7[%add3A_17, %dma_start3A_30] : memref<160000x256xf32, #tpu.memory_space<hbm>> -> memref<64x256xf32, #tpu.memory_space<hbm>>
    tpu.enqueue_dma source(%arg12 : memref<64x256xf32, #tpu.memory_space<vmem>>) target(%dma_start3A_31 : memref<64x256xf32, #tpu.memory_space<hbm>>) target_semaphore(%arg27 : memref<!tpu.dma_semaphore, #tpu.memory_space<semaphore_mem>>)
    %dma_start3A_32 = arith.constant 0 : i32
    %dma_start3A_33 = tpu.memref_slice %arg8[%add3A_17, %dma_start3A_32] : memref<160000x256xf32, #tpu.memory_space<hbm>> -> memref<64x256xf32, #tpu.memory_space<hbm>>
    %dma_start3A_34 = arith.constant 0 : i32
    %dma_start3A_35 = tpu.memref_slice %arg8[%add3A_17, %dma_start3A_34] : memref<160000x256xf32, #tpu.memory_space<hbm>> -> memref<64x256xf32, #tpu.memory_space<hbm>>
    tpu.enqueue_dma source(%arg13 : memref<64x256xf32, #tpu.memory_space<vmem>>) target(%dma_start3A_35 : memref<64x256xf32, #tpu.memory_space<hbm>>) target_semaphore(%arg27 : memref<!tpu.dma_semaphore, #tpu.memory_space<semaphore_mem>>)
    %dma_start3A_36 = arith.constant 0 : i32
    %dma_start3A_37 = tpu.memref_slice %arg9[%add3A_17, %dma_start3A_36] : memref<160000x256xf32, #tpu.memory_space<hbm>> -> memref<64x256xf32, #tpu.memory_space<hbm>>
    %dma_start3A_38 = arith.constant 0 : i32
    %dma_start3A_39 = tpu.memref_slice %arg9[%add3A_17, %dma_start3A_38] : memref<160000x256xf32, #tpu.memory_space<hbm>> -> memref<64x256xf32, #tpu.memory_space<hbm>>
    tpu.enqueue_dma source(%arg14 : memref<64x256xf32, #tpu.memory_space<vmem>>) target(%dma_start3A_39 : memref<64x256xf32, #tpu.memory_space<hbm>>) target_semaphore(%arg27 : memref<!tpu.dma_semaphore, #tpu.memory_space<semaphore_mem>>)
    "tpu.region"() ({
      %run_scoped3A = tpu.sem_alloc : memref<!tpu.dma_semaphore, #tpu.memory_space<semaphore_mem>>
      %dma_start3A_114 = tpu.memref_slice %arg5[%add3A_19] : memref<160000xi32, #tpu.memory_space<hbm>> -> memref<64xi32, #tpu.memory_space<hbm>>
      %dma_start3A_115 = tpu.memref_slice %arg5[%add3A_19] : memref<160000xi32, #tpu.memory_space<hbm>> -> memref<64xi32, #tpu.memory_space<hbm>>
      tpu.enqueue_dma source(%dma_start3A_115 : memref<64xi32, #tpu.memory_space<hbm>>) target(%arg15 : memref<64xi32, #tpu.memory_space<vmem>>) target_semaphore(%run_scoped3A : memref<!tpu.dma_semaphore, #tpu.memory_space<semaphore_mem>>)
      %dma_wait3A_116 = tpu.memref_slice %arg5[%add3A_19] : memref<160000xi32, #tpu.memory_space<hbm>> -> memref<64xi32, #tpu.memory_space<hbm>>
      %dma_wait3A_117 = tpu.memref_slice %arg5[%add3A_19] : memref<160000xi32, #tpu.memory_space<hbm>> -> memref<64xi32, #tpu.memory_space<hbm>>
      tpu.wait_dma2 semaphore(%run_scoped3A : memref<!tpu.dma_semaphore, #tpu.memory_space<semaphore_mem>>) src(%dma_wait3A_117 : memref<64xi32, #tpu.memory_space<hbm>>) dst(%arg15 : memref<64xi32, #tpu.memory_space<vmem>>)
      tpu.yield
    }) : () -> ()
    "tpu.region"() ({
      %run_scoped3A = tpu.sem_alloc : memref<!tpu.dma_semaphore, #tpu.memory_space<semaphore_mem>>
      %dma_start3A_114 = tpu.memref_slice %arg6[%add3A_19] : memref<160000xi32, #tpu.memory_space<hbm>> -> memref<64xi32, #tpu.memory_space<hbm>>
      %dma_start3A_115 = tpu.memref_slice %arg6[%add3A_19] : memref<160000xi32, #tpu.memory_space<hbm>> -> memref<64xi32, #tpu.memory_space<hbm>>
      tpu.enqueue_dma source(%dma_start3A_115 : memref<64xi32, #tpu.memory_space<hbm>>) target(%arg16 : memref<64xi32, #tpu.memory_space<vmem>>) target_semaphore(%run_scoped3A : memref<!tpu.dma_semaphore, #tpu.memory_space<semaphore_mem>>)
      %dma_wait3A_116 = tpu.memref_slice %arg6[%add3A_19] : memref<160000xi32, #tpu.memory_space<hbm>> -> memref<64xi32, #tpu.memory_space<hbm>>
      %dma_wait3A_117 = tpu.memref_slice %arg6[%add3A_19] : memref<160000xi32, #tpu.memory_space<hbm>> -> memref<64xi32, #tpu.memory_space<hbm>>
      tpu.wait_dma2 semaphore(%run_scoped3A : memref<!tpu.dma_semaphore, #tpu.memory_space<semaphore_mem>>) src(%dma_wait3A_117 : memref<64xi32, #tpu.memory_space<hbm>>) dst(%arg16 : memref<64xi32, #tpu.memory_space<vmem>>)
      tpu.yield
    }) : () -> ()
    %dma_start3A_40 = arith.constant 0 : i32
    %dma_start3A_41 = arith.constant 0 : i32
    %dma_start3A_42 = tpu.memref_slice %arg2[%dma_start3A_40, %dma_start3A_41] : memref<10000x256xf32, #tpu.memory_space<hbm>> -> memref<10000x256xf32, #tpu.memory_space<hbm>>
    tpu.enqueue_indirect_dma source(%dma_start3A_42 : memref<10000x256xf32, #tpu.memory_space<hbm>>) target(%arg17 : memref<64x256xf32, #tpu.memory_space<vmem>>) offsets(%arg15 : memref<64xi32, #tpu.memory_space<vmem>>) semaphore(%arg26 : memref<!tpu.dma_semaphore, #tpu.memory_space<semaphore_mem>>)
    %dma_start3A_43 = arith.constant 0 : i32
    %dma_start3A_44 = arith.constant 0 : i32
    %dma_start3A_45 = tpu.memref_slice %arg3[%dma_start3A_43, %dma_start3A_44] : memref<10000x256xf32, #tpu.memory_space<hbm>> -> memref<10000x256xf32, #tpu.memory_space<hbm>>
    tpu.enqueue_indirect_dma source(%dma_start3A_45 : memref<10000x256xf32, #tpu.memory_space<hbm>>) target(%arg18 : memref<64x256xf32, #tpu.memory_space<vmem>>) offsets(%arg16 : memref<64xi32, #tpu.memory_space<vmem>>) semaphore(%arg26 : memref<!tpu.dma_semaphore, #tpu.memory_space<semaphore_mem>>)
    %dma_start3A_46 = arith.constant 0 : i32
    %dma_start3A_47 = arith.constant 0 : i32
    %dma_start3A_48 = tpu.memref_slice %arg4[%dma_start3A_46, %dma_start3A_47] : memref<10000x256xf32, #tpu.memory_space<hbm>> -> memref<10000x256xf32, #tpu.memory_space<hbm>>
    tpu.enqueue_indirect_dma source(%dma_start3A_48 : memref<10000x256xf32, #tpu.memory_space<hbm>>) target(%arg19 : memref<64x256xf32, #tpu.memory_space<vmem>>) offsets(%arg15 : memref<64xi32, #tpu.memory_space<vmem>>) semaphore(%arg26 : memref<!tpu.dma_semaphore, #tpu.memory_space<semaphore_mem>>)
    %dma_wait3A_49 = arith.constant 0 : i32
    %dma_wait3A_50 = arith.constant 0 : i32
    %dma_wait3A_51 = tpu.memref_slice %arg2[%dma_wait3A_49, %dma_wait3A_50] : memref<10000x256xf32, #tpu.memory_space<hbm>> -> memref<10000x256xf32, #tpu.memory_space<hbm>>
    tpu.wait_indirect_dma semaphore(%arg26 : memref<!tpu.dma_semaphore, #tpu.memory_space<semaphore_mem>>) src(%dma_wait3A_51 : memref<10000x256xf32, #tpu.memory_space<hbm>>) dst(%arg17 : memref<64x256xf32, #tpu.memory_space<vmem>>)
    %dma_wait3A_52 = arith.constant 0 : i32
    %dma_wait3A_53 = arith.constant 0 : i32
    %dma_wait3A_54 = tpu.memref_slice %arg3[%dma_wait3A_52, %dma_wait3A_53] : memref<10000x256xf32, #tpu.memory_space<hbm>> -> memref<10000x256xf32, #tpu.memory_space<hbm>>
    tpu.wait_indirect_dma semaphore(%arg26 : memref<!tpu.dma_semaphore, #tpu.memory_space<semaphore_mem>>) src(%dma_wait3A_54 : memref<10000x256xf32, #tpu.memory_space<hbm>>) dst(%arg18 : memref<64x256xf32, #tpu.memory_space<vmem>>)
    %dma_wait3A_55 = arith.constant 0 : i32
    %dma_wait3A_56 = arith.constant 0 : i32
    %dma_wait3A_57 = tpu.memref_slice %arg4[%dma_wait3A_55, %dma_wait3A_56] : memref<10000x256xf32, #tpu.memory_space<hbm>> -> memref<10000x256xf32, #tpu.memory_space<hbm>>
    tpu.wait_indirect_dma semaphore(%arg26 : memref<!tpu.dma_semaphore, #tpu.memory_space<semaphore_mem>>) src(%dma_wait3A_57 : memref<10000x256xf32, #tpu.memory_space<hbm>>) dst(%arg19 : memref<64x256xf32, #tpu.memory_space<vmem>>)
    %dma_start3A_58 = arith.constant 0 : i32
    %dma_start3A_59 = tpu.memref_slice %arg7[%add3A_19, %dma_start3A_58] : memref<160000x256xf32, #tpu.memory_space<hbm>> -> memref<64x256xf32, #tpu.memory_space<hbm>>
    %dma_start3A_60 = arith.constant 0 : i32
    %dma_start3A_61 = tpu.memref_slice %arg7[%add3A_19, %dma_start3A_60] : memref<160000x256xf32, #tpu.memory_space<hbm>> -> memref<64x256xf32, #tpu.memory_space<hbm>>
    tpu.enqueue_dma source(%arg17 : memref<64x256xf32, #tpu.memory_space<vmem>>) target(%dma_start3A_61 : memref<64x256xf32, #tpu.memory_space<hbm>>) target_semaphore(%arg28 : memref<!tpu.dma_semaphore, #tpu.memory_space<semaphore_mem>>)
    %dma_start3A_62 = arith.constant 0 : i32
    %dma_start3A_63 = tpu.memref_slice %arg8[%add3A_19, %dma_start3A_62] : memref<160000x256xf32, #tpu.memory_space<hbm>> -> memref<64x256xf32, #tpu.memory_space<hbm>>
    %dma_start3A_64 = arith.constant 0 : i32
    %dma_start3A_65 = tpu.memref_slice %arg8[%add3A_19, %dma_start3A_64] : memref<160000x256xf32, #tpu.memory_space<hbm>> -> memref<64x256xf32, #tpu.memory_space<hbm>>
    tpu.enqueue_dma source(%arg18 : memref<64x256xf32, #tpu.memory_space<vmem>>) target(%dma_start3A_65 : memref<64x256xf32, #tpu.memory_space<hbm>>) target_semaphore(%arg28 : memref<!tpu.dma_semaphore, #tpu.memory_space<semaphore_mem>>)
    %dma_start3A_66 = arith.constant 0 : i32
    %dma_start3A_67 = tpu.memref_slice %arg9[%add3A_19, %dma_start3A_66] : memref<160000x256xf32, #tpu.memory_space<hbm>> -> memref<64x256xf32, #tpu.memory_space<hbm>>
    %dma_start3A_68 = arith.constant 0 : i32
    %dma_start3A_69 = tpu.memref_slice %arg9[%add3A_19, %dma_start3A_68] : memref<160000x256xf32, #tpu.memory_space<hbm>> -> memref<64x256xf32, #tpu.memory_space<hbm>>
    tpu.enqueue_dma source(%arg19 : memref<64x256xf32, #tpu.memory_space<vmem>>) target(%dma_start3A_69 : memref<64x256xf32, #tpu.memory_space<hbm>>) target_semaphore(%arg28 : memref<!tpu.dma_semaphore, #tpu.memory_space<semaphore_mem>>)
    %dma_wait3A_70 = arith.constant 0 : i32
    %dma_wait3A_71 = tpu.memref_slice %arg7[%add3A_17, %dma_wait3A_70] : memref<160000x256xf32, #tpu.memory_space<hbm>> -> memref<64x256xf32, #tpu.memory_space<hbm>>
    %dma_wait3A_72 = arith.constant 0 : i32
    %dma_wait3A_73 = tpu.memref_slice %arg7[%add3A_17, %dma_wait3A_72] : memref<160000x256xf32, #tpu.memory_space<hbm>> -> memref<64x256xf32, #tpu.memory_space<hbm>>
    tpu.wait_dma2 semaphore(%arg27 : memref<!tpu.dma_semaphore, #tpu.memory_space<semaphore_mem>>) src(%arg12 : memref<64x256xf32, #tpu.memory_space<vmem>>) dst(%dma_wait3A_73 : memref<64x256xf32, #tpu.memory_space<hbm>>)
    %dma_wait3A_74 = arith.constant 0 : i32
    %dma_wait3A_75 = tpu.memref_slice %arg8[%add3A_17, %dma_wait3A_74] : memref<160000x256xf32, #tpu.memory_space<hbm>> -> memref<64x256xf32, #tpu.memory_space<hbm>>
    %dma_wait3A_76 = arith.constant 0 : i32
    %dma_wait3A_77 = tpu.memref_slice %arg8[%add3A_17, %dma_wait3A_76] : memref<160000x256xf32, #tpu.memory_space<hbm>> -> memref<64x256xf32, #tpu.memory_space<hbm>>
    tpu.wait_dma2 semaphore(%arg27 : memref<!tpu.dma_semaphore, #tpu.memory_space<semaphore_mem>>) src(%arg13 : memref<64x256xf32, #tpu.memory_space<vmem>>) dst(%dma_wait3A_77 : memref<64x256xf32, #tpu.memory_space<hbm>>)
    %dma_wait3A_78 = arith.constant 0 : i32
    %dma_wait3A_79 = tpu.memref_slice %arg9[%add3A_17, %dma_wait3A_78] : memref<160000x256xf32, #tpu.memory_space<hbm>> -> memref<64x256xf32, #tpu.memory_space<hbm>>
    %dma_wait3A_80 = arith.constant 0 : i32
    %dma_wait3A_81 = tpu.memref_slice %arg9[%add3A_17, %dma_wait3A_80] : memref<160000x256xf32, #tpu.memory_space<hbm>> -> memref<64x256xf32, #tpu.memory_space<hbm>>
    tpu.wait_dma2 semaphore(%arg27 : memref<!tpu.dma_semaphore, #tpu.memory_space<semaphore_mem>>) src(%arg14 : memref<64x256xf32, #tpu.memory_space<vmem>>) dst(%dma_wait3A_81 : memref<64x256xf32, #tpu.memory_space<hbm>>)
    %dma_wait3A_82 = arith.constant 0 : i32
    %dma_wait3A_83 = tpu.memref_slice %arg7[%add3A_19, %dma_wait3A_82] : memref<160000x256xf32, #tpu.memory_space<hbm>> -> memref<64x256xf32, #tpu.memory_space<hbm>>
    %dma_wait3A_84 = arith.constant 0 : i32
    %dma_wait3A_85 = tpu.memref_slice %arg7[%add3A_19, %dma_wait3A_84] : memref<160000x256xf32, #tpu.memory_space<hbm>> -> memref<64x256xf32, #tpu.memory_space<hbm>>
    tpu.wait_dma2 semaphore(%arg28 : memref<!tpu.dma_semaphore, #tpu.memory_space<semaphore_mem>>) src(%arg17 : memref<64x256xf32, #tpu.memory_space<vmem>>) dst(%dma_wait3A_85 : memref<64x256xf32, #tpu.memory_space<hbm>>)
    %dma_wait3A_86 = arith.constant 0 : i32
    %dma_wait3A_87 = tpu.memref_slice %arg8[%add3A_19, %dma_wait3A_86] : memref<160000x256xf32, #tpu.memory_space<hbm>> -> memref<64x256xf32, #tpu.memory_space<hbm>>
    %dma_wait3A_88 = arith.constant 0 : i32
    %dma_wait3A_89 = tpu.memref_slice %arg8[%add3A_19, %dma_wait3A_88] : memref<160000x256xf32, #tpu.memory_space<hbm>> -> memref<64x256xf32, #tpu.memory_space<hbm>>
    tpu.wait_dma2 semaphore(%arg28 : memref<!tpu.dma_semaphore, #tpu.memory_space<semaphore_mem>>) src(%arg18 : memref<64x256xf32, #tpu.memory_space<vmem>>) dst(%dma_wait3A_89 : memref<64x256xf32, #tpu.memory_space<hbm>>)
    %dma_wait3A_90 = arith.constant 0 : i32
    %dma_wait3A_91 = tpu.memref_slice %arg9[%add3A_19, %dma_wait3A_90] : memref<160000x256xf32, #tpu.memory_space<hbm>> -> memref<64x256xf32, #tpu.memory_space<hbm>>
    %dma_wait3A_92 = arith.constant 0 : i32
    %dma_wait3A_93 = tpu.memref_slice %arg9[%add3A_19, %dma_wait3A_92] : memref<160000x256xf32, #tpu.memory_space<hbm>> -> memref<64x256xf32, #tpu.memory_space<hbm>>
    tpu.wait_dma2 semaphore(%arg28 : memref<!tpu.dma_semaphore, #tpu.memory_space<semaphore_mem>>) src(%arg19 : memref<64x256xf32, #tpu.memory_space<vmem>>) dst(%dma_wait3A_93 : memref<64x256xf32, #tpu.memory_space<hbm>>)
    %add3A_94 = arith.constant 4992 : i32
    %add3A_95 = arith.addi %mul3A_2, %add3A_94 : i32
    "tpu.region"() ({
      %run_scoped3A = tpu.sem_alloc : memref<!tpu.dma_semaphore, #tpu.memory_space<semaphore_mem>>
      %dma_start3A_114 = tpu.memref_slice %arg5[%add3A_95] : memref<160000xi32, #tpu.memory_space<hbm>> -> memref<8xi32, #tpu.memory_space<hbm>>
      %dma_start3A_115 = tpu.memref_slice %arg5[%add3A_95] : memref<160000xi32, #tpu.memory_space<hbm>> -> memref<8xi32, #tpu.memory_space<hbm>>
      tpu.enqueue_dma source(%dma_start3A_115 : memref<8xi32, #tpu.memory_space<hbm>>) target(%arg20 : memref<8xi32, #tpu.memory_space<vmem>>) target_semaphore(%run_scoped3A : memref<!tpu.dma_semaphore, #tpu.memory_space<semaphore_mem>>)
      %dma_wait3A_116 = tpu.memref_slice %arg5[%add3A_95] : memref<160000xi32, #tpu.memory_space<hbm>> -> memref<8xi32, #tpu.memory_space<hbm>>
      %dma_wait3A_117 = tpu.memref_slice %arg5[%add3A_95] : memref<160000xi32, #tpu.memory_space<hbm>> -> memref<8xi32, #tpu.memory_space<hbm>>
      tpu.wait_dma2 semaphore(%run_scoped3A : memref<!tpu.dma_semaphore, #tpu.memory_space<semaphore_mem>>) src(%dma_wait3A_117 : memref<8xi32, #tpu.memory_space<hbm>>) dst(%arg20 : memref<8xi32, #tpu.memory_space<vmem>>)
      tpu.yield
    }) : () -> ()
    "tpu.region"() ({
      %run_scoped3A = tpu.sem_alloc : memref<!tpu.dma_semaphore, #tpu.memory_space<semaphore_mem>>
      %dma_start3A_114 = tpu.memref_slice %arg6[%add3A_95] : memref<160000xi32, #tpu.memory_space<hbm>> -> memref<8xi32, #tpu.memory_space<hbm>>
      %dma_start3A_115 = tpu.memref_slice %arg6[%add3A_95] : memref<160000xi32, #tpu.memory_space<hbm>> -> memref<8xi32, #tpu.memory_space<hbm>>
      tpu.enqueue_dma source(%dma_start3A_115 : memref<8xi32, #tpu.memory_space<hbm>>) target(%arg21 : memref<8xi32, #tpu.memory_space<vmem>>) target_semaphore(%run_scoped3A : memref<!tpu.dma_semaphore, #tpu.memory_space<semaphore_mem>>)
      %dma_wait3A_116 = tpu.memref_slice %arg6[%add3A_95] : memref<160000xi32, #tpu.memory_space<hbm>> -> memref<8xi32, #tpu.memory_space<hbm>>
      %dma_wait3A_117 = tpu.memref_slice %arg6[%add3A_95] : memref<160000xi32, #tpu.memory_space<hbm>> -> memref<8xi32, #tpu.memory_space<hbm>>
      tpu.wait_dma2 semaphore(%run_scoped3A : memref<!tpu.dma_semaphore, #tpu.memory_space<semaphore_mem>>) src(%dma_wait3A_117 : memref<8xi32, #tpu.memory_space<hbm>>) dst(%arg21 : memref<8xi32, #tpu.memory_space<vmem>>)
      tpu.yield
    }) : () -> ()
    %dma_start3A_96 = arith.constant 0 : i32
    %dma_start3A_97 = arith.constant 0 : i32
    %dma_start3A_98 = tpu.memref_slice %arg2[%dma_start3A_96, %dma_start3A_97] : memref<10000x256xf32, #tpu.memory_space<hbm>> -> memref<10000x256xf32, #tpu.memory_space<hbm>>
    tpu.enqueue_indirect_dma source(%dma_start3A_98 : memref<10000x256xf32, #tpu.memory_space<hbm>>) target(%arg22 : memref<8x256xf32, #tpu.memory_space<vmem>>) offsets(%arg20 : memref<8xi32, #tpu.memory_space<vmem>>) semaphore(%arg29 : memref<!tpu.dma_semaphore, #tpu.memory_space<semaphore_mem>>)
    %dma_start3A_99 = arith.constant 0 : i32
    %dma_start3A_100 = arith.constant 0 : i32
    %dma_start3A_101 = tpu.memref_slice %arg3[%dma_start3A_99, %dma_start3A_100] : memref<10000x256xf32, #tpu.memory_space<hbm>> -> memref<10000x256xf32, #tpu.memory_space<hbm>>
    tpu.enqueue_indirect_dma source(%dma_start3A_101 : memref<10000x256xf32, #tpu.memory_space<hbm>>) target(%arg23 : memref<8x256xf32, #tpu.memory_space<vmem>>) offsets(%arg21 : memref<8xi32, #tpu.memory_space<vmem>>) semaphore(%arg29 : memref<!tpu.dma_semaphore, #tpu.memory_space<semaphore_mem>>)
    %dma_start3A_102 = arith.constant 0 : i32
    %dma_start3A_103 = arith.constant 0 : i32
    %dma_start3A_104 = tpu.memref_slice %arg4[%dma_start3A_102, %dma_start3A_103] : memref<10000x256xf32, #tpu.memory_space<hbm>> -> memref<10000x256xf32, #tpu.memory_space<hbm>>
    tpu.enqueue_indirect_dma source(%dma_start3A_104 : memref<10000x256xf32, #tpu.memory_space<hbm>>) target(%arg24 : memref<8x256xf32, #tpu.memory_space<vmem>>) offsets(%arg20 : memref<8xi32, #tpu.memory_space<vmem>>) semaphore(%arg29 : memref<!tpu.dma_semaphore, #tpu.memory_space<semaphore_mem>>)
    %dma_wait3A_105 = arith.constant 0 : i32
    %dma_wait3A_106 = arith.constant 0 : i32
    %dma_wait3A_107 = tpu.memref_slice %arg2[%dma_wait3A_105, %dma_wait3A_106] : memref<10000x256xf32, #tpu.memory_space<hbm>> -> memref<10000x256xf32, #tpu.memory_space<hbm>>
    tpu.wait_indirect_dma semaphore(%arg29 : memref<!tpu.dma_semaphore, #tpu.memory_space<semaphore_mem>>) src(%dma_wait3A_107 : memref<10000x256xf32, #tpu.memory_space<hbm>>) dst(%arg22 : memref<8x256xf32, #tpu.memory_space<vmem>>)
    %dma_wait3A_108 = arith.constant 0 : i32
    %dma_wait3A_109 = arith.constant 0 : i32
    %dma_wait3A_110 = tpu.memref_slice %arg3[%dma_wait3A_108, %dma_wait3A_109] : memref<10000x256xf32, #tpu.memory_space<hbm>> -> memref<10000x256xf32, #tpu.memory_space<hbm>>
    tpu.wait_indirect_dma semaphore(%arg29 : memref<!tpu.dma_semaphore, #tpu.memory_space<semaphore_mem>>) src(%dma_wait3A_110 : memref<10000x256xf32, #tpu.memory_space<hbm>>) dst(%arg23 : memref<8x256xf32, #tpu.memory_space<vmem>>)
    %dma_wait3A_111 = arith.constant 0 : i32
    %dma_wait3A_112 = arith.constant 0 : i32
    %dma_wait3A_113 = tpu.memref_slice %arg4[%dma_wait3A_111, %dma_wait3A_112] : memref<10000x256xf32, #tpu.memory_space<hbm>> -> memref<10000x256xf32, #tpu.memory_space<hbm>>
    tpu.wait_indirect_dma semaphore(%arg29 : memref<!tpu.dma_semaphore, #tpu.memory_space<semaphore_mem>>) src(%dma_wait3A_113 : memref<10000x256xf32, #tpu.memory_space<hbm>>) dst(%arg24 : memref<8x256xf32, #tpu.memory_space<vmem>>)
    "tpu.region"() ({
      %run_scoped3A = tpu.sem_alloc : memref<!tpu.dma_semaphore, #tpu.memory_space<semaphore_mem>>
      %dma_start3A_114 = arith.constant 0 : i32
      %dma_start3A_115 = tpu.memref_slice %arg7[%add3A_95, %dma_start3A_114] : memref<160000x256xf32, #tpu.memory_space<hbm>> -> memref<8x256xf32, #tpu.memory_space<hbm>>
      %dma_start3A_116 = arith.constant 0 : i32
      %dma_start3A_117 = tpu.memref_slice %arg7[%add3A_95, %dma_start3A_116] : memref<160000x256xf32, #tpu.memory_space<hbm>> -> memref<8x256xf32, #tpu.memory_space<hbm>>
      tpu.enqueue_dma source(%arg22 : memref<8x256xf32, #tpu.memory_space<vmem>>) target(%dma_start3A_117 : memref<8x256xf32, #tpu.memory_space<hbm>>) target_semaphore(%run_scoped3A : memref<!tpu.dma_semaphore, #tpu.memory_space<semaphore_mem>>)
      %dma_wait3A_118 = arith.constant 0 : i32
      %dma_wait3A_119 = tpu.memref_slice %arg7[%add3A_95, %dma_wait3A_118] : memref<160000x256xf32, #tpu.memory_space<hbm>> -> memref<8x256xf32, #tpu.memory_space<hbm>>
      %dma_wait3A_120 = arith.constant 0 : i32
      %dma_wait3A_121 = tpu.memref_slice %arg7[%add3A_95, %dma_wait3A_120] : memref<160000x256xf32, #tpu.memory_space<hbm>> -> memref<8x256xf32, #tpu.memory_space<hbm>>
      tpu.wait_dma2 semaphore(%run_scoped3A : memref<!tpu.dma_semaphore, #tpu.memory_space<semaphore_mem>>) src(%arg22 : memref<8x256xf32, #tpu.memory_space<vmem>>) dst(%dma_wait3A_121 : memref<8x256xf32, #tpu.memory_space<hbm>>)
      tpu.yield
    }) : () -> ()
    "tpu.region"() ({
      %run_scoped3A = tpu.sem_alloc : memref<!tpu.dma_semaphore, #tpu.memory_space<semaphore_mem>>
      %dma_start3A_114 = arith.constant 0 : i32
      %dma_start3A_115 = tpu.memref_slice %arg8[%add3A_95, %dma_start3A_114] : memref<160000x256xf32, #tpu.memory_space<hbm>> -> memref<8x256xf32, #tpu.memory_space<hbm>>
      %dma_start3A_116 = arith.constant 0 : i32
      %dma_start3A_117 = tpu.memref_slice %arg8[%add3A_95, %dma_start3A_116] : memref<160000x256xf32, #tpu.memory_space<hbm>> -> memref<8x256xf32, #tpu.memory_space<hbm>>
      tpu.enqueue_dma source(%arg23 : memref<8x256xf32, #tpu.memory_space<vmem>>) target(%dma_start3A_117 : memref<8x256xf32, #tpu.memory_space<hbm>>) target_semaphore(%run_scoped3A : memref<!tpu.dma_semaphore, #tpu.memory_space<semaphore_mem>>)
      %dma_wait3A_118 = arith.constant 0 : i32
      %dma_wait3A_119 = tpu.memref_slice %arg8[%add3A_95, %dma_wait3A_118] : memref<160000x256xf32, #tpu.memory_space<hbm>> -> memref<8x256xf32, #tpu.memory_space<hbm>>
      %dma_wait3A_120 = arith.constant 0 : i32
      %dma_wait3A_121 = tpu.memref_slice %arg8[%add3A_95, %dma_wait3A_120] : memref<160000x256xf32, #tpu.memory_space<hbm>> -> memref<8x256xf32, #tpu.memory_space<hbm>>
      tpu.wait_dma2 semaphore(%run_scoped3A : memref<!tpu.dma_semaphore, #tpu.memory_space<semaphore_mem>>) src(%arg23 : memref<8x256xf32, #tpu.memory_space<vmem>>) dst(%dma_wait3A_121 : memref<8x256xf32, #tpu.memory_space<hbm>>)
      tpu.yield
    }) : () -> ()
    "tpu.region"() ({
      %run_scoped3A = tpu.sem_alloc : memref<!tpu.dma_semaphore, #tpu.memory_space<semaphore_mem>>
      %dma_start3A_114 = arith.constant 0 : i32
      %dma_start3A_115 = tpu.memref_slice %arg9[%add3A_95, %dma_start3A_114] : memref<160000x256xf32, #tpu.memory_space<hbm>> -> memref<8x256xf32, #tpu.memory_space<hbm>>
      %dma_start3A_116 = arith.constant 0 : i32
      %dma_start3A_117 = tpu.memref_slice %arg9[%add3A_95, %dma_start3A_116] : memref<160000x256xf32, #tpu.memory_space<hbm>> -> memref<8x256xf32, #tpu.memory_space<hbm>>
      tpu.enqueue_dma source(%arg24 : memref<8x256xf32, #tpu.memory_space<vmem>>) target(%dma_start3A_117 : memref<8x256xf32, #tpu.memory_space<hbm>>) target_semaphore(%run_scoped3A : memref<!tpu.dma_semaphore, #tpu.memory_space<semaphore_mem>>)
      %dma_wait3A_118 = arith.constant 0 : i32
      %dma_wait3A_119 = tpu.memref_slice %arg9[%add3A_95, %dma_wait3A_118] : memref<160000x256xf32, #tpu.memory_space<hbm>> -> memref<8x256xf32, #tpu.memory_space<hbm>>
      %dma_wait3A_120 = arith.constant 0 : i32
      %dma_wait3A_121 = tpu.memref_slice %arg9[%add3A_95, %dma_wait3A_120] : memref<160000x256xf32, #tpu.memory_space<hbm>> -> memref<8x256xf32, #tpu.memory_space<hbm>>
      tpu.wait_dma2 semaphore(%run_scoped3A : memref<!tpu.dma_semaphore, #tpu.memory_space<semaphore_mem>>) src(%arg24 : memref<8x256xf32, #tpu.memory_space<vmem>>) dst(%dma_wait3A_121 : memref<8x256xf32, #tpu.memory_space<hbm>>)
      tpu.yield
    }) : () -> ()
    return
  }
}

module attributes {stable_mosaic.version = 14 : i64} {
  func.func @_proj_body(%arg0: i32, %arg1: memref<2000x256xf32, #tpu.memory_space<vmem>>, %arg2: memref<256x256xf32, #tpu.memory_space<vmem>>, %arg3: memref<1x256xf32, #tpu.memory_space<vmem>>, %arg4: memref<256x256xf32, #tpu.memory_space<vmem>>, %arg5: memref<1x256xf32, #tpu.memory_space<vmem>>, %arg6: memref<256x256xf32, #tpu.memory_space<vmem>>, %arg7: memref<1x256xf32, #tpu.memory_space<vmem>>, %arg8: memref<2000x256xf32, #tpu.memory_space<vmem>>, %arg9: memref<2000x256xf32, #tpu.memory_space<vmem>>, %arg10: memref<2000x256xf32, #tpu.memory_space<vmem>>) attributes {dimension_semantics = [#tpu.dimension_semantics<arbitrary>], iteration_bounds = array<i64: 5>, scalar_prefetch = 0 : i64, scratch_operands = 0 : i64, tpu.core_type = #tpu.core_type<tc>, window_params = [{transform_indices = @transform_0, window_bounds = array<i64: 2000, 256>}, {pipeline_mode = #tpu.pipeline_mode<synchronous>, transform_indices = @transform_1, window_bounds = array<i64: 256, 256>}, {pipeline_mode = #tpu.pipeline_mode<synchronous>, transform_indices = @transform_2, window_bounds = array<i64: 1, 256>}, {pipeline_mode = #tpu.pipeline_mode<synchronous>, transform_indices = @transform_3, window_bounds = array<i64: 256, 256>}, {pipeline_mode = #tpu.pipeline_mode<synchronous>, transform_indices = @transform_4, window_bounds = array<i64: 1, 256>}, {pipeline_mode = #tpu.pipeline_mode<synchronous>, transform_indices = @transform_5, window_bounds = array<i64: 256, 256>}, {pipeline_mode = #tpu.pipeline_mode<synchronous>, transform_indices = @transform_6, window_bounds = array<i64: 1, 256>}, {transform_indices = @transform_7, window_bounds = array<i64: 2000, 256>}, {transform_indices = @transform_8, window_bounds = array<i64: 2000, 256>}, {transform_indices = @transform_9, window_bounds = array<i64: 2000, 256>}]} {
    %get3A = arith.constant 0 : index
    %get3A_0 = arith.constant 0 : index
    %get3A_1 = vector.load %arg1[%get3A, %get3A_0] : memref<2000x256xf32, #tpu.memory_space<vmem>>, vector<2000x256xf32>
    %get3A_2 = arith.constant 0 : index
    %get3A_3 = arith.constant 0 : index
    %get3A_4 = vector.load %arg2[%get3A_2, %get3A_3] : memref<256x256xf32, #tpu.memory_space<vmem>>, vector<256x256xf32>
    %dot_general3A = arith.constant dense<0.000000e+00> : vector<2000x256xf32>
    %dot_general3A_5 = tpu.matmul %get3A_1, %get3A_4, %dot_general3A {dimension_numbers = #tpu.dot_dimension_numbers<[1], [0], [0], [1], [0, 0, 1, 1], [], []>, transpose_lhs_hint = false} : vector<2000x256xf32>, vector<256x256xf32>, vector<2000x256xf32> -> vector<2000x256xf32>
    %get3A_6 = arith.constant 0 : index
    %get3A_7 = arith.constant 0 : index
    %get3A_8 = vector.load %arg3[%get3A_6, %get3A_7] : memref<1x256xf32, #tpu.memory_space<vmem>>, vector<1x256xf32>
    %add3A = vector.broadcast %get3A_8 : vector<1x256xf32> to vector<2000x256xf32>
    %add3A_9 = arith.addf %dot_general3A_5, %add3A : vector<2000x256xf32>
    %swap3A = arith.constant 0 : index
    %swap3A_10 = arith.constant 0 : index
    %swap3A_11 = vector.load %arg8[%swap3A, %swap3A_10] : memref<2000x256xf32, #tpu.memory_space<vmem>>, vector<2000x256xf32>
    tpu.vector_store %arg8[%swap3A, %swap3A_10], %add3A_9 {strides = array<i32>} : memref<2000x256xf32, #tpu.memory_space<vmem>>, vector<2000x256xf32>,
    %get3A_12 = arith.constant 0 : index
    %get3A_13 = arith.constant 0 : index
    %get3A_14 = vector.load %arg4[%get3A_12, %get3A_13] : memref<256x256xf32, #tpu.memory_space<vmem>>, vector<256x256xf32>
    %dot_general3A_15 = arith.constant dense<0.000000e+00> : vector<2000x256xf32>
    %dot_general3A_16 = tpu.matmul %get3A_1, %get3A_14, %dot_general3A_15 {dimension_numbers = #tpu.dot_dimension_numbers<[1], [0], [0], [1], [0, 0, 1, 1], [], []>, transpose_lhs_hint = false} : vector<2000x256xf32>, vector<256x256xf32>, vector<2000x256xf32> -> vector<2000x256xf32>
    %get3A_17 = arith.constant 0 : index
    %get3A_18 = arith.constant 0 : index
    %get3A_19 = vector.load %arg5[%get3A_17, %get3A_18] : memref<1x256xf32, #tpu.memory_space<vmem>>, vector<1x256xf32>
    %add3A_20 = vector.broadcast %get3A_19 : vector<1x256xf32> to vector<2000x256xf32>
    %add3A_21 = arith.addf %dot_general3A_16, %add3A_20 : vector<2000x256xf32>
    %swap3A_22 = arith.constant 0 : index
    %swap3A_23 = arith.constant 0 : index
    %swap3A_24 = vector.load %arg9[%swap3A_22, %swap3A_23] : memref<2000x256xf32, #tpu.memory_space<vmem>>, vector<2000x256xf32>
    tpu.vector_store %arg9[%swap3A_22, %swap3A_23], %add3A_21 {strides = array<i32>} : memref<2000x256xf32, #tpu.memory_space<vmem>>, vector<2000x256xf32>,
    %get3A_25 = arith.constant 0 : index
    %get3A_26 = arith.constant 0 : index
    %get3A_27 = vector.load %arg6[%get3A_25, %get3A_26] : memref<256x256xf32, #tpu.memory_space<vmem>>, vector<256x256xf32>
    %dot_general3A_28 = arith.constant dense<0.000000e+00> : vector<2000x256xf32>
    %dot_general3A_29 = tpu.matmul %get3A_1, %get3A_27, %dot_general3A_28 {dimension_numbers = #tpu.dot_dimension_numbers<[1], [0], [0], [1], [0, 0, 1, 1], [], []>, transpose_lhs_hint = false} : vector<2000x256xf32>, vector<256x256xf32>, vector<2000x256xf32> -> vector<2000x256xf32>
    %get3A_30 = arith.constant 0 : index
    %get3A_31 = arith.constant 0 : index
    %get3A_32 = vector.load %arg7[%get3A_30, %get3A_31] : memref<1x256xf32, #tpu.memory_space<vmem>>, vector<1x256xf32>
    %add3A_33 = vector.broadcast %get3A_32 : vector<1x256xf32> to vector<2000x256xf32>
    %add3A_34 = arith.addf %dot_general3A_29, %add3A_33 : vector<2000x256xf32>
    %swap3A_35 = arith.constant 0 : index
    %swap3A_36 = arith.constant 0 : index
    %swap3A_37 = vector.load %arg10[%swap3A_35, %swap3A_36] : memref<2000x256xf32, #tpu.memory_space<vmem>>, vector<2000x256xf32>
    tpu.vector_store %arg10[%swap3A_35, %swap3A_36], %add3A_34 {strides = array<i32>} : memref<2000x256xf32, #tpu.memory_space<vmem>>, vector<2000x256xf32>,
    return
  }
  func.func @transform_0(%arg0: i32) -> (i32, i32) {
    %c0_i32 = arith.constant 0 : i32
    %c0_i32_0 = arith.constant 0 : i32
    return %arg0, %c0_i32 : i32, i32
  }
  func.func @transform_1(%arg0: i32) -> (i32, i32) {
    %c0_i32 = arith.constant 0 : i32
    %c0_i32_0 = arith.constant 0 : i32
    %c0_i32_1 = arith.constant 0 : i32
    return %c0_i32, %c0_i32_0 : i32, i32
  }
  func.func @transform_2(%arg0: i32) -> (i32, i32) {
    %c0_i32 = arith.constant 0 : i32
    %c0_i32_0 = arith.constant 0 : i32
    %c0_i32_1 = arith.constant 0 : i32
    return %c0_i32, %c0_i32_0 : i32, i32
  }
  func.func @transform_3(%arg0: i32) -> (i32, i32) {
    %c0_i32 = arith.constant 0 : i32
    %c0_i32_0 = arith.constant 0 : i32
    %c0_i32_1 = arith.constant 0 : i32
    return %c0_i32, %c0_i32_0 : i32, i32
  }
  func.func @transform_4(%arg0: i32) -> (i32, i32) {
    %c0_i32 = arith.constant 0 : i32
    %c0_i32_0 = arith.constant 0 : i32
    %c0_i32_1 = arith.constant 0 : i32
    return %c0_i32, %c0_i32_0 : i32, i32
  }
  func.func @transform_5(%arg0: i32) -> (i32, i32) {
    %c0_i32 = arith.constant 0 : i32
    %c0_i32_0 = arith.constant 0 : i32
    %c0_i32_1 = arith.constant 0 : i32
    return %c0_i32, %c0_i32_0 : i32, i32
  }
  func.func @transform_6(%arg0: i32) -> (i32, i32) {
    %c0_i32 = arith.constant 0 : i32
    %c0_i32_0 = arith.constant 0 : i32
    %c0_i32_1 = arith.constant 0 : i32
    return %c0_i32, %c0_i32_0 : i32, i32
  }
  func.func @transform_7(%arg0: i32) -> (i32, i32) {
    %c0_i32 = arith.constant 0 : i32
    %c0_i32_0 = arith.constant 0 : i32
    return %arg0, %c0_i32 : i32, i32
  }
  func.func @transform_8(%arg0: i32) -> (i32, i32) {
    %c0_i32 = arith.constant 0 : i32
    %c0_i32_0 = arith.constant 0 : i32
    return %arg0, %c0_i32 : i32, i32
  }
  func.func @transform_9(%arg0: i32) -> (i32, i32) {
    %c0_i32 = arith.constant 0 : i32
    %c0_i32_0 = arith.constant 0 : i32
    return %arg0, %c0_i32 : i32, i32
  }
}

module attributes {stable_mosaic.version = 14 : i64} {
  func.func @_edge_body(%arg0: i32, %arg1: memref<2000x256xf32, #tpu.memory_space<vmem>>, %arg2: memref<2000x256xf32, #tpu.memory_space<vmem>>, %arg3: memref<2000x256xf32, #tpu.memory_space<vmem>>, %arg4: memref<2000x256xf32, #tpu.memory_space<vmem>>, %arg5: memref<2000x1xi32, #tpu.memory_space<vmem>>, %arg6: memref<256x256xf32, #tpu.memory_space<vmem>>, %arg7: memref<1x256xf32, #tpu.memory_space<vmem>>, %arg8: memref<2x2000x128xf32, #tpu.memory_space<vmem>>, %arg9: memref<2000x128xf32, #tpu.memory_space<vmem>>) attributes {dimension_semantics = [#tpu.dimension_semantics<arbitrary>], iteration_bounds = array<i64: 80>, scalar_prefetch = 0 : i64, scratch_operands = 0 : i64, tpu.core_type = #tpu.core_type<tc>, window_params = [{transform_indices = @transform_0, window_bounds = array<i64: 2000, 256>}, {transform_indices = @transform_1, window_bounds = array<i64: 2000, 256>}, {transform_indices = @transform_2, window_bounds = array<i64: 2000, 256>}, {transform_indices = @transform_3, window_bounds = array<i64: 2000, 256>}, {transform_indices = @transform_4, window_bounds = array<i64: 2000, 1>}, {pipeline_mode = #tpu.pipeline_mode<synchronous>, transform_indices = @transform_5, window_bounds = array<i64: 256, 256>}, {pipeline_mode = #tpu.pipeline_mode<synchronous>, transform_indices = @transform_6, window_bounds = array<i64: 1, 256>}, {transform_indices = @transform_7, window_bounds = array<i64: 2, 2000, 128>}, {transform_indices = @transform_8, window_bounds = array<i64: 2000, 128>}]} {
    %get3A = arith.constant 0 : index
    %get3A_0 = arith.constant 0 : index
    %get3A_1 = vector.load %arg1[%get3A, %get3A_0] : memref<2000x256xf32, #tpu.memory_space<vmem>>, vector<2000x256xf32>
    %get3A_2 = arith.constant 0 : index
    %get3A_3 = arith.constant 0 : index
    %get3A_4 = vector.load %arg6[%get3A_2, %get3A_3] : memref<256x256xf32, #tpu.memory_space<vmem>>, vector<256x256xf32>
    %dot_general3A = arith.constant dense<0.000000e+00> : vector<2000x256xf32>
    %dot_general3A_5 = tpu.matmul %get3A_1, %get3A_4, %dot_general3A {dimension_numbers = #tpu.dot_dimension_numbers<[1], [0], [0], [1], [0, 0, 1, 1], [], []>, transpose_lhs_hint = false} : vector<2000x256xf32>, vector<256x256xf32>, vector<2000x256xf32> -> vector<2000x256xf32>
    %get3A_6 = arith.constant 0 : index
    %get3A_7 = arith.constant 0 : index
    %get3A_8 = vector.load %arg7[%get3A_6, %get3A_7] : memref<1x256xf32, #tpu.memory_space<vmem>>, vector<1x256xf32>
    %add3A = vector.broadcast %get3A_8 : vector<1x256xf32> to vector<2000x256xf32>
    %add3A_9 = arith.addf %dot_general3A_5, %add3A : vector<2000x256xf32>
    %get3A_10 = arith.constant 0 : index
    %get3A_11 = arith.constant 0 : index
    %get3A_12 = vector.load %arg2[%get3A_10, %get3A_11] : memref<2000x256xf32, #tpu.memory_space<vmem>>, vector<2000x256xf32>
    %get3A_13 = arith.constant 0 : index
    %get3A_14 = arith.constant 0 : index
    %get3A_15 = vector.load %arg3[%get3A_13, %get3A_14] : memref<2000x256xf32, #tpu.memory_space<vmem>>, vector<2000x256xf32>
    %mul3A = arith.mulf %get3A_12, %get3A_15 : vector<2000x256xf32>
    %mul3A_16 = arith.mulf %mul3A, %add3A_9 : vector<2000x256xf32>
    %iota3A = tpu.iota {dimensions = array<i32: 0>} : vector<256x8xi32>
    %iota3A_17 = tpu.iota {dimensions = array<i32: 1>} : vector<256x8xi32>
    %jit3A = arith.constant 32 : i32
    %div3A = vector.broadcast %jit3A : i32 to vector<256x8xi32>
    %div3A_18 = arith.divsi %iota3A, %div3A : vector<256x8xi32>
    %sign3A = arith.constant 0 : i32
    %sign3A_19 = vector.broadcast %sign3A : i32 to vector<256x8xi32>
    %sign3A_20 = arith.cmpi sgt, %iota3A, %sign3A_19 : vector<256x8xi32>
    %sign3A_21 = arith.extui %sign3A_20 : vector<256x8xi1> to vector<256x8xi32>
    %sign3A_22 = arith.constant 0 : i32
    %sign3A_23 = vector.broadcast %sign3A_22 : i32 to vector<256x8xi32>
    %sign3A_24 = arith.cmpi slt, %iota3A, %sign3A_23 : vector<256x8xi32>
    %sign3A_25 = arith.extui %sign3A_24 : vector<256x8xi1> to vector<256x8xi32>
    %sign3A_26 = arith.subi %sign3A_21, %sign3A_25 : vector<256x8xi32>
    %sign3A_27 = arith.constant 0 : i32
    %sign3A_28 = arith.cmpi sgt, %jit3A, %sign3A_27 : i32
    %sign3A_29 = arith.extui %sign3A_28 : i1 to i32
    %sign3A_30 = arith.constant 0 : i32
    %sign3A_31 = arith.cmpi slt, %jit3A, %sign3A_30 : i32
    %sign3A_32 = arith.extui %sign3A_31 : i1 to i32
    %sign3A_33 = arith.subi %sign3A_29, %sign3A_32 : i32
    %ne3A = vector.broadcast %sign3A_33 : i32 to vector<256x8xi32>
    %ne3A_34 = arith.cmpi ne, %sign3A_26, %ne3A : vector<256x8xi32>
    %rem3A = vector.broadcast %jit3A : i32 to vector<256x8xi32>
    %rem3A_35 = arith.remsi %iota3A, %rem3A : vector<256x8xi32>
    %ne3A_36 = arith.constant 0 : i32
    %ne3A_37 = vector.broadcast %ne3A_36 : i32 to vector<256x8xi32>
    %ne3A_38 = arith.cmpi ne, %rem3A_35, %ne3A_37 : vector<256x8xi32>
    %and3A = arith.andi %ne3A_34, %ne3A_38 : vector<256x8xi1>
    %sub3A = arith.constant 1 : i32
    %sub3A_39 = vector.broadcast %sub3A : i32 to vector<256x8xi32>
    %sub3A_40 = arith.subi %div3A_18, %sub3A_39 : vector<256x8xi32>
    %select_n3A = arith.select %and3A, %sub3A_40, %div3A_18 : vector<256x8xi1>, vector<256x8xi32>
    %eq3A = arith.cmpi eq, %select_n3A, %iota3A_17 : vector<256x8xi32>
    %jit3A_41 = arith.constant 0.176776692 : f32
    %jit3A_42 = arith.constant 0.000000e+00 : f32
    %broadcast_in_dim3A = vector.broadcast %jit3A_41 : f32 to vector<256x8xf32>
    %broadcast_in_dim3A_43 = vector.broadcast %jit3A_42 : f32 to vector<256x8xf32>
    %select_n3A_44 = arith.select %eq3A, %broadcast_in_dim3A, %broadcast_in_dim3A_43 : vector<256x8xi1>, vector<256x8xf32>
    %dot_general3A_45 = arith.constant dense<0.000000e+00> : vector<2000x8xf32>
    %dot_general3A_46 = tpu.matmul %mul3A_16, %select_n3A_44, %dot_general3A_45 {dimension_numbers = #tpu.dot_dimension_numbers<[1], [0], [0], [1], [0, 0, 1, 1], [], []>, transpose_lhs_hint = false} : vector<2000x256xf32>, vector<256x8xf32>, vector<2000x8xf32> -> vector<2000x8xf32>
    %jit3A_47 = arith.constant -5.000000e+00 : f32
    %jit3A_48 = arith.constant 5.000000e+00 : f32
    %max3A = vector.broadcast %jit3A_47 : f32 to vector<2000x8xf32>
    %max3A_49 = arith.maximumf %max3A, %dot_general3A_46 : vector<2000x8xf32>
    %min3A = vector.broadcast %jit3A_48 : f32 to vector<2000x8xf32>
    %min3A_50 = arith.minimumf %min3A, %max3A_49 : vector<2000x8xf32>
    %exp3A = math.exp %min3A_50 : vector<2000x8xf32>
    %iota3A_51 = tpu.iota {dimensions = array<i32: 1>} : vector<8x256xi32>
    %iota3A_52 = tpu.iota {dimensions = array<i32: 0>} : vector<8x256xi32>
    %jit3A_53 = arith.constant 32 : i32
    %div3A_54 = vector.broadcast %jit3A_53 : i32 to vector<8x256xi32>
    %div3A_55 = arith.divsi %iota3A_51, %div3A_54 : vector<8x256xi32>
    %sign3A_56 = arith.constant 0 : i32
    %sign3A_57 = vector.broadcast %sign3A_56 : i32 to vector<8x256xi32>
    %sign3A_58 = arith.cmpi sgt, %iota3A_51, %sign3A_57 : vector<8x256xi32>
    %sign3A_59 = arith.extui %sign3A_58 : vector<8x256xi1> to vector<8x256xi32>
    %sign3A_60 = arith.constant 0 : i32
    %sign3A_61 = vector.broadcast %sign3A_60 : i32 to vector<8x256xi32>
    %sign3A_62 = arith.cmpi slt, %iota3A_51, %sign3A_61 : vector<8x256xi32>
    %sign3A_63 = arith.extui %sign3A_62 : vector<8x256xi1> to vector<8x256xi32>
    %sign3A_64 = arith.subi %sign3A_59, %sign3A_63 : vector<8x256xi32>
    %sign3A_65 = arith.constant 0 : i32
    %sign3A_66 = arith.cmpi sgt, %jit3A_53, %sign3A_65 : i32
    %sign3A_67 = arith.extui %sign3A_66 : i1 to i32
    %sign3A_68 = arith.constant 0 : i32
    %sign3A_69 = arith.cmpi slt, %jit3A_53, %sign3A_68 : i32
    %sign3A_70 = arith.extui %sign3A_69 : i1 to i32
    %sign3A_71 = arith.subi %sign3A_67, %sign3A_70 : i32
    %ne3A_72 = vector.broadcast %sign3A_71 : i32 to vector<8x256xi32>
    %ne3A_73 = arith.cmpi ne, %sign3A_64, %ne3A_72 : vector<8x256xi32>
    %rem3A_74 = vector.broadcast %jit3A_53 : i32 to vector<8x256xi32>
    %rem3A_75 = arith.remsi %iota3A_51, %rem3A_74 : vector<8x256xi32>
    %ne3A_76 = arith.constant 0 : i32
    %ne3A_77 = vector.broadcast %ne3A_76 : i32 to vector<8x256xi32>
    %ne3A_78 = arith.cmpi ne, %rem3A_75, %ne3A_77 : vector<8x256xi32>
    %and3A_79 = arith.andi %ne3A_73, %ne3A_78 : vector<8x256xi1>
    %sub3A_80 = arith.constant 1 : i32
    %sub3A_81 = vector.broadcast %sub3A_80 : i32 to vector<8x256xi32>
    %sub3A_82 = arith.subi %div3A_55, %sub3A_81 : vector<8x256xi32>
    %select_n3A_83 = arith.select %and3A_79, %sub3A_82, %div3A_55 : vector<8x256xi1>, vector<8x256xi32>
    %eq3A_84 = arith.cmpi eq, %select_n3A_83, %iota3A_52 : vector<8x256xi32>
    %jit3A_85 = arith.constant 1.000000e+00 : f32
    %jit3A_86 = arith.constant 0.000000e+00 : f32
    %broadcast_in_dim3A_87 = vector.broadcast %jit3A_85 : f32 to vector<8x256xf32>
    %broadcast_in_dim3A_88 = vector.broadcast %jit3A_86 : f32 to vector<8x256xf32>
    %select_n3A_89 = arith.select %eq3A_84, %broadcast_in_dim3A_87, %broadcast_in_dim3A_88 : vector<8x256xi1>, vector<8x256xf32>
    %get3A_90 = arith.constant 0 : index
    %get3A_91 = arith.constant 0 : index
    %get3A_92 = vector.load %arg4[%get3A_90, %get3A_91] : memref<2000x256xf32, #tpu.memory_space<vmem>>, vector<2000x256xf32>
    %dot_general3A_93 = arith.constant dense<0.000000e+00> : vector<2000x256xf32>
    %dot_general3A_94 = tpu.matmul %exp3A, %select_n3A_89, %dot_general3A_93 {dimension_numbers = #tpu.dot_dimension_numbers<[1], [0], [0], [1], [0, 0, 1, 1], [], []>, transpose_lhs_hint = false} : vector<2000x8xf32>, vector<8x256xf32>, vector<2000x256xf32> -> vector<2000x256xf32>
    %mul3A_95 = arith.mulf %get3A_92, %dot_general3A_94 : vector<2000x256xf32>
    %slice3A = vector.extract_strided_slice %mul3A_95 {offsets = [0, 0], sizes = [2000, 128], strides = [1, 1]} : vector<2000x256xf32> to vector<2000x128xf32>
    %swap3A = arith.constant 0 : index
    %swap3A_96 = arith.constant 0 : index
    %swap3A_97 = arith.constant 0 : index
    %swap3A_98 = vector.load %arg8[%swap3A, %swap3A_96, %swap3A_97] : memref<2x2000x128xf32, #tpu.memory_space<vmem>>, vector<1x2000x128xf32>
    %swap3A_99 = vector.shape_cast %swap3A_98 : vector<1x2000x128xf32> to vector<2000x128xf32>
    %swap3A_100 = vector.shape_cast %slice3A : vector<2000x128xf32> to vector<1x2000x128xf32>
    tpu.vector_store %arg8[%swap3A, %swap3A_96, %swap3A_97], %swap3A_100 {strides = array<i32>} : memref<2x2000x128xf32, #tpu.memory_space<vmem>>, vector<1x2000x128xf32>,
    %slice3A_101 = vector.extract_strided_slice %mul3A_95 {offsets = [0, 128], sizes = [2000, 128], strides = [1, 1]} : vector<2000x256xf32> to vector<2000x128xf32>
    %swap3A_102 = arith.constant 1 : index
    %swap3A_103 = arith.constant 0 : index
    %swap3A_104 = arith.constant 0 : index
    %swap3A_105 = vector.load %arg8[%swap3A_102, %swap3A_103, %swap3A_104] : memref<2x2000x128xf32, #tpu.memory_space<vmem>>, vector<1x2000x128xf32>
    %swap3A_106 = vector.shape_cast %swap3A_105 : vector<1x2000x128xf32> to vector<2000x128xf32>
    %swap3A_107 = vector.shape_cast %slice3A_101 : vector<2000x128xf32> to vector<1x2000x128xf32>
    tpu.vector_store %arg8[%swap3A_102, %swap3A_103, %swap3A_104], %swap3A_107 {strides = array<i32>} : memref<2x2000x128xf32, #tpu.memory_space<vmem>>, vector<1x2000x128xf32>,
    %get3A_108 = arith.constant 0 : index
    %get3A_109 = arith.constant 0 : index
    %get3A_110 = vector.load %arg5[%get3A_108, %get3A_109] : memref<2000x1xi32, #tpu.memory_space<vmem>>, vector<2000x1xi32>
    %iota3A_111 = tpu.iota {dimensions = array<i32: 1>} : vector<2000x8xi32>
    %jit3A_112 = arith.constant 8 : i32
    %div3A_113 = vector.broadcast %jit3A_112 : i32 to vector<2000x1xi32>
    %div3A_114 = arith.divsi %get3A_110, %div3A_113 : vector<2000x1xi32>
    %sign3A_115 = arith.constant 0 : i32
    %sign3A_116 = vector.broadcast %sign3A_115 : i32 to vector<2000x1xi32>
    %sign3A_117 = arith.cmpi sgt, %get3A_110, %sign3A_116 : vector<2000x1xi32>
    %sign3A_118 = arith.extui %sign3A_117 : vector<2000x1xi1> to vector<2000x1xi32>
    %sign3A_119 = arith.constant 0 : i32
    %sign3A_120 = vector.broadcast %sign3A_119 : i32 to vector<2000x1xi32>
    %sign3A_121 = arith.cmpi slt, %get3A_110, %sign3A_120 : vector<2000x1xi32>
    %sign3A_122 = arith.extui %sign3A_121 : vector<2000x1xi1> to vector<2000x1xi32>
    %sign3A_123 = arith.subi %sign3A_118, %sign3A_122 : vector<2000x1xi32>
    %sign3A_124 = arith.constant 0 : i32
    %sign3A_125 = arith.cmpi sgt, %jit3A_112, %sign3A_124 : i32
    %sign3A_126 = arith.extui %sign3A_125 : i1 to i32
    %sign3A_127 = arith.constant 0 : i32
    %sign3A_128 = arith.cmpi slt, %jit3A_112, %sign3A_127 : i32
    %sign3A_129 = arith.extui %sign3A_128 : i1 to i32
    %sign3A_130 = arith.subi %sign3A_126, %sign3A_129 : i32
    %ne3A_131 = vector.broadcast %sign3A_130 : i32 to vector<2000x1xi32>
    %ne3A_132 = arith.cmpi ne, %sign3A_123, %ne3A_131 : vector<2000x1xi32>
    %rem3A_133 = vector.broadcast %jit3A_112 : i32 to vector<2000x1xi32>
    %rem3A_134 = arith.remsi %get3A_110, %rem3A_133 : vector<2000x1xi32>
    %ne3A_135 = arith.constant 0 : i32
    %ne3A_136 = vector.broadcast %ne3A_135 : i32 to vector<2000x1xi32>
    %ne3A_137 = arith.cmpi ne, %rem3A_134, %ne3A_136 : vector<2000x1xi32>
    %and3A_138 = arith.andi %ne3A_132, %ne3A_137 : vector<2000x1xi1>
    %sub3A_139 = arith.constant 1 : i32
    %sub3A_140 = vector.broadcast %sub3A_139 : i32 to vector<2000x1xi32>
    %sub3A_141 = arith.subi %div3A_114, %sub3A_140 : vector<2000x1xi32>
    %select_n3A_142 = arith.select %and3A_138, %sub3A_141, %div3A_114 : vector<2000x1xi1>, vector<2000x1xi32>
    %mul3A_143 = arith.constant 8 : i32
    %mul3A_144 = vector.broadcast %mul3A_143 : i32 to vector<2000x1xi32>
    %mul3A_145 = arith.muli %select_n3A_142, %mul3A_144 : vector<2000x1xi32>
    %sub3A_146 = arith.subi %get3A_110, %mul3A_145 : vector<2000x1xi32>
    %eq3A_147 = vector.broadcast %sub3A_146 : vector<2000x1xi32> to vector<2000x8xi32>
    %eq3A_148 = arith.cmpi eq, %eq3A_147, %iota3A_111 : vector<2000x8xi32>
    %jit3A_149 = arith.constant 1.000000e+00 : f32
    %jit3A_150 = arith.constant 0.000000e+00 : f32
    %broadcast_in_dim3A_151 = vector.broadcast %jit3A_149 : f32 to vector<2000x8xf32>
    %broadcast_in_dim3A_152 = vector.broadcast %jit3A_150 : f32 to vector<2000x8xf32>
    %select_n3A_153 = arith.select %eq3A_148, %broadcast_in_dim3A_151, %broadcast_in_dim3A_152 : vector<2000x8xi1>, vector<2000x8xf32>
    %iota3A_154 = tpu.iota {dimensions = array<i32: 0>} : vector<8x128xi32>
    %iota3A_155 = tpu.iota {dimensions = array<i32: 1>} : vector<8x128xi32>
    %jit3A_156 = arith.constant 16 : i32
    %div3A_157 = vector.broadcast %jit3A_156 : i32 to vector<8x128xi32>
    %div3A_158 = arith.divsi %iota3A_155, %div3A_157 : vector<8x128xi32>
    %sign3A_159 = arith.constant 0 : i32
    %sign3A_160 = vector.broadcast %sign3A_159 : i32 to vector<8x128xi32>
    %sign3A_161 = arith.cmpi sgt, %iota3A_155, %sign3A_160 : vector<8x128xi32>
    %sign3A_162 = arith.extui %sign3A_161 : vector<8x128xi1> to vector<8x128xi32>
    %sign3A_163 = arith.constant 0 : i32
    %sign3A_164 = vector.broadcast %sign3A_163 : i32 to vector<8x128xi32>
    %sign3A_165 = arith.cmpi slt, %iota3A_155, %sign3A_164 : vector<8x128xi32>
    %sign3A_166 = arith.extui %sign3A_165 : vector<8x128xi1> to vector<8x128xi32>
    %sign3A_167 = arith.subi %sign3A_162, %sign3A_166 : vector<8x128xi32>
    %sign3A_168 = arith.constant 0 : i32
    %sign3A_169 = arith.cmpi sgt, %jit3A_156, %sign3A_168 : i32
    %sign3A_170 = arith.extui %sign3A_169 : i1 to i32
    %sign3A_171 = arith.constant 0 : i32
    %sign3A_172 = arith.cmpi slt, %jit3A_156, %sign3A_171 : i32
    %sign3A_173 = arith.extui %sign3A_172 : i1 to i32
    %sign3A_174 = arith.subi %sign3A_170, %sign3A_173 : i32
    %ne3A_175 = vector.broadcast %sign3A_174 : i32 to vector<8x128xi32>
    %ne3A_176 = arith.cmpi ne, %sign3A_167, %ne3A_175 : vector<8x128xi32>
    %rem3A_177 = vector.broadcast %jit3A_156 : i32 to vector<8x128xi32>
    %rem3A_178 = arith.remsi %iota3A_155, %rem3A_177 : vector<8x128xi32>
    %ne3A_179 = arith.constant 0 : i32
    %ne3A_180 = vector.broadcast %ne3A_179 : i32 to vector<8x128xi32>
    %ne3A_181 = arith.cmpi ne, %rem3A_178, %ne3A_180 : vector<8x128xi32>
    %and3A_182 = arith.andi %ne3A_176, %ne3A_181 : vector<8x128xi1>
    %sub3A_183 = arith.constant 1 : i32
    %sub3A_184 = vector.broadcast %sub3A_183 : i32 to vector<8x128xi32>
    %sub3A_185 = arith.subi %div3A_158, %sub3A_184 : vector<8x128xi32>
    %select_n3A_186 = arith.select %and3A_182, %sub3A_185, %div3A_158 : vector<8x128xi1>, vector<8x128xi32>
    %eq3A_187 = arith.cmpi eq, %select_n3A_186, %iota3A_154 : vector<8x128xi32>
    %jit3A_188 = arith.constant 1.000000e+00 : f32
    %jit3A_189 = arith.constant 0.000000e+00 : f32
    %broadcast_in_dim3A_190 = vector.broadcast %jit3A_188 : f32 to vector<8x128xf32>
    %broadcast_in_dim3A_191 = vector.broadcast %jit3A_189 : f32 to vector<8x128xf32>
    %select_n3A_192 = arith.select %eq3A_187, %broadcast_in_dim3A_190, %broadcast_in_dim3A_191 : vector<8x128xi1>, vector<8x128xf32>
    %dot_general3A_193 = arith.constant dense<0.000000e+00> : vector<2000x128xf32>
    %dot_general3A_194 = tpu.matmul %select_n3A_153, %select_n3A_192, %dot_general3A_193 {dimension_numbers = #tpu.dot_dimension_numbers<[1], [0], [0], [1], [0, 0, 1, 1], [], []>, transpose_lhs_hint = false} : vector<2000x8xf32>, vector<8x128xf32>, vector<2000x128xf32> -> vector<2000x128xf32>
    %broadcast_in_dim3A_195 = arith.constant 0.000000e+00 : f32
    %broadcast_in_dim3A_196 = vector.broadcast %broadcast_in_dim3A_195 : f32 to vector<2000x8xf32>
    %concatenate3A = tpu.concatenate %exp3A, %broadcast_in_dim3A_196 in 1 : vector<2000x8xf32>, vector<2000x8xf32> -> vector<2000x16xf32>
    %concatenate3A_197 = tpu.concatenate %concatenate3A, %concatenate3A, %concatenate3A, %concatenate3A, %concatenate3A, %concatenate3A, %concatenate3A, %concatenate3A in 1 : vector<2000x16xf32>, vector<2000x16xf32>, vector<2000x16xf32>, vector<2000x16xf32>, vector<2000x16xf32>, vector<2000x16xf32>, vector<2000x16xf32>, vector<2000x16xf32> -> vector<2000x128xf32>
    %mul3A_198 = arith.mulf %concatenate3A_197, %dot_general3A_194 : vector<2000x128xf32>
    %swap3A_199 = arith.constant 0 : index
    %swap3A_200 = arith.constant 0 : index
    %swap3A_201 = vector.load %arg9[%swap3A_199, %swap3A_200] : memref<2000x128xf32, #tpu.memory_space<vmem>>, vector<2000x128xf32>
    tpu.vector_store %arg9[%swap3A_199, %swap3A_200], %mul3A_198 {strides = array<i32>} : memref<2000x128xf32, #tpu.memory_space<vmem>>, vector<2000x128xf32>,
    return
  }
  func.func @transform_0(%arg0: i32) -> (i32, i32) {
    %c0_i32 = arith.constant 0 : i32
    %c0_i32_0 = arith.constant 0 : i32
    return %arg0, %c0_i32 : i32, i32
  }
  func.func @transform_1(%arg0: i32) -> (i32, i32) {
    %c0_i32 = arith.constant 0 : i32
    %c0_i32_0 = arith.constant 0 : i32
    return %arg0, %c0_i32 : i32, i32
  }
  func.func @transform_2(%arg0: i32) -> (i32, i32) {
    %c0_i32 = arith.constant 0 : i32
    %c0_i32_0 = arith.constant 0 : i32
    return %arg0, %c0_i32 : i32, i32
  }
  func.func @transform_3(%arg0: i32) -> (i32, i32) {
    %c0_i32 = arith.constant 0 : i32
    %c0_i32_0 = arith.constant 0 : i32
    return %arg0, %c0_i32 : i32, i32
  }
  func.func @transform_4(%arg0: i32) -> (i32, i32) {
    %c0_i32 = arith.constant 0 : i32
    %c0_i32_0 = arith.constant 0 : i32
    return %arg0, %c0_i32 : i32, i32
  }
  func.func @transform_5(%arg0: i32) -> (i32, i32) {
    %c0_i32 = arith.constant 0 : i32
    %c0_i32_0 = arith.constant 0 : i32
    %c0_i32_1 = arith.constant 0 : i32
    return %c0_i32, %c0_i32_0 : i32, i32
  }
  func.func @transform_6(%arg0: i32) -> (i32, i32) {
    %c0_i32 = arith.constant 0 : i32
    %c0_i32_0 = arith.constant 0 : i32
    %c0_i32_1 = arith.constant 0 : i32
    return %c0_i32, %c0_i32_0 : i32, i32
  }
  func.func @transform_7(%arg0: i32) -> (i32, i32, i32) {
    %c0_i32 = arith.constant 0 : i32
    %c0_i32_0 = arith.constant 0 : i32
    %c0_i32_1 = arith.constant 0 : i32
    return %c0_i32, %arg0, %c0_i32_0 : i32, i32, i32
  }
  func.func @transform_8(%arg0: i32) -> (i32, i32) {
    %c0_i32 = arith.constant 0 : i32
    %c0_i32_0 = arith.constant 0 : i32
    return %arg0, %c0_i32 : i32, i32
  }
}

module attributes {stable_mosaic.version = 14 : i64} {
  func.func @_fin_body(%arg0: i32, %arg1: memref<1000x128xf32, #tpu.memory_space<vmem>>, %arg2: memref<1000x128xf32, #tpu.memory_space<vmem>>, %arg3: memref<1000x16xf32, #tpu.memory_space<vmem>>, %arg4: memref<1000x256xf32, #tpu.memory_space<vmem>>) attributes {dimension_semantics = [#tpu.dimension_semantics<arbitrary>], iteration_bounds = array<i64: 10>, scalar_prefetch = 0 : i64, scratch_operands = 0 : i64, tpu.core_type = #tpu.core_type<tc>, window_params = [{transform_indices = @transform_0, window_bounds = array<i64: 1000, 128>}, {transform_indices = @transform_1, window_bounds = array<i64: 1000, 128>}, {transform_indices = @transform_2, window_bounds = array<i64: 1000, 16>}, {transform_indices = @transform_3, window_bounds = array<i64: 1000, 256>}]} {
    %iota3A = tpu.iota {dimensions = array<i32: 0>} : vector<16x128xi32>
    %iota3A_0 = tpu.iota {dimensions = array<i32: 1>} : vector<16x128xi32>
    %jit3A = arith.constant 32 : i32
    %div3A = vector.broadcast %jit3A : i32 to vector<16x128xi32>
    %div3A_1 = arith.divsi %iota3A_0, %div3A : vector<16x128xi32>
    %sign3A = arith.constant 0 : i32
    %sign3A_2 = vector.broadcast %sign3A : i32 to vector<16x128xi32>
    %sign3A_3 = arith.cmpi sgt, %iota3A_0, %sign3A_2 : vector<16x128xi32>
    %sign3A_4 = arith.extui %sign3A_3 : vector<16x128xi1> to vector<16x128xi32>
    %sign3A_5 = arith.constant 0 : i32
    %sign3A_6 = vector.broadcast %sign3A_5 : i32 to vector<16x128xi32>
    %sign3A_7 = arith.cmpi slt, %iota3A_0, %sign3A_6 : vector<16x128xi32>
    %sign3A_8 = arith.extui %sign3A_7 : vector<16x128xi1> to vector<16x128xi32>
    %sign3A_9 = arith.subi %sign3A_4, %sign3A_8 : vector<16x128xi32>
    %sign3A_10 = arith.constant 0 : i32
    %sign3A_11 = arith.cmpi sgt, %jit3A, %sign3A_10 : i32
    %sign3A_12 = arith.extui %sign3A_11 : i1 to i32
    %sign3A_13 = arith.constant 0 : i32
    %sign3A_14 = arith.cmpi slt, %jit3A, %sign3A_13 : i32
    %sign3A_15 = arith.extui %sign3A_14 : i1 to i32
    %sign3A_16 = arith.subi %sign3A_12, %sign3A_15 : i32
    %ne3A = vector.broadcast %sign3A_16 : i32 to vector<16x128xi32>
    %ne3A_17 = arith.cmpi ne, %sign3A_9, %ne3A : vector<16x128xi32>
    %rem3A = vector.broadcast %jit3A : i32 to vector<16x128xi32>
    %rem3A_18 = arith.remsi %iota3A_0, %rem3A : vector<16x128xi32>
    %ne3A_19 = arith.constant 0 : i32
    %ne3A_20 = vector.broadcast %ne3A_19 : i32 to vector<16x128xi32>
    %ne3A_21 = arith.cmpi ne, %rem3A_18, %ne3A_20 : vector<16x128xi32>
    %and3A = arith.andi %ne3A_17, %ne3A_21 : vector<16x128xi1>
    %sub3A = arith.constant 1 : i32
    %sub3A_22 = vector.broadcast %sub3A : i32 to vector<16x128xi32>
    %sub3A_23 = arith.subi %div3A_1, %sub3A_22 : vector<16x128xi32>
    %select_n3A = arith.select %and3A, %sub3A_23, %div3A_1 : vector<16x128xi1>, vector<16x128xi32>
    %eq3A = arith.cmpi eq, %iota3A, %select_n3A : vector<16x128xi32>
    %jit3A_24 = arith.constant 1.000000e+00 : f32
    %jit3A_25 = arith.constant 0.000000e+00 : f32
    %broadcast_in_dim3A = vector.broadcast %jit3A_24 : f32 to vector<16x128xf32>
    %broadcast_in_dim3A_26 = vector.broadcast %jit3A_25 : f32 to vector<16x128xf32>
    %select_n3A_27 = arith.select %eq3A, %broadcast_in_dim3A, %broadcast_in_dim3A_26 : vector<16x128xi1>, vector<16x128xf32>
    %jit3A_28 = arith.constant 32 : i32
    %div3A_29 = vector.broadcast %jit3A_28 : i32 to vector<16x128xi32>
    %div3A_30 = arith.divsi %iota3A_0, %div3A_29 : vector<16x128xi32>
    %sign3A_31 = arith.constant 0 : i32
    %sign3A_32 = vector.broadcast %sign3A_31 : i32 to vector<16x128xi32>
    %sign3A_33 = arith.cmpi sgt, %iota3A_0, %sign3A_32 : vector<16x128xi32>
    %sign3A_34 = arith.extui %sign3A_33 : vector<16x128xi1> to vector<16x128xi32>
    %sign3A_35 = arith.constant 0 : i32
    %sign3A_36 = vector.broadcast %sign3A_35 : i32 to vector<16x128xi32>
    %sign3A_37 = arith.cmpi slt, %iota3A_0, %sign3A_36 : vector<16x128xi32>
    %sign3A_38 = arith.extui %sign3A_37 : vector<16x128xi1> to vector<16x128xi32>
    %sign3A_39 = arith.subi %sign3A_34, %sign3A_38 : vector<16x128xi32>
    %sign3A_40 = arith.constant 0 : i32
    %sign3A_41 = arith.cmpi sgt, %jit3A_28, %sign3A_40 : i32
    %sign3A_42 = arith.extui %sign3A_41 : i1 to i32
    %sign3A_43 = arith.constant 0 : i32
    %sign3A_44 = arith.cmpi slt, %jit3A_28, %sign3A_43 : i32
    %sign3A_45 = arith.extui %sign3A_44 : i1 to i32
    %sign3A_46 = arith.subi %sign3A_42, %sign3A_45 : i32
    %ne3A_47 = vector.broadcast %sign3A_46 : i32 to vector<16x128xi32>
    %ne3A_48 = arith.cmpi ne, %sign3A_39, %ne3A_47 : vector<16x128xi32>
    %rem3A_49 = vector.broadcast %jit3A_28 : i32 to vector<16x128xi32>
    %rem3A_50 = arith.remsi %iota3A_0, %rem3A_49 : vector<16x128xi32>
    %ne3A_51 = arith.constant 0 : i32
    %ne3A_52 = vector.broadcast %ne3A_51 : i32 to vector<16x128xi32>
    %ne3A_53 = arith.cmpi ne, %rem3A_50, %ne3A_52 : vector<16x128xi32>
    %and3A_54 = arith.andi %ne3A_48, %ne3A_53 : vector<16x128xi1>
    %sub3A_55 = arith.constant 1 : i32
    %sub3A_56 = vector.broadcast %sub3A_55 : i32 to vector<16x128xi32>
    %sub3A_57 = arith.subi %div3A_30, %sub3A_56 : vector<16x128xi32>
    %select_n3A_58 = arith.select %and3A_54, %sub3A_57, %div3A_30 : vector<16x128xi1>, vector<16x128xi32>
    %add3A = arith.constant 4 : i32
    %add3A_59 = vector.broadcast %add3A : i32 to vector<16x128xi32>
    %add3A_60 = arith.addi %select_n3A_58, %add3A_59 : vector<16x128xi32>
    %eq3A_61 = arith.cmpi eq, %iota3A, %add3A_60 : vector<16x128xi32>
    %jit3A_62 = arith.constant 1.000000e+00 : f32
    %jit3A_63 = arith.constant 0.000000e+00 : f32
    %broadcast_in_dim3A_64 = vector.broadcast %jit3A_62 : f32 to vector<16x128xf32>
    %broadcast_in_dim3A_65 = vector.broadcast %jit3A_63 : f32 to vector<16x128xf32>
    %select_n3A_66 = arith.select %eq3A_61, %broadcast_in_dim3A_64, %broadcast_in_dim3A_65 : vector<16x128xi1>, vector<16x128xf32>
    %get3A = arith.constant 0 : index
    %get3A_67 = arith.constant 0 : index
    %get3A_68 = vector.load %arg3[%get3A, %get3A_67] : memref<1000x16xf32, #tpu.memory_space<vmem>>, vector<1000x16xf32>
    %dot_general3A = arith.constant dense<0.000000e+00> : vector<1000x128xf32>
    %dot_general3A_69 = tpu.matmul %get3A_68, %select_n3A_27, %dot_general3A {dimension_numbers = #tpu.dot_dimension_numbers<[1], [0], [0], [1], [0, 0, 1, 1], [], []>, transpose_lhs_hint = false} : vector<1000x16xf32>, vector<16x128xf32>, vector<1000x128xf32> -> vector<1000x128xf32>
    %get3A_70 = arith.constant 0 : index
    %get3A_71 = arith.constant 0 : index
    %get3A_72 = vector.load %arg3[%get3A_70, %get3A_71] : memref<1000x16xf32, #tpu.memory_space<vmem>>, vector<1000x16xf32>
    %dot_general3A_73 = arith.constant dense<0.000000e+00> : vector<1000x128xf32>
    %dot_general3A_74 = tpu.matmul %get3A_72, %select_n3A_66, %dot_general3A_73 {dimension_numbers = #tpu.dot_dimension_numbers<[1], [0], [0], [1], [0, 0, 1, 1], [], []>, transpose_lhs_hint = false} : vector<1000x16xf32>, vector<16x128xf32>, vector<1000x128xf32> -> vector<1000x128xf32>
    %get3A_75 = arith.constant 0 : index
    %get3A_76 = arith.constant 0 : index
    %get3A_77 = vector.load %arg1[%get3A_75, %get3A_76] : memref<1000x128xf32, #tpu.memory_space<vmem>>, vector<1000x128xf32>
    %add3A_78 = arith.constant 9.99999997E-7 : f32
    %add3A_79 = vector.broadcast %add3A_78 : f32 to vector<1000x128xf32>
    %add3A_80 = arith.addf %dot_general3A_69, %add3A_79 : vector<1000x128xf32>
    %div3A_81 = arith.divf %get3A_77, %add3A_80 : vector<1000x128xf32>
    %swap3A = arith.constant 0 : index
    %swap3A_82 = arith.constant 0 : index
    %swap3A_83 = vector.load %arg4[%swap3A, %swap3A_82] : memref<1000x256xf32, #tpu.memory_space<vmem>>, vector<1000x128xf32>
    tpu.vector_store %arg4[%swap3A, %swap3A_82], %div3A_81 {strides = array<i32>} : memref<1000x256xf32, #tpu.memory_space<vmem>>, vector<1000x128xf32>,
    %get3A_84 = arith.constant 0 : index
    %get3A_85 = arith.constant 0 : index
    %get3A_86 = vector.load %arg2[%get3A_84, %get3A_85] : memref<1000x128xf32, #tpu.memory_space<vmem>>, vector<1000x128xf32>
    %add3A_87 = arith.constant 9.99999997E-7 : f32
    %add3A_88 = vector.broadcast %add3A_87 : f32 to vector<1000x128xf32>
    %add3A_89 = arith.addf %dot_general3A_74, %add3A_88 : vector<1000x128xf32>
    %div3A_90 = arith.divf %get3A_86, %add3A_89 : vector<1000x128xf32>
    %swap3A_91 = arith.constant 0 : index
    %swap3A_92 = arith.constant 128 : index
    %swap3A_93 = vector.load %arg4[%swap3A_91, %swap3A_92] : memref<1000x256xf32, #tpu.memory_space<vmem>>, vector<1000x128xf32>
    tpu.vector_store %arg4[%swap3A_91, %swap3A_92], %div3A_90 {strides = array<i32>} : memref<1000x256xf32, #tpu.memory_space<vmem>>, vector<1000x128xf32>,
    return
  }
  func.func @transform_0(%arg0: i32) -> (i32, i32) {
    %c0_i32 = arith.constant 0 : i32
    %c0_i32_0 = arith.constant 0 : i32
    return %arg0, %c0_i32 : i32, i32
  }
  func.func @transform_1(%arg0: i32) -> (i32, i32) {
    %c0_i32 = arith.constant 0 : i32
    %c0_i32_0 = arith.constant 0 : i32
    return %arg0, %c0_i32 : i32, i32
  }
  func.func @transform_2(%arg0: i32) -> (i32, i32) {
    %c0_i32 = arith.constant 0 : i32
    %c0_i32_0 = arith.constant 0 : i32
    return %arg0, %c0_i32 : i32, i32
  }
  func.func @transform_3(%arg0: i32) -> (i32, i32) {
    %c0_i32 = arith.constant 0 : i32
    %c0_i32_0 = arith.constant 0 : i32
    return %arg0, %c0_i32 : i32, i32
  }
}

</mosaic_0001>

<sc_bundles>
// kernel: kernel.10.cloned.1.call-start
scs
__scs_entry_jumppad:
0x0: {  	(pc) =	sbr.rel $0x88, $3  }
0x1: {  	(tag) =	ssettag $0x0;
	lr =	simm.s32 $0x1  }
0x2: {  	[smem:$0x3F96] =	sst lr;
	_ =	strace $0xD0000000  }
0x3: {  	_ = 	snop  }
0x4: {  	_ = 	snop  }
0x5: {  	_ = 	snop  }
0x6: {  	_ = 	snop  }
0x7: {  	_ = 	snop  }
__scs_overlays_trampoline_lowered:
0x8: {  	[smem:$0x3FA5] =	sst s0  }
0x9: {  	[smem:$0x3FA6] =	sst s1  }
0xa: {  	[smem:$0x3FA7] =	sst s2  }
0xb: {  	[smem:$0x3FA8] =	sst s3  }
0xc: {  	[smem:$0x3FA9] =	sst s4  }
0xd: {  	[smem:$0x3FAA] =	sst s5  }
0xe: {  	[smem:$0x3FAB] =	sst s6  }
0xf: {  	[smem:$0x3FAC] =	sst s7  }
0x10: {  	[smem:$0x3FAD] =	sst s8  }
0x11: {  	[smem:$0x3FAE] =	sst s9;
	s0 =	simm.s32 @!p0 $0x0  }
0x12: {  	s1 =	sld [smem:$0x3F94];
	s0 =	simm.s32 @p0 $0x1  }
0x13: {  	[smem:$0x3FAF] =	sst s0;
	s0 =	simm.s32 @!p1 $0x0  }
0x14: {  	s2 =	sld [smem:$0x3F93];
	s0 =	simm.s32 @p1 $0x1  }
0x15: {  	[smem:$0x3FB0] =	sst s0;
	s0 =	simm.s32 @!p2 $0x0  }
0x16: {  	s3 =	sld [smem:$0x3FDB];
	s0 =	simm.s32 @p2 $0x1  }
0x17: {  	s4 =	simm.s32 $0x1BF5;
	[smem:$0x3FB2] =	sst s0  }
0x18: {  	s0 =	sld [smem:$0x3F95];
	_ =	swait.ge [sflag:s4], $0x0  }
0x19: {  	s7 =	sld [smem:$0x3F96]  }
0x1a: {  	s8 =	sadd.s32 $0xFFFFE003, lr  }
0x1b: {  	s9 =	sadd.s32 $0xFFFFFEF7, lr;
	s5 =	simm.s32 $0xFFFFFFFF;
	p2 =	slt.u32 s8, $0xFFFFF086  }
0x1c: {  	p1 =	slt.u32 s9, $0xF7A;
	s5 =	simm.s32 @!p2 $0x0  }
0x1d: {  	s5 =	simm.s32 @p1 $0x1;
	p0 =	seq.s32 s7, s2  }
0x1e: {  	s7 =	smul.u32 @!p0 $0xF7A, s2;
	p2 =	seq.s32 @!p0 s5, $0x0  }
0x1f: {  	s9 =	smul.u32 $0xF7A, s1;
	s8 =	simm.s32 @!p0 $0x1BF5;
	p2 =	por !p2, p0  }
0x20: {  	[sflag:s8] =	ssyncset.s32 @!p0 $0xFFFFF086;
	s6 =	sadd.s32 @!p0 s3, s7;
	s7 =	simm.s32 @!p0 $0x108  }
0x21: {  	s3 =	sadd.s32 s3, s9;
	s6 =	sadd.s32 @!p0 $0x88, s6;
	s7 =	simm.s32 @p2 $0x1082  }
0x22: {  	[simem:s7], [sflag:s8] =	dma.local @!p0 [hbm:s6], $0xF7A  }
0x23: {  	s9 =	sor.u32 $0xD0000000, s2;
	s6 =	simm.s32 $0x108;
	_ =	swait.ge @!p0 [sflag:s8], $0x0  }
0x24: {  	s3 =	sadd.s32 $0x88, s3;
	s6 =	simm.s32 @!p1 $0x1082;
	[sflag:s4] =	ssyncset.s32 $0xFFFFF086  }
0x25: {  	[simem:s6], [sflag:s4] =	dma.local [hbm:s3], $0xF7A  }
0x26: {  	[smem:$0x3F96] =	sst s1;
	(tag) =	ssettag s2;
	_ =	strace s9  }
0x27: {  	s1 =	sld [smem:$0x3FA6]  }
0x28: {  	s2 =	sld [smem:$0x3FA7]  }
0x29: {  	s4 =	sld [smem:$0x3FA9]  }
0x2a: {  	p0 =	seq.s32 s5, $0x0;
	s5 =	sld [smem:$0x3FAA]  }
0x2b: {  	s6 =	sld [smem:$0x3FAB]  }
0x2c: {  	s7 =	sld [smem:$0x3FAC]  }
0x2d: {  	s3 =	simm.s32 $0x108;
	s8 =	sld [smem:$0x3FAD]  }
0x2e: {  	s3 =	simm.s32 @!p0 $0x1082;
	s9 =	sld [smem:$0x3FAE]  }
0x2f: {  	lr =	sadd.s32 s0, s3;
	s0 =	sld [smem:$0x3FA5]  }
0x30: {  	s3 =	sld [smem:$0x3FA8]  }
0x31: {  	[smem:$0x3FB1] =	sst s10  }
0x32: {  	s10 =	sld [smem:$0x3FAF];
	_ =	sdelay $0x3  }
0x33: {  	p0 =	seq.s32 s10, $0x1;
	s10 =	sld [smem:$0x3FB1];
	_ =	sdelay $0x3  }
0x34: {  	[smem:$0x3FB1] =	sst s10  }
0x35: {  	s10 =	sld [smem:$0x3FB0];
	_ =	sdelay $0x3  }
0x36: {  	p1 =	seq.s32 s10, $0x1;
	s10 =	sld [smem:$0x3FB1];
	_ =	sdelay $0x3  }
0x37: {  	[smem:$0x3FB1] =	sst s10  }
0x38: {  	s10 =	sld [smem:$0x3FB2]  }
0x39: {  	_ = 	snop;
	(pc) =	sbr.ind lr, $3  }
0x3a: {  	_ = 	snop  }
0x3b: {  	_ = 	snop  }
0x3c: {  	p2 =	seq.s32 s10, $0x1;
	s10 =	sld [smem:$0x3FB1]  }
0x3d: {  	_ =	shalt  }
0x3e: {  	_ =	shalt  }
0x3f: {  	_ =	shalt  }
0x40: {  	_ =	shalt  }
0x41: {  	_ =	shalt  }
0x42: {  	_ =	shalt  }
0x43: {  	_ =	shalt  }
0x44: {  	_ =	shalt  }
0x45: {  	_ =	shalt  }
0x46: {  	_ =	shalt  }
0x47: {  	_ =	shalt  }
0x48: {  	_ =	shalt  }
0x49: {  	_ =	shalt  }
0x4a: {  	_ =	shalt  }
0x4b: {  	_ =	shalt  }
0x4c: {  	_ =	shalt  }
0x4d: {  	_ =	shalt  }
0x4e: {  	_ =	shalt  }
0x4f: {  	_ =	shalt  }
0x50: {  	_ =	shalt  }
0x51: {  	_ =	shalt  }
0x52: {  	_ =	shalt  }
0x53: {  	_ =	shalt  }
0x54: {  	_ =	shalt  }
0x55: {  	_ =	shalt  }
0x56: {  	_ =	shalt  }
0x57: {  	_ =	shalt  }
0x58: {  	_ =	shalt  }
0x59: {  	_ =	shalt  }
0x5a: {  	_ =	shalt  }
0x5b: {  	_ =	shalt  }
0x5c: {  	_ =	shalt  }
0x5d: {  	_ =	shalt  }
0x5e: {  	_ =	shalt  }
0x5f: {  	_ =	shalt  }
0x60: {  	_ =	shalt  }
0x61: {  	_ =	shalt  }
0x62: {  	_ =	shalt  }
0x63: {  	_ =	shalt  }
0x64: {  	_ =	shalt  }
0x65: {  	_ =	shalt  }
0x66: {  	_ =	shalt  }
0x67: {  	_ =	shalt  }
0x68: {  	_ =	shalt  }
0x69: {  	_ =	shalt  }
0x6a: {  	_ =	shalt  }
0x6b: {  	_ =	shalt  }
0x6c: {  	_ =	shalt  }
0x6d: {  	_ =	shalt  }
0x6e: {  	_ =	shalt  }
0x6f: {  	_ =	shalt  }
0x70: {  	_ =	shalt  }
0x71: {  	_ =	shalt  }
0x72: {  	_ =	shalt  }
0x73: {  	_ =	shalt  }
0x74: {  	_ =	shalt  }
0x75: {  	_ =	shalt  }
0x76: {  	_ =	shalt  }
0x77: {  	_ =	shalt  }
0x78: {  	_ =	shalt  }
0x79: {  	_ =	shalt  }
0x7a: {  	_ =	shalt  }
0x7b: {  	_ =	shalt  }
0x7c: {  	_ =	shalt  }
0x7d: {  	_ =	shalt  }
0x7e: {  	_ =	shalt  }
0x7f: {  	_ =	shalt  }
0x80: {  	_ =	shalt  }
0x81: {  	_ =	shalt  }
0x82: {  	_ =	shalt  }
0x83: {  	_ =	shalt  }
0x84: {  	_ =	shalt  }
0x85: {  	_ =	shalt  }
0x86: {  	_ =	shalt  }
0x87: {  	_ =	shalt  }
.Lfunc_end0:
.L_simem_size_0:
called_computation.1_lowered:
.L_overlay_start_0:
0x88: {  	s2 =	sld [smem:$0x3FD9]  }
0x89: {  	s3 =	sld [smem:$0x3FFE];
	_ =	sdelay $0x1  }
0x8a: {  	s1 =	srdreg.scid  }
0x8b: {  	s0 =	sand.u32 $0x1, s1  }
0x8c: {  	s17 =	sshll.u32 s0, $0xA;
	s2 =	sadd.s32 s3, s2  }
0x8d: {  	s2 =	sadd.s32 s2, s17  }
0x8e: {  	[smem:$0x3FBD] =	sst s2  }
0x8f: {  	_ = 	snop  }
0x90: {  	s2 =	sld [smem:$0x3FD0];
	(tm) =	ssettm $0x1  }
0x91: {  	s18 =	sld [smem:$0x3FFB];
	_ =	sdelay $0x3  }
0x92: {  	_ =	strace s18  }
0x93: {  	s3 =	sld [smem:$0x3FFC];
	_ =	sdelay $0x3  }
0x94: {  	_ =	strace s3  }
0x95: {  	s3 =	sld [smem:$0x3FFD];
	_ =	sdelay $0x3  }
0x96: {  	_ =	strace s3  }
0x97: {  	_ =	strace $0x8FFFFFFF  }
0x98: {  	s19 =	sld [smem:$0x3FDB];
	_ =	sdelay $0x1  }
0x99: {  	s4 =	simm.s32 $_scs_section_size  }
0x9a: {  	s5 =	simm.s32 $_size__tile_overlayer_lowered;
	s6 =	simm.s32 $_tile_overlayer_lowered  }
0x9b: {  	s22 =	simm.s32 $0x1BFF;
	s21 =	sshll.u32 s6, $0x1;
	s3 =	sadd.s32 s4, s19  }
0x9c: {  	s7 =	simm.s32 $0x0;
	s20 =	sshll.u32 s5, $0x1;
	s5 =	sadd.s32 s21, s3  }
0x9d: {  	[timem:s7], [sflag:s22] =	dma.local [hbm:s5], s20  }
0x9e: {  	_ =	swait.ge [sflag:s22], s20  }
0x9f: {  	s4 =	ssub.s32 $0x0, s20;
	[sflag:s22] =	ssyncset.done $0x0  }
0xa0: {  	[sflag:s22] =	ssyncadd.s32 s4;
	_ =	sdelay $0x1  }
0xa1: {  	s23 =	simm.s32 $0x1B8B  }
0xa2: {  	_ =	swait.ge [sflag:s23], $0x1  }
0xa3: {  	[sflag:s23] =	ssyncset.done $0x0  }
0xa4: {  	s25 =	simm.s32 $0x1B8E;
	s24 =	sld [smem:$0x3FFE];
	[sflag:s23] =	ssyncadd.s32 $0xFFFFFFFF  }
0xa5: {  	s26 =	simm.s32 $execute0_lowered;
	[smem:$0x3FD2] =	sst s25  }
0xa6: {  	s5 =	sshll.u32 s26, $0x1;
	_ =	strace $0x80000049;
	[dreg:$0x1] =	wrdreg $0xFFFFFFFF  }
0xa7: {  	s28 =	simm.s32 $_size_execute0_lowered;
	s3 =	sadd.s32 s3, s5;
	[dreg:$0x0] =	wrdreg $0x0  }
0xa8: {  	s5 =	sshll.u32 s28, $0x1;
	[dreg:$0x2] =	wrdreg s3  }
0xa9: {  	[dreg:$0x3] =	wrdreg s5  }
0xaa: {  	[dreg:$0x4] =	wrdreg $0xC0  }
0xab: {  	_ =	task [dreg:s7], $0x5FFFF  }
0xac: {  	[dreg:$0x1] =	wrdreg $0xFFFFFFFF  }
0xad: {  	[dreg:$0x0] =	wrdreg $0x60  }
0xae: {  	[dreg:$0x2] =	wrdreg s24  }
0xaf: {  	[dreg:$0x3] =	wrdreg s2  }
0xb0: {  	[dreg:$0x4] =	wrdreg $0x0  }
0xb1: {  	[dreg:$0x5] =	wrdreg $0x140000  }
0xb2: {  	[dreg:$0x6] =	wrdreg $0x9  }
0xb3: {  	_ =	task.clear_ibuf [dreg:s7], $0x7FFFF;
	_ =	strace $0x90000049  }
0xb4: {  	s29 =	simm.s32 $0x9;
	_ =	strace $0x8000004B  }
0xb5: {  	_ =	swait.ge [sflag:s29], $0x1  }
0xb6: {  	[sflag:s29] =	ssyncadd.s32 $0xFFFFFFFF  }
0xb7: {  	_ =	strace $0x9000004B  }
0xb8: {  	_ =	sfence  }
0xb9: {  	s30 =	sld [smem:$0x0];
	_ =	sdelay $0x2  }
0xba: {  	s31 =	sshll.u32 s1, $0xD;
	s1 =	sshrl.u32 s1, $0x2  }
0xbb: {  	s3 =	sand.u32 $0x4000, s31;
	s1 =	sadd.s32 s1, s30  }
0xbc: {  	s0 =	sor.u32 s3, s0;
	s1 =	sshll.u32 s1, $0x11  }
0xbd: {  	s0 =	sor.u32 s1, s0  }
0xbe: {  	s0 =	sadd.s32 $0x8F2B, s0  }
0xbf: {  	[sflag:s0] =	ssyncadd.remote.s32 $0x1  }
0xc0: {  	_ =	sfence.sel $0xFFFF  }
0xc1: {  	[dreg:$0x0] =	wrdreg $0xFFFFFFFF;
	(pc) =	sbr.abs _section_cstart, $3  }
0xc2: {  	[dreg:$0x1] =	wrdreg $0xFFFFFFFF  }
0xc3: {  	_ =	task.clear_ibuf [dreg:s7], $0x2FFFF;
	_ =	strace $0x9FFFFFFF  }
0xc4: {  	(tm) =	ssettm $0x7FFFFFFF  }
0xc5: {  	_ =	shalt  }
tec
execute0_lowered:
.L_overlay_start_1:
0x0: {  	(tag) =	ssettag $0x1  }
0x1: {  	s3 =	stileid.u32  }
0x2: {  	s5 =	smul.u32 $0x280, s3  }
0x3: {  	s11 =	rddreg [dreg:$0x0];
	s1 =	simm.s32 $0x0  }
0x4: {  	[smem:$0x7FF] =	sst s1;
	s13 =	sor.u32 $0x40, s5  }
0x5: {  	s0 =	srdreg.scid;
	s10 =	sadd.s32 $0x80, s5;
	[smem:$0x7EF] =	sst s13  }
0x6: {  	s12 =	sand.u32 $0x1, s0;
	s9 =	sadd.s32 $0xC0, s5;
	[smem:$0x7F0] =	sst s10  }
0x7: {  	s15 =	smul.u32 $0x14000, s3;
	s8 =	sadd.s32 $0x100, s5;
	[smem:$0x7F1] =	sst s9  }
0x8: {  	s30 =	sadd.s32 $0xC600, s11;
	s7 =	sadd.s32 $0x140, s5;
	[smem:$0x7F3] =	sst s8  }
0x9: {  	s0 =	ssub.s32 $0x2, s12;
	s6 =	sadd.s32 $0x180, s5;
	[smem:$0x7F5] =	sst s7  }
0xa: {  	s14 =	smul.u32 $0x140000, s12;
	s4 =	sadd.s32 $0x1C0, s5;
	[smem:$0x7F9] =	sst s6  }
0xb: {  	s2 =	sshrl.u32 s0, $0x1;
	s26 =	sadd.s32 $0x200, s5;
	[smem:$0x7FA] =	sst s4  }
0xc: {  	s29 =	sadd.s32 $0x240, s5;
	s0 =	ssub.s32 s0, s2;
	[smem:$0x7FB] =	sst s26  }
0xd: {  	[smem:$0x7FC] =	sst s29;
	s15 =	sadd.s32 s15, s14;
	s16 =	sshll.u32 s13, $0x7  }
0xe: {  	s17 =	sshll.u32 s10, $0x7;
	s18 =	sshll.u32 s9, $0x7;
	s19 =	sshll.u32 s8, $0x7  }
0xf: {  	s20 =	sshll.u32 s7, $0x7;
	s21 =	sshll.u32 s6, $0x7;
	s22 =	sshll.u32 s4, $0x7  }
0x10: {  	s23 =	sshll.u32 s26, $0x7;
	s24 =	sshll.u32 s29, $0x7;
	s29 =	rddreg [dreg:$0x1]  }
0x11: {  	[smem:$0x7F4] =	sst s0;
	s16 =	sadd.s32 s14, s16;
	s17 =	sadd.s32 s14, s17  }
0x12: {  	s18 =	sadd.s32 s14, s18;
	s19 =	sadd.s32 s14, s19;
	s20 =	sadd.s32 s14, s20  }
0x13: {  	s21 =	sadd.s32 s14, s21;
	s22 =	sadd.s32 s14, s22;
	s15 =	sshrl.u32 s15, $0x3  }
0x14: {  	s23 =	sadd.s32 s14, s23;
	s14 =	sadd.s32 s14, s24;
	s31 =	sadd.s32 s30, s15  }
0x15: {  	s2 =	sshrl.u32 s16, $0x3;
	s4 =	sshrl.u32 s17, $0x3;
	s8 =	sshrl.u32 s18, $0x3  }
0x16: {  	s10 =	sshrl.u32 s19, $0x3;
	s13 =	sshrl.u32 s20, $0x3;
	s19 =	sshrl.u32 s21, $0x3  }
0x17: {  	s21 =	sshrl.u32 s22, $0x3;
	s22 =	sshrl.u32 s23, $0x3;
	s15 =	rddreg [dreg:$0x3]  }
0x18: {  	s14 =	sshrl.u32 s14, $0x3;
	[dreg:$0x7] =	wrdreg s31;
	s6 =	sadd.s32 s30, s2  }
0x19: {  	s7 =	sadd.s32 s30, s4;
	s9 =	sadd.s32 s30, s8;
	s17 =	sadd.s32 s30, s10  }
0x1a: {  	s18 =	sadd.s32 s30, s13;
	s20 =	sadd.s32 s30, s19;
	s23 =	sadd.s32 s30, s21  }
0x1b: {  	s25 =	sadd.s32 s30, s22;
	s30 =	sadd.s32 s30, s14;
	s14 =	rddreg [dreg:$0x2]  }
0x1c: {  	[dreg:$0x8] =	wrdreg s6  }
0x1d: {  	[dreg:$0x9] =	wrdreg s7  }
0x1e: {  	[dreg:$0xa] =	wrdreg s9  }
0x1f: {  	[dreg:$0xb] =	wrdreg s17  }
0x20: {  	[dreg:$0xc] =	wrdreg s18  }
0x21: {  	v44 =	vlaneseq.u32;
	s12 =	smul.u32 $0x1388000, s12;
	s28 =	sadd.s32 $0x90, s5;
	[dreg:$0xd] =	wrdreg s20  }
0x22: {  	s26 =	smul.u32 $0x500, s3;
	v8 =	vor.u32 s28, v44;
	s28 =	sadd.s32 $0x250, s5;
	[dreg:$0xe] =	wrdreg s23  }
0x23: {  	v37 =	vor.u32 s28, v44;
	s28 =	simm.s32 $0x0;
	s21 =	smul.u32 $0x50, s3;
	[dreg:$0xf] =	wrdreg s25  }
0x24: {  	s31 =	sadd.s32 s29, s26;
	s4 =	smul.u32 $0x2710, s3;
	[dreg:$0x10] =	wrdreg s30  }
0x25: {  	s19 =	smul.u32 $0x4E2, s3;
	[dreg:$0x11] =	wrdreg s31;
	s7 =	sadd.s32 $0x11BFA00, s11  }
0x26: {  	s18 =	sadd.s32 $0x7600, s11;
	s23 =	sor.u32 $0x60, s5;
	s2 =	sadd.s32 $0x40, s21  }
0x27: {  	s8 =	sshrl.u32 s4, $0x3;
	s9 =	sadd.s32 s19, s7;
	s13 =	sadd.s32 $0x26C0, s4  }
0x28: {  	s25 =	sadd.s32 $0x2700, s4;
	v5 =	vor.u32 s23, v44;
	s23 =	sadd.s32 $0x220, s5;
	[smem:$0x7FD] =	sst s2  }
0x29: {  	s6 =	sshll.u32 s2, $0x4;
	s10 =	sadd.s32 s18, s8;
	s24 =	sadd.s32 s7, s8  }
0x2a: {  	s26 =	sshrl.u32 s13, $0x3;
	s30 =	sshrl.u32 s25, $0x3;
	s8 =	sshll.u32 s25, $0x7  }
0x2b: {  	s22 =	sshll.u32 s13, $0x4;
	s20 =	sshll.u32 s25, $0x4;
	s0 =	sadd.s32 s29, s6  }
0x2c: {  	s25 =	smul.u32 $0x27100, s3;
	s29 =	sadd.s32 s18, s26;
	[dreg:$0x12] =	wrdreg s0  }
0x2d: {  	s31 =	sadd.s32 s7, s26;
	_ =	strace $0x8000004A;
	[dreg:$0x5] =	wrdreg s9  }
0x2e: {  	s2 =	sadd.s32 s7, s30;
	s4 =	sadd.s32 s18, s30;
	[dreg:$0x13] =	wrdreg s10  }
0x2f: {  	s6 =	smul.u32 $0x138800, s3;
	s7 =	sshll.u32 s13, $0x7;
	[dreg:$0x14] =	wrdreg s24  }
0x30: {  	s18 =	sadd.s32 s19, s18;
	s26 =	sadd.s32 $0x11C4A00, s11;
	[dreg:$0x15] =	wrdreg s29  }
0x31: {  	s30 =	sadd.s32 $0xB0, s5;
	s3 =	sadd.s32 $0xE0, s5;
	[dreg:$0x16] =	wrdreg s31  }
0x32: {  	s0 =	sor.u32 $0x20, s5;
	v14 =	vor.u32 s3, v44;
	s3 =	simm.s32 $0x40;
	[dreg:$0x17] =	wrdreg s2  }
0x33: {  	[dreg:$0x18] =	wrdreg s4;
	s24 =	sadd.s32 s12, s7;
	s9 =	sadd.s32 s12, s8  }
0x34: {  	s12 =	sadd.s32 s6, s12;
	s16 =	sshrl.u32 s6, $0x3;
	s10 =	sadd.s32 $0x16A6A00, s11  }
0x35: {  	[dreg:$0x6] =	wrdreg s18;
	s29 =	sadd.s32 $0xA0, s5;
	s31 =	sadd.s32 $0xD0, s5  }
0x36: {  	s2 =	sadd.s32 $0xF0, s5;
	s6 =	sadd.s32 $0x110, s5;
	[smem:$0x7F2] =	sst s9  }
0x37: {  	s4 =	sadd.s32 $0x120, s5;
	s8 =	sadd.s32 $0x130, s5;
	s11 =	sld [smem:$0x7F0]  }
0x38: {  	v10 =	vor.u32 s30, v44;
	s7 =	sadd.s32 $0x150, s5;
	s18 =	sadd.s32 $0x1D0, s5;
	s30 =	sld [smem:$0x7F1]  }
0x39: {  	s13 =	sadd.s32 s10, s16;
	s16 =	sadd.s32 s10, s22;
	v13 =	vor.u32 s31, v44;
	s31 =	sld [smem:$0x7F3]  }
0x3a: {  	s17 =	sadd.s32 s10, s20;
	s19 =	sadd.s32 s25, s10;
	v18 =	vor.u32 s4, v44;
	s4 =	sld [smem:$0x7F4]  }
0x3b: {  	s20 =	sor.u32 $0x10, s5;
	s22 =	sor.u32 $0x50, s5;
	[dreg:$0x19] =	wrdreg s13  }
0x3c: {  	s25 =	sor.u32 $0x70, s5;
	s9 =	sadd.s32 $0x160, s5;
	[dreg:$0x1a] =	wrdreg s16  }
0x3d: {  	s10 =	sadd.s32 $0x170, s5;
	v9 =	vor.u32 s29, v44;
	s29 =	sadd.s32 $0x260, s5;
	[dreg:$0x1b] =	wrdreg s17  }
0x3e: {  	v1 =	vor.u32 s0, v44;
	s0 =	sshrl.u32 s12, $0x3;
	v21 =	vor.u32 s7, v44;
	s7 =	sadd.s32 $0x4000, s12;
	[smem:$0x7F6] =	sst s19  }
0x3f: {  	v29 =	vor.u32 s18, v44;
	s18 =	simm.s32 $0x1CA00;
	s19 =	sor.u32 $0x30, s5;
	v0 =	vor.u32 s20, v44;
	s20 =	sld [smem:$0x7EF]  }
0x40: {  	s17 =	sadd.s32 $0x190, s5;
	s0 =	sadd.s32 s26, s0;
	[smem:$0x7F7] =	sst s7  }
0x41: {  	s13 =	sadd.s32 $0x1A0, s5;
	s16 =	sadd.s32 $0x1B0, s5;
	[dreg:$0x1c] =	wrdreg s0  }
0x42: {  	v17 =	vor.u32 s6, v44;
	v4 =	vor.u32 s22, v44;
	v6 =	vor.u32 s25, v44;
	s22 =	sadd.s32 $0x210, s5;
	s25 =	sadd.s32 $0x230, s5;
	s6 =	sld [smem:$0x7F6]  }
0x43: {  	v22 =	vor.u32 s9, v44;
	s7 =	simm.s32 $0x1EB80;
	s9 =	simm.s32 $0x16800;
	v25 =	vor.u32 s17, v44;
	s17 =	sld [smem:$0x7FA]  }
0x44: {  	v23 =	vor.u32 s10, v44;
	s10 =	simm.s32 $0x16880;
	v2 =	vor.u32 s19, v44;
	s19 =	sadd.s32 $0x1F0, s5;
	v35 =	vor.u32 s25, v44;
	s25 =	sld [smem:$0x7FC]  }
0x45: {  	v26 =	vor.u32 s13, v44;
	v27 =	vor.u32 s16, v44;
	s13 =	simm.s32 $0x1A900;
	s16 =	simm.s32 $0x1A980;
	v11 =	vor.u32 s30, v44;
	s30 =	sadd.s32 $0x270, s5  }
0x46: {  	v7 =	vor.u32 s11, v44;
	s11 =	sld [smem:$0x7F2];
	v16 =	vor.u32 s31, v44;
	s31 =	sadd.s32 $0x20, s21;
	v3 =	vor.u32 s20, v44;
	s20 =	sadd.s32 $0x1E0, s5  }
0x47: {  	v12 =	vor.u32 s5, v44;
	s5 =	sshrl.u32 s24, $0x3;
	s24 =	sadd.s32 $0x2000, s12;
	s12 =	sld [smem:$0x7F9]  }
0x48: {  	v33 =	vor.u32 s22, v44;
	s22 =	simm.s32 $0x4;
	v31 =	vor.u32 s19, v44;
	s19 =	simm.s32 $0x1;
	v42 =	vor.u32 s31, v44;
	s31 =	sld [smem:$0x7FD]  }
0x49: {  	v15 =	vor.u32 s2, v44;
	s0 =	sadd.s32 s26, s5;
	s2 =	sshrl.u32 s24, $0x3;
	s5 =	sld [smem:$0x7F5]  }
0x4a: {  	v19 =	vor.u32 s8, v44;
	s8 =	sadd.s32 $0x800, s6;
	s24 =	sadd.s32 $0x10, s21;
	s6 =	simm.s32 $0x6  }
0x4b: {  	v28 =	vor.u32 s17, v44;
	v30 =	vor.u32 s20, v44;
	s20 =	sld [smem:$0x7FB];
	v36 =	vor.u32 s25, v44;
	s17 =	simm.s32 $0x1AA00;
	s25 =	simm.s32 $0x5  }
0x4c: {  	[dreg:$0x1d] =	wrdreg s0;
	s0 =	sshrl.u32 s11, $0x3;
	s11 =	sadd.s32 s2, s26  }
0x4d: {  	v45 =	vimm.f32 $0.0e+00;
	v40 =	vor.u32 s21, v44;
	s2 =	simm.s32 $0x10;
	s0 =	sadd.s32 s26, s0;
	[smem:$0x7F8] =	sst s11  }
0x4e: {  	v34 =	vor.u32 s23, v44;
	v38 =	vor.u32 s29, v44;
	v24 =	vor.u32 s12, v44;
	s11 =	sadd.s32 $0x30, s21;
	s12 =	simm.s32 $0x18900;
	s21 =	simm.s32 $0x2  }
0x4f: {  	v39 =	vor.u32 s30, v44;
	v41 =	vor.u32 s24, v44;
	[dreg:$0x1e] =	wrdreg s0;
	s0 =	smax.u32 s4, $0x1;
	v20 =	vor.u32 s5, v44;
	s4 =	simm.s32 $0x1EB00  }
0x50: {  	s5 =	simm.s32 $0x16900;
	v32 =	vor.u32 s20, v44;
	s20 =	simm.s32 $0x3;
	v43 =	vor.u32 s11, v44;
	v44 =	vor.u32 s31, v44;
	[dreg:$0x1f] =	wrdreg s0  }
.LBB2_1:
0x51: {  	s11 =	simm.s32 $0x0  }
0x52: {  	s23 =	sand.u32 $0xFFFFFF80, s11  }
0x53: {  	s23 =	ssub.s32 $0x0, s23  }
0x54: {  	s11 =	sand.u32 $0x3FFFFF80, s11;
	s23 =	sand.u32 $0xFFFFFF80, s23  }
0x55: {  	s29 =	sand.u32 $0x70, s1;
	s23 =	sadd.s32 s23, s11  }
0x56: {  	s11 =	simm.s32 $0x1;
	s29 =	sor.u32 s29, s23;
	s23 =	simm.s32 $0x0  }
.LBB2_2:
0x57: {  	s30 =	sshll.u32 s11, $0x4;
	p0 =	sne.s32 s11, $0x1FF;
	s11 =	sadd.s32 $0x1, s11;
	[tilespmem:s29+$0x16900] =	vst v45  }
.Ltmp0:
0x58: {  	s23 =	sadd.s32 $0x10, s23;
	s29 =	sand.u32 $0xFFFFFF80, s30;
	(pc) =	sbr.rel @p0 .LBB2_2-.Ltmp0, $4  }
0x59: {  	s29 =	ssub.s32 s23, s29  }
0x5a: {  	s30 =	sand.u32 $0x3FFFFF80, s30;
	s29 =	sand.u32 $0xFFFFFF80, s29  }
0x5b: {  	s31 =	sand.u32 $0x70, s23;
	s29 =	sadd.s32 s29, s30  }
0x5c: {  	s29 =	sor.u32 s31, s29  }
0x5d: {  	[tilespmem:s29+$0x16900] =	vst v45  }
0x5e: {  	[tilespmem:$0x1EB00] =	vst v12  }
0x5f: {  	[tilespmem:$0x1EB10] =	vst v0  }
0x60: {  	[tilespmem:$0x1EB20] =	vst v1  }
0x61: {  	[tilespmem:$0x1EB30] =	vst v2  }
0x62: {  	[spmem:s14] =	stream.indirect.scatter [tilespmem:s5], [sflag:$0x6], $0x80, s4, s3, $0xb8;
	[tilespmem:$0x1EC00] =	vst v63  }
0x63: {  	_ =	swait.ge [sflag:s6], $0x2000  }
0x64: {  	[sflag:s6] =	ssyncset.done $0x0  }
0x65: {  	[sflag:s6] =	ssyncadd.s32 $0xFFFFE000  }
0x66: {  	[tilespmem:$0x1EB00] =	vst v3  }
0x67: {  	[tilespmem:$0x1EB10] =	vst v4  }
0x68: {  	[tilespmem:$0x1EB20] =	vst v5  }
0x69: {  	[tilespmem:$0x1EB30] =	vst v6  }
0x6a: {  	[spmem:s14] =	stream.indirect.scatter [tilespmem:s5], [sflag:$0x6], $0x80, s4, s3, $0xb8;
	[tilespmem:$0x1EC00] =	vst v63  }
0x6b: {  	_ =	swait.ge [sflag:s6], $0x2000  }
0x6c: {  	[sflag:s6] =	ssyncset.done $0x0  }
0x6d: {  	[sflag:s6] =	ssyncadd.s32 $0xFFFFE000  }
0x6e: {  	[tilespmem:$0x1EB00] =	vst v7  }
0x6f: {  	[tilespmem:$0x1EB10] =	vst v8  }
0x70: {  	[tilespmem:$0x1EB20] =	vst v9  }
0x71: {  	[tilespmem:$0x1EB30] =	vst v10  }
0x72: {  	[spmem:s14] =	stream.indirect.scatter [tilespmem:s5], [sflag:$0x6], $0x80, s4, s3, $0xb8;
	[tilespmem:$0x1EC00] =	vst v63  }
0x73: {  	_ =	swait.ge [sflag:s6], $0x2000  }
0x74: {  	[sflag:s6] =	ssyncset.done $0x0  }
0x75: {  	[sflag:s6] =	ssyncadd.s32 $0xFFFFE000  }
0x76: {  	[tilespmem:$0x1EB00] =	vst v11  }
0x77: {  	[tilespmem:$0x1EB10] =	vst v13  }
0x78: {  	[tilespmem:$0x1EB20] =	vst v14  }
0x79: {  	[tilespmem:$0x1EB30] =	vst v15  }
0x7a: {  	[spmem:s14] =	stream.indirect.scatter [tilespmem:s5], [sflag:$0x6], $0x80, s4, s3, $0xb8;
	[tilespmem:$0x1EC00] =	vst v63  }
0x7b: {  	_ =	swait.ge [sflag:s6], $0x2000  }
0x7c: {  	[sflag:s6] =	ssyncset.done $0x0  }
0x7d: {  	[sflag:s6] =	ssyncadd.s32 $0xFFFFE000  }
0x7e: {  	[tilespmem:$0x1EB00] =	vst v16  }
0x7f: {  	[tilespmem:$0x1EB10] =	vst v17  }
0x80: {  	[tilespmem:$0x1EB20] =	vst v18  }
0x81: {  	[tilespmem:$0x1EB30] =	vst v19  }
0x82: {  	[spmem:s14] =	stream.indirect.scatter [tilespmem:s5], [sflag:$0x6], $0x80, s4, s3, $0xb8;
	[tilespmem:$0x1EC00] =	vst v63  }
0x83: {  	_ =	swait.ge [sflag:s6], $0x2000  }
0x84: {  	[sflag:s6] =	ssyncset.done $0x0  }
0x85: {  	[sflag:s6] =	ssyncadd.s32 $0xFFFFE000  }
0x86: {  	[tilespmem:$0x1EB00] =	vst v20  }
0x87: {  	[tilespmem:$0x1EB10] =	vst v21  }
0x88: {  	[tilespmem:$0x1EB20] =	vst v22  }
0x89: {  	[tilespmem:$0x1EB30] =	vst v23  }
0x8a: {  	[spmem:s14] =	stream.indirect.scatter [tilespmem:s5], [sflag:$0x6], $0x80, s4, s3, $0xb8;
	[tilespmem:$0x1EC00] =	vst v63  }
0x8b: {  	_ =	swait.ge [sflag:s6], $0x2000  }
0x8c: {  	[sflag:s6] =	ssyncset.done $0x0  }
0x8d: {  	[sflag:s6] =	ssyncadd.s32 $0xFFFFE000  }
0x8e: {  	[tilespmem:$0x1EB00] =	vst v24  }
0x8f: {  	[tilespmem:$0x1EB10] =	vst v25  }
0x90: {  	[tilespmem:$0x1EB20] =	vst v26  }
0x91: {  	[tilespmem:$0x1EB30] =	vst v27  }
0x92: {  	[spmem:s14] =	stream.indirect.scatter [tilespmem:s5], [sflag:$0x6], $0x80, s4, s3, $0xb8;
	[tilespmem:$0x1EC00] =	vst v63  }
0x93: {  	_ =	swait.ge [sflag:s6], $0x2000  }
0x94: {  	[sflag:s6] =	ssyncset.done $0x0  }
0x95: {  	[sflag:s6] =	ssyncadd.s32 $0xFFFFE000  }
0x96: {  	[tilespmem:$0x1EB00] =	vst v28  }
0x97: {  	[tilespmem:$0x1EB10] =	vst v29  }
0x98: {  	[tilespmem:$0x1EB20] =	vst v30  }
0x99: {  	[tilespmem:$0x1EB30] =	vst v31  }
0x9a: {  	[spmem:s14] =	stream.indirect.scatter [tilespmem:s5], [sflag:$0x6], $0x80, s4, s3, $0xb8;
	[tilespmem:$0x1EC00] =	vst v63  }
0x9b: {  	_ =	swait.ge [sflag:s6], $0x2000  }
0x9c: {  	[sflag:s6] =	ssyncset.done $0x0  }
0x9d: {  	[sflag:s6] =	ssyncadd.s32 $0xFFFFE000  }
0x9e: {  	[tilespmem:$0x1EB00] =	vst v32  }
0x9f: {  	[tilespmem:$0x1EB10] =	vst v33  }
0xa0: {  	[tilespmem:$0x1EB20] =	vst v34  }
0xa1: {  	[tilespmem:$0x1EB30] =	vst v35  }
0xa2: {  	[spmem:s14] =	stream.indirect.scatter [tilespmem:s5], [sflag:$0x6], $0x80, s4, s3, $0xb8;
	[tilespmem:$0x1EC00] =	vst v63  }
0xa3: {  	_ =	swait.ge [sflag:s6], $0x2000  }
0xa4: {  	[sflag:s6] =	ssyncset.done $0x0  }
0xa5: {  	[sflag:s6] =	ssyncadd.s32 $0xFFFFE000  }
0xa6: {  	[tilespmem:$0x1EB00] =	vst v36  }
0xa7: {  	[tilespmem:$0x1EB10] =	vst v37  }
0xa8: {  	[tilespmem:$0x1EB20] =	vst v38  }
0xa9: {  	[tilespmem:$0x1EB30] =	vst v39  }
0xaa: {  	[spmem:s14] =	stream.indirect.scatter [tilespmem:s5], [sflag:$0x6], $0x80, s4, s3, $0xb8;
	[tilespmem:$0x1EC00] =	vst v63  }
0xab: {  	_ =	swait.ge [sflag:s6], $0x2000  }
0xac: {  	[sflag:s6] =	ssyncset.done $0x0  }
0xad: {  	[sflag:s6] =	ssyncadd.s32 $0xFFFFE000  }
0xae: {  	[tilespmem:$0x1EB00] =	vst v40  }
0xaf: {  	[tilespmem:$0x1EB10] =	vst v41  }
0xb0: {  	[tilespmem:$0x1EB20] =	vst v42  }
0xb1: {  	[tilespmem:$0x1EB30] =	vst v43  }
0xb2: {  	[spmem:s15] =	stream.indirect.scatter [tilespmem:s5], [sflag:$0x6], $0x80, s4, s3, $0xb8;
	[tilespmem:$0x1EC00] =	vst v63  }
0xb3: {  	_ =	swait.ge [sflag:s6], $0x2000  }
0xb4: {  	[sflag:s6] =	ssyncset.done $0x0  }
0xb5: {  	[sflag:s6] =	ssyncadd.s32 $0xFFFFE000  }
0xb6: {  	[tilespmem:$0x1EB80] =	vst v44  }
0xb7: {  	[spmem:s15] =	stream.indirect.scatter [tilespmem:s5], [sflag:$0x6], $0x80, s7, s2, $0xb8;
	[tilespmem:$0x1EC00] =	vst v63  }
0xb8: {  	_ =	swait.ge [sflag:s6], $0x800  }
0xb9: {  	[sflag:s6] =	ssyncset.done $0x0  }
0xba: {  	[sflag:s6] =	ssyncadd.s32 $0xFFFFF800  }
0xbb: {  	[bflag:$0x0] =	sbarrier.arrive $0xFFFF  }
0xbc: {  	s0 =	rddreg [dreg:$0x13]  }
0xbd: {  	s11 =	simm.s32 $0x0;
	s7 =	rddreg [dreg:$0x14]  }
0xbe: {  	[tilespmem:s9], [sflag:$0x1] =	stream.linear.gather [hbm4b:s0+s11], $0x40, $0x38;
	[tilespmem:$0x1EC00] =	vst v63  }
0xbf: {  	s23 =	rddreg [dreg:$0x1c]  }
0xc0: {  	[tilespmem:s10], [sflag:$0x1] =	stream.linear.gather [hbm4b:s7+s11], $0x40, $0x38;
	[tilespmem:$0x1EC00] =	vst v63  }
0xc1: {  	s24 =	rddreg [dreg:$0x19]  }
0xc2: {  	[tilespmem:s5], [sflag:$0x1] =	stream.linear.gather [hbm4b:s23+s11], $0x2000, $0x38;
	[tilespmem:$0x1EC00] =	vst v63  }
0xc3: {  	s23 =	rddreg [dreg:$0x6]  }
0xc4: {  	s2 =	rddreg [dreg:$0x5];
	s23 =	sadd.s32 $0x0, s23  }
0xc5: {  	[tilespmem:s12], [sflag:$0x1] =	stream.linear.gather [hbm4b:s24+s11], $0x2000, $0x38;
	[tilespmem:$0x1EC00] =	vst v63  }
0xc6: {  	s29 =	sadd.s32 $0x8, s23;
	s11 =	sadd.s32 $0x0, s2  }
0xc7: {  	[tilespmem:s13], [sflag:$0x2] =	stream.linear.gather [hbm4b:s29+s1], $0x40, $0x38;
	[tilespmem:$0x1EC00] =	vst v63  }
0xc8: {  	s2 =	sld [smem:$0x7F8];
	s29 =	sadd.s32 $0x8, s11  }
0xc9: {  	[tilespmem:s16], [sflag:$0x2] =	stream.linear.gather [hbm4b:s29+s1], $0x40, $0x38;
	[tilespmem:$0x1EC00] =	vst v63  }
0xca: {  	_ = 	snop  }
0xcb: {  	[tilespmem:s17], [sflag:$0x2] =	stream.linear.gather [hbm4b:s2+s1], $0x2000, $0x38;
	[tilespmem:$0x1EC00] =	vst v63  }
0xcc: {  	s29 =	sadd.s32 $0xFFFFFC00, s8  }
0xcd: {  	[tilespmem:s18], [sflag:$0x2] =	stream.linear.gather [hbm4b:s29+s1], $0x2000, $0x38;
	[tilespmem:$0x1EC00] =	vst v63  }
0xce: {  	_ =	swait.ge [sflag:s19], $0x40  }
0xcf: {  	[sflag:s19] =	ssyncset.done $0x0  }
0xd0: {  	[sflag:s19] =	ssyncadd.s32 $0xFFFFFFC0  }
0xd1: {  	_ =	swait.ge [sflag:s19], $0x40  }
0xd2: {  	[sflag:s19] =	ssyncset.done $0x0  }
0xd3: {  	[sflag:s19] =	ssyncadd.s32 $0xFFFFFFC0  }
0xd4: {  	_ =	swait.ge [sflag:s19], $0x2000  }
0xd5: {  	[sflag:s19] =	ssyncset.done $0x0  }
0xd6: {  	[sflag:s19] =	ssyncadd.s32 $0xFFFFE000  }
0xd7: {  	_ =	swait.ge [sflag:s19], $0x2000  }
0xd8: {  	[sflag:s19] =	ssyncset.done $0x0  }
0xd9: {  	[sflag:s19] =	ssyncadd.s32 $0xFFFFE000  }
0xda: {  	[spmem:s14] =	stream.indirect.scatter.add.f32 [tilespmem:s5], [sflag:$0x3], $0x80, s9, s3, $0xb8;
	[tilespmem:$0x1EC00] =	vst v63  }
0xdb: {  	_ = 	snop  }
0xdc: {  	[spmem:s15] =	stream.indirect.scatter.add.f32 [tilespmem:s12], [sflag:$0x3], $0x80, s10, s3, $0xb8;
	[tilespmem:$0x1EC00] =	vst v63  }
0xdd: {  	_ =	swait.ge [sflag:s20], $0x2000  }
0xde: {  	[sflag:s20] =	ssyncset.done $0x0  }
0xdf: {  	[sflag:s20] =	ssyncadd.s32 $0xFFFFE000  }
0xe0: {  	_ =	swait.ge [sflag:s20], $0x2000  }
0xe1: {  	[sflag:s20] =	ssyncset.done $0x0;
	s0 =	sld [smem:$0x7F7]  }
0xe2: {  	s23 =	sadd.s32 $0x10, s23;
	[sflag:s20] =	ssyncadd.s32 $0xFFFFE000  }
0xe3: {  	[tilespmem:s9], [sflag:$0x1] =	stream.linear.gather [hbm4b:s23+s1], $0x40, $0x38;
	[tilespmem:$0x1EC00] =	vst v63  }
0xe4: {  	s11 =	sadd.s32 $0x10, s11;
	s7 =	sshrl.u32 s0, $0x3  }
0xe5: {  	[tilespmem:s10], [sflag:$0x1] =	stream.linear.gather [hbm4b:s11+s1], $0x40, $0x38;
	[tilespmem:$0x1EC00] =	vst v63  }
0xe6: {  	s24 =	sadd.s32 s26, s7  }
0xe7: {  	[tilespmem:s5], [sflag:$0x1] =	stream.linear.gather [hbm4b:s24+s1], $0x2000, $0x38;
	[tilespmem:$0x1EC00] =	vst v63  }
0xe8: {  	_ = 	snop  }
0xe9: {  	[tilespmem:s12], [sflag:$0x1] =	stream.linear.gather [hbm4b:s8+s1], $0x2000, $0x38;
	[tilespmem:$0x1EC00] =	vst v63  }
0xea: {  	_ =	swait.ge [sflag:s21], $0x40  }
0xeb: {  	[sflag:s21] =	ssyncset.done $0x0  }
0xec: {  	[sflag:s21] =	ssyncadd.s32 $0xFFFFFFC0  }
0xed: {  	_ =	swait.ge [sflag:s21], $0x40  }
0xee: {  	[sflag:s21] =	ssyncset.done $0x0  }
0xef: {  	[sflag:s21] =	ssyncadd.s32 $0xFFFFFFC0  }
0xf0: {  	_ =	swait.ge [sflag:s21], $0x2000  }
0xf1: {  	[sflag:s21] =	ssyncset.done $0x0  }
0xf2: {  	[sflag:s21] =	ssyncadd.s32 $0xFFFFE000  }
0xf3: {  	_ =	swait.ge [sflag:s21], $0x2000  }
0xf4: {  	[sflag:s21] =	ssyncset.done $0x0  }
0xf5: {  	[sflag:s21] =	ssyncadd.s32 $0xFFFFE000  }
0xf6: {  	[spmem:s14] =	stream.indirect.scatter.add.f32 [tilespmem:s17], [sflag:$0x4], $0x80, s13, s3, $0xb8;
	[tilespmem:$0x1EC00] =	vst v63  }
0xf7: {  	_ = 	snop  }
0xf8: {  	[spmem:s15] =	stream.indirect.scatter.add.f32 [tilespmem:s18], [sflag:$0x4], $0x80, s16, s3, $0xb8;
	[tilespmem:$0x1EC00] =	vst v63  }
0xf9: {  	_ =	swait.ge [sflag:s22], $0x2000  }
0xfa: {  	s30 =	simm.s32 $0x10;
	[sflag:s22] =	ssyncset.done $0x0  }
0xfb: {  	s31 =	sadd.s32 $0x800, s2;
	s23 =	simm.s32 $0x20;
	[sflag:s22] =	ssyncadd.s32 $0xFFFFE000  }
0xfc: {  	s29 =	sadd.s32 $0x4000, s0;
	s11 =	smov.u32 s8;
	_ =	swait.ge [sflag:s22], $0x2000  }
.LBB2_4:
0xfd: {  	s24 =	rddreg [dreg:$0x6]  }
0xfe: {  	[sflag:s22] =	ssyncset.done $0x0;
	s2 =	rddreg [dreg:$0x5];
	s24 =	sadd.s32 s30, s24  }
0xff: {  	[sflag:s22] =	ssyncadd.s32 $0xFFFFE000;
	s2 =	sadd.s32 s30, s2;
	s7 =	sadd.s32 $0x8, s24  }
0x100: {  	[tilespmem:s13], [sflag:$0x2] =	stream.linear.gather [hbm4b:s7+s1], $0x40, $0x38;
	[tilespmem:$0x1EC00] =	vst v63  }
0x101: {  	s7 =	sadd.s32 $0x8, s2  }
0x102: {  	[tilespmem:s16], [sflag:$0x2] =	stream.linear.gather [hbm4b:s7+s1], $0x40, $0x38;
	[tilespmem:$0x1EC00] =	vst v63  }
0x103: {  	s11 =	sadd.s32 $0x800, s11  }
0x104: {  	[tilespmem:s17], [sflag:$0x2] =	stream.linear.gather [hbm4b:s31+s1], $0x2000, $0x38;
	[tilespmem:$0x1EC00] =	vst v63  }
0x105: {  	s7 =	sadd.s32 $0xFFFFFC00, s11  }
0x106: {  	[tilespmem:s18], [sflag:$0x2] =	stream.linear.gather [hbm4b:s7+s1], $0x2000, $0x38;
	[tilespmem:$0x1EC00] =	vst v63  }
0x107: {  	_ =	swait.ge [sflag:s19], $0x40  }
0x108: {  	[sflag:s19] =	ssyncset.done $0x0  }
0x109: {  	[sflag:s19] =	ssyncadd.s32 $0xFFFFFFC0  }
0x10a: {  	_ =	swait.ge [sflag:s19], $0x40  }
0x10b: {  	[sflag:s19] =	ssyncset.done $0x0  }
0x10c: {  	[sflag:s19] =	ssyncadd.s32 $0xFFFFFFC0  }
0x10d: {  	_ =	swait.ge [sflag:s19], $0x2000  }
0x10e: {  	[sflag:s19] =	ssyncset.done $0x0  }
0x10f: {  	[sflag:s19] =	ssyncadd.s32 $0xFFFFE000  }
0x110: {  	_ =	swait.ge [sflag:s19], $0x2000  }
0x111: {  	[sflag:s19] =	ssyncset.done $0x0  }
0x112: {  	[sflag:s19] =	ssyncadd.s32 $0xFFFFE000  }
0x113: {  	[spmem:s14] =	stream.indirect.scatter.add.f32 [tilespmem:s5], [sflag:$0x3], $0x80, s9, s3, $0xb8;
	[tilespmem:$0x1EC00] =	vst v63  }
0x114: {  	_ = 	snop  }
0x115: {  	[spmem:s15] =	stream.indirect.scatter.add.f32 [tilespmem:s12], [sflag:$0x3], $0x80, s10, s3, $0xb8;
	[tilespmem:$0x1EC00] =	vst v63  }
0x116: {  	_ =	swait.ge [sflag:s20], $0x2000  }
0x117: {  	[sflag:s20] =	ssyncset.done $0x0  }
0x118: {  	[sflag:s20] =	ssyncadd.s32 $0xFFFFE000  }
0x119: {  	_ =	swait.ge [sflag:s20], $0x2000  }
0x11a: {  	[sflag:s20] =	ssyncset.done $0x0  }
0x11b: {  	s7 =	sadd.s32 $0x10, s24;
	[sflag:s20] =	ssyncadd.s32 $0xFFFFE000  }
0x11c: {  	[tilespmem:s9], [sflag:$0x1] =	stream.linear.gather [hbm4b:s7+s1], $0x40, $0x38;
	[tilespmem:$0x1EC00] =	vst v63  }
0x11d: {  	s0 =	smov.u32 s23;
	s2 =	sadd.s32 $0x10, s2;
	s24 =	sshrl.u32 s29, $0x3  }
0x11e: {  	[tilespmem:s10], [sflag:$0x1] =	stream.linear.gather [hbm4b:s2+s1], $0x40, $0x38;
	[tilespmem:$0x1EC00] =	vst v63  }
0x11f: {  	s30 =	smov.u32 s0;
	s0 =	sadd.s32 s26, s24  }
0x120: {  	[tilespmem:s5], [sflag:$0x1] =	stream.linear.gather [hbm4b:s0+s1], $0x2000, $0x38;
	[tilespmem:$0x1EC00] =	vst v63  }
0x121: {  	_ = 	snop  }
0x122: {  	[tilespmem:s12], [sflag:$0x1] =	stream.linear.gather [hbm4b:s11+s1], $0x2000, $0x38;
	[tilespmem:$0x1EC00] =	vst v63  }
0x123: {  	_ =	swait.ge [sflag:s21], $0x40  }
0x124: {  	[sflag:s21] =	ssyncset.done $0x0  }
0x125: {  	[sflag:s21] =	ssyncadd.s32 $0xFFFFFFC0  }
0x126: {  	_ =	swait.ge [sflag:s21], $0x40  }
0x127: {  	[sflag:s21] =	ssyncset.done $0x0  }
0x128: {  	[sflag:s21] =	ssyncadd.s32 $0xFFFFFFC0  }
0x129: {  	_ =	swait.ge [sflag:s21], $0x2000  }
0x12a: {  	[sflag:s21] =	ssyncset.done $0x0  }
0x12b: {  	[sflag:s21] =	ssyncadd.s32 $0xFFFFE000  }
0x12c: {  	_ =	swait.ge [sflag:s21], $0x2000  }
0x12d: {  	[sflag:s21] =	ssyncset.done $0x0  }
0x12e: {  	[sflag:s21] =	ssyncadd.s32 $0xFFFFE000  }
0x12f: {  	[spmem:s14] =	stream.indirect.scatter.add.f32 [tilespmem:s17], [sflag:$0x4], $0x80, s13, s3, $0xb8;
	[tilespmem:$0x1EC00] =	vst v63  }
0x130: {  	p0 =	sne.s32 s23, $0x4C0  }
0x131: {  	[spmem:s15] =	stream.indirect.scatter.add.f32 [tilespmem:s18], [sflag:$0x4], $0x80, s16, s3, $0xb8;
	[tilespmem:$0x1EC00] =	vst v63  }
.Ltmp1:
0x132: {  	_ = 	snop;
	(pc) =	sbr.rel @p0 .LBB2_4-.Ltmp1, $4  }
0x133: {  	_ =	swait.ge [sflag:s22], $0x2000  }
0x134: {  	[sflag:s22] =	ssyncset.done $0x0  }
0x135: {  	s23 =	sadd.s32 $0x10, s23;
	[sflag:s22] =	ssyncadd.s32 $0xFFFFE000  }
0x136: {  	s31 =	sadd.s32 $0x800, s31;
	s29 =	sadd.s32 $0x4000, s29;
	_ =	swait.ge [sflag:s22], $0x2000  }
0x137: {  	s0 =	rddreg [dreg:$0x6]  }
0x138: {  	[sflag:s22] =	ssyncset.done $0x0;
	s2 =	rddreg [dreg:$0x5];
	s0 =	sadd.s32 s30, s0  }
0x139: {  	[sflag:s22] =	ssyncadd.s32 $0xFFFFE000;
	s2 =	sadd.s32 s30, s2;
	s7 =	sadd.s32 $0x8, s0  }
0x13a: {  	[tilespmem:s13], [sflag:$0x2] =	stream.linear.gather [hbm4b:s7+s1], $0x40, $0x38;
	[tilespmem:$0x1EC00] =	vst v63  }
0x13b: {  	s30 =	sadd.s32 $0x8, s2  }
0x13c: {  	[tilespmem:s16], [sflag:$0x2] =	stream.linear.gather [hbm4b:s30+s1], $0x40, $0x38;
	[tilespmem:$0x1EC00] =	vst v63  }
0x13d: {  	s23 =	sadd.s32 $0x800, s11  }
0x13e: {  	[tilespmem:s17], [sflag:$0x2] =	stream.linear.gather [hbm4b:s31+s1], $0x2000, $0x38;
	[tilespmem:$0x1EC00] =	vst v63  }
0x13f: {  	s11 =	sadd.s32 $0xFFFFFC00, s23  }
0x140: {  	[tilespmem:s18], [sflag:$0x2] =	stream.linear.gather [hbm4b:s11+s1], $0x2000, $0x38;
	[tilespmem:$0x1EC00] =	vst v63  }
0x141: {  	_ =	swait.ge [sflag:s19], $0x40  }
0x142: {  	[sflag:s19] =	ssyncset.done $0x0  }
0x143: {  	[sflag:s19] =	ssyncadd.s32 $0xFFFFFFC0  }
0x144: {  	_ =	swait.ge [sflag:s19], $0x40  }
0x145: {  	[sflag:s19] =	ssyncset.done $0x0  }
0x146: {  	[sflag:s19] =	ssyncadd.s32 $0xFFFFFFC0  }
0x147: {  	_ =	swait.ge [sflag:s19], $0x2000  }
0x148: {  	[sflag:s19] =	ssyncset.done $0x0  }
0x149: {  	[sflag:s19] =	ssyncadd.s32 $0xFFFFE000  }
0x14a: {  	_ =	swait.ge [sflag:s19], $0x2000  }
0x14b: {  	[sflag:s19] =	ssyncset.done $0x0  }
0x14c: {  	[sflag:s19] =	ssyncadd.s32 $0xFFFFE000  }
0x14d: {  	[spmem:s14] =	stream.indirect.scatter.add.f32 [tilespmem:s5], [sflag:$0x3], $0x80, s9, s3, $0xb8;
	[tilespmem:$0x1EC00] =	vst v63  }
0x14e: {  	_ = 	snop  }
0x14f: {  	[spmem:s15] =	stream.indirect.scatter.add.f32 [tilespmem:s12], [sflag:$0x3], $0x80, s10, s3, $0xb8;
	[tilespmem:$0x1EC00] =	vst v63  }
0x150: {  	_ =	swait.ge [sflag:s20], $0x2000  }
0x151: {  	[sflag:s20] =	ssyncset.done $0x0  }
0x152: {  	[sflag:s20] =	ssyncadd.s32 $0xFFFFE000  }
0x153: {  	_ =	swait.ge [sflag:s20], $0x2000  }
0x154: {  	[sflag:s20] =	ssyncset.done $0x0  }
0x155: {  	s0 =	sadd.s32 $0x10, s0;
	[sflag:s20] =	ssyncadd.s32 $0xFFFFE000  }
0x156: {  	[tilespmem:s9], [sflag:$0x1] =	stream.linear.gather [hbm4b:s0+s1], $0x40, $0x38;
	[tilespmem:$0x1EC00] =	vst v63  }
0x157: {  	s24 =	sadd.s32 $0x10, s2;
	s30 =	sshrl.u32 s29, $0x3  }
0x158: {  	[tilespmem:s10], [sflag:$0x1] =	stream.linear.gather [hbm4b:s24+s1], $0x40, $0x38;
	[tilespmem:$0x1EC00] =	vst v63  }
0x159: {  	s0 =	sadd.s32 s26, s30  }
0x15a: {  	[tilespmem:s5], [sflag:$0x1] =	stream.linear.gather [hbm4b:s0+s1], $0x2000, $0x38;
	[tilespmem:$0x1EC00] =	vst v63  }
0x15b: {  	_ = 	snop  }
0x15c: {  	[tilespmem:s12], [sflag:$0x1] =	stream.linear.gather [hbm4b:s23+s1], $0x2000, $0x38;
	[tilespmem:$0x1EC00] =	vst v63  }
0x15d: {  	_ =	swait.ge [sflag:s21], $0x40  }
0x15e: {  	[sflag:s21] =	ssyncset.done $0x0  }
0x15f: {  	[sflag:s21] =	ssyncadd.s32 $0xFFFFFFC0  }
0x160: {  	_ =	swait.ge [sflag:s21], $0x40  }
0x161: {  	[sflag:s21] =	ssyncset.done $0x0  }
0x162: {  	[sflag:s21] =	ssyncadd.s32 $0xFFFFFFC0  }
0x163: {  	_ =	swait.ge [sflag:s21], $0x2000  }
0x164: {  	[sflag:s21] =	ssyncset.done $0x0  }
0x165: {  	[sflag:s21] =	ssyncadd.s32 $0xFFFFE000  }
0x166: {  	_ =	swait.ge [sflag:s21], $0x2000  }
0x167: {  	[sflag:s21] =	ssyncset.done $0x0  }
0x168: {  	[sflag:s21] =	ssyncadd.s32 $0xFFFFE000  }
0x169: {  	[spmem:s14] =	stream.indirect.scatter.add.f32 [tilespmem:s17], [sflag:$0x4], $0x80, s13, s3, $0xb8;
	[tilespmem:$0x1EC00] =	vst v63  }
0x16a: {  	_ = 	snop  }
0x16b: {  	[spmem:s15] =	stream.indirect.scatter.add.f32 [tilespmem:s18], [sflag:$0x4], $0x80, s16, s3, $0xb8;
	[tilespmem:$0x1EC00] =	vst v63  }
0x16c: {  	_ =	swait.ge [sflag:s22], $0x2000  }
0x16d: {  	[sflag:s22] =	ssyncset.done $0x0  }
0x16e: {  	[sflag:s22] =	ssyncadd.s32 $0xFFFFE000  }
0x16f: {  	_ =	swait.ge [sflag:s22], $0x2000  }
0x170: {  	[sflag:s22] =	ssyncset.done $0x0  }
0x171: {  	[sflag:s22] =	ssyncadd.s32 $0xFFFFE000  }
0x172: {  	_ =	swait.ge [sflag:s19], $0x40  }
0x173: {  	[sflag:s19] =	ssyncset.done $0x0  }
0x174: {  	[sflag:s19] =	ssyncadd.s32 $0xFFFFFFC0  }
0x175: {  	_ =	swait.ge [sflag:s19], $0x40  }
0x176: {  	[sflag:s19] =	ssyncset.done $0x0  }
0x177: {  	[sflag:s19] =	ssyncadd.s32 $0xFFFFFFC0  }
0x178: {  	_ =	swait.ge [sflag:s19], $0x2000  }
0x179: {  	[sflag:s19] =	ssyncset.done $0x0  }
0x17a: {  	[sflag:s19] =	ssyncadd.s32 $0xFFFFE000  }
0x17b: {  	_ =	swait.ge [sflag:s19], $0x2000  }
0x17c: {  	[sflag:s19] =	ssyncset.done $0x0  }
0x17d: {  	[sflag:s19] =	ssyncadd.s32 $0xFFFFE000  }
0x17e: {  	[spmem:s14] =	stream.indirect.scatter.add.f32 [tilespmem:s5], [sflag:$0x3], $0x80, s9, s3, $0xb8;
	[tilespmem:$0x1EC00] =	vst v63  }
0x17f: {  	_ = 	snop  }
0x180: {  	[spmem:s15] =	stream.indirect.scatter.add.f32 [tilespmem:s12], [sflag:$0x3], $0x80, s10, s3, $0xb8;
	[tilespmem:$0x1EC00] =	vst v63  }
0x181: {  	s31 =	rddreg [dreg:$0x15]  }
0x182: {  	[tilespmem:s13], [sflag:$0x2] =	stream.linear.gather [hbm4b:s31+s1], $0x40, $0x38;
	[tilespmem:$0x1EC00] =	vst v63  }
0x183: {  	s2 =	rddreg [dreg:$0x16]  }
0x184: {  	[tilespmem:s16], [sflag:$0x2] =	stream.linear.gather [hbm4b:s2+s1], $0x40, $0x38;
	[tilespmem:$0x1EC00] =	vst v63  }
0x185: {  	s7 =	rddreg [dreg:$0x1d]  }
0x186: {  	[tilespmem:s17], [sflag:$0x2] =	stream.linear.gather [hbm4b:s7+s1], $0x2000, $0x38;
	[tilespmem:$0x1EC00] =	vst v63  }
0x187: {  	s11 =	rddreg [dreg:$0x1a]  }
0x188: {  	[tilespmem:s18], [sflag:$0x2] =	stream.linear.gather [hbm4b:s11+s1], $0x2000, $0x38;
	[tilespmem:$0x1EC00] =	vst v63  }
0x189: {  	_ =	swait.ge [sflag:s21], $0x40  }
0x18a: {  	[sflag:s21] =	ssyncset.done $0x0  }
0x18b: {  	[sflag:s21] =	ssyncadd.s32 $0xFFFFFFC0  }
0x18c: {  	_ =	swait.ge [sflag:s21], $0x40  }
0x18d: {  	[sflag:s21] =	ssyncset.done $0x0  }
0x18e: {  	[sflag:s21] =	ssyncadd.s32 $0xFFFFFFC0  }
0x18f: {  	_ =	swait.ge [sflag:s21], $0x2000  }
0x190: {  	[sflag:s21] =	ssyncset.done $0x0  }
0x191: {  	[sflag:s21] =	ssyncadd.s32 $0xFFFFE000  }
0x192: {  	_ =	swait.ge [sflag:s21], $0x2000  }
0x193: {  	[sflag:s21] =	ssyncset.done $0x0  }
0x194: {  	[sflag:s21] =	ssyncadd.s32 $0xFFFFE000  }
0x195: {  	[spmem:s14] =	stream.indirect.scatter.add.f32 [tilespmem:s17], [sflag:$0x4], $0x80, s13, s3, $0xb8;
	[tilespmem:$0x1EC00] =	vst v63  }
0x196: {  	_ = 	snop  }
0x197: {  	[spmem:s15] =	stream.indirect.scatter.add.f32 [tilespmem:s18], [sflag:$0x4], $0x80, s16, s3, $0xb8;
	[tilespmem:$0x1EC00] =	vst v63  }
0x198: {  	_ =	swait.ge [sflag:s20], $0x2000  }
0x199: {  	[sflag:s20] =	ssyncset.done $0x0  }
0x19a: {  	[sflag:s20] =	ssyncadd.s32 $0xFFFFE000  }
0x19b: {  	_ =	swait.ge [sflag:s20], $0x2000  }
0x19c: {  	[sflag:s20] =	ssyncset.done $0x0  }
0x19d: {  	[sflag:s20] =	ssyncadd.s32 $0xFFFFE000  }
0x19e: {  	_ =	swait.ge [sflag:s22], $0x2000  }
0x19f: {  	[sflag:s22] =	ssyncset.done $0x0  }
0x1a0: {  	[sflag:s22] =	ssyncadd.s32 $0xFFFFE000  }
0x1a1: {  	_ =	swait.ge [sflag:s22], $0x2000  }
0x1a2: {  	[sflag:s22] =	ssyncset.done $0x0  }
0x1a3: {  	s24 =	simm.s32 $0x1EA00;
	s23 =	rddreg [dreg:$0x18];
	[sflag:s22] =	ssyncadd.s32 $0xFFFFE000  }
0x1a4: {  	[tilespmem:s24], [sflag:$0x5] =	stream.linear.gather [hbm4b:s23+s1], $0x10, $0x38;
	[tilespmem:$0x1EC00] =	vst v63  }
0x1a5: {  	s30 =	simm.s32 $0x1EA80;
	s29 =	rddreg [dreg:$0x17]  }
0x1a6: {  	[tilespmem:s30], [sflag:$0x5] =	stream.linear.gather [hbm4b:s29+s1], $0x10, $0x38;
	[tilespmem:$0x1EC00] =	vst v63  }
0x1a7: {  	s31 =	rddreg [dreg:$0x1e]  }
0x1a8: {  	[tilespmem:s5], [sflag:$0x5] =	stream.linear.gather [hbm4b:s31+s1], $0x800, $0x38;
	[tilespmem:$0x1EC00] =	vst v63  }
0x1a9: {  	s2 =	rddreg [dreg:$0x1b]  }
0x1aa: {  	[tilespmem:s12], [sflag:$0x5] =	stream.linear.gather [hbm4b:s2+s1], $0x800, $0x38;
	[tilespmem:$0x1EC00] =	vst v63  }
0x1ab: {  	_ =	swait.ge [sflag:s25], $0x10  }
0x1ac: {  	[sflag:s25] =	ssyncset.done $0x0  }
0x1ad: {  	[sflag:s25] =	ssyncadd.s32 $0xFFFFFFF0  }
0x1ae: {  	_ =	swait.ge [sflag:s25], $0x10  }
0x1af: {  	[sflag:s25] =	ssyncset.done $0x0  }
0x1b0: {  	[sflag:s25] =	ssyncadd.s32 $0xFFFFFFF0  }
0x1b1: {  	_ =	swait.ge [sflag:s25], $0x800  }
0x1b2: {  	[sflag:s25] =	ssyncset.done $0x0  }
0x1b3: {  	[sflag:s25] =	ssyncadd.s32 $0xFFFFF800  }
0x1b4: {  	_ =	swait.ge [sflag:s25], $0x800  }
0x1b5: {  	[sflag:s25] =	ssyncset.done $0x0  }
0x1b6: {  	s2 =	simm.s32 $0x10;
	[sflag:s25] =	ssyncadd.s32 $0xFFFFF800  }
0x1b7: {  	[spmem:s14] =	stream.indirect.scatter.add.f32 [tilespmem:s5], [sflag:$0x5], $0x80, s24, s2, $0xb8;
	[tilespmem:$0x1EC00] =	vst v63  }
0x1b8: {  	_ = 	snop  }
0x1b9: {  	[spmem:s15] =	stream.indirect.scatter.add.f32 [tilespmem:s12], [sflag:$0x5], $0x80, s30, s2, $0xb8;
	[tilespmem:$0x1EC00] =	vst v63  }
0x1ba: {  	_ =	swait.ge [sflag:s25], $0x800  }
0x1bb: {  	[sflag:s25] =	ssyncset.done $0x0  }
0x1bc: {  	[sflag:s25] =	ssyncadd.s32 $0xFFFFF800  }
0x1bd: {  	_ =	swait.ge [sflag:s25], $0x800  }
0x1be: {  	[sflag:s25] =	ssyncset.done $0x0  }
0x1bf: {  	[sflag:s25] =	ssyncadd.s32 $0xFFFFF800  }
0x1c0: {  	[bflag:$0x0] =	sbarrier.arrive $0xFFFF  }
0x1c1: {  	[tilespmem:$0x1EB00] =	vst v12  }
0x1c2: {  	[tilespmem:$0x1EB10] =	vst v0  }
0x1c3: {  	[tilespmem:$0x1EB20] =	vst v1  }
0x1c4: {  	[tilespmem:$0x1EB30] =	vst v2  }
0x1c5: {  	[tilespmem:s5], [sflag:$0x5] =	stream.indirect.gather [spmem:s14], $0x80, s4, s3, $0xb8;
	[tilespmem:$0x1EC00] =	vst v63  }
0x1c6: {  	_ =	swait.ge [sflag:s25], $0x2000  }
0x1c7: {  	[sflag:s25] =	ssyncset.done $0x0  }
0x1c8: {  	s11 =	rddreg [dreg:$0x7];
	[sflag:s25] =	ssyncadd.s32 $0xFFFFE000  }
0x1c9: {  	[hbm4b:s11+s1] =	stream.linear.scatter [tilespmem:s5], [sflag:$0x6], $0x2000, $0x38;
	[tilespmem:$0x1EC00] =	vst v63  }
0x1ca: {  	_ =	swait.ge [sflag:s6], $0x2000  }
0x1cb: {  	[sflag:s6] =	ssyncset.done $0x0  }
0x1cc: {  	[sflag:s6] =	ssyncadd.s32 $0xFFFFE000  }
0x1cd: {  	[tilespmem:$0x1EB00] =	vst v3  }
0x1ce: {  	[tilespmem:$0x1EB10] =	vst v4  }
0x1cf: {  	[tilespmem:$0x1EB20] =	vst v5  }
0x1d0: {  	[tilespmem:$0x1EB30] =	vst v6  }
0x1d1: {  	[tilespmem:s5], [sflag:$0x5] =	stream.indirect.gather [spmem:s14], $0x80, s4, s3, $0xb8;
	[tilespmem:$0x1EC00] =	vst v63  }
0x1d2: {  	_ =	swait.ge [sflag:s25], $0x2000  }
0x1d3: {  	[sflag:s25] =	ssyncset.done $0x0  }
0x1d4: {  	s23 =	rddreg [dreg:$0x8];
	[sflag:s25] =	ssyncadd.s32 $0xFFFFE000  }
0x1d5: {  	[hbm4b:s23+s1] =	stream.linear.scatter [tilespmem:s5], [sflag:$0x6], $0x2000, $0x38;
	[tilespmem:$0x1EC00] =	vst v63  }
0x1d6: {  	_ =	swait.ge [sflag:s6], $0x2000  }
0x1d7: {  	[sflag:s6] =	ssyncset.done $0x0  }
0x1d8: {  	[sflag:s6] =	ssyncadd.s32 $0xFFFFE000  }
0x1d9: {  	[tilespmem:$0x1EB00] =	vst v7  }
0x1da: {  	[tilespmem:$0x1EB10] =	vst v8  }
0x1db: {  	[tilespmem:$0x1EB20] =	vst v9  }
0x1dc: {  	[tilespmem:$0x1EB30] =	vst v10  }
0x1dd: {  	[tilespmem:s5], [sflag:$0x5] =	stream.indirect.gather [spmem:s14], $0x80, s4, s3, $0xb8;
	[tilespmem:$0x1EC00] =	vst v63  }
0x1de: {  	_ =	swait.ge [sflag:s25], $0x2000  }
0x1df: {  	[sflag:s25] =	ssyncset.done $0x0  }
0x1e0: {  	s24 =	rddreg [dreg:$0x9];
	[sflag:s25] =	ssyncadd.s32 $0xFFFFE000  }
0x1e1: {  	[hbm4b:s24+s1] =	stream.linear.scatter [tilespmem:s5], [sflag:$0x6], $0x2000, $0x38;
	[tilespmem:$0x1EC00] =	vst v63  }
0x1e2: {  	_ =	swait.ge [sflag:s6], $0x2000  }
0x1e3: {  	[sflag:s6] =	ssyncset.done $0x0  }
0x1e4: {  	[sflag:s6] =	ssyncadd.s32 $0xFFFFE000  }
0x1e5: {  	[tilespmem:$0x1EB00] =	vst v11  }
0x1e6: {  	[tilespmem:$0x1EB10] =	vst v13  }
0x1e7: {  	[tilespmem:$0x1EB20] =	vst v14  }
0x1e8: {  	[tilespmem:$0x1EB30] =	vst v15  }
0x1e9: {  	[tilespmem:s5], [sflag:$0x5] =	stream.indirect.gather [spmem:s14], $0x80, s4, s3, $0xb8;
	[tilespmem:$0x1EC00] =	vst v63  }
0x1ea: {  	_ =	swait.ge [sflag:s25], $0x2000  }
0x1eb: {  	[sflag:s25] =	ssyncset.done $0x0  }
0x1ec: {  	s29 =	rddreg [dreg:$0xa];
	[sflag:s25] =	ssyncadd.s32 $0xFFFFE000  }
0x1ed: {  	[hbm4b:s29+s1] =	stream.linear.scatter [tilespmem:s5], [sflag:$0x6], $0x2000, $0x38;
	[tilespmem:$0x1EC00] =	vst v63  }
0x1ee: {  	_ =	swait.ge [sflag:s6], $0x2000  }
0x1ef: {  	[sflag:s6] =	ssyncset.done $0x0  }
0x1f0: {  	[sflag:s6] =	ssyncadd.s32 $0xFFFFE000  }
0x1f1: {  	[tilespmem:$0x1EB00] =	vst v16  }
0x1f2: {  	[tilespmem:$0x1EB10] =	vst v17  }
0x1f3: {  	[tilespmem:$0x1EB20] =	vst v18  }
0x1f4: {  	[tilespmem:$0x1EB30] =	vst v19  }
0x1f5: {  	[tilespmem:s5], [sflag:$0x5] =	stream.indirect.gather [spmem:s14], $0x80, s4, s3, $0xb8;
	[tilespmem:$0x1EC00] =	vst v63  }
0x1f6: {  	_ =	swait.ge [sflag:s25], $0x2000  }
0x1f7: {  	[sflag:s25] =	ssyncset.done $0x0  }
0x1f8: {  	s30 =	rddreg [dreg:$0xb];
	[sflag:s25] =	ssyncadd.s32 $0xFFFFE000  }
0x1f9: {  	[hbm4b:s30+s1] =	stream.linear.scatter [tilespmem:s5], [sflag:$0x6], $0x2000, $0x38;
	[tilespmem:$0x1EC00] =	vst v63  }
0x1fa: {  	_ =	swait.ge [sflag:s6], $0x2000  }
0x1fb: {  	[sflag:s6] =	ssyncset.done $0x0  }
0x1fc: {  	[sflag:s6] =	ssyncadd.s32 $0xFFFFE000  }
0x1fd: {  	[tilespmem:$0x1EB00] =	vst v20  }
0x1fe: {  	[tilespmem:$0x1EB10] =	vst v21  }
0x1ff: {  	[tilespmem:$0x1EB20] =	vst v22  }
0x200: {  	[tilespmem:$0x1EB30] =	vst v23  }
0x201: {  	[tilespmem:s5], [sflag:$0x5] =	stream.indirect.gather [spmem:s14], $0x80, s4, s3, $0xb8;
	[tilespmem:$0x1EC00] =	vst v63  }
0x202: {  	_ =	swait.ge [sflag:s25], $0x2000  }
0x203: {  	[sflag:s25] =	ssyncset.done $0x0  }
0x204: {  	s31 =	rddreg [dreg:$0xc];
	[sflag:s25] =	ssyncadd.s32 $0xFFFFE000  }
0x205: {  	[hbm4b:s31+s1] =	stream.linear.scatter [tilespmem:s5], [sflag:$0x6], $0x2000, $0x38;
	[tilespmem:$0x1EC00] =	vst v63  }
0x206: {  	_ =	swait.ge [sflag:s6], $0x2000  }
0x207: {  	[sflag:s6] =	ssyncset.done $0x0  }
0x208: {  	[sflag:s6] =	ssyncadd.s32 $0xFFFFE000  }
0x209: {  	[tilespmem:$0x1EB00] =	vst v24  }
0x20a: {  	[tilespmem:$0x1EB10] =	vst v25  }
0x20b: {  	[tilespmem:$0x1EB20] =	vst v26  }
0x20c: {  	[tilespmem:$0x1EB30] =	vst v27  }
0x20d: {  	[tilespmem:s5], [sflag:$0x5] =	stream.indirect.gather [spmem:s14], $0x80, s4, s3, $0xb8;
	[tilespmem:$0x1EC00] =	vst v63  }
0x20e: {  	_ =	swait.ge [sflag:s25], $0x2000  }
0x20f: {  	[sflag:s25] =	ssyncset.done $0x0  }
0x210: {  	s7 =	rddreg [dreg:$0xd];
	[sflag:s25] =	ssyncadd.s32 $0xFFFFE000  }
0x211: {  	[hbm4b:s7+s1] =	stream.linear.scatter [tilespmem:s5], [sflag:$0x6], $0x2000, $0x38;
	[tilespmem:$0x1EC00] =	vst v63  }
0x212: {  	_ =	swait.ge [sflag:s6], $0x2000  }
0x213: {  	[sflag:s6] =	ssyncset.done $0x0  }
0x214: {  	[sflag:s6] =	ssyncadd.s32 $0xFFFFE000  }
0x215: {  	[tilespmem:$0x1EB00] =	vst v28  }
0x216: {  	[tilespmem:$0x1EB10] =	vst v29  }
0x217: {  	[tilespmem:$0x1EB20] =	vst v30  }
0x218: {  	[tilespmem:$0x1EB30] =	vst v31  }
0x219: {  	[tilespmem:s5], [sflag:$0x5] =	stream.indirect.gather [spmem:s14], $0x80, s4, s3, $0xb8;
	[tilespmem:$0x1EC00] =	vst v63  }
0x21a: {  	_ =	swait.ge [sflag:s25], $0x2000  }
0x21b: {  	[sflag:s25] =	ssyncset.done $0x0  }
0x21c: {  	s11 =	rddreg [dreg:$0xe];
	[sflag:s25] =	ssyncadd.s32 $0xFFFFE000  }
0x21d: {  	[hbm4b:s11+s1] =	stream.linear.scatter [tilespmem:s5], [sflag:$0x6], $0x2000, $0x38;
	[tilespmem:$0x1EC00] =	vst v63  }
0x21e: {  	_ =	swait.ge [sflag:s6], $0x2000  }
0x21f: {  	[sflag:s6] =	ssyncset.done $0x0  }
0x220: {  	[sflag:s6] =	ssyncadd.s32 $0xFFFFE000  }
0x221: {  	[tilespmem:$0x1EB00] =	vst v32  }
0x222: {  	[tilespmem:$0x1EB10] =	vst v33  }
0x223: {  	[tilespmem:$0x1EB20] =	vst v34  }
0x224: {  	[tilespmem:$0x1EB30] =	vst v35  }
0x225: {  	[tilespmem:s5], [sflag:$0x5] =	stream.indirect.gather [spmem:s14], $0x80, s4, s3, $0xb8;
	[tilespmem:$0x1EC00] =	vst v63  }
0x226: {  	_ =	swait.ge [sflag:s25], $0x2000  }
0x227: {  	[sflag:s25] =	ssyncset.done $0x0  }
0x228: {  	s23 =	rddreg [dreg:$0xf];
	[sflag:s25] =	ssyncadd.s32 $0xFFFFE000  }
0x229: {  	[hbm4b:s23+s1] =	stream.linear.scatter [tilespmem:s5], [sflag:$0x6], $0x2000, $0x38;
	[tilespmem:$0x1EC00] =	vst v63  }
0x22a: {  	_ =	swait.ge [sflag:s6], $0x2000  }
0x22b: {  	[sflag:s6] =	ssyncset.done $0x0  }
0x22c: {  	[sflag:s6] =	ssyncadd.s32 $0xFFFFE000  }
0x22d: {  	[tilespmem:$0x1EB00] =	vst v36  }
0x22e: {  	[tilespmem:$0x1EB10] =	vst v37  }
0x22f: {  	[tilespmem:$0x1EB20] =	vst v38  }
0x230: {  	[tilespmem:$0x1EB30] =	vst v39  }
0x231: {  	[tilespmem:s5], [sflag:$0x5] =	stream.indirect.gather [spmem:s14], $0x80, s4, s3, $0xb8;
	[tilespmem:$0x1EC00] =	vst v63  }
0x232: {  	_ =	swait.ge [sflag:s25], $0x2000  }
0x233: {  	[sflag:s25] =	ssyncset.done $0x0  }
0x234: {  	s24 =	rddreg [dreg:$0x10];
	[sflag:s25] =	ssyncadd.s32 $0xFFFFE000  }
0x235: {  	[hbm4b:s24+s1] =	stream.linear.scatter [tilespmem:s5], [sflag:$0x6], $0x2000, $0x38;
	[tilespmem:$0x1EC00] =	vst v63  }
0x236: {  	_ =	swait.ge [sflag:s6], $0x2000  }
0x237: {  	[sflag:s6] =	ssyncset.done $0x0  }
0x238: {  	[sflag:s6] =	ssyncadd.s32 $0xFFFFE000  }
0x239: {  	[tilespmem:$0x1EB00] =	vst v40  }
0x23a: {  	[tilespmem:$0x1EB10] =	vst v41  }
0x23b: {  	[tilespmem:$0x1EB20] =	vst v42  }
0x23c: {  	[tilespmem:$0x1EB30] =	vst v43  }
0x23d: {  	[tilespmem:s5], [sflag:$0x5] =	stream.indirect.gather [spmem:s15], $0x80, s4, s3, $0xb8;
	[tilespmem:$0x1EC00] =	vst v63  }
0x23e: {  	_ =	swait.ge [sflag:s25], $0x2000  }
0x23f: {  	[sflag:s25] =	ssyncset.done $0x0  }
0x240: {  	s29 =	rddreg [dreg:$0x11];
	[sflag:s25] =	ssyncadd.s32 $0xFFFFE000  }
0x241: {  	[hbm4b:s29+s1] =	stream.linear.scatter [tilespmem:s5], [sflag:$0x6], $0x2000, $0x38;
	[tilespmem:$0x1EC00] =	vst v63  }
0x242: {  	_ =	swait.ge [sflag:s6], $0x2000  }
0x243: {  	[sflag:s6] =	ssyncset.done $0x0  }
0x244: {  	s7 =	simm.s32 $0x1EB80;
	[sflag:s6] =	ssyncadd.s32 $0xFFFFE000  }
0x245: {  	[tilespmem:s5], [sflag:$0x5] =	stream.indirect.gather [spmem:s15], $0x80, s7, s2, $0xb8;
	[tilespmem:$0x1EC00] =	vst v63  }
0x246: {  	_ =	swait.ge [sflag:s25], $0x800  }
0x247: {  	[sflag:s25] =	ssyncset.done $0x0  }
0x248: {  	s30 =	rddreg [dreg:$0x12];
	[sflag:s25] =	ssyncadd.s32 $0xFFFFF800  }
0x249: {  	[hbm4b:s30+s1] =	stream.linear.scatter [tilespmem:s5], [sflag:$0x6], $0x800, $0x38;
	[tilespmem:$0x1EC00] =	vst v63  }
0x24a: {  	_ =	swait.ge [sflag:s6], $0x800  }
0x24b: {  	s28 =	sadd.s32 $0x1, s28;
	s31 =	rddreg [dreg:$0x1f]  }
0x24c: {  	p0 =	sne.s32 s28, s31  }
.Ltmp2:
0x24d: {  	_ = 	snop;
	(pc) =	sbr.rel @p0 .LBB2_1-.Ltmp2, $3  }
0x24e: {  	_ =	sdelay $0x1  }
0x24f: {  	[sflag:s6] =	ssyncset.done $0x0  }
0x250: {  	[sflag:s6] =	ssyncadd.s32 $0xFFFFF800  }
0x251: {  	_ =	sfence.sel $0x180000  }
0x252: {  	[bflag:$0x0] =	sbarrier.arrive $0xFFFF  }
0x253: {  	_ =	strace $0x9000004A  }
0x254: {  	s0 =	stileid.u32;
	[bflag:$0x2] =	sbarrier.arrive $0xFFFF  }
0x255: {  	p0 =	sne.s32 s0, $0x0;
	s0 =	rddreg [dreg:$0x4]  }
0x256: {  	s0 =	sadd.s32 @!p0 $0x100000, s0  }
0x257: {  	[sflag:s0] =	ssyncadd.tile.s32 @!p0 $0x1;
	_ =	shalt  }
.Lfunc_end2:
_tile_overlayer_lowered:
.L_overlay_start_2:
0x258: {  	(tag) =	ssettag $0x2  }
0x259: {  	s0 =	rddreg [dreg:$0x0];
	s2 =	stileid.u32  }
0x25a: {  	s1 =	rddreg [dreg:$0x1];
	p0 =	sne.s32 s2, $0x0  }
0x25b: {  	s3 =	rddreg [dreg:$0x2];
	[bflag:$0x3] =	sbarrier.arrive $0xFFFF;
	s2 =	simm.s32 @!p0 $0x1C06  }
0x25c: {  	[timem:s3], [sflag:s2] =	dma.local @!p0 [hbm:s0], s1  }
0x25d: {  	s0 =	simm.s32 @!p0 $0x6  }
0x25e: {  	_ =	swait.ge @!p0 [sflag:s0], s1  }
0x25f: {  	s1 =	ssub.s32 @!p0 $0x0, s1;
	[sflag:s0] =	ssyncset.done @!p0 $0x0  }
0x260: {  	[sflag:s0] =	ssyncadd.s32 @!p0 s1  }
0x261: {  	[bflag:$0x3] =	sbarrier.arrive $0xFFFF  }
0x262: {  	_ =	shalt  }

// kernel: kernel.7.cloned.1.call-start
scs
__scs_entry_jumppad:
0x0: {  	(pc) =	sbr.rel $0x88, $3  }
0x1: {  	(tag) =	ssettag $0x0;
	lr =	simm.s32 $0x1  }
0x2: {  	[smem:$0x3F96] =	sst lr;
	_ =	strace $0xD0000000  }
0x3: {  	_ = 	snop  }
0x4: {  	_ = 	snop  }
0x5: {  	_ = 	snop  }
0x6: {  	_ = 	snop  }
0x7: {  	_ = 	snop  }
__scs_overlays_trampoline_lowered:
0x8: {  	[smem:$0x3FA5] =	sst s0  }
0x9: {  	[smem:$0x3FA6] =	sst s1  }
0xa: {  	[smem:$0x3FA7] =	sst s2  }
0xb: {  	[smem:$0x3FA8] =	sst s3  }
0xc: {  	[smem:$0x3FA9] =	sst s4  }
0xd: {  	[smem:$0x3FAA] =	sst s5  }
0xe: {  	[smem:$0x3FAB] =	sst s6  }
0xf: {  	[smem:$0x3FAC] =	sst s7  }
0x10: {  	[smem:$0x3FAD] =	sst s8  }
0x11: {  	[smem:$0x3FAE] =	sst s9;
	s0 =	simm.s32 @!p0 $0x0  }
0x12: {  	s1 =	sld [smem:$0x3F94];
	s0 =	simm.s32 @p0 $0x1  }
0x13: {  	[smem:$0x3FAF] =	sst s0;
	s0 =	simm.s32 @!p1 $0x0  }
0x14: {  	s2 =	sld [smem:$0x3F93];
	s0 =	simm.s32 @p1 $0x1  }
0x15: {  	[smem:$0x3FB0] =	sst s0;
	s0 =	simm.s32 @!p2 $0x0  }
0x16: {  	s3 =	sld [smem:$0x3FDB];
	s0 =	simm.s32 @p2 $0x1  }
0x17: {  	s4 =	simm.s32 $0x1BF5;
	[smem:$0x3FB2] =	sst s0  }
0x18: {  	s0 =	sld [smem:$0x3F95];
	_ =	swait.ge [sflag:s4], $0x0  }
0x19: {  	s7 =	sld [smem:$0x3F96]  }
0x1a: {  	s8 =	sadd.s32 $0xFFFFE003, lr  }
0x1b: {  	s9 =	sadd.s32 $0xFFFFFEF7, lr;
	s5 =	simm.s32 $0xFFFFFFFF;
	p2 =	slt.u32 s8, $0xFFFFF086  }
0x1c: {  	p1 =	slt.u32 s9, $0xF7A;
	s5 =	simm.s32 @!p2 $0x0  }
0x1d: {  	s5 =	simm.s32 @p1 $0x1;
	p0 =	seq.s32 s7, s2  }
0x1e: {  	s7 =	smul.u32 @!p0 $0xF7A, s2;
	p2 =	seq.s32 @!p0 s5, $0x0  }
0x1f: {  	s9 =	smul.u32 $0xF7A, s1;
	s8 =	simm.s32 @!p0 $0x1BF5;
	p2 =	por !p2, p0  }
0x20: {  	[sflag:s8] =	ssyncset.s32 @!p0 $0xFFFFF086;
	s6 =	sadd.s32 @!p0 s3, s7;
	s7 =	simm.s32 @!p0 $0x108  }
0x21: {  	s3 =	sadd.s32 s3, s9;
	s6 =	sadd.s32 @!p0 $0x88, s6;
	s7 =	simm.s32 @p2 $0x1082  }
0x22: {  	[simem:s7], [sflag:s8] =	dma.local @!p0 [hbm:s6], $0xF7A  }
0x23: {  	s9 =	sor.u32 $0xD0000000, s2;
	s6 =	simm.s32 $0x108;
	_ =	swait.ge @!p0 [sflag:s8], $0x0  }
0x24: {  	s3 =	sadd.s32 $0x88, s3;
	s6 =	simm.s32 @!p1 $0x1082;
	[sflag:s4] =	ssyncset.s32 $0xFFFFF086  }
0x25: {  	[simem:s6], [sflag:s4] =	dma.local [hbm:s3], $0xF7A  }
0x26: {  	[smem:$0x3F96] =	sst s1;
	(tag) =	ssettag s2;
	_ =	strace s9  }
0x27: {  	s1 =	sld [smem:$0x3FA6]  }
0x28: {  	s2 =	sld [smem:$0x3FA7]  }
0x29: {  	s4 =	sld [smem:$0x3FA9]  }
0x2a: {  	p0 =	seq.s32 s5, $0x0;
	s5 =	sld [smem:$0x3FAA]  }
0x2b: {  	s6 =	sld [smem:$0x3FAB]  }
0x2c: {  	s7 =	sld [smem:$0x3FAC]  }
0x2d: {  	s3 =	simm.s32 $0x108;
	s8 =	sld [smem:$0x3FAD]  }
0x2e: {  	s3 =	simm.s32 @!p0 $0x1082;
	s9 =	sld [smem:$0x3FAE]  }
0x2f: {  	lr =	sadd.s32 s0, s3;
	s0 =	sld [smem:$0x3FA5]  }
0x30: {  	s3 =	sld [smem:$0x3FA8]  }
0x31: {  	[smem:$0x3FB1] =	sst s10  }
0x32: {  	s10 =	sld [smem:$0x3FAF];
	_ =	sdelay $0x3  }
0x33: {  	p0 =	seq.s32 s10, $0x1;
	s10 =	sld [smem:$0x3FB1];
	_ =	sdelay $0x3  }
0x34: {  	[smem:$0x3FB1] =	sst s10  }
0x35: {  	s10 =	sld [smem:$0x3FB0];
	_ =	sdelay $0x3  }
0x36: {  	p1 =	seq.s32 s10, $0x1;
	s10 =	sld [smem:$0x3FB1];
	_ =	sdelay $0x3  }
0x37: {  	[smem:$0x3FB1] =	sst s10  }
0x38: {  	s10 =	sld [smem:$0x3FB2]  }
0x39: {  	_ = 	snop;
	(pc) =	sbr.ind lr, $3  }
0x3a: {  	_ = 	snop  }
0x3b: {  	_ = 	snop  }
0x3c: {  	p2 =	seq.s32 s10, $0x1;
	s10 =	sld [smem:$0x3FB1]  }
0x3d: {  	_ =	shalt  }
0x3e: {  	_ =	shalt  }
0x3f: {  	_ =	shalt  }
0x40: {  	_ =	shalt  }
0x41: {  	_ =	shalt  }
0x42: {  	_ =	shalt  }
0x43: {  	_ =	shalt  }
0x44: {  	_ =	shalt  }
0x45: {  	_ =	shalt  }
0x46: {  	_ =	shalt  }
0x47: {  	_ =	shalt  }
0x48: {  	_ =	shalt  }
0x49: {  	_ =	shalt  }
0x4a: {  	_ =	shalt  }
0x4b: {  	_ =	shalt  }
0x4c: {  	_ =	shalt  }
0x4d: {  	_ =	shalt  }
0x4e: {  	_ =	shalt  }
0x4f: {  	_ =	shalt  }
0x50: {  	_ =	shalt  }
0x51: {  	_ =	shalt  }
0x52: {  	_ =	shalt  }
0x53: {  	_ =	shalt  }
0x54: {  	_ =	shalt  }
0x55: {  	_ =	shalt  }
0x56: {  	_ =	shalt  }
0x57: {  	_ =	shalt  }
0x58: {  	_ =	shalt  }
0x59: {  	_ =	shalt  }
0x5a: {  	_ =	shalt  }
0x5b: {  	_ =	shalt  }
0x5c: {  	_ =	shalt  }
0x5d: {  	_ =	shalt  }
0x5e: {  	_ =	shalt  }
0x5f: {  	_ =	shalt  }
0x60: {  	_ =	shalt  }
0x61: {  	_ =	shalt  }
0x62: {  	_ =	shalt  }
0x63: {  	_ =	shalt  }
0x64: {  	_ =	shalt  }
0x65: {  	_ =	shalt  }
0x66: {  	_ =	shalt  }
0x67: {  	_ =	shalt  }
0x68: {  	_ =	shalt  }
0x69: {  	_ =	shalt  }
0x6a: {  	_ =	shalt  }
0x6b: {  	_ =	shalt  }
0x6c: {  	_ =	shalt  }
0x6d: {  	_ =	shalt  }
0x6e: {  	_ =	shalt  }
0x6f: {  	_ =	shalt  }
0x70: {  	_ =	shalt  }
0x71: {  	_ =	shalt  }
0x72: {  	_ =	shalt  }
0x73: {  	_ =	shalt  }
0x74: {  	_ =	shalt  }
0x75: {  	_ =	shalt  }
0x76: {  	_ =	shalt  }
0x77: {  	_ =	shalt  }
0x78: {  	_ =	shalt  }
0x79: {  	_ =	shalt  }
0x7a: {  	_ =	shalt  }
0x7b: {  	_ =	shalt  }
0x7c: {  	_ =	shalt  }
0x7d: {  	_ =	shalt  }
0x7e: {  	_ =	shalt  }
0x7f: {  	_ =	shalt  }
0x80: {  	_ =	shalt  }
0x81: {  	_ =	shalt  }
0x82: {  	_ =	shalt  }
0x83: {  	_ =	shalt  }
0x84: {  	_ =	shalt  }
0x85: {  	_ =	shalt  }
0x86: {  	_ =	shalt  }
0x87: {  	_ =	shalt  }
.Lfunc_end0:
.L_simem_size_0:
called_computation_lowered:
.L_overlay_start_0:
0x88: {  	s2 =	sld [smem:$0x3FD9]  }
0x89: {  	s3 =	sld [smem:$0x3FFE];
	_ =	sdelay $0x1  }
0x8a: {  	s1 =	srdreg.scid  }
0x8b: {  	s0 =	sand.u32 $0x1, s1  }
0x8c: {  	s17 =	sshll.u32 s0, $0xA;
	s2 =	sadd.s32 s3, s2  }
0x8d: {  	s2 =	sadd.s32 s2, s17  }
0x8e: {  	[smem:$0x3FBD] =	sst s2  }
0x8f: {  	_ = 	snop  }
0x90: {  	s2 =	sld [smem:$0x3FD0];
	(tm) =	ssettm $0x1  }
0x91: {  	s18 =	sld [smem:$0x3FFB];
	_ =	sdelay $0x3  }
0x92: {  	_ =	strace s18  }
0x93: {  	s3 =	sld [smem:$0x3FFC];
	_ =	sdelay $0x3  }
0x94: {  	_ =	strace s3  }
0x95: {  	s3 =	sld [smem:$0x3FFD];
	_ =	sdelay $0x3  }
0x96: {  	_ =	strace s3  }
0x97: {  	_ =	strace $0x8FFFFFFF  }
0x98: {  	s19 =	sld [smem:$0x3FDB];
	_ =	sdelay $0x1  }
0x99: {  	s4 =	simm.s32 $_scs_section_size  }
0x9a: {  	s5 =	simm.s32 $_size__tile_overlayer_lowered;
	s6 =	simm.s32 $_tile_overlayer_lowered  }
0x9b: {  	s22 =	simm.s32 $0x1BFF;
	s21 =	sshll.u32 s6, $0x1;
	s3 =	sadd.s32 s4, s19  }
0x9c: {  	s7 =	simm.s32 $0x0;
	s20 =	sshll.u32 s5, $0x1;
	s5 =	sadd.s32 s21, s3  }
0x9d: {  	[timem:s7], [sflag:s22] =	dma.local [hbm:s5], s20  }
0x9e: {  	_ =	swait.ge [sflag:s22], s20  }
0x9f: {  	s4 =	ssub.s32 $0x0, s20;
	[sflag:s22] =	ssyncset.done $0x0  }
0xa0: {  	[sflag:s22] =	ssyncadd.s32 s4;
	_ =	sdelay $0x1  }
0xa1: {  	s23 =	simm.s32 $0x1B8B  }
0xa2: {  	_ =	swait.ge [sflag:s23], $0x1  }
0xa3: {  	[sflag:s23] =	ssyncset.done $0x0  }
0xa4: {  	s25 =	simm.s32 $0x1B8E;
	s24 =	sld [smem:$0x3FFE];
	[sflag:s23] =	ssyncadd.s32 $0xFFFFFFFF  }
0xa5: {  	s26 =	simm.s32 $execute0_lowered;
	[smem:$0x3FD2] =	sst s25  }
0xa6: {  	s5 =	sshll.u32 s26, $0x1;
	_ =	strace $0x80000046;
	[dreg:$0x1] =	wrdreg $0xFFFFFFFF  }
0xa7: {  	s28 =	simm.s32 $_size_execute0_lowered;
	s3 =	sadd.s32 s3, s5;
	[dreg:$0x0] =	wrdreg $0x0  }
0xa8: {  	s5 =	sshll.u32 s28, $0x1;
	[dreg:$0x2] =	wrdreg s3  }
0xa9: {  	[dreg:$0x3] =	wrdreg s5  }
0xaa: {  	[dreg:$0x4] =	wrdreg $0xC0  }
0xab: {  	_ =	task [dreg:s7], $0x5FFFF  }
0xac: {  	[dreg:$0x1] =	wrdreg $0xFFFFFFFF  }
0xad: {  	[dreg:$0x0] =	wrdreg $0x60  }
0xae: {  	[dreg:$0x2] =	wrdreg s24  }
0xaf: {  	[dreg:$0x3] =	wrdreg s2  }
0xb0: {  	[dreg:$0x4] =	wrdreg $0x9  }
0xb1: {  	_ =	task.clear_ibuf [dreg:s7], $0x5FFFF;
	_ =	strace $0x90000046  }
0xb2: {  	s29 =	simm.s32 $0x9;
	_ =	strace $0x80000048  }
0xb3: {  	_ =	swait.ge [sflag:s29], $0x1  }
0xb4: {  	[sflag:s29] =	ssyncadd.s32 $0xFFFFFFFF  }
0xb5: {  	_ =	strace $0x90000048  }
0xb6: {  	_ =	sfence  }
0xb7: {  	s30 =	sld [smem:$0x0];
	_ =	sdelay $0x2  }
0xb8: {  	s31 =	sshll.u32 s1, $0xD;
	s1 =	sshrl.u32 s1, $0x2  }
0xb9: {  	s3 =	sand.u32 $0x4000, s31;
	s1 =	sadd.s32 s1, s30  }
0xba: {  	s0 =	sor.u32 s3, s0;
	s1 =	sshll.u32 s1, $0x11  }
0xbb: {  	s0 =	sor.u32 s1, s0  }
0xbc: {  	s0 =	sadd.s32 $0x8F2B, s0  }
0xbd: {  	[sflag:s0] =	ssyncadd.remote.s32 $0x1  }
0xbe: {  	_ =	sfence.sel $0xFFFF  }
0xbf: {  	[dreg:$0x0] =	wrdreg $0xFFFFFFFF;
	(pc) =	sbr.abs _section_cstart, $3  }
0xc0: {  	[dreg:$0x1] =	wrdreg $0xFFFFFFFF  }
0xc1: {  	_ =	task.clear_ibuf [dreg:s7], $0x2FFFF;
	_ =	strace $0x9FFFFFFF  }
0xc2: {  	(tm) =	ssettm $0x7FFFFFFF  }
0xc3: {  	_ =	shalt  }
tec
execute0_lowered:
.L_overlay_start_1:
0x0: {  	(tag) =	ssettag $0x1  }
0x1: {  	s0 =	rddreg [dreg:$0x0]  }
0x2: {  	s1 =	rddreg [dreg:$0x1];
	s3 =	simm.s32 $0x0;
	s2 =	srdreg.scid  }
0x3: {  	s18 =	stileid.u32;
	s28 =	simm.s32 $0x6;
	s29 =	simm.s32 $0x900  }
0x4: {  	s31 =	simm.s32 $0x1100;
	s30 =	simm.s32 $0x9900;
	[smem:$0x7FF] =	sst s3  }
0x5: {  	s2 =	sand.u32 $0x1, s2;
	s6 =	sshll.u32 s18, $0x1;
	s4 =	sadd.s32 $0xC600, s0  }
0x6: {  	s5 =	sadd.s32 $0x5A800, s0;
	s7 =	sadd.s32 $0x7600, s0;
	s16 =	smul.u32 $0x4E200, s18  }
0x7: {  	s10 =	sadd.s32 $0xA8A00, s0;
	s11 =	sadd.s32 $0x58AA00, s0;
	s18 =	smul.u32 $0x2710, s18  }
0x8: {  	_ =	strace $0x80000047;
	s8 =	sor.u32 s2, s6;
	s23 =	smul.u32 $0x27100, s2  }
0x9: {  	s6 =	sadd.s32 $0x2600, s0;
	s12 =	ssub.s32 $0x2, s2;
	s2 =	smul.u32 $0x1388, s2  }
0xa: {  	s0 =	sadd.s32 $0xA6CA00, s0;
	[dreg:$0x1a] =	wrdreg s7;
	s9 =	smul.u32 $0x138800, s8  }
0xb: {  	s13 =	sshrl.u32 s12, $0x1;
	s8 =	smul.u32 $0x1388, s8;
	s24 =	sadd.s32 s16, s10  }
0xc: {  	s26 =	sadd.s32 s16, s11;
	[dreg:$0x19] =	wrdreg s6;
	s12 =	ssub.s32 s12, s13  }
0xd: {  	s2 =	sadd.s32 s2, s18;
	s18 =	simm.s32 $0x6100;
	s13 =	sshrl.u32 s8, $0x3  }
0xe: {  	s9 =	sshrl.u32 s9, $0x3;
	s14 =	sadd.s32 $0x1340, s8;
	s19 =	sadd.s32 s6, s13  }
0xf: {  	s9 =	sadd.s32 $0x26000, s9;
	s13 =	sadd.s32 s7, s13;
	[dreg:$0xf] =	wrdreg s19  }
0x10: {  	s8 =	sadd.s32 $0x1380, s8;
	s15 =	sadd.s32 s10, s9;
	[dreg:$0x10] =	wrdreg s13  }
0x11: {  	s21 =	sshll.u32 s14, $0x5;
	s20 =	sadd.s32 s11, s9;
	[dreg:$0x6] =	wrdreg s15  }
0x12: {  	s25 =	sshll.u32 s8, $0x5;
	s9 =	sadd.s32 s0, s9;
	[dreg:$0x7] =	wrdreg s20  }
0x13: {  	s8 =	sshrl.u32 s8, $0x3;
	s22 =	sadd.s32 s10, s21;
	[dreg:$0x8] =	wrdreg s9  }
0x14: {  	s17 =	sadd.s32 s11, s21;
	s10 =	sadd.s32 s10, s25;
	[dreg:$0x9] =	wrdreg s22  }
0x15: {  	s11 =	sadd.s32 s11, s25;
	s19 =	simm.s32 $0x6900;
	[dreg:$0xa] =	wrdreg s17  }
0x16: {  	s13 =	simm.s32 $0x3;
	s15 =	sadd.s32 s0, s21;
	[dreg:$0xc] =	wrdreg s10  }
0x17: {  	s17 =	sadd.s32 s23, s24;
	[dreg:$0xd] =	wrdreg s11;
	s10 =	sadd.s32 s23, s26  }
0x18: {  	s20 =	sshrl.u32 s14, $0x3;
	s24 =	sadd.s32 $0x40, s2;
	s2 =	sadd.s32 $0x80, s2  }
0x19: {  	s9 =	simm.s32 $0x2900;
	s11 =	simm.s32 $0x1;
	[dreg:$0xb] =	wrdreg s15  }
0x1a: {  	s14 =	simm.s32 $0x2;
	[dreg:$0x3] =	wrdreg s17;
	s17 =	sadd.s32 s0, s25  }
0x1b: {  	[dreg:$0x4] =	wrdreg s10;
	s0 =	sadd.s32 s16, s0;
	s21 =	sadd.s32 s6, s20  }
0x1c: {  	s22 =	sadd.s32 s7, s20;
	s25 =	smax.u32 s12, $0x1;
	[dreg:$0x16] =	wrdreg s2  }
0x1d: {  	s12 =	simm.s32 $0x100;
	s10 =	simm.s32 $0x3100;
	[dreg:$0xe] =	wrdreg s17  }
0x1e: {  	s20 =	simm.s32 $0x4100;
	s2 =	simm.s32 $0x4900;
	[dreg:$0x11] =	wrdreg s21  }
0x1f: {  	s16 =	simm.s32 $0x5900;
	s15 =	simm.s32 $0x4;
	[dreg:$0x12] =	wrdreg s22  }
0x20: {  	s0 =	sadd.s32 s23, s0;
	s23 =	sadd.s32 s6, s8;
	[dreg:$0x15] =	wrdreg s25  }
0x21: {  	s8 =	sadd.s32 s7, s8;
	s21 =	simm.s32 $0x7100;
	[dreg:$0x13] =	wrdreg s23  }
0x22: {  	s22 =	simm.s32 $0x7900;
	s25 =	simm.s32 $0x9100;
	[dreg:$0x5] =	wrdreg s0  }
0x23: {  	s17 =	simm.s32 $0x0;
	[dreg:$0x14] =	wrdreg s8;
	s0 =	sshrl.u32 s24, $0x3  }
0x24: {  	s8 =	simm.s32 $0x2100;
	s23 =	simm.s32 $0x3900;
	s24 =	simm.s32 $0x8900  }
0x25: {  	v2 =	vlaneseq.u32;
	[dreg:$0x1b] =	wrdreg s17;
	s26 =	sadd.s32 s0, s7;
	s0 =	sadd.s32 s0, s6  }
0x26: {  	vm0 =	vmmov $0xffff;
	v1 =	vshrl.u32 v2, $0x3;
	s7 =	simm.s32 $0x5100;
	s6 =	simm.s32 $0x8100;
	[dreg:$0x17] =	wrdreg s26  }
0x27: {  	v0 =	vand.u32 $0x7, v2;
	v2 =	vor.u32 $0x8, v2;
	v1 =	vmul.u32 $0x8, v1;
	[dreg:$0x18] =	wrdreg s0;
	s26 =	simm.s32 $0x80;
	s0 =	simm.s32 $0x1900  }
.LBB2_1:
0x28: {  	s17 =	rddreg [dreg:$0xf]  }
0x29: {  	[tilespmem:s3], [sflag:$0x6] =	stream.linear.gather [hbm4b:s17+s3], $0x40, $0x38;
	[tilespmem:$0x19B00] =	vst v63  }
0x2a: {  	_ =	swait.ge [sflag:s28], $0x40  }
0x2b: {  	[sflag:s28] =	ssyncset.done $0x0  }
0x2c: {  	s17 =	rddreg [dreg:$0x10];
	[sflag:s28] =	ssyncadd.s32 $0xFFFFFFC0  }
0x2d: {  	[tilespmem:s26], [sflag:$0x6] =	stream.linear.gather [hbm4b:s17+s3], $0x40, $0x38;
	[tilespmem:$0x19B00] =	vst v63  }
0x2e: {  	_ =	swait.ge [sflag:s28], $0x40  }
0x2f: {  	[sflag:s28] =	ssyncset.done $0x0  }
0x30: {  	[sflag:s28] =	ssyncadd.s32 $0xFFFFFFC0  }
0x31: {  	v3 =	vld [tilespmem:$0x0];
	_ =	sdelay $0x4  }
0x32: {  	v4 =	vshll.u32 v3, $0x1  }
0x33: {  	v3 =	vand.u32 $0x7, v3;
	v4 =	vand.u32 $0xFFFFFFF0, v4  }
0x34: {  	v3 =	vor.u32 v3, v4  }
0x35: {  	v4 =	vperm.xlane v3, v0;
	_ =	sdelay $0x1  }
0x36: {  	v3 =	vperm.xlane v3, v2;
	v4 =	vadd.s32 v1, v4;
	_ =	sdelay $0x1  }
0x37: {  	v3 =	vadd.s32 v1, v3;
	_ =	sdelay $0x2  }
0x38: {  	[tilespmem:s12], [sflag:$0x1] =	stream.indirect_vreg.gather [hbm4b:s4+s3], $0x80, v4, vm0, $0xb8;
	[tilespmem:$0x19B00] =	vst v63  }
0x39: {  	_ = 	snop  }
0x3a: {  	[tilespmem:s29], [sflag:$0x1] =	stream.indirect_vreg.gather [hbm4b:s4+s3], $0x80, v3, vm0, $0xb8;
	[tilespmem:$0x19B00] =	vst v63  }
0x3b: {  	v3 =	vld [tilespmem:$0x10];
	_ =	sdelay $0x4  }
0x3c: {  	v53 =	vshll.u32 v3, $0x1  }
0x3d: {  	v3 =	vand.u32 $0x7, v3;
	v4 =	vand.u32 $0xFFFFFFF0, v53  }
0x3e: {  	v3 =	vor.u32 v3, v4  }
0x3f: {  	v4 =	vperm.xlane v3, v0;
	_ =	sdelay $0x1  }
0x40: {  	v3 =	vperm.xlane v3, v2;
	v4 =	vadd.s32 v1, v4;
	_ =	sdelay $0x1  }
0x41: {  	v3 =	vadd.s32 v1, v3;
	_ =	sdelay $0x2  }
0x42: {  	[tilespmem:s31], [sflag:$0x1] =	stream.indirect_vreg.gather [hbm4b:s4+s3], $0x80, v4, vm0, $0xb8;
	[tilespmem:$0x19B00] =	vst v63  }
0x43: {  	_ = 	snop  }
0x44: {  	[tilespmem:s0], [sflag:$0x1] =	stream.indirect_vreg.gather [hbm4b:s4+s3], $0x80, v3, vm0, $0xb8;
	[tilespmem:$0x19B00] =	vst v63  }
0x45: {  	v3 =	vld [tilespmem:$0x20];
	_ =	sdelay $0x4  }
0x46: {  	v54 =	vshll.u32 v3, $0x1  }
0x47: {  	v3 =	vand.u32 $0x7, v3;
	v4 =	vand.u32 $0xFFFFFFF0, v54  }
0x48: {  	v3 =	vor.u32 v3, v4  }
0x49: {  	v4 =	vperm.xlane v3, v0;
	_ =	sdelay $0x1  }
0x4a: {  	v3 =	vperm.xlane v3, v2;
	v4 =	vadd.s32 v1, v4;
	_ =	sdelay $0x1  }
0x4b: {  	v3 =	vadd.s32 v1, v3;
	_ =	sdelay $0x2  }
0x4c: {  	[tilespmem:s8], [sflag:$0x1] =	stream.indirect_vreg.gather [hbm4b:s4+s3], $0x80, v4, vm0, $0xb8;
	[tilespmem:$0x19B00] =	vst v63  }
0x4d: {  	_ = 	snop  }
0x4e: {  	[tilespmem:s9], [sflag:$0x1] =	stream.indirect_vreg.gather [hbm4b:s4+s3], $0x80, v3, vm0, $0xb8;
	[tilespmem:$0x19B00] =	vst v63  }
0x4f: {  	v3 =	vld [tilespmem:$0x30];
	_ =	sdelay $0x4  }
0x50: {  	v55 =	vshll.u32 v3, $0x1  }
0x51: {  	v3 =	vand.u32 $0x7, v3;
	v4 =	vand.u32 $0xFFFFFFF0, v55  }
0x52: {  	v3 =	vor.u32 v3, v4  }
0x53: {  	v4 =	vperm.xlane v3, v0;
	_ =	sdelay $0x1  }
0x54: {  	v3 =	vperm.xlane v3, v2;
	v4 =	vadd.s32 v1, v4;
	_ =	sdelay $0x1  }
0x55: {  	v3 =	vadd.s32 v1, v3;
	_ =	sdelay $0x2  }
0x56: {  	[tilespmem:s10], [sflag:$0x1] =	stream.indirect_vreg.gather [hbm4b:s4+s3], $0x80, v4, vm0, $0xb8;
	[tilespmem:$0x19B00] =	vst v63  }
0x57: {  	_ = 	snop  }
0x58: {  	[tilespmem:s23], [sflag:$0x1] =	stream.indirect_vreg.gather [hbm4b:s4+s3], $0x80, v3, vm0, $0xb8;
	[tilespmem:$0x19B00] =	vst v63  }
0x59: {  	v3 =	vld [tilespmem:$0x80];
	_ =	sdelay $0x4  }
0x5a: {  	v56 =	vshll.u32 v3, $0x1  }
0x5b: {  	v3 =	vand.u32 $0x7, v3;
	v4 =	vand.u32 $0xFFFFFFF0, v56  }
0x5c: {  	v3 =	vor.u32 v3, v4  }
0x5d: {  	v4 =	vperm.xlane v3, v0;
	_ =	sdelay $0x1  }
0x5e: {  	v3 =	vperm.xlane v3, v2;
	v4 =	vadd.s32 v1, v4;
	_ =	sdelay $0x1  }
0x5f: {  	v3 =	vadd.s32 v1, v3;
	_ =	sdelay $0x2  }
0x60: {  	[tilespmem:s20], [sflag:$0x1] =	stream.indirect_vreg.gather [hbm4b:s5+s3], $0x80, v4, vm0, $0xb8;
	[tilespmem:$0x19B00] =	vst v63  }
0x61: {  	_ = 	snop  }
0x62: {  	[tilespmem:s2], [sflag:$0x1] =	stream.indirect_vreg.gather [hbm4b:s5+s3], $0x80, v3, vm0, $0xb8;
	[tilespmem:$0x19B00] =	vst v63  }
0x63: {  	v3 =	vld [tilespmem:$0x90];
	_ =	sdelay $0x4  }
0x64: {  	v57 =	vshll.u32 v3, $0x1  }
0x65: {  	v3 =	vand.u32 $0x7, v3;
	v4 =	vand.u32 $0xFFFFFFF0, v57  }
0x66: {  	v3 =	vor.u32 v3, v4  }
0x67: {  	v4 =	vperm.xlane v3, v0;
	_ =	sdelay $0x1  }
0x68: {  	v3 =	vperm.xlane v3, v2;
	v4 =	vadd.s32 v1, v4;
	_ =	sdelay $0x1  }
0x69: {  	v3 =	vadd.s32 v1, v3;
	_ =	sdelay $0x2  }
0x6a: {  	[tilespmem:s7], [sflag:$0x1] =	stream.indirect_vreg.gather [hbm4b:s5+s3], $0x80, v4, vm0, $0xb8;
	[tilespmem:$0x19B00] =	vst v63  }
0x6b: {  	_ = 	snop  }
0x6c: {  	[tilespmem:s16], [sflag:$0x1] =	stream.indirect_vreg.gather [hbm4b:s5+s3], $0x80, v3, vm0, $0xb8;
	[tilespmem:$0x19B00] =	vst v63  }
0x6d: {  	v3 =	vld [tilespmem:$0xA0];
	_ =	sdelay $0x4  }
0x6e: {  	v58 =	vshll.u32 v3, $0x1  }
0x6f: {  	v3 =	vand.u32 $0x7, v3;
	v4 =	vand.u32 $0xFFFFFFF0, v58  }
0x70: {  	v3 =	vor.u32 v3, v4  }
0x71: {  	v4 =	vperm.xlane v3, v0;
	_ =	sdelay $0x1  }
0x72: {  	v3 =	vperm.xlane v3, v2;
	v4 =	vadd.s32 v1, v4;
	_ =	sdelay $0x1  }
0x73: {  	v3 =	vadd.s32 v1, v3;
	_ =	sdelay $0x2  }
0x74: {  	[tilespmem:s18], [sflag:$0x1] =	stream.indirect_vreg.gather [hbm4b:s5+s3], $0x80, v4, vm0, $0xb8;
	[tilespmem:$0x19B00] =	vst v63  }
0x75: {  	_ = 	snop  }
0x76: {  	[tilespmem:s19], [sflag:$0x1] =	stream.indirect_vreg.gather [hbm4b:s5+s3], $0x80, v3, vm0, $0xb8;
	[tilespmem:$0x19B00] =	vst v63  }
0x77: {  	v3 =	vld [tilespmem:$0xB0];
	_ =	sdelay $0x4  }
0x78: {  	v59 =	vshll.u32 v3, $0x1  }
0x79: {  	v3 =	vand.u32 $0x7, v3;
	v4 =	vand.u32 $0xFFFFFFF0, v59  }
0x7a: {  	v3 =	vor.u32 v3, v4  }
0x7b: {  	v4 =	vperm.xlane v3, v0;
	_ =	sdelay $0x1  }
0x7c: {  	v3 =	vperm.xlane v3, v2;
	v4 =	vadd.s32 v1, v4;
	_ =	sdelay $0x1  }
0x7d: {  	v3 =	vadd.s32 v1, v3;
	_ =	sdelay $0x2  }
0x7e: {  	[tilespmem:s21], [sflag:$0x1] =	stream.indirect_vreg.gather [hbm4b:s5+s3], $0x80, v4, vm0, $0xb8;
	[tilespmem:$0x19B00] =	vst v63  }
0x7f: {  	_ = 	snop  }
0x80: {  	[tilespmem:s22], [sflag:$0x1] =	stream.indirect_vreg.gather [hbm4b:s5+s3], $0x80, v3, vm0, $0xb8;
	[tilespmem:$0x19B00] =	vst v63  }
0x81: {  	v3 =	vld [tilespmem:$0x0];
	_ =	sdelay $0x4  }
0x82: {  	v60 =	vshll.u32 v3, $0x1  }
0x83: {  	v3 =	vand.u32 $0x7, v3;
	v4 =	vand.u32 $0xFFFFFFF0, v60  }
0x84: {  	v3 =	vor.u32 v3, v4  }
0x85: {  	v4 =	vperm.xlane v3, v0;
	_ =	sdelay $0x1  }
0x86: {  	v3 =	vperm.xlane v3, v2;
	v4 =	vadd.s32 v1, v4;
	_ =	sdelay $0x1  }
0x87: {  	v3 =	vadd.s32 v1, v3;
	_ =	sdelay $0x2  }
0x88: {  	[tilespmem:s6], [sflag:$0x1] =	stream.indirect_vreg.gather [hbm4b:s1+s3], $0x80, v4, vm0, $0xb8;
	[tilespmem:$0x19B00] =	vst v63  }
0x89: {  	_ = 	snop  }
0x8a: {  	[tilespmem:s24], [sflag:$0x1] =	stream.indirect_vreg.gather [hbm4b:s1+s3], $0x80, v3, vm0, $0xb8;
	[tilespmem:$0x19B00] =	vst v63  }
0x8b: {  	v3 =	vld [tilespmem:$0x10];
	_ =	sdelay $0x4  }
0x8c: {  	v61 =	vshll.u32 v3, $0x1  }
0x8d: {  	v3 =	vand.u32 $0x7, v3;
	v4 =	vand.u32 $0xFFFFFFF0, v61  }
0x8e: {  	v3 =	vor.u32 v3, v4  }
0x8f: {  	v4 =	vperm.xlane v3, v0;
	_ =	sdelay $0x1  }
0x90: {  	v3 =	vperm.xlane v3, v2;
	v4 =	vadd.s32 v1, v4;
	_ =	sdelay $0x1  }
0x91: {  	v3 =	vadd.s32 v1, v3;
	_ =	sdelay $0x2  }
0x92: {  	[tilespmem:s25], [sflag:$0x1] =	stream.indirect_vreg.gather [hbm4b:s1+s3], $0x80, v4, vm0, $0xb8;
	[tilespmem:$0x19B00] =	vst v63  }
0x93: {  	_ = 	snop  }
0x94: {  	[tilespmem:s30], [sflag:$0x1] =	stream.indirect_vreg.gather [hbm4b:s1+s3], $0x80, v3, vm0, $0xb8;
	[tilespmem:$0x19B00] =	vst v63  }
0x95: {  	v3 =	vld [tilespmem:$0x20];
	_ =	sdelay $0x4  }
0x96: {  	v62 =	vshll.u32 v3, $0x1  }
0x97: {  	v3 =	vand.u32 $0x7, v3;
	v4 =	vand.u32 $0xFFFFFFF0, v62  }
0x98: {  	v3 =	vor.u32 v3, v4  }
0x99: {  	v4 =	vperm.xlane v3, v0;
	_ =	sdelay $0x1  }
0x9a: {  	v3 =	vperm.xlane v3, v2;
	v4 =	vadd.s32 v1, v4;
	_ =	sdelay $0x1  }
0x9b: {  	v3 =	vadd.s32 v1, v3;
	_ =	sdelay $0x1  }
0x9c: {  	s29 =	simm.s32 $0xA100  }
0x9d: {  	[tilespmem:s29], [sflag:$0x1] =	stream.indirect_vreg.gather [hbm4b:s1+s3], $0x80, v4, vm0, $0xb8;
	[tilespmem:$0x19B00] =	vst v63  }
0x9e: {  	s31 =	simm.s32 $0xA900  }
0x9f: {  	[tilespmem:s31], [sflag:$0x1] =	stream.indirect_vreg.gather [hbm4b:s1+s3], $0x80, v3, vm0, $0xb8;
	[tilespmem:$0x19B00] =	vst v63  }
0xa0: {  	v3 =	vld [tilespmem:$0x30];
	_ =	sdelay $0x4  }
0xa1: {  	v63 =	vshll.u32 v3, $0x1  }
0xa2: {  	v3 =	vand.u32 $0x7, v3;
	v4 =	vand.u32 $0xFFFFFFF0, v63  }
0xa3: {  	v3 =	vor.u32 v3, v4  }
0xa4: {  	v4 =	vperm.xlane v3, v0;
	_ =	sdelay $0x1  }
0xa5: {  	v3 =	vperm.xlane v3, v2;
	v4 =	vadd.s32 v1, v4  }
0xa6: {  	s17 =	rddreg [dreg:$0x18]  }
0xa7: {  	s0 =	simm.s32 $0xC200;
	s7 =	rddreg [dreg:$0x19];
	v3 =	vadd.s32 v1, v3  }
0xa8: {  	s9 =	simm.s32 $0xB100;
	s23 =	simm.s32 $0x10200;
	s18 =	rddreg [dreg:$0x17]  }
0xa9: {  	s16 =	simm.s32 $0xB900;
	s19 =	rddreg [dreg:$0x16];
	s21 =	simm.s32 $0x0  }
0xaa: {  	[tilespmem:s9], [sflag:$0x1] =	stream.indirect_vreg.gather [hbm4b:s1+s3], $0x80, v4, vm0, $0xb8;
	[tilespmem:$0x19B00] =	vst v63  }
0xab: {  	s22 =	simm.s32 $0x14200;
	s25 =	simm.s32 $0x9900;
	s30 =	rddreg [dreg:$0x1a]  }
0xac: {  	[tilespmem:s16], [sflag:$0x1] =	stream.indirect_vreg.gather [hbm4b:s1+s3], $0x80, v3, vm0, $0xb8;
	[tilespmem:$0x19B00] =	vst v63  }
.LBB2_2:
0xad: {  	s2 =	simm.s32 $0xC100  }
0xae: {  	[tilespmem:s2], [sflag:$0x6] =	stream.linear.gather [hbm4b:s17+s3], $0x40, $0x38;
	[tilespmem:$0x19B00] =	vst v63  }
0xaf: {  	_ =	swait.ge [sflag:s28], $0x40  }
0xb0: {  	[sflag:s28] =	ssyncset.done $0x0  }
0xb1: {  	s20 =	simm.s32 $0xC180;
	[sflag:s28] =	ssyncadd.s32 $0xFFFFFFC0  }
0xb2: {  	[tilespmem:s20], [sflag:$0x6] =	stream.linear.gather [hbm4b:s18+s3], $0x40, $0x38;
	[tilespmem:$0x19B00] =	vst v63  }
0xb3: {  	_ =	swait.ge [sflag:s28], $0x40  }
0xb4: {  	[sflag:s28] =	ssyncset.done $0x0  }
0xb5: {  	[sflag:s28] =	ssyncadd.s32 $0xFFFFFFC0  }
0xb6: {  	v3 =	vld [tilespmem:$0xC100];
	_ =	sdelay $0x4  }
0xb7: {  	v4 =	vshll.u32 v3, $0x1  }
0xb8: {  	v3 =	vand.u32 $0x7, v3;
	v4 =	vand.u32 $0xFFFFFFF0, v4  }
0xb9: {  	v3 =	vor.u32 v3, v4  }
0xba: {  	v4 =	vperm.xlane v3, v0;
	_ =	sdelay $0x1  }
0xbb: {  	v3 =	vperm.xlane v3, v2;
	v4 =	vadd.s32 v1, v4;
	_ =	sdelay $0x1  }
0xbc: {  	v3 =	vadd.s32 v1, v3;
	_ =	sdelay $0x2  }
0xbd: {  	[tilespmem:s0], [sflag:$0x2] =	stream.indirect_vreg.gather [hbm4b:s4+s3], $0x80, v4, vm0, $0xb8;
	[tilespmem:$0x19B00] =	vst v63  }
0xbe: {  	s24 =	simm.s32 $0xCA00  }
0xbf: {  	[tilespmem:s24], [sflag:$0x2] =	stream.indirect_vreg.gather [hbm4b:s4+s3], $0x80, v3, vm0, $0xb8;
	[tilespmem:$0x19B00] =	vst v63  }
0xc0: {  	v3 =	vld [tilespmem:$0xC110];
	_ =	sdelay $0x4  }
0xc1: {  	v41 =	vshll.u32 v3, $0x1  }
0xc2: {  	v3 =	vand.u32 $0x7, v3;
	v4 =	vand.u32 $0xFFFFFFF0, v41  }
0xc3: {  	v3 =	vor.u32 v3, v4  }
0xc4: {  	v4 =	vperm.xlane v3, v0;
	_ =	sdelay $0x1  }
0xc5: {  	v3 =	vperm.xlane v3, v2;
	v4 =	vadd.s32 v1, v4;
	_ =	sdelay $0x1  }
0xc6: {  	v3 =	vadd.s32 v1, v3;
	_ =	sdelay $0x1  }
0xc7: {  	s26 =	simm.s32 $0xD200  }
0xc8: {  	[tilespmem:s26], [sflag:$0x2] =	stream.indirect_vreg.gather [hbm4b:s4+s3], $0x80, v4, vm0, $0xb8;
	[tilespmem:$0x19B00] =	vst v63  }
0xc9: {  	s2 =	simm.s32 $0xDA00  }
0xca: {  	[tilespmem:s2], [sflag:$0x2] =	stream.indirect_vreg.gather [hbm4b:s4+s3], $0x80, v3, vm0, $0xb8;
	[tilespmem:$0x19B00] =	vst v63  }
0xcb: {  	v3 =	vld [tilespmem:$0xC120];
	_ =	sdelay $0x4  }
0xcc: {  	v42 =	vshll.u32 v3, $0x1  }
0xcd: {  	v3 =	vand.u32 $0x7, v3;
	v4 =	vand.u32 $0xFFFFFFF0, v42  }
0xce: {  	v3 =	vor.u32 v3, v4  }
0xcf: {  	v4 =	vperm.xlane v3, v0;
	_ =	sdelay $0x1  }
0xd0: {  	v3 =	vperm.xlane v3, v2;
	v4 =	vadd.s32 v1, v4;
	_ =	sdelay $0x1  }
0xd1: {  	v3 =	vadd.s32 v1, v3;
	_ =	sdelay $0x1  }
0xd2: {  	s6 =	simm.s32 $0xE200  }
0xd3: {  	[tilespmem:s6], [sflag:$0x2] =	stream.indirect_vreg.gather [hbm4b:s4+s3], $0x80, v4, vm0, $0xb8;
	[tilespmem:$0x19B00] =	vst v63  }
0xd4: {  	s8 =	simm.s32 $0xEA00  }
0xd5: {  	[tilespmem:s8], [sflag:$0x2] =	stream.indirect_vreg.gather [hbm4b:s4+s3], $0x80, v3, vm0, $0xb8;
	[tilespmem:$0x19B00] =	vst v63  }
0xd6: {  	v3 =	vld [tilespmem:$0xC130];
	_ =	sdelay $0x4  }
0xd7: {  	v43 =	vshll.u32 v3, $0x1  }
0xd8: {  	v3 =	vand.u32 $0x7, v3;
	v4 =	vand.u32 $0xFFFFFFF0, v43  }
0xd9: {  	v3 =	vor.u32 v3, v4  }
0xda: {  	v4 =	vperm.xlane v3, v0;
	_ =	sdelay $0x1  }
0xdb: {  	v3 =	vperm.xlane v3, v2;
	v4 =	vadd.s32 v1, v4;
	_ =	sdelay $0x1  }
0xdc: {  	v3 =	vadd.s32 v1, v3;
	_ =	sdelay $0x1  }
0xdd: {  	s10 =	simm.s32 $0xF200  }
0xde: {  	[tilespmem:s10], [sflag:$0x2] =	stream.indirect_vreg.gather [hbm4b:s4+s3], $0x80, v4, vm0, $0xb8;
	[tilespmem:$0x19B00] =	vst v63  }
0xdf: {  	s12 =	simm.s32 $0xFA00  }
0xe0: {  	[tilespmem:s12], [sflag:$0x2] =	stream.indirect_vreg.gather [hbm4b:s4+s3], $0x80, v3, vm0, $0xb8;
	[tilespmem:$0x19B00] =	vst v63  }
0xe1: {  	v3 =	vld [tilespmem:$0xC180];
	_ =	sdelay $0x4  }
0xe2: {  	v44 =	vshll.u32 v3, $0x1  }
0xe3: {  	v3 =	vand.u32 $0x7, v3;
	v4 =	vand.u32 $0xFFFFFFF0, v44  }
0xe4: {  	v3 =	vor.u32 v3, v4  }
0xe5: {  	v4 =	vperm.xlane v3, v0;
	_ =	sdelay $0x1  }
0xe6: {  	v3 =	vperm.xlane v3, v2;
	v4 =	vadd.s32 v1, v4;
	_ =	sdelay $0x1  }
0xe7: {  	v3 =	vadd.s32 v1, v3;
	_ =	sdelay $0x2  }
0xe8: {  	[tilespmem:s23], [sflag:$0x2] =	stream.indirect_vreg.gather [hbm4b:s5+s3], $0x80, v4, vm0, $0xb8;
	[tilespmem:$0x19B00] =	vst v63  }
0xe9: {  	s20 =	simm.s32 $0x10A00  }
0xea: {  	[tilespmem:s20], [sflag:$0x2] =	stream.indirect_vreg.gather [hbm4b:s5+s3], $0x80, v3, vm0, $0xb8;
	[tilespmem:$0x19B00] =	vst v63  }
0xeb: {  	v3 =	vld [tilespmem:$0xC190];
	_ =	sdelay $0x4  }
0xec: {  	v45 =	vshll.u32 v3, $0x1  }
0xed: {  	v3 =	vand.u32 $0x7, v3;
	v4 =	vand.u32 $0xFFFFFFF0, v45  }
0xee: {  	v3 =	vor.u32 v3, v4  }
0xef: {  	v4 =	vperm.xlane v3, v0;
	_ =	sdelay $0x1  }
0xf0: {  	v3 =	vperm.xlane v3, v2;
	v4 =	vadd.s32 v1, v4;
	_ =	sdelay $0x1  }
0xf1: {  	v3 =	vadd.s32 v1, v3;
	_ =	sdelay $0x1  }
0xf2: {  	s23 =	simm.s32 $0x11200  }
0xf3: {  	[tilespmem:s23], [sflag:$0x2] =	stream.indirect_vreg.gather [hbm4b:s5+s3], $0x80, v4, vm0, $0xb8;
	[tilespmem:$0x19B00] =	vst v63  }
0xf4: {  	s24 =	simm.s32 $0x11A00  }
0xf5: {  	[tilespmem:s24], [sflag:$0x2] =	stream.indirect_vreg.gather [hbm4b:s5+s3], $0x80, v3, vm0, $0xb8;
	[tilespmem:$0x19B00] =	vst v63  }
0xf6: {  	v3 =	vld [tilespmem:$0xC1A0];
	_ =	sdelay $0x4  }
0xf7: {  	v46 =	vshll.u32 v3, $0x1  }
0xf8: {  	v3 =	vand.u32 $0x7, v3;
	v4 =	vand.u32 $0xFFFFFFF0, v46  }
0xf9: {  	v3 =	vor.u32 v3, v4  }
0xfa: {  	v4 =	vperm.xlane v3, v0;
	_ =	sdelay $0x1  }
0xfb: {  	v3 =	vperm.xlane v3, v2;
	v4 =	vadd.s32 v1, v4;
	_ =	sdelay $0x1  }
0xfc: {  	v3 =	vadd.s32 v1, v3;
	_ =	sdelay $0x1  }
0xfd: {  	s26 =	simm.s32 $0x12200  }
0xfe: {  	[tilespmem:s26], [sflag:$0x2] =	stream.indirect_vreg.gather [hbm4b:s5+s3], $0x80, v4, vm0, $0xb8;
	[tilespmem:$0x19B00] =	vst v63  }
0xff: {  	s2 =	simm.s32 $0x12A00  }
0x100: {  	[tilespmem:s2], [sflag:$0x2] =	stream.indirect_vreg.gather [hbm4b:s5+s3], $0x80, v3, vm0, $0xb8;
	[tilespmem:$0x19B00] =	vst v63  }
0x101: {  	v3 =	vld [tilespmem:$0xC1B0];
	_ =	sdelay $0x4  }
0x102: {  	v47 =	vshll.u32 v3, $0x1  }
0x103: {  	v3 =	vand.u32 $0x7, v3;
	v4 =	vand.u32 $0xFFFFFFF0, v47  }
0x104: {  	v3 =	vor.u32 v3, v4  }
0x105: {  	v4 =	vperm.xlane v3, v0;
	_ =	sdelay $0x1  }
0x106: {  	v3 =	vperm.xlane v3, v2;
	v4 =	vadd.s32 v1, v4;
	_ =	sdelay $0x1  }
0x107: {  	v3 =	vadd.s32 v1, v3;
	_ =	sdelay $0x1  }
0x108: {  	s6 =	simm.s32 $0x13200  }
0x109: {  	[tilespmem:s6], [sflag:$0x2] =	stream.indirect_vreg.gather [hbm4b:s5+s3], $0x80, v4, vm0, $0xb8;
	[tilespmem:$0x19B00] =	vst v63  }
0x10a: {  	s8 =	simm.s32 $0x13A00  }
0x10b: {  	[tilespmem:s8], [sflag:$0x2] =	stream.indirect_vreg.gather [hbm4b:s5+s3], $0x80, v3, vm0, $0xb8;
	[tilespmem:$0x19B00] =	vst v63  }
0x10c: {  	v3 =	vld [tilespmem:$0xC100];
	_ =	sdelay $0x4  }
0x10d: {  	v48 =	vshll.u32 v3, $0x1  }
0x10e: {  	v3 =	vand.u32 $0x7, v3;
	v4 =	vand.u32 $0xFFFFFFF0, v48  }
0x10f: {  	v3 =	vor.u32 v3, v4  }
0x110: {  	v4 =	vperm.xlane v3, v0;
	_ =	sdelay $0x1  }
0x111: {  	v3 =	vperm.xlane v3, v2;
	v4 =	vadd.s32 v1, v4;
	_ =	sdelay $0x1  }
0x112: {  	v3 =	vadd.s32 v1, v3;
	_ =	sdelay $0x2  }
0x113: {  	[tilespmem:s22], [sflag:$0x2] =	stream.indirect_vreg.gather [hbm4b:s1+s3], $0x80, v4, vm0, $0xb8;
	[tilespmem:$0x19B00] =	vst v63  }
0x114: {  	s10 =	simm.s32 $0x14A00  }
0x115: {  	[tilespmem:s10], [sflag:$0x2] =	stream.indirect_vreg.gather [hbm4b:s1+s3], $0x80, v3, vm0, $0xb8;
	[tilespmem:$0x19B00] =	vst v63  }
0x116: {  	v3 =	vld [tilespmem:$0xC110];
	_ =	sdelay $0x4  }
0x117: {  	v49 =	vshll.u32 v3, $0x1  }
0x118: {  	v3 =	vand.u32 $0x7, v3;
	v4 =	vand.u32 $0xFFFFFFF0, v49  }
0x119: {  	v3 =	vor.u32 v3, v4  }
0x11a: {  	v4 =	vperm.xlane v3, v0;
	_ =	sdelay $0x1  }
0x11b: {  	v3 =	vperm.xlane v3, v2;
	v4 =	vadd.s32 v1, v4;
	_ =	sdelay $0x1  }
0x11c: {  	v3 =	vadd.s32 v1, v3;
	_ =	sdelay $0x1  }
0x11d: {  	s12 =	simm.s32 $0x15200  }
0x11e: {  	[tilespmem:s12], [sflag:$0x2] =	stream.indirect_vreg.gather [hbm4b:s1+s3], $0x80, v4, vm0, $0xb8;
	[tilespmem:$0x19B00] =	vst v63  }
0x11f: {  	s20 =	simm.s32 $0x15A00  }
0x120: {  	[tilespmem:s20], [sflag:$0x2] =	stream.indirect_vreg.gather [hbm4b:s1+s3], $0x80, v3, vm0, $0xb8;
	[tilespmem:$0x19B00] =	vst v63  }
0x121: {  	v3 =	vld [tilespmem:$0xC120];
	_ =	sdelay $0x4  }
0x122: {  	v50 =	vshll.u32 v3, $0x1  }
0x123: {  	v3 =	vand.u32 $0x7, v3;
	v4 =	vand.u32 $0xFFFFFFF0, v50  }
0x124: {  	v3 =	vor.u32 v3, v4  }
0x125: {  	v4 =	vperm.xlane v3, v0;
	_ =	sdelay $0x1  }
0x126: {  	v3 =	vperm.xlane v3, v2;
	v4 =	vadd.s32 v1, v4;
	_ =	sdelay $0x1  }
0x127: {  	v3 =	vadd.s32 v1, v3;
	_ =	sdelay $0x1  }
0x128: {  	s22 =	simm.s32 $0x16200  }
0x129: {  	[tilespmem:s22], [sflag:$0x2] =	stream.indirect_vreg.gather [hbm4b:s1+s3], $0x80, v4, vm0, $0xb8;
	[tilespmem:$0x19B00] =	vst v63  }
0x12a: {  	s23 =	simm.s32 $0x16A00  }
0x12b: {  	[tilespmem:s23], [sflag:$0x2] =	stream.indirect_vreg.gather [hbm4b:s1+s3], $0x80, v3, vm0, $0xb8;
	[tilespmem:$0x19B00] =	vst v63  }
0x12c: {  	v3 =	vld [tilespmem:$0xC130];
	_ =	sdelay $0x4  }
0x12d: {  	v51 =	vshll.u32 v3, $0x1  }
0x12e: {  	v3 =	vand.u32 $0x7, v3;
	v4 =	vand.u32 $0xFFFFFFF0, v51  }
0x12f: {  	v3 =	vor.u32 v3, v4  }
0x130: {  	v4 =	vperm.xlane v3, v0;
	_ =	sdelay $0x1  }
0x131: {  	v3 =	vperm.xlane v3, v2;
	v4 =	vadd.s32 v1, v4;
	_ =	sdelay $0x1  }
0x132: {  	v3 =	vadd.s32 v1, v3;
	_ =	sdelay $0x1  }
0x133: {  	s24 =	simm.s32 $0x17200  }
0x134: {  	[tilespmem:s24], [sflag:$0x2] =	stream.indirect_vreg.gather [hbm4b:s1+s3], $0x80, v4, vm0, $0xb8;
	[tilespmem:$0x19B00] =	vst v63  }
0x135: {  	s26 =	simm.s32 $0x17A00  }
0x136: {  	[tilespmem:s26], [sflag:$0x2] =	stream.indirect_vreg.gather [hbm4b:s1+s3], $0x80, v3, vm0, $0xb8;
	[tilespmem:$0x19B00] =	vst v63  }
0x137: {  	_ =	swait.ge [sflag:s11], $0x4000  }
0x138: {  	[sflag:s11] =	ssyncset.done $0x0  }
0x139: {  	[sflag:s11] =	ssyncadd.s32 $0xFFFFC000  }
0x13a: {  	_ =	swait.ge [sflag:s11], $0x4000  }
0x13b: {  	[sflag:s11] =	ssyncset.done $0x0  }
0x13c: {  	[sflag:s11] =	ssyncadd.s32 $0xFFFFC000  }
0x13d: {  	_ =	swait.ge [sflag:s11], $0x4000  }
0x13e: {  	s20 =	simm.s32 $0x100;
	s2 =	rddreg [dreg:$0x3];
	[sflag:s11] =	ssyncset.done $0x0  }
0x13f: {  	s6 =	rddreg [dreg:$0x4];
	[sflag:s11] =	ssyncadd.s32 $0xFFFFC000;
	s22 =	sadd.s32 s21, s2  }
0x140: {  	[hbm4b:s22+s3] =	stream.linear.scatter [tilespmem:s20], [sflag:$0x3], $0x4000, $0x38;
	[tilespmem:$0x19B00] =	vst v63  }
0x141: {  	s24 =	rddreg [dreg:$0x5];
	s23 =	sadd.s32 s21, s6;
	s2 =	simm.s32 $0x4100  }
0x142: {  	[hbm4b:s23+s3] =	stream.linear.scatter [tilespmem:s2], [sflag:$0x3], $0x4000, $0x38;
	[tilespmem:$0x19B00] =	vst v63  }
0x143: {  	s0 =	simm.s32 $0x8100;
	s24 =	sadd.s32 s21, s24  }
0x144: {  	[hbm4b:s24+s3] =	stream.linear.scatter [tilespmem:s0], [sflag:$0x3], $0x4000, $0x38;
	[tilespmem:$0x19B00] =	vst v63  }
0x145: {  	_ =	swait.ge [sflag:s13], $0x4000  }
0x146: {  	[sflag:s13] =	ssyncset.done $0x0  }
0x147: {  	[sflag:s13] =	ssyncadd.s32 $0xFFFFC000  }
0x148: {  	_ =	swait.ge [sflag:s13], $0x4000  }
0x149: {  	[sflag:s13] =	ssyncset.done $0x0  }
0x14a: {  	[sflag:s13] =	ssyncadd.s32 $0xFFFFC000  }
0x14b: {  	_ =	swait.ge [sflag:s13], $0x4000  }
0x14c: {  	s26 =	sshrl.u32 s19, $0x3;
	[sflag:s13] =	ssyncset.done $0x0  }
0x14d: {  	s29 =	sadd.s32 s7, s26;
	[sflag:s13] =	ssyncadd.s32 $0xFFFFC000  }
0x14e: {  	[tilespmem:s3], [sflag:$0x6] =	stream.linear.gather [hbm4b:s29+s3], $0x40, $0x38;
	[tilespmem:$0x19B00] =	vst v63  }
0x14f: {  	_ =	swait.ge [sflag:s28], $0x40  }
0x150: {  	[sflag:s28] =	ssyncset.done $0x0  }
0x151: {  	s31 =	simm.s32 $0x80;
	s26 =	sadd.s32 s30, s26;
	[sflag:s28] =	ssyncadd.s32 $0xFFFFFFC0  }
0x152: {  	[tilespmem:s31], [sflag:$0x6] =	stream.linear.gather [hbm4b:s26+s3], $0x40, $0x38;
	[tilespmem:$0x19B00] =	vst v63  }
0x153: {  	_ =	swait.ge [sflag:s28], $0x40  }
0x154: {  	[sflag:s28] =	ssyncset.done $0x0  }
0x155: {  	[sflag:s28] =	ssyncadd.s32 $0xFFFFFFC0  }
0x156: {  	v3 =	vld [tilespmem:$0x0];
	_ =	sdelay $0x4  }
0x157: {  	v52 =	vshll.u32 v3, $0x1  }
0x158: {  	v3 =	vand.u32 $0x7, v3;
	v4 =	vand.u32 $0xFFFFFFF0, v52  }
0x159: {  	v3 =	vor.u32 v3, v4  }
0x15a: {  	v4 =	vperm.xlane v3, v0;
	_ =	sdelay $0x1  }
0x15b: {  	v3 =	vperm.xlane v3, v2;
	v4 =	vadd.s32 v1, v4;
	_ =	sdelay $0x1  }
0x15c: {  	v3 =	vadd.s32 v1, v3;
	_ =	sdelay $0x2  }
0x15d: {  	[tilespmem:s20], [sflag:$0x1] =	stream.indirect_vreg.gather [hbm4b:s4+s3], $0x80, v4, vm0, $0xb8;
	[tilespmem:$0x19B00] =	vst v63  }
0x15e: {  	s29 =	simm.s32 $0x900  }
0x15f: {  	[tilespmem:s29], [sflag:$0x1] =	stream.indirect_vreg.gather [hbm4b:s4+s3], $0x80, v3, vm0, $0xb8;
	[tilespmem:$0x19B00] =	vst v63  }
0x160: {  	v3 =	vld [tilespmem:$0x10];
	_ =	sdelay $0x4  }
0x161: {  	v53 =	vshll.u32 v3, $0x1  }
0x162: {  	v3 =	vand.u32 $0x7, v3;
	v4 =	vand.u32 $0xFFFFFFF0, v53  }
0x163: {  	v3 =	vor.u32 v3, v4  }
0x164: {  	v4 =	vperm.xlane v3, v0;
	_ =	sdelay $0x1  }
0x165: {  	v3 =	vperm.xlane v3, v2;
	v4 =	vadd.s32 v1, v4;
	_ =	sdelay $0x1  }
0x166: {  	v3 =	vadd.s32 v1, v3;
	_ =	sdelay $0x1  }
0x167: {  	s31 =	simm.s32 $0x1100  }
0x168: {  	[tilespmem:s31], [sflag:$0x1] =	stream.indirect_vreg.gather [hbm4b:s4+s3], $0x80, v4, vm0, $0xb8;
	[tilespmem:$0x19B00] =	vst v63  }
0x169: {  	s6 =	simm.s32 $0x1900  }
0x16a: {  	[tilespmem:s6], [sflag:$0x1] =	stream.indirect_vreg.gather [hbm4b:s4+s3], $0x80, v3, vm0, $0xb8;
	[tilespmem:$0x19B00] =	vst v63  }
0x16b: {  	v3 =	vld [tilespmem:$0x20];
	_ =	sdelay $0x4  }
0x16c: {  	v54 =	vshll.u32 v3, $0x1  }
0x16d: {  	v3 =	vand.u32 $0x7, v3;
	v4 =	vand.u32 $0xFFFFFFF0, v54  }
0x16e: {  	v3 =	vor.u32 v3, v4  }
0x16f: {  	v4 =	vperm.xlane v3, v0;
	_ =	sdelay $0x1  }
0x170: {  	v3 =	vperm.xlane v3, v2;
	v4 =	vadd.s32 v1, v4;
	_ =	sdelay $0x1  }
0x171: {  	v3 =	vadd.s32 v1, v3;
	_ =	sdelay $0x1  }
0x172: {  	s8 =	simm.s32 $0x2100  }
0x173: {  	[tilespmem:s8], [sflag:$0x1] =	stream.indirect_vreg.gather [hbm4b:s4+s3], $0x80, v4, vm0, $0xb8;
	[tilespmem:$0x19B00] =	vst v63  }
0x174: {  	s20 =	simm.s32 $0x2900  }
0x175: {  	[tilespmem:s20], [sflag:$0x1] =	stream.indirect_vreg.gather [hbm4b:s4+s3], $0x80, v3, vm0, $0xb8;
	[tilespmem:$0x19B00] =	vst v63  }
0x176: {  	v3 =	vld [tilespmem:$0x30];
	_ =	sdelay $0x4  }
0x177: {  	v55 =	vshll.u32 v3, $0x1  }
0x178: {  	v3 =	vand.u32 $0x7, v3;
	v4 =	vand.u32 $0xFFFFFFF0, v55  }
0x179: {  	v3 =	vor.u32 v3, v4  }
0x17a: {  	v4 =	vperm.xlane v3, v0;
	_ =	sdelay $0x1  }
0x17b: {  	v3 =	vperm.xlane v3, v2;
	v4 =	vadd.s32 v1, v4;
	_ =	sdelay $0x1  }
0x17c: {  	v3 =	vadd.s32 v1, v3;
	_ =	sdelay $0x1  }
0x17d: {  	s8 =	simm.s32 $0x3100  }
0x17e: {  	[tilespmem:s8], [sflag:$0x1] =	stream.indirect_vreg.gather [hbm4b:s4+s3], $0x80, v4, vm0, $0xb8;
	[tilespmem:$0x19B00] =	vst v63  }
0x17f: {  	s20 =	simm.s32 $0x3900  }
0x180: {  	[tilespmem:s20], [sflag:$0x1] =	stream.indirect_vreg.gather [hbm4b:s4+s3], $0x80, v3, vm0, $0xb8;
	[tilespmem:$0x19B00] =	vst v63  }
0x181: {  	v3 =	vld [tilespmem:$0x80];
	_ =	sdelay $0x4  }
0x182: {  	v56 =	vshll.u32 v3, $0x1  }
0x183: {  	v3 =	vand.u32 $0x7, v3;
	v4 =	vand.u32 $0xFFFFFFF0, v56  }
0x184: {  	v3 =	vor.u32 v3, v4  }
0x185: {  	v4 =	vperm.xlane v3, v0;
	_ =	sdelay $0x1  }
0x186: {  	v3 =	vperm.xlane v3, v2;
	v4 =	vadd.s32 v1, v4;
	_ =	sdelay $0x1  }
0x187: {  	v3 =	vadd.s32 v1, v3;
	_ =	sdelay $0x2  }
0x188: {  	[tilespmem:s2], [sflag:$0x1] =	stream.indirect_vreg.gather [hbm4b:s5+s3], $0x80, v4, vm0, $0xb8;
	[tilespmem:$0x19B00] =	vst v63  }
0x189: {  	s2 =	simm.s32 $0x4900  }
0x18a: {  	[tilespmem:s2], [sflag:$0x1] =	stream.indirect_vreg.gather [hbm4b:s5+s3], $0x80, v3, vm0, $0xb8;
	[tilespmem:$0x19B00] =	vst v63  }
0x18b: {  	v3 =	vld [tilespmem:$0x90];
	_ =	sdelay $0x4  }
0x18c: {  	v57 =	vshll.u32 v3, $0x1  }
0x18d: {  	v3 =	vand.u32 $0x7, v3;
	v4 =	vand.u32 $0xFFFFFFF0, v57  }
0x18e: {  	v3 =	vor.u32 v3, v4  }
0x18f: {  	v4 =	vperm.xlane v3, v0;
	_ =	sdelay $0x1  }
0x190: {  	v3 =	vperm.xlane v3, v2;
	v4 =	vadd.s32 v1, v4;
	_ =	sdelay $0x1  }
0x191: {  	v3 =	vadd.s32 v1, v3;
	_ =	sdelay $0x1  }
0x192: {  	s8 =	simm.s32 $0x5100  }
0x193: {  	[tilespmem:s8], [sflag:$0x1] =	stream.indirect_vreg.gather [hbm4b:s5+s3], $0x80, v4, vm0, $0xb8;
	[tilespmem:$0x19B00] =	vst v63  }
0x194: {  	s8 =	simm.s32 $0x5900  }
0x195: {  	[tilespmem:s8], [sflag:$0x1] =	stream.indirect_vreg.gather [hbm4b:s5+s3], $0x80, v3, vm0, $0xb8;
	[tilespmem:$0x19B00] =	vst v63  }
0x196: {  	v3 =	vld [tilespmem:$0xA0];
	_ =	sdelay $0x4  }
0x197: {  	v58 =	vshll.u32 v3, $0x1  }
0x198: {  	v3 =	vand.u32 $0x7, v3;
	v4 =	vand.u32 $0xFFFFFFF0, v58  }
0x199: {  	v3 =	vor.u32 v3, v4  }
0x19a: {  	v4 =	vperm.xlane v3, v0;
	_ =	sdelay $0x1  }
0x19b: {  	v3 =	vperm.xlane v3, v2;
	v4 =	vadd.s32 v1, v4;
	_ =	sdelay $0x1  }
0x19c: {  	v3 =	vadd.s32 v1, v3;
	_ =	sdelay $0x1  }
0x19d: {  	s8 =	simm.s32 $0x6100  }
0x19e: {  	[tilespmem:s8], [sflag:$0x1] =	stream.indirect_vreg.gather [hbm4b:s5+s3], $0x80, v4, vm0, $0xb8;
	[tilespmem:$0x19B00] =	vst v63  }
0x19f: {  	s8 =	simm.s32 $0x6900  }
0x1a0: {  	[tilespmem:s8], [sflag:$0x1] =	stream.indirect_vreg.gather [hbm4b:s5+s3], $0x80, v3, vm0, $0xb8;
	[tilespmem:$0x19B00] =	vst v63  }
0x1a1: {  	v3 =	vld [tilespmem:$0xB0];
	_ =	sdelay $0x4  }
0x1a2: {  	v59 =	vshll.u32 v3, $0x1  }
0x1a3: {  	v3 =	vand.u32 $0x7, v3;
	v4 =	vand.u32 $0xFFFFFFF0, v59  }
0x1a4: {  	v3 =	vor.u32 v3, v4  }
0x1a5: {  	v4 =	vperm.xlane v3, v0;
	_ =	sdelay $0x1  }
0x1a6: {  	v3 =	vperm.xlane v3, v2;
	v4 =	vadd.s32 v1, v4;
	_ =	sdelay $0x1  }
0x1a7: {  	v3 =	vadd.s32 v1, v3;
	_ =	sdelay $0x1  }
0x1a8: {  	s8 =	simm.s32 $0x7100  }
0x1a9: {  	[tilespmem:s8], [sflag:$0x1] =	stream.indirect_vreg.gather [hbm4b:s5+s3], $0x80, v4, vm0, $0xb8;
	[tilespmem:$0x19B00] =	vst v63  }
0x1aa: {  	s8 =	simm.s32 $0x7900  }
0x1ab: {  	[tilespmem:s8], [sflag:$0x1] =	stream.indirect_vreg.gather [hbm4b:s5+s3], $0x80, v3, vm0, $0xb8;
	[tilespmem:$0x19B00] =	vst v63  }
0x1ac: {  	v3 =	vld [tilespmem:$0x0];
	_ =	sdelay $0x4  }
0x1ad: {  	v60 =	vshll.u32 v3, $0x1  }
0x1ae: {  	v3 =	vand.u32 $0x7, v3;
	v4 =	vand.u32 $0xFFFFFFF0, v60  }
0x1af: {  	v3 =	vor.u32 v3, v4  }
0x1b0: {  	v4 =	vperm.xlane v3, v0;
	_ =	sdelay $0x1  }
0x1b1: {  	v3 =	vperm.xlane v3, v2;
	v4 =	vadd.s32 v1, v4;
	_ =	sdelay $0x1  }
0x1b2: {  	v3 =	vadd.s32 v1, v3;
	_ =	sdelay $0x2  }
0x1b3: {  	[tilespmem:s0], [sflag:$0x1] =	stream.indirect_vreg.gather [hbm4b:s1+s3], $0x80, v4, vm0, $0xb8;
	[tilespmem:$0x19B00] =	vst v63  }
0x1b4: {  	s8 =	simm.s32 $0x8900  }
0x1b5: {  	[tilespmem:s8], [sflag:$0x1] =	stream.indirect_vreg.gather [hbm4b:s1+s3], $0x80, v3, vm0, $0xb8;
	[tilespmem:$0x19B00] =	vst v63  }
0x1b6: {  	v3 =	vld [tilespmem:$0x10];
	_ =	sdelay $0x4  }
0x1b7: {  	v61 =	vshll.u32 v3, $0x1  }
0x1b8: {  	v3 =	vand.u32 $0x7, v3;
	v4 =	vand.u32 $0xFFFFFFF0, v61  }
0x1b9: {  	v3 =	vor.u32 v3, v4  }
0x1ba: {  	v4 =	vperm.xlane v3, v0;
	_ =	sdelay $0x1  }
0x1bb: {  	v3 =	vperm.xlane v3, v2;
	v4 =	vadd.s32 v1, v4;
	_ =	sdelay $0x1  }
0x1bc: {  	v3 =	vadd.s32 v1, v3;
	_ =	sdelay $0x1  }
0x1bd: {  	s8 =	simm.s32 $0x9100  }
0x1be: {  	[tilespmem:s8], [sflag:$0x1] =	stream.indirect_vreg.gather [hbm4b:s1+s3], $0x80, v4, vm0, $0xb8;
	[tilespmem:$0x19B00] =	vst v63  }
0x1bf: {  	_ = 	snop  }
0x1c0: {  	[tilespmem:s25], [sflag:$0x1] =	stream.indirect_vreg.gather [hbm4b:s1+s3], $0x80, v3, vm0, $0xb8;
	[tilespmem:$0x19B00] =	vst v63  }
0x1c1: {  	v3 =	vld [tilespmem:$0x20];
	_ =	sdelay $0x4  }
0x1c2: {  	v62 =	vshll.u32 v3, $0x1  }
0x1c3: {  	v3 =	vand.u32 $0x7, v3;
	v4 =	vand.u32 $0xFFFFFFF0, v62  }
0x1c4: {  	v3 =	vor.u32 v3, v4  }
0x1c5: {  	v4 =	vperm.xlane v3, v0;
	_ =	sdelay $0x1  }
0x1c6: {  	v3 =	vperm.xlane v3, v2;
	v4 =	vadd.s32 v1, v4;
	_ =	sdelay $0x1  }
0x1c7: {  	v3 =	vadd.s32 v1, v3;
	_ =	sdelay $0x1  }
0x1c8: {  	s8 =	simm.s32 $0xA100  }
0x1c9: {  	[tilespmem:s8], [sflag:$0x1] =	stream.indirect_vreg.gather [hbm4b:s1+s3], $0x80, v4, vm0, $0xb8;
	[tilespmem:$0x19B00] =	vst v63  }
0x1ca: {  	s8 =	simm.s32 $0xA900  }
0x1cb: {  	[tilespmem:s8], [sflag:$0x1] =	stream.indirect_vreg.gather [hbm4b:s1+s3], $0x80, v3, vm0, $0xb8;
	[tilespmem:$0x19B00] =	vst v63  }
0x1cc: {  	v3 =	vld [tilespmem:$0x30];
	_ =	sdelay $0x4  }
0x1cd: {  	v63 =	vshll.u32 v3, $0x1  }
0x1ce: {  	v3 =	vand.u32 $0x7, v3;
	v4 =	vand.u32 $0xFFFFFFF0, v63  }
0x1cf: {  	v3 =	vor.u32 v3, v4  }
0x1d0: {  	v4 =	vperm.xlane v3, v0;
	_ =	sdelay $0x1  }
0x1d1: {  	v3 =	vperm.xlane v3, v2;
	v4 =	vadd.s32 v1, v4;
	_ =	sdelay $0x1  }
0x1d2: {  	v3 =	vadd.s32 v1, v3;
	_ =	sdelay $0x2  }
0x1d3: {  	[tilespmem:s9], [sflag:$0x1] =	stream.indirect_vreg.gather [hbm4b:s1+s3], $0x80, v4, vm0, $0xb8;
	[tilespmem:$0x19B00] =	vst v63  }
0x1d4: {  	_ = 	snop  }
0x1d5: {  	[tilespmem:s16], [sflag:$0x1] =	stream.indirect_vreg.gather [hbm4b:s1+s3], $0x80, v3, vm0, $0xb8;
	[tilespmem:$0x19B00] =	vst v63  }
0x1d6: {  	_ =	swait.ge [sflag:s14], $0x4000  }
0x1d7: {  	[sflag:s14] =	ssyncset.done $0x0  }
0x1d8: {  	[sflag:s14] =	ssyncadd.s32 $0xFFFFC000  }
0x1d9: {  	_ =	swait.ge [sflag:s14], $0x4000  }
0x1da: {  	[sflag:s14] =	ssyncset.done $0x0  }
0x1db: {  	[sflag:s14] =	ssyncadd.s32 $0xFFFFC000  }
0x1dc: {  	_ =	swait.ge [sflag:s14], $0x4000  }
0x1dd: {  	[sflag:s14] =	ssyncset.done $0x0  }
0x1de: {  	s22 =	sadd.s32 $0x800, s22;
	s0 =	simm.s32 $0xC200;
	[sflag:s14] =	ssyncadd.s32 $0xFFFFC000  }
0x1df: {  	[hbm4b:s22+s3] =	stream.linear.scatter [tilespmem:s0], [sflag:$0x4], $0x4000, $0x38;
	[tilespmem:$0x19B00] =	vst v63  }
0x1e0: {  	s8 =	sadd.s32 $0x800, s23;
	s23 =	simm.s32 $0x10200  }
0x1e1: {  	[hbm4b:s8+s3] =	stream.linear.scatter [tilespmem:s23], [sflag:$0x4], $0x4000, $0x38;
	[tilespmem:$0x19B00] =	vst v63  }
0x1e2: {  	s10 =	simm.s32 $0x14200;
	s24 =	sadd.s32 $0x800, s24  }
0x1e3: {  	[hbm4b:s24+s3] =	stream.linear.scatter [tilespmem:s10], [sflag:$0x4], $0x4000, $0x38;
	[tilespmem:$0x19B00] =	vst v63  }
0x1e4: {  	_ =	swait.ge [sflag:s15], $0x4000  }
0x1e5: {  	[sflag:s15] =	ssyncset.done $0x0  }
0x1e6: {  	[sflag:s15] =	ssyncadd.s32 $0xFFFFC000  }
0x1e7: {  	p0 =	sne.s32 s21, $0x25000;
	_ =	swait.ge [sflag:s15], $0x4000  }
.Ltmp0:
0x1e8: {  	s17 =	sadd.s32 $0x10, s17;
	[sflag:s15] =	ssyncset.done $0x0;
	(pc) =	sbr.rel @p0 .LBB2_2-.Ltmp0, $4  }
0x1e9: {  	s18 =	sadd.s32 $0x10, s18;
	s12 =	simm.s32 $0x100;
	[sflag:s15] =	ssyncadd.s32 $0xFFFFC000  }
0x1ea: {  	s19 =	sadd.s32 $0x80, s19;
	s21 =	sadd.s32 $0x1000, s21;
	_ =	swait.ge [sflag:s15], $0x4000  }
0x1eb: {  	s26 =	simm.s32 $0x80;
	s6 =	simm.s32 $0x8100;
	[sflag:s15] =	ssyncset.done $0x0  }
0x1ec: {  	s20 =	simm.s32 $0x4100;
	s22 =	simm.s32 $0x14200;
	[sflag:s15] =	ssyncadd.s32 $0xFFFFC000  }
0x1ed: {  	_ =	swait.ge [sflag:s11], $0x4000  }
0x1ee: {  	[sflag:s11] =	ssyncset.done $0x0  }
0x1ef: {  	[sflag:s11] =	ssyncadd.s32 $0xFFFFC000  }
0x1f0: {  	_ =	swait.ge [sflag:s11], $0x4000  }
0x1f1: {  	[sflag:s11] =	ssyncset.done $0x0  }
0x1f2: {  	[sflag:s11] =	ssyncadd.s32 $0xFFFFC000  }
0x1f3: {  	_ =	swait.ge [sflag:s11], $0x4000  }
0x1f4: {  	[sflag:s11] =	ssyncset.done $0x0  }
0x1f5: {  	s17 =	rddreg [dreg:$0x6];
	[sflag:s11] =	ssyncadd.s32 $0xFFFFC000  }
0x1f6: {  	[hbm4b:s17+s3] =	stream.linear.scatter [tilespmem:s12], [sflag:$0x3], $0x4000, $0x38;
	[tilespmem:$0x19B00] =	vst v63  }
0x1f7: {  	s10 =	rddreg [dreg:$0x7]  }
0x1f8: {  	[hbm4b:s10+s3] =	stream.linear.scatter [tilespmem:s20], [sflag:$0x3], $0x4000, $0x38;
	[tilespmem:$0x19B00] =	vst v63  }
0x1f9: {  	s16 =	rddreg [dreg:$0x8]  }
0x1fa: {  	[hbm4b:s16+s3] =	stream.linear.scatter [tilespmem:s6], [sflag:$0x3], $0x4000, $0x38;
	[tilespmem:$0x19B00] =	vst v63  }
0x1fb: {  	s7 =	simm.s32 $0xC100;
	s18 =	rddreg [dreg:$0x11]  }
0x1fc: {  	[tilespmem:s7], [sflag:$0x6] =	stream.linear.gather [hbm4b:s18+s3], $0x40, $0x38;
	[tilespmem:$0x19B00] =	vst v63  }
0x1fd: {  	_ =	swait.ge [sflag:s28], $0x40  }
0x1fe: {  	[sflag:s28] =	ssyncset.done $0x0  }
0x1ff: {  	s21 =	simm.s32 $0xC180;
	s19 =	rddreg [dreg:$0x12];
	[sflag:s28] =	ssyncadd.s32 $0xFFFFFFC0  }
0x200: {  	[tilespmem:s21], [sflag:$0x6] =	stream.linear.gather [hbm4b:s19+s3], $0x40, $0x38;
	[tilespmem:$0x19B00] =	vst v63  }
0x201: {  	_ =	swait.ge [sflag:s28], $0x40  }
0x202: {  	[sflag:s28] =	ssyncset.done $0x0  }
0x203: {  	[sflag:s28] =	ssyncadd.s32 $0xFFFFFFC0  }
0x204: {  	v3 =	vld [tilespmem:$0xC100];
	_ =	sdelay $0x4  }
0x205: {  	v4 =	vshll.u32 v3, $0x1  }
0x206: {  	v3 =	vand.u32 $0x7, v3;
	v4 =	vand.u32 $0xFFFFFFF0, v4  }
0x207: {  	v3 =	vor.u32 v3, v4  }
0x208: {  	v4 =	vperm.xlane v3, v0;
	_ =	sdelay $0x1  }
0x209: {  	v3 =	vperm.xlane v3, v2;
	v4 =	vadd.s32 v1, v4;
	_ =	sdelay $0x1  }
0x20a: {  	v3 =	vadd.s32 v1, v3;
	_ =	sdelay $0x2  }
0x20b: {  	[tilespmem:s0], [sflag:$0x2] =	stream.indirect_vreg.gather [hbm4b:s4+s3], $0x80, v4, vm0, $0xb8;
	[tilespmem:$0x19B00] =	vst v63  }
0x20c: {  	s24 =	simm.s32 $0xCA00  }
0x20d: {  	[tilespmem:s24], [sflag:$0x2] =	stream.indirect_vreg.gather [hbm4b:s4+s3], $0x80, v3, vm0, $0xb8;
	[tilespmem:$0x19B00] =	vst v63  }
0x20e: {  	v3 =	vld [tilespmem:$0xC110];
	_ =	sdelay $0x4  }
0x20f: {  	v50 =	vshll.u32 v3, $0x1  }
0x210: {  	v3 =	vand.u32 $0x7, v3;
	v4 =	vand.u32 $0xFFFFFFF0, v50  }
0x211: {  	v3 =	vor.u32 v3, v4  }
0x212: {  	v4 =	vperm.xlane v3, v0;
	_ =	sdelay $0x1  }
0x213: {  	v3 =	vperm.xlane v3, v2;
	v4 =	vadd.s32 v1, v4;
	_ =	sdelay $0x1  }
0x214: {  	v3 =	vadd.s32 v1, v3;
	_ =	sdelay $0x1  }
0x215: {  	s25 =	simm.s32 $0xD200  }
0x216: {  	[tilespmem:s25], [sflag:$0x2] =	stream.indirect_vreg.gather [hbm4b:s4+s3], $0x80, v4, vm0, $0xb8;
	[tilespmem:$0x19B00] =	vst v63  }
0x217: {  	s8 =	simm.s32 $0xDA00  }
0x218: {  	[tilespmem:s8], [sflag:$0x2] =	stream.indirect_vreg.gather [hbm4b:s4+s3], $0x80, v3, vm0, $0xb8;
	[tilespmem:$0x19B00] =	vst v63  }
0x219: {  	v3 =	vld [tilespmem:$0xC120];
	_ =	sdelay $0x4  }
0x21a: {  	v51 =	vshll.u32 v3, $0x1  }
0x21b: {  	v3 =	vand.u32 $0x7, v3;
	v4 =	vand.u32 $0xFFFFFFF0, v51  }
0x21c: {  	v3 =	vor.u32 v3, v4  }
0x21d: {  	v4 =	vperm.xlane v3, v0;
	_ =	sdelay $0x1  }
0x21e: {  	v3 =	vperm.xlane v3, v2;
	v4 =	vadd.s32 v1, v4;
	_ =	sdelay $0x1  }
0x21f: {  	v3 =	vadd.s32 v1, v3;
	_ =	sdelay $0x1  }
0x220: {  	s9 =	simm.s32 $0xE200  }
0x221: {  	[tilespmem:s9], [sflag:$0x2] =	stream.indirect_vreg.gather [hbm4b:s4+s3], $0x80, v4, vm0, $0xb8;
	[tilespmem:$0x19B00] =	vst v63  }
0x222: {  	s10 =	simm.s32 $0xEA00  }
0x223: {  	[tilespmem:s10], [sflag:$0x2] =	stream.indirect_vreg.gather [hbm4b:s4+s3], $0x80, v3, vm0, $0xb8;
	[tilespmem:$0x19B00] =	vst v63  }
0x224: {  	v3 =	vld [tilespmem:$0xC130];
	_ =	sdelay $0x4  }
0x225: {  	v52 =	vshll.u32 v3, $0x1  }
0x226: {  	v3 =	vand.u32 $0x7, v3;
	v4 =	vand.u32 $0xFFFFFFF0, v52  }
0x227: {  	v3 =	vor.u32 v3, v4  }
0x228: {  	v4 =	vperm.xlane v3, v0;
	_ =	sdelay $0x1  }
0x229: {  	v3 =	vperm.xlane v3, v2;
	v4 =	vadd.s32 v1, v4;
	_ =	sdelay $0x1  }
0x22a: {  	v3 =	vadd.s32 v1, v3;
	_ =	sdelay $0x1  }
0x22b: {  	s16 =	simm.s32 $0xF200  }
0x22c: {  	[tilespmem:s16], [sflag:$0x2] =	stream.indirect_vreg.gather [hbm4b:s4+s3], $0x80, v4, vm0, $0xb8;
	[tilespmem:$0x19B00] =	vst v63  }
0x22d: {  	s17 =	simm.s32 $0xFA00  }
0x22e: {  	[tilespmem:s17], [sflag:$0x2] =	stream.indirect_vreg.gather [hbm4b:s4+s3], $0x80, v3, vm0, $0xb8;
	[tilespmem:$0x19B00] =	vst v63  }
0x22f: {  	v3 =	vld [tilespmem:$0xC180];
	_ =	sdelay $0x4  }
0x230: {  	v53 =	vshll.u32 v3, $0x1  }
0x231: {  	v3 =	vand.u32 $0x7, v3;
	v4 =	vand.u32 $0xFFFFFFF0, v53  }
0x232: {  	v3 =	vor.u32 v3, v4  }
0x233: {  	v4 =	vperm.xlane v3, v0;
	_ =	sdelay $0x1  }
0x234: {  	v3 =	vperm.xlane v3, v2;
	v4 =	vadd.s32 v1, v4;
	_ =	sdelay $0x1  }
0x235: {  	v3 =	vadd.s32 v1, v3;
	_ =	sdelay $0x2  }
0x236: {  	[tilespmem:s23], [sflag:$0x2] =	stream.indirect_vreg.gather [hbm4b:s5+s3], $0x80, v4, vm0, $0xb8;
	[tilespmem:$0x19B00] =	vst v63  }
0x237: {  	s18 =	simm.s32 $0x10A00  }
0x238: {  	[tilespmem:s18], [sflag:$0x2] =	stream.indirect_vreg.gather [hbm4b:s5+s3], $0x80, v3, vm0, $0xb8;
	[tilespmem:$0x19B00] =	vst v63  }
0x239: {  	v3 =	vld [tilespmem:$0xC190];
	_ =	sdelay $0x4  }
0x23a: {  	v54 =	vshll.u32 v3, $0x1  }
0x23b: {  	v3 =	vand.u32 $0x7, v3;
	v4 =	vand.u32 $0xFFFFFFF0, v54  }
0x23c: {  	v3 =	vor.u32 v3, v4  }
0x23d: {  	v4 =	vperm.xlane v3, v0;
	_ =	sdelay $0x1  }
0x23e: {  	v3 =	vperm.xlane v3, v2;
	v4 =	vadd.s32 v1, v4;
	_ =	sdelay $0x1  }
0x23f: {  	v3 =	vadd.s32 v1, v3;
	_ =	sdelay $0x1  }
0x240: {  	s19 =	simm.s32 $0x11200  }
0x241: {  	[tilespmem:s19], [sflag:$0x2] =	stream.indirect_vreg.gather [hbm4b:s5+s3], $0x80, v4, vm0, $0xb8;
	[tilespmem:$0x19B00] =	vst v63  }
0x242: {  	s21 =	simm.s32 $0x11A00  }
0x243: {  	[tilespmem:s21], [sflag:$0x2] =	stream.indirect_vreg.gather [hbm4b:s5+s3], $0x80, v3, vm0, $0xb8;
	[tilespmem:$0x19B00] =	vst v63  }
0x244: {  	v3 =	vld [tilespmem:$0xC1A0];
	_ =	sdelay $0x4  }
0x245: {  	v55 =	vshll.u32 v3, $0x1  }
0x246: {  	v3 =	vand.u32 $0x7, v3;
	v4 =	vand.u32 $0xFFFFFFF0, v55  }
0x247: {  	v3 =	vor.u32 v3, v4  }
0x248: {  	v4 =	vperm.xlane v3, v0;
	_ =	sdelay $0x1  }
0x249: {  	v3 =	vperm.xlane v3, v2;
	v4 =	vadd.s32 v1, v4;
	_ =	sdelay $0x1  }
0x24a: {  	v3 =	vadd.s32 v1, v3;
	_ =	sdelay $0x1  }
0x24b: {  	s24 =	simm.s32 $0x12200  }
0x24c: {  	[tilespmem:s24], [sflag:$0x2] =	stream.indirect_vreg.gather [hbm4b:s5+s3], $0x80, v4, vm0, $0xb8;
	[tilespmem:$0x19B00] =	vst v63  }
0x24d: {  	s25 =	simm.s32 $0x12A00  }
0x24e: {  	[tilespmem:s25], [sflag:$0x2] =	stream.indirect_vreg.gather [hbm4b:s5+s3], $0x80, v3, vm0, $0xb8;
	[tilespmem:$0x19B00] =	vst v63  }
0x24f: {  	v3 =	vld [tilespmem:$0xC1B0];
	_ =	sdelay $0x4  }
0x250: {  	v56 =	vshll.u32 v3, $0x1  }
0x251: {  	v3 =	vand.u32 $0x7, v3;
	v4 =	vand.u32 $0xFFFFFFF0, v56  }
0x252: {  	v3 =	vor.u32 v3, v4  }
0x253: {  	v4 =	vperm.xlane v3, v0;
	_ =	sdelay $0x1  }
0x254: {  	v3 =	vperm.xlane v3, v2;
	v4 =	vadd.s32 v1, v4;
	_ =	sdelay $0x1  }
0x255: {  	v3 =	vadd.s32 v1, v3;
	_ =	sdelay $0x1  }
0x256: {  	s8 =	simm.s32 $0x13200  }
0x257: {  	[tilespmem:s8], [sflag:$0x2] =	stream.indirect_vreg.gather [hbm4b:s5+s3], $0x80, v4, vm0, $0xb8;
	[tilespmem:$0x19B00] =	vst v63  }
0x258: {  	s9 =	simm.s32 $0x13A00  }
0x259: {  	[tilespmem:s9], [sflag:$0x2] =	stream.indirect_vreg.gather [hbm4b:s5+s3], $0x80, v3, vm0, $0xb8;
	[tilespmem:$0x19B00] =	vst v63  }
0x25a: {  	v3 =	vld [tilespmem:$0xC100];
	_ =	sdelay $0x4  }
0x25b: {  	v57 =	vshll.u32 v3, $0x1  }
0x25c: {  	v3 =	vand.u32 $0x7, v3;
	v4 =	vand.u32 $0xFFFFFFF0, v57  }
0x25d: {  	v3 =	vor.u32 v3, v4  }
0x25e: {  	v4 =	vperm.xlane v3, v0;
	_ =	sdelay $0x1  }
0x25f: {  	v3 =	vperm.xlane v3, v2;
	v4 =	vadd.s32 v1, v4;
	_ =	sdelay $0x1  }
0x260: {  	v3 =	vadd.s32 v1, v3;
	_ =	sdelay $0x2  }
0x261: {  	[tilespmem:s22], [sflag:$0x2] =	stream.indirect_vreg.gather [hbm4b:s1+s3], $0x80, v4, vm0, $0xb8;
	[tilespmem:$0x19B00] =	vst v63  }
0x262: {  	s10 =	simm.s32 $0x14A00  }
0x263: {  	[tilespmem:s10], [sflag:$0x2] =	stream.indirect_vreg.gather [hbm4b:s1+s3], $0x80, v3, vm0, $0xb8;
	[tilespmem:$0x19B00] =	vst v63  }
0x264: {  	v3 =	vld [tilespmem:$0xC110];
	_ =	sdelay $0x4  }
0x265: {  	v58 =	vshll.u32 v3, $0x1  }
0x266: {  	v3 =	vand.u32 $0x7, v3;
	v4 =	vand.u32 $0xFFFFFFF0, v58  }
0x267: {  	v3 =	vor.u32 v3, v4  }
0x268: {  	v4 =	vperm.xlane v3, v0;
	_ =	sdelay $0x1  }
0x269: {  	v3 =	vperm.xlane v3, v2;
	v4 =	vadd.s32 v1, v4;
	_ =	sdelay $0x1  }
0x26a: {  	v3 =	vadd.s32 v1, v3;
	_ =	sdelay $0x1  }
0x26b: {  	s16 =	simm.s32 $0x15200  }
0x26c: {  	[tilespmem:s16], [sflag:$0x2] =	stream.indirect_vreg.gather [hbm4b:s1+s3], $0x80, v4, vm0, $0xb8;
	[tilespmem:$0x19B00] =	vst v63  }
0x26d: {  	s17 =	simm.s32 $0x15A00  }
0x26e: {  	[tilespmem:s17], [sflag:$0x2] =	stream.indirect_vreg.gather [hbm4b:s1+s3], $0x80, v3, vm0, $0xb8;
	[tilespmem:$0x19B00] =	vst v63  }
0x26f: {  	v3 =	vld [tilespmem:$0xC120];
	_ =	sdelay $0x4  }
0x270: {  	v59 =	vshll.u32 v3, $0x1  }
0x271: {  	v3 =	vand.u32 $0x7, v3;
	v4 =	vand.u32 $0xFFFFFFF0, v59  }
0x272: {  	v3 =	vor.u32 v3, v4  }
0x273: {  	v4 =	vperm.xlane v3, v0;
	_ =	sdelay $0x1  }
0x274: {  	v3 =	vperm.xlane v3, v2;
	v4 =	vadd.s32 v1, v4;
	_ =	sdelay $0x1  }
0x275: {  	v3 =	vadd.s32 v1, v3;
	_ =	sdelay $0x1  }
0x276: {  	s18 =	simm.s32 $0x16200  }
0x277: {  	[tilespmem:s18], [sflag:$0x2] =	stream.indirect_vreg.gather [hbm4b:s1+s3], $0x80, v4, vm0, $0xb8;
	[tilespmem:$0x19B00] =	vst v63  }
0x278: {  	s19 =	simm.s32 $0x16A00  }
0x279: {  	[tilespmem:s19], [sflag:$0x2] =	stream.indirect_vreg.gather [hbm4b:s1+s3], $0x80, v3, vm0, $0xb8;
	[tilespmem:$0x19B00] =	vst v63  }
0x27a: {  	v3 =	vld [tilespmem:$0xC130];
	_ =	sdelay $0x4  }
0x27b: {  	v60 =	vshll.u32 v3, $0x1  }
0x27c: {  	v3 =	vand.u32 $0x7, v3;
	v4 =	vand.u32 $0xFFFFFFF0, v60  }
0x27d: {  	v3 =	vor.u32 v3, v4  }
0x27e: {  	v4 =	vperm.xlane v3, v0;
	_ =	sdelay $0x1  }
0x27f: {  	v3 =	vperm.xlane v3, v2;
	v4 =	vadd.s32 v1, v4;
	_ =	sdelay $0x1  }
0x280: {  	v3 =	vadd.s32 v1, v3;
	_ =	sdelay $0x1  }
0x281: {  	s21 =	simm.s32 $0x17200  }
0x282: {  	[tilespmem:s21], [sflag:$0x2] =	stream.indirect_vreg.gather [hbm4b:s1+s3], $0x80, v4, vm0, $0xb8;
	[tilespmem:$0x19B00] =	vst v63  }
0x283: {  	s24 =	simm.s32 $0x17A00  }
0x284: {  	[tilespmem:s24], [sflag:$0x2] =	stream.indirect_vreg.gather [hbm4b:s1+s3], $0x80, v3, vm0, $0xb8;
	[tilespmem:$0x19B00] =	vst v63  }
0x285: {  	_ =	swait.ge [sflag:s14], $0x4000  }
0x286: {  	[sflag:s14] =	ssyncset.done $0x0  }
0x287: {  	[sflag:s14] =	ssyncadd.s32 $0xFFFFC000  }
0x288: {  	_ =	swait.ge [sflag:s14], $0x4000  }
0x289: {  	[sflag:s14] =	ssyncset.done $0x0  }
0x28a: {  	[sflag:s14] =	ssyncadd.s32 $0xFFFFC000  }
0x28b: {  	_ =	swait.ge [sflag:s14], $0x4000  }
0x28c: {  	[sflag:s14] =	ssyncset.done $0x0  }
0x28d: {  	s25 =	rddreg [dreg:$0x9];
	[sflag:s14] =	ssyncadd.s32 $0xFFFFC000  }
0x28e: {  	[hbm4b:s25+s3] =	stream.linear.scatter [tilespmem:s0], [sflag:$0x4], $0x4000, $0x38;
	[tilespmem:$0x19B00] =	vst v63  }
0x28f: {  	s0 =	rddreg [dreg:$0xa]  }
0x290: {  	[hbm4b:s0+s3] =	stream.linear.scatter [tilespmem:s23], [sflag:$0x4], $0x4000, $0x38;
	[tilespmem:$0x19B00] =	vst v63  }
0x291: {  	s7 =	rddreg [dreg:$0xb]  }
0x292: {  	[hbm4b:s7+s3] =	stream.linear.scatter [tilespmem:s22], [sflag:$0x4], $0x4000, $0x38;
	[tilespmem:$0x19B00] =	vst v63  }
0x293: {  	_ =	swait.ge [sflag:s13], $0x4000  }
0x294: {  	[sflag:s13] =	ssyncset.done $0x0  }
0x295: {  	[sflag:s13] =	ssyncadd.s32 $0xFFFFC000  }
0x296: {  	_ =	swait.ge [sflag:s13], $0x4000  }
0x297: {  	[sflag:s13] =	ssyncset.done $0x0  }
0x298: {  	[sflag:s13] =	ssyncadd.s32 $0xFFFFC000  }
0x299: {  	_ =	swait.ge [sflag:s13], $0x4000  }
0x29a: {  	[sflag:s13] =	ssyncset.done $0x0  }
0x29b: {  	[sflag:s13] =	ssyncadd.s32 $0xFFFFC000  }
0x29c: {  	_ =	swait.ge [sflag:s15], $0x4000  }
0x29d: {  	[sflag:s15] =	ssyncset.done $0x0  }
0x29e: {  	[sflag:s15] =	ssyncadd.s32 $0xFFFFC000  }
0x29f: {  	_ =	swait.ge [sflag:s15], $0x4000  }
0x2a0: {  	[sflag:s15] =	ssyncset.done $0x0  }
0x2a1: {  	[sflag:s15] =	ssyncadd.s32 $0xFFFFC000  }
0x2a2: {  	_ =	swait.ge [sflag:s15], $0x4000  }
0x2a3: {  	[sflag:s15] =	ssyncset.done $0x0  }
0x2a4: {  	s9 =	simm.s32 $0x18200;
	s8 =	rddreg [dreg:$0x13];
	[sflag:s15] =	ssyncadd.s32 $0xFFFFC000  }
0x2a5: {  	[tilespmem:s9], [sflag:$0x6] =	stream.linear.gather [hbm4b:s8+s3], $0x8, $0x38;
	[tilespmem:$0x19B00] =	vst v63  }
0x2a6: {  	_ =	swait.ge [sflag:s28], $0x8  }
0x2a7: {  	[sflag:s28] =	ssyncset.done $0x0  }
0x2a8: {  	s16 =	simm.s32 $0x18280;
	s10 =	rddreg [dreg:$0x14];
	[sflag:s28] =	ssyncadd.s32 $0xFFFFFFF8  }
0x2a9: {  	[tilespmem:s16], [sflag:$0x6] =	stream.linear.gather [hbm4b:s10+s3], $0x8, $0x38;
	[tilespmem:$0x19B00] =	vst v63  }
0x2aa: {  	_ =	swait.ge [sflag:s28], $0x8  }
0x2ab: {  	[sflag:s28] =	ssyncset.done $0x0  }
0x2ac: {  	[sflag:s28] =	ssyncadd.s32 $0xFFFFFFF8  }
0x2ad: {  	v3 =	vld.msk [tilespmem:$0x18200], $0xff;
	_ =	sdelay $0x4  }
0x2ae: {  	v61 =	vshll.u32 v3, $0x1  }
0x2af: {  	v3 =	vand.u32 $0x7, v3;
	v4 =	vand.u32 $0xFFFFFFF0, v61  }
0x2b0: {  	v3 =	vor.u32 v3, v4  }
0x2b1: {  	v3 =	vperm.xlane v3, v0;
	_ =	sdelay $0x1  }
0x2b2: {  	v3 =	vadd.s32 v1, v3;
	_ =	sdelay $0x3  }
0x2b3: {  	s18 =	simm.s32 $0x18300  }
0x2b4: {  	[tilespmem:s18], [sflag:$0x5] =	stream.indirect_vreg.gather [hbm4b:s4+s3], $0x80, v3, vm0, $0xb8;
	[tilespmem:$0x19B00] =	vst v63  }
0x2b5: {  	v3 =	vld.msk [tilespmem:$0x18280], $0xff;
	_ =	sdelay $0x4  }
0x2b6: {  	v62 =	vshll.u32 v3, $0x1  }
0x2b7: {  	v3 =	vand.u32 $0x7, v3;
	v4 =	vand.u32 $0xFFFFFFF0, v62  }
0x2b8: {  	v3 =	vor.u32 v3, v4  }
0x2b9: {  	v3 =	vperm.xlane v3, v0;
	_ =	sdelay $0x1  }
0x2ba: {  	v3 =	vadd.s32 v1, v3;
	_ =	sdelay $0x3  }
0x2bb: {  	s19 =	simm.s32 $0x18B00  }
0x2bc: {  	[tilespmem:s19], [sflag:$0x5] =	stream.indirect_vreg.gather [hbm4b:s5+s3], $0x80, v3, vm0, $0xb8;
	[tilespmem:$0x19B00] =	vst v63  }
0x2bd: {  	v3 =	vld.msk [tilespmem:$0x18200], $0xff;
	_ =	sdelay $0x4  }
0x2be: {  	v63 =	vshll.u32 v3, $0x1  }
0x2bf: {  	v3 =	vand.u32 $0x7, v3;
	v4 =	vand.u32 $0xFFFFFFF0, v63  }
0x2c0: {  	v3 =	vor.u32 v3, v4  }
0x2c1: {  	v3 =	vperm.xlane v3, v0;
	_ =	sdelay $0x1  }
0x2c2: {  	v3 =	vadd.s32 v1, v3;
	_ =	sdelay $0x3  }
0x2c3: {  	s8 =	simm.s32 $0x19300;
	s9 =	simm.s32 $0x5  }
0x2c4: {  	[tilespmem:s8], [sflag:$0x5] =	stream.indirect_vreg.gather [hbm4b:s1+s3], $0x80, v3, vm0, $0xb8;
	[tilespmem:$0x19B00] =	vst v63  }
0x2c5: {  	_ =	swait.ge [sflag:s9], $0x800  }
0x2c6: {  	[sflag:s9] =	ssyncset.done $0x0  }
0x2c7: {  	[sflag:s9] =	ssyncadd.s32 $0xFFFFF800  }
0x2c8: {  	_ =	swait.ge [sflag:s9], $0x800  }
0x2c9: {  	[sflag:s9] =	ssyncset.done $0x0  }
0x2ca: {  	[sflag:s9] =	ssyncadd.s32 $0xFFFFF800  }
0x2cb: {  	_ =	swait.ge [sflag:s9], $0x800  }
0x2cc: {  	[sflag:s9] =	ssyncset.done $0x0  }
0x2cd: {  	s21 =	rddreg [dreg:$0xc];
	[sflag:s9] =	ssyncadd.s32 $0xFFFFF800  }
0x2ce: {  	[hbm4b:s21+s3] =	stream.linear.scatter [tilespmem:s18], [sflag:$0x6], $0x800, $0x38;
	[tilespmem:$0x19B00] =	vst v63  }
0x2cf: {  	_ =	swait.ge [sflag:s28], $0x800  }
0x2d0: {  	[sflag:s28] =	ssyncset.done $0x0  }
0x2d1: {  	s22 =	rddreg [dreg:$0xd];
	[sflag:s28] =	ssyncadd.s32 $0xFFFFF800  }
0x2d2: {  	[hbm4b:s22+s3] =	stream.linear.scatter [tilespmem:s19], [sflag:$0x6], $0x800, $0x38;
	[tilespmem:$0x19B00] =	vst v63  }
0x2d3: {  	_ =	swait.ge [sflag:s28], $0x800  }
0x2d4: {  	[sflag:s28] =	ssyncset.done $0x0  }
0x2d5: {  	s23 =	rddreg [dreg:$0xe];
	[sflag:s28] =	ssyncadd.s32 $0xFFFFF800  }
0x2d6: {  	[hbm4b:s23+s3] =	stream.linear.scatter [tilespmem:s8], [sflag:$0x6], $0x800, $0x38;
	[tilespmem:$0x19B00] =	vst v63  }
0x2d7: {  	_ =	swait.ge [sflag:s28], $0x800  }
0x2d8: {  	s24 =	rddreg [dreg:$0x1b]  }
0x2d9: {  	s30 =	simm.s32 $0x9900;
	s25 =	rddreg [dreg:$0x15];
	s0 =	sadd.s32 $0x1, s24  }
0x2da: {  	s7 =	simm.s32 $0x5100;
	s10 =	simm.s32 $0x3100;
	p0 =	sne.s32 s0, s25  }
.Ltmp1:
0x2db: {  	s16 =	simm.s32 $0x5900;
	s9 =	simm.s32 $0x2900;
	(pc) =	sbr.rel @p0 .LBB2_1-.Ltmp1, $4  }
0x2dc: {  	s18 =	simm.s32 $0x6100;
	s21 =	simm.s32 $0x7100;
	s19 =	simm.s32 $0x6900  }
0x2dd: {  	s22 =	simm.s32 $0x7900;
	s8 =	simm.s32 $0x2100;
	[sflag:s28] =	ssyncset.done $0x0  }
0x2de: {  	s23 =	simm.s32 $0x3900;
	[sflag:s28] =	ssyncadd.s32 $0xFFFFF800;
	s24 =	simm.s32 $0x8900  }
0x2df: {  	[dreg:$0x1b] =	wrdreg s0;
	s0 =	simm.s32 $0x1900;
	s25 =	simm.s32 $0x9100  }
0x2e0: {  	_ =	sfence.sel $0x180000  }
0x2e1: {  	[bflag:$0x0] =	sbarrier.arrive $0xFFFF  }
0x2e2: {  	_ =	strace $0x90000047  }
0x2e3: {  	s0 =	stileid.u32;
	[bflag:$0x2] =	sbarrier.arrive $0xFFFF  }
0x2e4: {  	p0 =	sne.s32 s0, $0x0;
	s0 =	rddreg [dreg:$0x2]  }
0x2e5: {  	s0 =	sadd.s32 @!p0 $0x100000, s0  }
0x2e6: {  	[sflag:s0] =	ssyncadd.tile.s32 @!p0 $0x1;
	_ =	shalt  }
.Lfunc_end2:
_tile_overlayer_lowered:
.L_overlay_start_2:
0x2e7: {  	(tag) =	ssettag $0x2  }
0x2e8: {  	s0 =	rddreg [dreg:$0x0];
	s2 =	stileid.u32  }
0x2e9: {  	s1 =	rddreg [dreg:$0x1];
	p0 =	sne.s32 s2, $0x0  }
0x2ea: {  	s3 =	rddreg [dreg:$0x2];
	[bflag:$0x3] =	sbarrier.arrive $0xFFFF;
	s2 =	simm.s32 @!p0 $0x1C06  }
0x2eb: {  	[timem:s3], [sflag:s2] =	dma.local @!p0 [hbm:s0], s1  }
0x2ec: {  	s0 =	simm.s32 @!p0 $0x6  }
0x2ed: {  	_ =	swait.ge @!p0 [sflag:s0], s1  }
0x2ee: {  	s1 =	ssub.s32 @!p0 $0x0, s1;
	[sflag:s0] =	ssyncset.done @!p0 $0x0  }
0x2ef: {  	[sflag:s0] =	ssyncadd.s32 @!p0 s1  }
0x2f0: {  	[bflag:$0x3] =	sbarrier.arrive $0xFFFF  }
0x2f1: {  	_ =	shalt  }

</sc_bundles>
